<compile_context>
chip_gen: v7x
topology: tpu7x:2x2x1
jax: 0.10.2.dev20260603
libtpu: 0.0.44.dev20260713+nightly
codegen_flags: <defaults>
</compile_context>

<pallas_src>
import functools

import jax
import jax.numpy as jnp
from jax import lax
from jax.experimental import pallas as pl
from jax.experimental.pallas import tpu as pltpu
from jax.experimental.pallas import tpu_sc as plsc

EPS = 1e-5
NC = 2
NS = 16
NW = NC * NS
LANES = 16
B = 128


def _mm_body(x_ref, w_ref, y1_ref, y2_ref):
    xb = x_ref[...]
    w = w_ref[...]
    c = w.shape[1] // 2
    w2 = w[:, c:]
    d = w[:, :c] - w2
    dn = (((1,), (1,)), ((), ()))
    y1_ref[...] = lax.dot_general(xb, d, dn, preferred_element_type=jnp.float32)
    y2_ref[...] = lax.dot_general(xb, w2, dn, preferred_element_type=jnp.float32)


def _node_matmuls(x, W):
    n, c = x.shape
    bn = n // 8
    grid = (n // bn,)
    return pl.pallas_call(
        _mm_body,
        grid=grid,
        in_specs=[
            pl.BlockSpec((bn, c), lambda i: (i, 0)),
            pl.BlockSpec((c, 2 * c), lambda i: (0, 0)),
        ],
        out_specs=[
            pl.BlockSpec((bn, c), lambda i: (i, 0)),
            pl.BlockSpec((bn, c), lambda i: (i, 0)),
        ],
        out_shape=[
            jax.ShapeDtypeStruct((n, c), jnp.float32),
            jax.ShapeDtypeStruct((n, c), jnp.float32),
        ],
    )(x, W)


def _pass1_body(nb, y1_hbm, y2_hbm, row_hbm, col_hbm, h_hbm, stats_hbm,
                ridx_v, cidx_v, ri0, ri1, ci0, ci1, g1a, g1b, g2a, g2b,
                sacc_v, g1s0, g1s1, g2s0, g2s1, hw0, hw1):
    cid = lax.axis_index("c")
    sid = lax.axis_index("s")
    wid = sid * NC + cid
    g1buf = (g1a, g1b)
    g2buf = (g2a, g2b)
    g1sem = (g1s0, g1s1)
    g2sem = (g2s0, g2s1)
    hwsem = (hw0, hw1)
    blk0 = pl.multiple_of(wid * nb, 8)
    ebase0 = pl.multiple_of(blk0 * B, B)

    pltpu.sync_copy(row_hbm.at[pl.ds(blk0, nb)], ridx_v)
    pltpu.sync_copy(col_hbm.at[pl.ds(blk0, nb)], cidx_v)

    zero = jnp.zeros((LANES,), jnp.float32)
    for c in range(8):
        sacc_v[0, pl.ds(c * LANES, LANES)] = zero
        sacc_v[1, pl.ds(c * LANES, LANES)] = zero

    def compute_block(gbuf1, gbuf2):
        def e_body(e, sq):
            s = list(sq[:8])
            q = list(sq[8:])
            for c in range(8):
                v1 = gbuf1[e, pl.ds(c * LANES, LANES)]
                v2 = gbuf2[e, pl.ds(c * LANES, LANES)]
                h = v1 + v2
                gbuf1[e, pl.ds(c * LANES, LANES)] = h
                s[c] = s[c] + h
                q[c] = q[c] + h * h
            return tuple(s) + tuple(q)

        carry = lax.fori_loop(0, B, e_body, (zero,) * 16)
        for c in range(8):
            plsc.addupdate(sacc_v.at[0, pl.ds(c * LANES, LANES)], carry[c])
            plsc.addupdate(sacc_v.at[1, pl.ds(c * LANES, LANES)], carry[8 + c])

    def blk_one(b, _):
        for k in range(B // LANES):
            ri0[pl.ds(k * LANES, LANES)] = ridx_v[b, 0, pl.ds(k * LANES, LANES)]
            ci0[pl.ds(k * LANES, LANES)] = cidx_v[b, 0, pl.ds(k * LANES, LANES)]
        dA1 = pltpu.async_copy(y1_hbm.at[ri0], g1a, g1s0)
        dA2 = pltpu.async_copy(y2_hbm.at[ci0], g2a, g2s0)
        dA1.wait()
        dA2.wait()
        compute_block(g1a, g2a)
        pltpu.sync_copy(g1a, h_hbm.at[pl.ds(ebase0 + b * B, B)])
        return 0

    lax.fori_loop(0, nb, blk_one, 0)
    pltpu.sync_copy(sacc_v, stats_hbm.at[wid])


def _pass1(y1, y2, row2d, col2d):
    n, c = y1.shape
    nblk = row2d.shape[0]
    e = nblk * B
    nb = nblk // NW
    mesh = plsc.VectorSubcoreMesh(
        core_axis_name="c", subcore_axis_name="s", num_cores=NC,
        num_subcores=NS)
    return pl.kernel(
        functools.partial(_pass1_body, nb),
        out_type=(
            jax.ShapeDtypeStruct((e, c), jnp.float32),
            jax.ShapeDtypeStruct((NW, 2, c), jnp.float32),
        ),
        mesh=mesh,
        scratch_types=[
            pltpu.VMEM((nb, 1, B), jnp.int32),
            pltpu.VMEM((nb, 1, B), jnp.int32),
            pltpu.VMEM((B,), jnp.int32),
            pltpu.VMEM((B,), jnp.int32),
            pltpu.VMEM((B,), jnp.int32),
            pltpu.VMEM((B,), jnp.int32),
            pltpu.VMEM((B, c), jnp.float32),
            pltpu.VMEM((B, c), jnp.float32),
            pltpu.VMEM((B, c), jnp.float32),
            pltpu.VMEM((B, c), jnp.float32),
            pltpu.VMEM((2, c), jnp.float32),
            pltpu.SemaphoreType.DMA,
            pltpu.SemaphoreType.DMA,
            pltpu.SemaphoreType.DMA,
            pltpu.SemaphoreType.DMA,
            pltpu.SemaphoreType.DMA,
            pltpu.SemaphoreType.DMA,
        ],
    )(y1, y2, row2d, col2d)


def _rsqrt16(xv):
    i = lax.bitcast_convert_type(xv, jnp.int32)
    i = jnp.full((LANES,), 0x5F3759DF, jnp.int32) - lax.shift_right_arithmetic(
        i, jnp.full((LANES,), 1, jnp.int32))
    y = lax.bitcast_convert_type(i, jnp.float32)
    for _ in range(3):
        y = y * (1.5 - 0.5 * xv * y * y)
    return y


def _pass2_body(nb, n_edges, h_hbm, row_hbm, stats_hbm, gamma_hbm, beta_hbm,
                part_hbm, stats_v, sq_v, g_v, b_v, ridx_v, si0, si1, hb0,
                hb1, acc_sh, hr0, hr1, sc0, sc1):
    cid = lax.axis_index("c")
    sid = lax.axis_index("s")
    wid = sid * NC + cid
    npad = acc_sh.shape[0]
    rows_per = npad // NS
    hbuf = (hb0, hb1)
    hrsem = (hr0, hr1)
    scsem = (sc0, sc1)
    blk0 = pl.multiple_of(wid * nb, 8)
    ebase0 = pl.multiple_of(blk0 * B, B)
    schunk = stats_v.shape[0]

    pltpu.sync_copy(row_hbm.at[pl.ds(blk0, nb)], ridx_v)
    pltpu.sync_copy(gamma_hbm, g_v)
    pltpu.sync_copy(beta_hbm, b_v)

    zero = jnp.zeros((LANES,), jnp.float32)
    inv_e = 1.0 / float(n_edges)
    for c in range(8):
        sq_v[0, pl.ds(c * LANES, LANES)] = zero
        sq_v[1, pl.ds(c * LANES, LANES)] = zero
    for k in range(NW // schunk):
        pltpu.sync_copy(stats_hbm.at[pl.ds(k * schunk, schunk)], stats_v)

        def w_body(w, _):
            for c in range(8):
                plsc.addupdate(sq_v.at[0, pl.ds(c * LANES, LANES)],
                               stats_v[w, 0, pl.ds(c * LANES, LANES)])
                plsc.addupdate(sq_v.at[1, pl.ds(c * LANES, LANES)],
                               stats_v[w, 1, pl.ds(c * LANES, LANES)])
            return 0

        lax.fori_loop(0, schunk, w_body, 0)
    scale = []
    shift = []
    for c in range(8):
        mean = sq_v[0, pl.ds(c * LANES, LANES)] * inv_e
        var = sq_v[1, pl.ds(c * LANES, LANES)] * inv_e - mean * mean
        inv_std = _rsqrt16(var + EPS)
        a = g_v[pl.ds(c * LANES, LANES)] * inv_std
        scale.append(a)
        shift.append(b_v[pl.ds(c * LANES, LANES)] - mean * a)

    def z_body(e, _):
        for c in range(8):
            hb0[e, pl.ds(c * LANES, LANES)] = zero
        return 0

    lax.fori_loop(0, B, z_body, 0)
    base_row = sid * rows_per
    for k in range(rows_per // B):
        pltpu.sync_copy(hb0, acc_sh.at[pl.ds(base_row + k * B, B)])
    rem = rows_per % B
    if rem:
        pltpu.sync_copy(
            hb0.at[pl.ds(0, rem)],
            acc_sh.at[pl.ds(base_row + (rows_per // B) * B, rem)])
    plsc.subcore_barrier()

    def silu_block(buf):
        def e_body(e, _):
            for c in range(8):
                h = buf[e, pl.ds(c * LANES, LANES)]
                t = scale[c] * h + shift[c]
                sg = 1.0 / (1.0 + jnp.exp(-t))
                buf[e, pl.ds(c * LANES, LANES)] = t * sg
            return 0

        lax.fori_loop(0, B, e_body, 0)

    def blk_one(b, _):
        for k in range(B // LANES):
            si0[pl.ds(k * LANES, LANES)] = ridx_v[b, 0, pl.ds(k * LANES, LANES)]
        pltpu.sync_copy(h_hbm.at[pl.ds(ebase0 + b * B, B)], hb0)
        silu_block(hb0)
        pltpu.sync_copy(hb0, acc_sh.at[si0], add=True)
        return 0

    lax.fori_loop(0, nb, blk_one, 0)
    plsc.subcore_barrier()
    pltpu.sync_copy(acc_sh.at[pl.ds(base_row, rows_per)],
                    part_hbm.at[cid, pl.ds(base_row, rows_per)])


def _pass2(h, row2d, stats, gamma, beta, n, n_edges):
    e, c = h.shape
    nblk = row2d.shape[0]
    nb = nblk // NW
    rows_per = (((n + NS - 1) // NS) + 7) // 8 * 8
    npad = NS * rows_per
    mesh = plsc.VectorSubcoreMesh(
        core_axis_name="c", subcore_axis_name="s", num_cores=NC,
        num_subcores=NS)
    return pl.kernel(
        functools.partial(_pass2_body, nb, n_edges),
        out_type=jax.ShapeDtypeStruct((NC, npad, c), jnp.float32),
        mesh=mesh,
        scratch_types=[
            pltpu.VMEM((8, 2, c), jnp.float32),
            pltpu.VMEM((2, c), jnp.float32),
            pltpu.VMEM((c,), jnp.float32),
            pltpu.VMEM((c,), jnp.float32),
            pltpu.VMEM((nb, 1, B), jnp.int32),
            pltpu.VMEM((B,), jnp.int32),
            pltpu.VMEM((B,), jnp.int32),
            pltpu.VMEM((B, c), jnp.float32),
            pltpu.VMEM((B, c), jnp.float32),
            pltpu.VMEM_SHARED((npad, c), jnp.float32),
            pltpu.SemaphoreType.DMA,
            pltpu.SemaphoreType.DMA,
            pltpu.SemaphoreType.DMA,
            pltpu.SemaphoreType.DMA,
        ],
    )(h, row2d, stats, gamma, beta)


def _add_body(p_ref, o_ref):
    o_ref[...] = p_ref[0] + p_ref[1]


def _combine(part, n):
    c = part.shape[2]
    bn = 1000
    return pl.pallas_call(
        _add_body,
        grid=(n // bn,),
        in_specs=[pl.BlockSpec((2, bn, c), lambda i: (0, i, 0))],
        out_specs=pl.BlockSpec((bn, c), lambda i: (i, 0)),
        out_shape=jax.ShapeDtypeStruct((n, c), jnp.float32),
    )(part)


def kernel(x, edge_index, W, gamma, beta):
    n, c = x.shape
    e = edge_index.shape[1]
    row = edge_index[0]
    col = edge_index[1]

    bn = 1256
    n_pad = ((n + bn) // bn) * bn
    nblk = ((e + NW * B - 1) // (NW * B)) * NW
    e_pad = nblk * B
    pad_idx = n + (jnp.arange(e_pad - e, dtype=jnp.int32) % (n_pad - n))
    row2d = jnp.concatenate([row, pad_idx]).reshape(nblk, 1, B)
    col2d = jnp.concatenate([col, pad_idx]).reshape(nblk, 1, B)
    xp = jnp.concatenate([x, jnp.zeros((n_pad - n, c), jnp.float32)])

    y1, y2 = _node_matmuls(xp, W)
    h, stats = _pass1(y1, y2, row2d, col2d)
    part = _pass2(h, row2d, stats, gamma, beta, n, e)
    return _combine(part, n)

# --- scband reference (transcript-rebuilt; emitter-appended) ---
"""Pipeline reference for scband-edge-conv-34754875359936 (READ-ONLY COPY).

The authoritative reference and input builder live on the scoring server;
editing this copy changes nothing except your own understanding.
"""

import jax, jax.numpy as jnp
import numpy as np

N_NODES = 10000
N_EDGES = 320000
IN_CH = 128
OUT_CH = 128
EPS = 1e-5


def setup_inputs(seed: int = 0) -> dict:
    key = jax.random.key(seed)
    k1, k2, k3 = jax.random.split(key, 3)
    x = jax.random.normal(k1, (N_NODES, IN_CH), dtype=jnp.float32)
    edge_index = jax.random.randint(k2, (2, N_EDGES), 0, N_NODES, dtype=jnp.int32)
    # Conv2d(2*in, out, kernel_size=1, bias=False) == linear with weight [out, 2*in]
    W = jax.random.normal(k3, (OUT_CH, 2 * IN_CH), dtype=jnp.float32) * 0.05
    # BatchNorm2d affine params
    gamma = jnp.ones((OUT_CH,), dtype=jnp.float32)
    beta = jnp.zeros((OUT_CH,), dtype=jnp.float32)
    return {"x": x, "edge_index": edge_index, "W": W, "gamma": gamma, "beta": beta}


def reference(x, edge_index, W, gamma, beta):
    num_nodes = x.shape[0]
    row = edge_index[0]
    col = edge_index[1]
    x_i = jnp.take(x, row, axis=0)
    x_j = jnp.take(x, col, axis=0)
    edge_features = jnp.concatenate([x_i, x_j - x_i], axis=1)  # [E, 2*in]
    # 1x1 Conv2d over [E, 2*in, 1, 1] == matmul
    h = edge_features @ W.T  # [E, out]
    # BatchNorm2d in training mode: batch statistics over the E dimension
    mean = jnp.mean(h, axis=0)
    var = jnp.var(h, axis=0)
    h_norm = (h - mean) / jnp.sqrt(var + EPS) * gamma + beta
    # SiLU
    act = h_norm * jax.nn.sigmoid(h_norm)
    # scatter-add into destination nodes indexed by row
    x_out = jax.ops.segment_sum(act, row, num_segments=num_nodes)
    return x_out

if __name__ == "__main__":
    import jax
    _d = setup_inputs()
    print(jax.jit(kernel)(*tuple(_d.values())))

</pallas_src>

<mosaic_0001>
#map = affine_map<(d0, d1) -> (0, 0)>
#map1 = affine_map<(d0, d1) -> (0, 0, 0)>
module attributes {stable_mosaic.version = 14 : i64} {
  func.func @_pass1_body(%arg0: i32, %arg1: i32, %arg2: memref<10048x128xf32, #tpu.memory_space<hbm>>, %arg3: memref<10048x128xf32, #tpu.memory_space<hbm>>, %arg4: memref<2528x1x128xi32, #tpu.memory_space<hbm>>, %arg5: memref<2528x1x128xi32, #tpu.memory_space<hbm>>, %arg6: memref<323584x128xf32, #tpu.memory_space<hbm>>, %arg7: memref<32x2x128xf32, #tpu.memory_space<hbm>>, %arg8: memref<79x1x128xi32, #tpu.memory_space<vmem>>, %arg9: memref<79x1x128xi32, #tpu.memory_space<vmem>>, %arg10: memref<128xi32, #tpu.memory_space<vmem>>, %arg11: memref<128xi32, #tpu.memory_space<vmem>>, %arg12: memref<128xi32, #tpu.memory_space<vmem>>, %arg13: memref<128xi32, #tpu.memory_space<vmem>>, %arg14: memref<128x128xf32, #tpu.memory_space<vmem>>, %arg15: memref<128x128xf32, #tpu.memory_space<vmem>>, %arg16: memref<128x128xf32, #tpu.memory_space<vmem>>, %arg17: memref<128x128xf32, #tpu.memory_space<vmem>>, %arg18: memref<2x128xf32, #tpu.memory_space<vmem>>, %arg19: memref<!tpu.dma_semaphore, #tpu.memory_space<semaphore_mem>>, %arg20: memref<!tpu.dma_semaphore, #tpu.memory_space<semaphore_mem>>, %arg21: memref<!tpu.dma_semaphore, #tpu.memory_space<semaphore_mem>>, %arg22: memref<!tpu.dma_semaphore, #tpu.memory_space<semaphore_mem>>, %arg23: memref<!tpu.dma_semaphore, #tpu.memory_space<semaphore_mem>>, %arg24: memref<!tpu.dma_semaphore, #tpu.memory_space<semaphore_mem>>) attributes {dimension_semantics = [#tpu.dimension_semantics<core_parallel>, #tpu.dimension_semantics<subcore_parallel>], iteration_bounds = array<i64: 2, 16>, scalar_prefetch = 0 : i64, scratch_operands = 17 : i64, tpu.core_type = #tpu.core_type<sc_vector_subcore>, window_params = [{transform_indices = #map}, {transform_indices = #map}, {transform_indices = #map1}, {transform_indices = #map1}, {transform_indices = #map}, {transform_indices = #map1}]} {
    %mul3A = arith.constant 2 : i32
    %mul3A_0 = arith.muli %arg1, %mul3A : i32
    %add3A = arith.addi %mul3A_0, %arg0 : i32
    %mul3A_1 = arith.constant 79 : i32
    %mul3A_2 = arith.muli %add3A, %mul3A_1 : i32
    %multiple_of3A = tpu.assume_multiple %mul3A_2, 8 : i32
    %mul3A_3 = arith.constant 128 : i32
    %mul3A_4 = arith.muli %multiple_of3A, %mul3A_3 : i32
    %multiple_of3A_5 = tpu.assume_multiple %mul3A_4, 128 : i32
    "tpu.region"() ({
      %run_scoped3A = tpu.sem_alloc : memref<!tpu.dma_semaphore, #tpu.memory_space<semaphore_mem>>
      %dma_start3A = arith.constant 0 : i32
      %dma_start3A_108 = arith.constant 0 : i32
      %dma_start3A_109 = tpu.memref_slice %arg4[%multiple_of3A, %dma_start3A, %dma_start3A_108] : memref<2528x1x128xi32, #tpu.memory_space<hbm>> -> memref<79x1x128xi32, #tpu.memory_space<hbm>>
      %dma_start3A_110 = arith.constant 0 : i32
      %dma_start3A_111 = arith.constant 0 : i32
      %dma_start3A_112 = tpu.memref_slice %arg4[%multiple_of3A, %dma_start3A_110, %dma_start3A_111] : memref<2528x1x128xi32, #tpu.memory_space<hbm>> -> memref<79x1x128xi32, #tpu.memory_space<hbm>>
      tpu.enqueue_dma source(%dma_start3A_112 : memref<79x1x128xi32, #tpu.memory_space<hbm>>) target(%arg8 : memref<79x1x128xi32, #tpu.memory_space<vmem>>) target_semaphore(%run_scoped3A : memref<!tpu.dma_semaphore, #tpu.memory_space<semaphore_mem>>)
      %dma_wait3A = arith.constant 0 : i32
      %dma_wait3A_113 = arith.constant 0 : i32
      %dma_wait3A_114 = tpu.memref_slice %arg4[%multiple_of3A, %dma_wait3A, %dma_wait3A_113] : memref<2528x1x128xi32, #tpu.memory_space<hbm>> -> memref<79x1x128xi32, #tpu.memory_space<hbm>>
      %dma_wait3A_115 = arith.constant 0 : i32
      %dma_wait3A_116 = arith.constant 0 : i32
      %dma_wait3A_117 = tpu.memref_slice %arg4[%multiple_of3A, %dma_wait3A_115, %dma_wait3A_116] : memref<2528x1x128xi32, #tpu.memory_space<hbm>> -> memref<79x1x128xi32, #tpu.memory_space<hbm>>
      tpu.wait_dma2 semaphore(%run_scoped3A : memref<!tpu.dma_semaphore, #tpu.memory_space<semaphore_mem>>) src(%dma_wait3A_117 : memref<79x1x128xi32, #tpu.memory_space<hbm>>) dst(%arg8 : memref<79x1x128xi32, #tpu.memory_space<vmem>>)
      tpu.yield
    }) : () -> ()
    "tpu.region"() ({
      %run_scoped3A = tpu.sem_alloc : memref<!tpu.dma_semaphore, #tpu.memory_space<semaphore_mem>>
      %dma_start3A = arith.constant 0 : i32
      %dma_start3A_108 = arith.constant 0 : i32
      %dma_start3A_109 = tpu.memref_slice %arg5[%multiple_of3A, %dma_start3A, %dma_start3A_108] : memref<2528x1x128xi32, #tpu.memory_space<hbm>> -> memref<79x1x128xi32, #tpu.memory_space<hbm>>
      %dma_start3A_110 = arith.constant 0 : i32
      %dma_start3A_111 = arith.constant 0 : i32
      %dma_start3A_112 = tpu.memref_slice %arg5[%multiple_of3A, %dma_start3A_110, %dma_start3A_111] : memref<2528x1x128xi32, #tpu.memory_space<hbm>> -> memref<79x1x128xi32, #tpu.memory_space<hbm>>
      tpu.enqueue_dma source(%dma_start3A_112 : memref<79x1x128xi32, #tpu.memory_space<hbm>>) target(%arg9 : memref<79x1x128xi32, #tpu.memory_space<vmem>>) target_semaphore(%run_scoped3A : memref<!tpu.dma_semaphore, #tpu.memory_space<semaphore_mem>>)
      %dma_wait3A = arith.constant 0 : i32
      %dma_wait3A_113 = arith.constant 0 : i32
      %dma_wait3A_114 = tpu.memref_slice %arg5[%multiple_of3A, %dma_wait3A, %dma_wait3A_113] : memref<2528x1x128xi32, #tpu.memory_space<hbm>> -> memref<79x1x128xi32, #tpu.memory_space<hbm>>
      %dma_wait3A_115 = arith.constant 0 : i32
      %dma_wait3A_116 = arith.constant 0 : i32
      %dma_wait3A_117 = tpu.memref_slice %arg5[%multiple_of3A, %dma_wait3A_115, %dma_wait3A_116] : memref<2528x1x128xi32, #tpu.memory_space<hbm>> -> memref<79x1x128xi32, #tpu.memory_space<hbm>>
      tpu.wait_dma2 semaphore(%run_scoped3A : memref<!tpu.dma_semaphore, #tpu.memory_space<semaphore_mem>>) src(%dma_wait3A_117 : memref<79x1x128xi32, #tpu.memory_space<hbm>>) dst(%arg9 : memref<79x1x128xi32, #tpu.memory_space<vmem>>)
      tpu.yield
    }) : () -> ()
    %broadcast_in_dim3A = arith.constant 0.000000e+00 : f32
    %broadcast_in_dim3A_6 = vector.broadcast %broadcast_in_dim3A : f32 to vector<16xf32>
    %swap3A = arith.constant 0 : i32
    %swap3A_7 = arith.index_cast %swap3A : i32 to index
    %swap3A_8 = arith.constant 0 : index
    %swap3A_9 = tpu.vector_load %arg18[%swap3A_7, %swap3A_8] {strides = array<i32>} : memref<2x128xf32, #tpu.memory_space<vmem>>, vector<1x16xf32>,
    %swap3A_10 = vector.shape_cast %swap3A_9 : vector<1x16xf32> to vector<16xf32>
    %swap3A_11 = vector.shape_cast %broadcast_in_dim3A_6 : vector<16xf32> to vector<1x16xf32>
    tpu.vector_store %arg18[%swap3A_7, %swap3A_8], %swap3A_11 {strides = array<i32>} : memref<2x128xf32, #tpu.memory_space<vmem>>, vector<1x16xf32>,
    %swap3A_12 = arith.constant 1 : i32
    %swap3A_13 = arith.index_cast %swap3A_12 : i32 to index
    %swap3A_14 = arith.constant 0 : index
    %swap3A_15 = tpu.vector_load %arg18[%swap3A_13, %swap3A_14] {strides = array<i32>} : memref<2x128xf32, #tpu.memory_space<vmem>>, vector<1x16xf32>,
    %swap3A_16 = vector.shape_cast %swap3A_15 : vector<1x16xf32> to vector<16xf32>
    %swap3A_17 = vector.shape_cast %broadcast_in_dim3A_6 : vector<16xf32> to vector<1x16xf32>
    tpu.vector_store %arg18[%swap3A_13, %swap3A_14], %swap3A_17 {strides = array<i32>} : memref<2x128xf32, #tpu.memory_space<vmem>>, vector<1x16xf32>,
    %swap3A_18 = arith.constant 0 : i32
    %swap3A_19 = arith.index_cast %swap3A_18 : i32 to index
    %swap3A_20 = arith.constant 16 : index
    %swap3A_21 = tpu.vector_load %arg18[%swap3A_19, %swap3A_20] {strides = array<i32>} : memref<2x128xf32, #tpu.memory_space<vmem>>, vector<1x16xf32>,
    %swap3A_22 = vector.shape_cast %swap3A_21 : vector<1x16xf32> to vector<16xf32>
    %swap3A_23 = vector.shape_cast %broadcast_in_dim3A_6 : vector<16xf32> to vector<1x16xf32>
    tpu.vector_store %arg18[%swap3A_19, %swap3A_20], %swap3A_23 {strides = array<i32>} : memref<2x128xf32, #tpu.memory_space<vmem>>, vector<1x16xf32>,
    %swap3A_24 = arith.constant 1 : i32
    %swap3A_25 = arith.index_cast %swap3A_24 : i32 to index
    %swap3A_26 = arith.constant 16 : index
    %swap3A_27 = tpu.vector_load %arg18[%swap3A_25, %swap3A_26] {strides = array<i32>} : memref<2x128xf32, #tpu.memory_space<vmem>>, vector<1x16xf32>,
    %swap3A_28 = vector.shape_cast %swap3A_27 : vector<1x16xf32> to vector<16xf32>
    %swap3A_29 = vector.shape_cast %broadcast_in_dim3A_6 : vector<16xf32> to vector<1x16xf32>
    tpu.vector_store %arg18[%swap3A_25, %swap3A_26], %swap3A_29 {strides = array<i32>} : memref<2x128xf32, #tpu.memory_space<vmem>>, vector<1x16xf32>,
    %swap3A_30 = arith.constant 0 : i32
    %swap3A_31 = arith.index_cast %swap3A_30 : i32 to index
    %swap3A_32 = arith.constant 32 : index
    %swap3A_33 = tpu.vector_load %arg18[%swap3A_31, %swap3A_32] {strides = array<i32>} : memref<2x128xf32, #tpu.memory_space<vmem>>, vector<1x16xf32>,
    %swap3A_34 = vector.shape_cast %swap3A_33 : vector<1x16xf32> to vector<16xf32>
    %swap3A_35 = vector.shape_cast %broadcast_in_dim3A_6 : vector<16xf32> to vector<1x16xf32>
    tpu.vector_store %arg18[%swap3A_31, %swap3A_32], %swap3A_35 {strides = array<i32>} : memref<2x128xf32, #tpu.memory_space<vmem>>, vector<1x16xf32>,
    %swap3A_36 = arith.constant 1 : i32
    %swap3A_37 = arith.index_cast %swap3A_36 : i32 to index
    %swap3A_38 = arith.constant 32 : index
    %swap3A_39 = tpu.vector_load %arg18[%swap3A_37, %swap3A_38] {strides = array<i32>} : memref<2x128xf32, #tpu.memory_space<vmem>>, vector<1x16xf32>,
    %swap3A_40 = vector.shape_cast %swap3A_39 : vector<1x16xf32> to vector<16xf32>
    %swap3A_41 = vector.shape_cast %broadcast_in_dim3A_6 : vector<16xf32> to vector<1x16xf32>
    tpu.vector_store %arg18[%swap3A_37, %swap3A_38], %swap3A_41 {strides = array<i32>} : memref<2x128xf32, #tpu.memory_space<vmem>>, vector<1x16xf32>,
    %swap3A_42 = arith.constant 0 : i32
    %swap3A_43 = arith.index_cast %swap3A_42 : i32 to index
    %swap3A_44 = arith.constant 48 : index
    %swap3A_45 = tpu.vector_load %arg18[%swap3A_43, %swap3A_44] {strides = array<i32>} : memref<2x128xf32, #tpu.memory_space<vmem>>, vector<1x16xf32>,
    %swap3A_46 = vector.shape_cast %swap3A_45 : vector<1x16xf32> to vector<16xf32>
    %swap3A_47 = vector.shape_cast %broadcast_in_dim3A_6 : vector<16xf32> to vector<1x16xf32>
    tpu.vector_store %arg18[%swap3A_43, %swap3A_44], %swap3A_47 {strides = array<i32>} : memref<2x128xf32, #tpu.memory_space<vmem>>, vector<1x16xf32>,
    %swap3A_48 = arith.constant 1 : i32
    %swap3A_49 = arith.index_cast %swap3A_48 : i32 to index
    %swap3A_50 = arith.constant 48 : index
    %swap3A_51 = tpu.vector_load %arg18[%swap3A_49, %swap3A_50] {strides = array<i32>} : memref<2x128xf32, #tpu.memory_space<vmem>>, vector<1x16xf32>,
    %swap3A_52 = vector.shape_cast %swap3A_51 : vector<1x16xf32> to vector<16xf32>
    %swap3A_53 = vector.shape_cast %broadcast_in_dim3A_6 : vector<16xf32> to vector<1x16xf32>
    tpu.vector_store %arg18[%swap3A_49, %swap3A_50], %swap3A_53 {strides = array<i32>} : memref<2x128xf32, #tpu.memory_space<vmem>>, vector<1x16xf32>,
    %swap3A_54 = arith.constant 0 : i32
    %swap3A_55 = arith.index_cast %swap3A_54 : i32 to index
    %swap3A_56 = arith.constant 64 : index
    %swap3A_57 = tpu.vector_load %arg18[%swap3A_55, %swap3A_56] {strides = array<i32>} : memref<2x128xf32, #tpu.memory_space<vmem>>, vector<1x16xf32>,
    %swap3A_58 = vector.shape_cast %swap3A_57 : vector<1x16xf32> to vector<16xf32>
    %swap3A_59 = vector.shape_cast %broadcast_in_dim3A_6 : vector<16xf32> to vector<1x16xf32>
    tpu.vector_store %arg18[%swap3A_55, %swap3A_56], %swap3A_59 {strides = array<i32>} : memref<2x128xf32, #tpu.memory_space<vmem>>, vector<1x16xf32>,
    %swap3A_60 = arith.constant 1 : i32
    %swap3A_61 = arith.index_cast %swap3A_60 : i32 to index
    %swap3A_62 = arith.constant 64 : index
    %swap3A_63 = tpu.vector_load %arg18[%swap3A_61, %swap3A_62] {strides = array<i32>} : memref<2x128xf32, #tpu.memory_space<vmem>>, vector<1x16xf32>,
    %swap3A_64 = vector.shape_cast %swap3A_63 : vector<1x16xf32> to vector<16xf32>
    %swap3A_65 = vector.shape_cast %broadcast_in_dim3A_6 : vector<16xf32> to vector<1x16xf32>
    tpu.vector_store %arg18[%swap3A_61, %swap3A_62], %swap3A_65 {strides = array<i32>} : memref<2x128xf32, #tpu.memory_space<vmem>>, vector<1x16xf32>,
    %swap3A_66 = arith.constant 0 : i32
    %swap3A_67 = arith.index_cast %swap3A_66 : i32 to index
    %swap3A_68 = arith.constant 80 : index
    %swap3A_69 = tpu.vector_load %arg18[%swap3A_67, %swap3A_68] {strides = array<i32>} : memref<2x128xf32, #tpu.memory_space<vmem>>, vector<1x16xf32>,
    %swap3A_70 = vector.shape_cast %swap3A_69 : vector<1x16xf32> to vector<16xf32>
    %swap3A_71 = vector.shape_cast %broadcast_in_dim3A_6 : vector<16xf32> to vector<1x16xf32>
    tpu.vector_store %arg18[%swap3A_67, %swap3A_68], %swap3A_71 {strides = array<i32>} : memref<2x128xf32, #tpu.memory_space<vmem>>, vector<1x16xf32>,
    %swap3A_72 = arith.constant 1 : i32
    %swap3A_73 = arith.index_cast %swap3A_72 : i32 to index
    %swap3A_74 = arith.constant 80 : index
    %swap3A_75 = tpu.vector_load %arg18[%swap3A_73, %swap3A_74] {strides = array<i32>} : memref<2x128xf32, #tpu.memory_space<vmem>>, vector<1x16xf32>,
    %swap3A_76 = vector.shape_cast %swap3A_75 : vector<1x16xf32> to vector<16xf32>
    %swap3A_77 = vector.shape_cast %broadcast_in_dim3A_6 : vector<16xf32> to vector<1x16xf32>
    tpu.vector_store %arg18[%swap3A_73, %swap3A_74], %swap3A_77 {strides = array<i32>} : memref<2x128xf32, #tpu.memory_space<vmem>>, vector<1x16xf32>,
    %swap3A_78 = arith.constant 0 : i32
    %swap3A_79 = arith.index_cast %swap3A_78 : i32 to index
    %swap3A_80 = arith.constant 96 : index
    %swap3A_81 = tpu.vector_load %arg18[%swap3A_79, %swap3A_80] {strides = array<i32>} : memref<2x128xf32, #tpu.memory_space<vmem>>, vector<1x16xf32>,
    %swap3A_82 = vector.shape_cast %swap3A_81 : vector<1x16xf32> to vector<16xf32>
    %swap3A_83 = vector.shape_cast %broadcast_in_dim3A_6 : vector<16xf32> to vector<1x16xf32>
    tpu.vector_store %arg18[%swap3A_79, %swap3A_80], %swap3A_83 {strides = array<i32>} : memref<2x128xf32, #tpu.memory_space<vmem>>, vector<1x16xf32>,
    %swap3A_84 = arith.constant 1 : i32
    %swap3A_85 = arith.index_cast %swap3A_84 : i32 to index
    %swap3A_86 = arith.constant 96 : index
    %swap3A_87 = tpu.vector_load %arg18[%swap3A_85, %swap3A_86] {strides = array<i32>} : memref<2x128xf32, #tpu.memory_space<vmem>>, vector<1x16xf32>,
    %swap3A_88 = vector.shape_cast %swap3A_87 : vector<1x16xf32> to vector<16xf32>
    %swap3A_89 = vector.shape_cast %broadcast_in_dim3A_6 : vector<16xf32> to vector<1x16xf32>
    tpu.vector_store %arg18[%swap3A_85, %swap3A_86], %swap3A_89 {strides = array<i32>} : memref<2x128xf32, #tpu.memory_space<vmem>>, vector<1x16xf32>,
    %swap3A_90 = arith.constant 0 : i32
    %swap3A_91 = arith.index_cast %swap3A_90 : i32 to index
    %swap3A_92 = arith.constant 112 : index
    %swap3A_93 = tpu.vector_load %arg18[%swap3A_91, %swap3A_92] {strides = array<i32>} : memref<2x128xf32, #tpu.memory_space<vmem>>, vector<1x16xf32>,
    %swap3A_94 = vector.shape_cast %swap3A_93 : vector<1x16xf32> to vector<16xf32>
    %swap3A_95 = vector.shape_cast %broadcast_in_dim3A_6 : vector<16xf32> to vector<1x16xf32>
    tpu.vector_store %arg18[%swap3A_91, %swap3A_92], %swap3A_95 {strides = array<i32>} : memref<2x128xf32, #tpu.memory_space<vmem>>, vector<1x16xf32>,
    %swap3A_96 = arith.constant 1 : i32
    %swap3A_97 = arith.index_cast %swap3A_96 : i32 to index
    %swap3A_98 = arith.constant 112 : index
    %swap3A_99 = tpu.vector_load %arg18[%swap3A_97, %swap3A_98] {strides = array<i32>} : memref<2x128xf32, #tpu.memory_space<vmem>>, vector<1x16xf32>,
    %swap3A_100 = vector.shape_cast %swap3A_99 : vector<1x16xf32> to vector<16xf32>
    %swap3A_101 = vector.shape_cast %broadcast_in_dim3A_6 : vector<16xf32> to vector<1x16xf32>
    tpu.vector_store %arg18[%swap3A_97, %swap3A_98], %swap3A_101 {strides = array<i32>} : memref<2x128xf32, #tpu.memory_space<vmem>>, vector<1x16xf32>,
    %scan3A = arith.constant 0 : i32
    %scan3A_102 = arith.constant 0 : i32
    %scan3A_103 = arith.constant 79 : i32
    %scan3A_104 = arith.addi %scan3A_102, %scan3A_103 : i32
    %scan3A_105 = arith.constant 1 : i32
    %scan3A_106 = scf.for %scan3A_108 = %scan3A_102 to %scan3A_104 step %scan3A_105 iter_args(%scan3A_109 = %scan3A) -> (i32)  : i32 {
      %get3A = arith.constant 0 : i32
      %get3A_110 = arith.index_cast %scan3A_108 : i32 to index
      %get3A_111 = arith.index_cast %get3A : i32 to index
      %get3A_112 = arith.constant 0 : index
      %get3A_113 = tpu.vector_load %arg8[%get3A_110, %get3A_111, %get3A_112] {strides = array<i32>} : memref<79x1x128xi32, #tpu.memory_space<vmem>>, vector<1x1x16xi32>,
      %get3A_114 = vector.shape_cast %get3A_113 : vector<1x1x16xi32> to vector<16xi32>
      %swap3A_115 = arith.constant 0 : index
      %swap3A_116 = tpu.vector_load %arg10[%swap3A_115] {strides = array<i32>} : memref<128xi32, #tpu.memory_space<vmem>>, vector<16xi32>,
      %swap3A_117 = vector.shape_cast %swap3A_116 : vector<16xi32> to vector<16xi32>
      %swap3A_118 = vector.shape_cast %get3A_114 : vector<16xi32> to vector<16xi32>
      tpu.vector_store %arg10[%swap3A_115], %swap3A_118 {strides = array<i32>} : memref<128xi32, #tpu.memory_space<vmem>>, vector<16xi32>,
      %get3A_119 = arith.constant 0 : i32
      %get3A_120 = arith.index_cast %scan3A_108 : i32 to index
      %get3A_121 = arith.index_cast %get3A_119 : i32 to index
      %get3A_122 = arith.constant 0 : index
      %get3A_123 = tpu.vector_load %arg9[%get3A_120, %get3A_121, %get3A_122] {strides = array<i32>} : memref<79x1x128xi32, #tpu.memory_space<vmem>>, vector<1x1x16xi32>,
      %get3A_124 = vector.shape_cast %get3A_123 : vector<1x1x16xi32> to vector<16xi32>
      %swap3A_125 = arith.constant 0 : index
      %swap3A_126 = tpu.vector_load %arg12[%swap3A_125] {strides = array<i32>} : memref<128xi32, #tpu.memory_space<vmem>>, vector<16xi32>,
      %swap3A_127 = vector.shape_cast %swap3A_126 : vector<16xi32> to vector<16xi32>
      %swap3A_128 = vector.shape_cast %get3A_124 : vector<16xi32> to vector<16xi32>
      tpu.vector_store %arg12[%swap3A_125], %swap3A_128 {strides = array<i32>} : memref<128xi32, #tpu.memory_space<vmem>>, vector<16xi32>,
      %get3A_129 = arith.constant 0 : i32
      %get3A_130 = arith.index_cast %scan3A_108 : i32 to index
      %get3A_131 = arith.index_cast %get3A_129 : i32 to index
      %get3A_132 = arith.constant 16 : index
      %get3A_133 = tpu.vector_load %arg8[%get3A_130, %get3A_131, %get3A_132] {strides = array<i32>} : memref<79x1x128xi32, #tpu.memory_space<vmem>>, vector<1x1x16xi32>,
      %get3A_134 = vector.shape_cast %get3A_133 : vector<1x1x16xi32> to vector<16xi32>
      %swap3A_135 = arith.constant 16 : index
      %swap3A_136 = tpu.vector_load %arg10[%swap3A_135] {strides = array<i32>} : memref<128xi32, #tpu.memory_space<vmem>>, vector<16xi32>,
      %swap3A_137 = vector.shape_cast %swap3A_136 : vector<16xi32> to vector<16xi32>
      %swap3A_138 = vector.shape_cast %get3A_134 : vector<16xi32> to vector<16xi32>
      tpu.vector_store %arg10[%swap3A_135], %swap3A_138 {strides = array<i32>} : memref<128xi32, #tpu.memory_space<vmem>>, vector<16xi32>,
      %get3A_139 = arith.constant 0 : i32
      %get3A_140 = arith.index_cast %scan3A_108 : i32 to index
      %get3A_141 = arith.index_cast %get3A_139 : i32 to index
      %get3A_142 = arith.constant 16 : index
      %get3A_143 = tpu.vector_load %arg9[%get3A_140, %get3A_141, %get3A_142] {strides = array<i32>} : memref<79x1x128xi32, #tpu.memory_space<vmem>>, vector<1x1x16xi32>,
      %get3A_144 = vector.shape_cast %get3A_143 : vector<1x1x16xi32> to vector<16xi32>
      %swap3A_145 = arith.constant 16 : index
      %swap3A_146 = tpu.vector_load %arg12[%swap3A_145] {strides = array<i32>} : memref<128xi32, #tpu.memory_space<vmem>>, vector<16xi32>,
      %swap3A_147 = vector.shape_cast %swap3A_146 : vector<16xi32> to vector<16xi32>
      %swap3A_148 = vector.shape_cast %get3A_144 : vector<16xi32> to vector<16xi32>
      tpu.vector_store %arg12[%swap3A_145], %swap3A_148 {strides = array<i32>} : memref<128xi32, #tpu.memory_space<vmem>>, vector<16xi32>,
      %get3A_149 = arith.constant 0 : i32
      %get3A_150 = arith.index_cast %scan3A_108 : i32 to index
      %get3A_151 = arith.index_cast %get3A_149 : i32 to index
      %get3A_152 = arith.constant 32 : index
      %get3A_153 = tpu.vector_load %arg8[%get3A_150, %get3A_151, %get3A_152] {strides = array<i32>} : memref<79x1x128xi32, #tpu.memory_space<vmem>>, vector<1x1x16xi32>,
      %get3A_154 = vector.shape_cast %get3A_153 : vector<1x1x16xi32> to vector<16xi32>
      %swap3A_155 = arith.constant 32 : index
      %swap3A_156 = tpu.vector_load %arg10[%swap3A_155] {strides = array<i32>} : memref<128xi32, #tpu.memory_space<vmem>>, vector<16xi32>,
      %swap3A_157 = vector.shape_cast %swap3A_156 : vector<16xi32> to vector<16xi32>
      %swap3A_158 = vector.shape_cast %get3A_154 : vector<16xi32> to vector<16xi32>
      tpu.vector_store %arg10[%swap3A_155], %swap3A_158 {strides = array<i32>} : memref<128xi32, #tpu.memory_space<vmem>>, vector<16xi32>,
      %get3A_159 = arith.constant 0 : i32
      %get3A_160 = arith.index_cast %scan3A_108 : i32 to index
      %get3A_161 = arith.index_cast %get3A_159 : i32 to index
      %get3A_162 = arith.constant 32 : index
      %get3A_163 = tpu.vector_load %arg9[%get3A_160, %get3A_161, %get3A_162] {strides = array<i32>} : memref<79x1x128xi32, #tpu.memory_space<vmem>>, vector<1x1x16xi32>,
      %get3A_164 = vector.shape_cast %get3A_163 : vector<1x1x16xi32> to vector<16xi32>
      %swap3A_165 = arith.constant 32 : index
      %swap3A_166 = tpu.vector_load %arg12[%swap3A_165] {strides = array<i32>} : memref<128xi32, #tpu.memory_space<vmem>>, vector<16xi32>,
      %swap3A_167 = vector.shape_cast %swap3A_166 : vector<16xi32> to vector<16xi32>
      %swap3A_168 = vector.shape_cast %get3A_164 : vector<16xi32> to vector<16xi32>
      tpu.vector_store %arg12[%swap3A_165], %swap3A_168 {strides = array<i32>} : memref<128xi32, #tpu.memory_space<vmem>>, vector<16xi32>,
      %get3A_169 = arith.constant 0 : i32
      %get3A_170 = arith.index_cast %scan3A_108 : i32 to index
      %get3A_171 = arith.index_cast %get3A_169 : i32 to index
      %get3A_172 = arith.constant 48 : index
      %get3A_173 = tpu.vector_load %arg8[%get3A_170, %get3A_171, %get3A_172] {strides = array<i32>} : memref<79x1x128xi32, #tpu.memory_space<vmem>>, vector<1x1x16xi32>,
      %get3A_174 = vector.shape_cast %get3A_173 : vector<1x1x16xi32> to vector<16xi32>
      %swap3A_175 = arith.constant 48 : index
      %swap3A_176 = tpu.vector_load %arg10[%swap3A_175] {strides = array<i32>} : memref<128xi32, #tpu.memory_space<vmem>>, vector<16xi32>,
      %swap3A_177 = vector.shape_cast %swap3A_176 : vector<16xi32> to vector<16xi32>
      %swap3A_178 = vector.shape_cast %get3A_174 : vector<16xi32> to vector<16xi32>
      tpu.vector_store %arg10[%swap3A_175], %swap3A_178 {strides = array<i32>} : memref<128xi32, #tpu.memory_space<vmem>>, vector<16xi32>,
      %get3A_179 = arith.constant 0 : i32
      %get3A_180 = arith.index_cast %scan3A_108 : i32 to index
      %get3A_181 = arith.index_cast %get3A_179 : i32 to index
      %get3A_182 = arith.constant 48 : index
      %get3A_183 = tpu.vector_load %arg9[%get3A_180, %get3A_181, %get3A_182] {strides = array<i32>} : memref<79x1x128xi32, #tpu.memory_space<vmem>>, vector<1x1x16xi32>,
      %get3A_184 = vector.shape_cast %get3A_183 : vector<1x1x16xi32> to vector<16xi32>
      %swap3A_185 = arith.constant 48 : index
      %swap3A_186 = tpu.vector_load %arg12[%swap3A_185] {strides = array<i32>} : memref<128xi32, #tpu.memory_space<vmem>>, vector<16xi32>,
      %swap3A_187 = vector.shape_cast %swap3A_186 : vector<16xi32> to vector<16xi32>
      %swap3A_188 = vector.shape_cast %get3A_184 : vector<16xi32> to vector<16xi32>
      tpu.vector_store %arg12[%swap3A_185], %swap3A_188 {strides = array<i32>} : memref<128xi32, #tpu.memory_space<vmem>>, vector<16xi32>,
      %get3A_189 = arith.constant 0 : i32
      %get3A_190 = arith.index_cast %scan3A_108 : i32 to index
      %get3A_191 = arith.index_cast %get3A_189 : i32 to index
      %get3A_192 = arith.constant 64 : index
      %get3A_193 = tpu.vector_load %arg8[%get3A_190, %get3A_191, %get3A_192] {strides = array<i32>} : memref<79x1x128xi32, #tpu.memory_space<vmem>>, vector<1x1x16xi32>,
      %get3A_194 = vector.shape_cast %get3A_193 : vector<1x1x16xi32> to vector<16xi32>
      %swap3A_195 = arith.constant 64 : index
      %swap3A_196 = tpu.vector_load %arg10[%swap3A_195] {strides = array<i32>} : memref<128xi32, #tpu.memory_space<vmem>>, vector<16xi32>,
      %swap3A_197 = vector.shape_cast %swap3A_196 : vector<16xi32> to vector<16xi32>
      %swap3A_198 = vector.shape_cast %get3A_194 : vector<16xi32> to vector<16xi32>
      tpu.vector_store %arg10[%swap3A_195], %swap3A_198 {strides = array<i32>} : memref<128xi32, #tpu.memory_space<vmem>>, vector<16xi32>,
      %get3A_199 = arith.constant 0 : i32
      %get3A_200 = arith.index_cast %scan3A_108 : i32 to index
      %get3A_201 = arith.index_cast %get3A_199 : i32 to index
      %get3A_202 = arith.constant 64 : index
      %get3A_203 = tpu.vector_load %arg9[%get3A_200, %get3A_201, %get3A_202] {strides = array<i32>} : memref<79x1x128xi32, #tpu.memory_space<vmem>>, vector<1x1x16xi32>,
      %get3A_204 = vector.shape_cast %get3A_203 : vector<1x1x16xi32> to vector<16xi32>
      %swap3A_205 = arith.constant 64 : index
      %swap3A_206 = tpu.vector_load %arg12[%swap3A_205] {strides = array<i32>} : memref<128xi32, #tpu.memory_space<vmem>>, vector<16xi32>,
      %swap3A_207 = vector.shape_cast %swap3A_206 : vector<16xi32> to vector<16xi32>
      %swap3A_208 = vector.shape_cast %get3A_204 : vector<16xi32> to vector<16xi32>
      tpu.vector_store %arg12[%swap3A_205], %swap3A_208 {strides = array<i32>} : memref<128xi32, #tpu.memory_space<vmem>>, vector<16xi32>,
      %get3A_209 = arith.constant 0 : i32
      %get3A_210 = arith.index_cast %scan3A_108 : i32 to index
      %get3A_211 = arith.index_cast %get3A_209 : i32 to index
      %get3A_212 = arith.constant 80 : index
      %get3A_213 = tpu.vector_load %arg8[%get3A_210, %get3A_211, %get3A_212] {strides = array<i32>} : memref<79x1x128xi32, #tpu.memory_space<vmem>>, vector<1x1x16xi32>,
      %get3A_214 = vector.shape_cast %get3A_213 : vector<1x1x16xi32> to vector<16xi32>
      %swap3A_215 = arith.constant 80 : index
      %swap3A_216 = tpu.vector_load %arg10[%swap3A_215] {strides = array<i32>} : memref<128xi32, #tpu.memory_space<vmem>>, vector<16xi32>,
      %swap3A_217 = vector.shape_cast %swap3A_216 : vector<16xi32> to vector<16xi32>
      %swap3A_218 = vector.shape_cast %get3A_214 : vector<16xi32> to vector<16xi32>
      tpu.vector_store %arg10[%swap3A_215], %swap3A_218 {strides = array<i32>} : memref<128xi32, #tpu.memory_space<vmem>>, vector<16xi32>,
      %get3A_219 = arith.constant 0 : i32
      %get3A_220 = arith.index_cast %scan3A_108 : i32 to index
      %get3A_221 = arith.index_cast %get3A_219 : i32 to index
      %get3A_222 = arith.constant 80 : index
      %get3A_223 = tpu.vector_load %arg9[%get3A_220, %get3A_221, %get3A_222] {strides = array<i32>} : memref<79x1x128xi32, #tpu.memory_space<vmem>>, vector<1x1x16xi32>,
      %get3A_224 = vector.shape_cast %get3A_223 : vector<1x1x16xi32> to vector<16xi32>
      %swap3A_225 = arith.constant 80 : index
      %swap3A_226 = tpu.vector_load %arg12[%swap3A_225] {strides = array<i32>} : memref<128xi32, #tpu.memory_space<vmem>>, vector<16xi32>,
      %swap3A_227 = vector.shape_cast %swap3A_226 : vector<16xi32> to vector<16xi32>
      %swap3A_228 = vector.shape_cast %get3A_224 : vector<16xi32> to vector<16xi32>
      tpu.vector_store %arg12[%swap3A_225], %swap3A_228 {strides = array<i32>} : memref<128xi32, #tpu.memory_space<vmem>>, vector<16xi32>,
      %get3A_229 = arith.constant 0 : i32
      %get3A_230 = arith.index_cast %scan3A_108 : i32 to index
      %get3A_231 = arith.index_cast %get3A_229 : i32 to index
      %get3A_232 = arith.constant 96 : index
      %get3A_233 = tpu.vector_load %arg8[%get3A_230, %get3A_231, %get3A_232] {strides = array<i32>} : memref<79x1x128xi32, #tpu.memory_space<vmem>>, vector<1x1x16xi32>,
      %get3A_234 = vector.shape_cast %get3A_233 : vector<1x1x16xi32> to vector<16xi32>
      %swap3A_235 = arith.constant 96 : index
      %swap3A_236 = tpu.vector_load %arg10[%swap3A_235] {strides = array<i32>} : memref<128xi32, #tpu.memory_space<vmem>>, vector<16xi32>,
      %swap3A_237 = vector.shape_cast %swap3A_236 : vector<16xi32> to vector<16xi32>
      %swap3A_238 = vector.shape_cast %get3A_234 : vector<16xi32> to vector<16xi32>
      tpu.vector_store %arg10[%swap3A_235], %swap3A_238 {strides = array<i32>} : memref<128xi32, #tpu.memory_space<vmem>>, vector<16xi32>,
      %get3A_239 = arith.constant 0 : i32
      %get3A_240 = arith.index_cast %scan3A_108 : i32 to index
      %get3A_241 = arith.index_cast %get3A_239 : i32 to index
      %get3A_242 = arith.constant 96 : index
      %get3A_243 = tpu.vector_load %arg9[%get3A_240, %get3A_241, %get3A_242] {strides = array<i32>} : memref<79x1x128xi32, #tpu.memory_space<vmem>>, vector<1x1x16xi32>,
      %get3A_244 = vector.shape_cast %get3A_243 : vector<1x1x16xi32> to vector<16xi32>
      %swap3A_245 = arith.constant 96 : index
      %swap3A_246 = tpu.vector_load %arg12[%swap3A_245] {strides = array<i32>} : memref<128xi32, #tpu.memory_space<vmem>>, vector<16xi32>,
      %swap3A_247 = vector.shape_cast %swap3A_246 : vector<16xi32> to vector<16xi32>
      %swap3A_248 = vector.shape_cast %get3A_244 : vector<16xi32> to vector<16xi32>
      tpu.vector_store %arg12[%swap3A_245], %swap3A_248 {strides = array<i32>} : memref<128xi32, #tpu.memory_space<vmem>>, vector<16xi32>,
      %get3A_249 = arith.constant 0 : i32
      %get3A_250 = arith.index_cast %scan3A_108 : i32 to index
      %get3A_251 = arith.index_cast %get3A_249 : i32 to index
      %get3A_252 = arith.constant 112 : index
      %get3A_253 = tpu.vector_load %arg8[%get3A_250, %get3A_251, %get3A_252] {strides = array<i32>} : memref<79x1x128xi32, #tpu.memory_space<vmem>>, vector<1x1x16xi32>,
      %get3A_254 = vector.shape_cast %get3A_253 : vector<1x1x16xi32> to vector<16xi32>
      %swap3A_255 = arith.constant 112 : index
      %swap3A_256 = tpu.vector_load %arg10[%swap3A_255] {strides = array<i32>} : memref<128xi32, #tpu.memory_space<vmem>>, vector<16xi32>,
      %swap3A_257 = vector.shape_cast %swap3A_256 : vector<16xi32> to vector<16xi32>
      %swap3A_258 = vector.shape_cast %get3A_254 : vector<16xi32> to vector<16xi32>
      tpu.vector_store %arg10[%swap3A_255], %swap3A_258 {strides = array<i32>} : memref<128xi32, #tpu.memory_space<vmem>>, vector<16xi32>,
      %get3A_259 = arith.constant 0 : i32
      %get3A_260 = arith.index_cast %scan3A_108 : i32 to index
      %get3A_261 = arith.index_cast %get3A_259 : i32 to index
      %get3A_262 = arith.constant 112 : index
      %get3A_263 = tpu.vector_load %arg9[%get3A_260, %get3A_261, %get3A_262] {strides = array<i32>} : memref<79x1x128xi32, #tpu.memory_space<vmem>>, vector<1x1x16xi32>,
      %get3A_264 = vector.shape_cast %get3A_263 : vector<1x1x16xi32> to vector<16xi32>
      %swap3A_265 = arith.constant 112 : index
      %swap3A_266 = tpu.vector_load %arg12[%swap3A_265] {strides = array<i32>} : memref<128xi32, #tpu.memory_space<vmem>>, vector<16xi32>,
      %swap3A_267 = vector.shape_cast %swap3A_266 : vector<16xi32> to vector<16xi32>
      %swap3A_268 = vector.shape_cast %get3A_264 : vector<16xi32> to vector<16xi32>
      tpu.vector_store %arg12[%swap3A_265], %swap3A_268 {strides = array<i32>} : memref<128xi32, #tpu.memory_space<vmem>>, vector<16xi32>,
      %dma_start3A = arith.constant 0 : i32
      %dma_start3A_269 = arith.constant 0 : i32
      %dma_start3A_270 = tpu.memref_slice %arg2[%dma_start3A, %dma_start3A_269] : memref<10048x128xf32, #tpu.memory_space<hbm>> -> memref<10048x128xf32, #tpu.memory_space<hbm>>
      tpu.enqueue_indirect_dma source(%dma_start3A_270 : memref<10048x128xf32, #tpu.memory_space<hbm>>) target(%arg14 : memref<128x128xf32, #tpu.memory_space<vmem>>) offsets(%arg10 : memref<128xi32, #tpu.memory_space<vmem>>) semaphore(%arg19 : memref<!tpu.dma_semaphore, #tpu.memory_space<semaphore_mem>>)
      %dma_start3A_271 = arith.constant 0 : i32
      %dma_start3A_272 = arith.constant 0 : i32
      %dma_start3A_273 = tpu.memref_slice %arg3[%dma_start3A_271, %dma_start3A_272] : memref<10048x128xf32, #tpu.memory_space<hbm>> -> memref<10048x128xf32, #tpu.memory_space<hbm>>
      tpu.enqueue_indirect_dma source(%dma_start3A_273 : memref<10048x128xf32, #tpu.memory_space<hbm>>) target(%arg16 : memref<128x128xf32, #tpu.memory_space<vmem>>) offsets(%arg12 : memref<128xi32, #tpu.memory_space<vmem>>) semaphore(%arg21 : memref<!tpu.dma_semaphore, #tpu.memory_space<semaphore_mem>>)
      %dma_wait3A = arith.constant 0 : i32
      %dma_wait3A_274 = arith.constant 0 : i32
      %dma_wait3A_275 = tpu.memref_slice %arg2[%dma_wait3A, %dma_wait3A_274] : memref<10048x128xf32, #tpu.memory_space<hbm>> -> memref<10048x128xf32, #tpu.memory_space<hbm>>
      tpu.wait_indirect_dma semaphore(%arg19 : memref<!tpu.dma_semaphore, #tpu.memory_space<semaphore_mem>>) src(%dma_wait3A_275 : memref<10048x128xf32, #tpu.memory_space<hbm>>) dst(%arg14 : memref<128x128xf32, #tpu.memory_space<vmem>>)
      %dma_wait3A_276 = arith.constant 0 : i32
      %dma_wait3A_277 = arith.constant 0 : i32
      %dma_wait3A_278 = tpu.memref_slice %arg3[%dma_wait3A_276, %dma_wait3A_277] : memref<10048x128xf32, #tpu.memory_space<hbm>> -> memref<10048x128xf32, #tpu.memory_space<hbm>>
      tpu.wait_indirect_dma semaphore(%arg21 : memref<!tpu.dma_semaphore, #tpu.memory_space<semaphore_mem>>) src(%dma_wait3A_278 : memref<10048x128xf32, #tpu.memory_space<hbm>>) dst(%arg16 : memref<128x128xf32, #tpu.memory_space<vmem>>)
      %scan3A_279 = arith.constant 0 : i32
      %scan3A_280 = arith.constant 128 : i32
      %scan3A_281 = arith.addi %scan3A_279, %scan3A_280 : i32
      %scan3A_282 = arith.constant 1 : i32
      %scan3A_283:16 = scf.for %scan3A_385 = %scan3A_279 to %scan3A_281 step %scan3A_282 iter_args(%scan3A_386 = %broadcast_in_dim3A_6, %scan3A_387 = %broadcast_in_dim3A_6, %scan3A_388 = %broadcast_in_dim3A_6, %scan3A_389 = %broadcast_in_dim3A_6, %scan3A_390 = %broadcast_in_dim3A_6, %scan3A_391 = %broadcast_in_dim3A_6, %scan3A_392 = %broadcast_in_dim3A_6, %scan3A_393 = %broadcast_in_dim3A_6, %scan3A_394 = %broadcast_in_dim3A_6, %scan3A_395 = %broadcast_in_dim3A_6, %scan3A_396 = %broadcast_in_dim3A_6, %scan3A_397 = %broadcast_in_dim3A_6, %scan3A_398 = %broadcast_in_dim3A_6, %scan3A_399 = %broadcast_in_dim3A_6, %scan3A_400 = %broadcast_in_dim3A_6, %scan3A_401 = %broadcast_in_dim3A_6) -> (vector<16xf32>, vector<16xf32>, vector<16xf32>, vector<16xf32>, vector<16xf32>, vector<16xf32>, vector<16xf32>, vector<16xf32>, vector<16xf32>, vector<16xf32>, vector<16xf32>, vector<16xf32>, vector<16xf32>, vector<16xf32>, vector<16xf32>, vector<16xf32>)  : i32 {
        %get3A_402 = arith.index_cast %scan3A_385 : i32 to index
        %get3A_403 = arith.constant 0 : index
        %get3A_404 = tpu.vector_load %arg14[%get3A_402, %get3A_403] {strides = array<i32>} : memref<128x128xf32, #tpu.memory_space<vmem>>, vector<1x16xf32>,
        %get3A_405 = vector.shape_cast %get3A_404 : vector<1x16xf32> to vector<16xf32>
        %get3A_406 = arith.index_cast %scan3A_385 : i32 to index
        %get3A_407 = arith.constant 0 : index
        %get3A_408 = tpu.vector_load %arg16[%get3A_406, %get3A_407] {strides = array<i32>} : memref<128x128xf32, #tpu.memory_space<vmem>>, vector<1x16xf32>,
        %get3A_409 = vector.shape_cast %get3A_408 : vector<1x16xf32> to vector<16xf32>
        %add3A_410 = arith.addf %get3A_405, %get3A_409 : vector<16xf32>
        %swap3A_411 = arith.index_cast %scan3A_385 : i32 to index
        %swap3A_412 = arith.constant 0 : index
        %swap3A_413 = tpu.vector_load %arg14[%swap3A_411, %swap3A_412] {strides = array<i32>} : memref<128x128xf32, #tpu.memory_space<vmem>>, vector<1x16xf32>,
        %swap3A_414 = vector.shape_cast %swap3A_413 : vector<1x16xf32> to vector<16xf32>
        %swap3A_415 = vector.shape_cast %add3A_410 : vector<16xf32> to vector<1x16xf32>
        tpu.vector_store %arg14[%swap3A_411, %swap3A_412], %swap3A_415 {strides = array<i32>} : memref<128x128xf32, #tpu.memory_space<vmem>>, vector<1x16xf32>,
        %add3A_416 = arith.addf %scan3A_386, %add3A_410 : vector<16xf32>
        %mul3A_417 = arith.mulf %add3A_410, %add3A_410 : vector<16xf32>
        %add3A_418 = arith.addf %scan3A_394, %mul3A_417 : vector<16xf32>
        %get3A_419 = arith.index_cast %scan3A_385 : i32 to index
        %get3A_420 = arith.constant 16 : index
        %get3A_421 = tpu.vector_load %arg14[%get3A_419, %get3A_420] {strides = array<i32>} : memref<128x128xf32, #tpu.memory_space<vmem>>, vector<1x16xf32>,
        %get3A_422 = vector.shape_cast %get3A_421 : vector<1x16xf32> to vector<16xf32>
        %get3A_423 = arith.index_cast %scan3A_385 : i32 to index
        %get3A_424 = arith.constant 16 : index
        %get3A_425 = tpu.vector_load %arg16[%get3A_423, %get3A_424] {strides = array<i32>} : memref<128x128xf32, #tpu.memory_space<vmem>>, vector<1x16xf32>,
        %get3A_426 = vector.shape_cast %get3A_425 : vector<1x16xf32> to vector<16xf32>
        %add3A_427 = arith.addf %get3A_422, %get3A_426 : vector<16xf32>
        %swap3A_428 = arith.index_cast %scan3A_385 : i32 to index
        %swap3A_429 = arith.constant 16 : index
        %swap3A_430 = tpu.vector_load %arg14[%swap3A_428, %swap3A_429] {strides = array<i32>} : memref<128x128xf32, #tpu.memory_space<vmem>>, vector<1x16xf32>,
        %swap3A_431 = vector.shape_cast %swap3A_430 : vector<1x16xf32> to vector<16xf32>
        %swap3A_432 = vector.shape_cast %add3A_427 : vector<16xf32> to vector<1x16xf32>
        tpu.vector_store %arg14[%swap3A_428, %swap3A_429], %swap3A_432 {strides = array<i32>} : memref<128x128xf32, #tpu.memory_space<vmem>>, vector<1x16xf32>,
        %add3A_433 = arith.addf %scan3A_387, %add3A_427 : vector<16xf32>
        %mul3A_434 = arith.mulf %add3A_427, %add3A_427 : vector<16xf32>
        %add3A_435 = arith.addf %scan3A_395, %mul3A_434 : vector<16xf32>
        %get3A_436 = arith.index_cast %scan3A_385 : i32 to index
        %get3A_437 = arith.constant 32 : index
        %get3A_438 = tpu.vector_load %arg14[%get3A_436, %get3A_437] {strides = array<i32>} : memref<128x128xf32, #tpu.memory_space<vmem>>, vector<1x16xf32>,
        %get3A_439 = vector.shape_cast %get3A_438 : vector<1x16xf32> to vector<16xf32>
        %get3A_440 = arith.index_cast %scan3A_385 : i32 to index
        %get3A_441 = arith.constant 32 : index
        %get3A_442 = tpu.vector_load %arg16[%get3A_440, %get3A_441] {strides = array<i32>} : memref<128x128xf32, #tpu.memory_space<vmem>>, vector<1x16xf32>,
        %get3A_443 = vector.shape_cast %get3A_442 : vector<1x16xf32> to vector<16xf32>
        %add3A_444 = arith.addf %get3A_439, %get3A_443 : vector<16xf32>
        %swap3A_445 = arith.index_cast %scan3A_385 : i32 to index
        %swap3A_446 = arith.constant 32 : index
        %swap3A_447 = tpu.vector_load %arg14[%swap3A_445, %swap3A_446] {strides = array<i32>} : memref<128x128xf32, #tpu.memory_space<vmem>>, vector<1x16xf32>,
        %swap3A_448 = vector.shape_cast %swap3A_447 : vector<1x16xf32> to vector<16xf32>
        %swap3A_449 = vector.shape_cast %add3A_444 : vector<16xf32> to vector<1x16xf32>
        tpu.vector_store %arg14[%swap3A_445, %swap3A_446], %swap3A_449 {strides = array<i32>} : memref<128x128xf32, #tpu.memory_space<vmem>>, vector<1x16xf32>,
        %add3A_450 = arith.addf %scan3A_388, %add3A_444 : vector<16xf32>
        %mul3A_451 = arith.mulf %add3A_444, %add3A_444 : vector<16xf32>
        %add3A_452 = arith.addf %scan3A_396, %mul3A_451 : vector<16xf32>
        %get3A_453 = arith.index_cast %scan3A_385 : i32 to index
        %get3A_454 = arith.constant 48 : index
        %get3A_455 = tpu.vector_load %arg14[%get3A_453, %get3A_454] {strides = array<i32>} : memref<128x128xf32, #tpu.memory_space<vmem>>, vector<1x16xf32>,
        %get3A_456 = vector.shape_cast %get3A_455 : vector<1x16xf32> to vector<16xf32>
        %get3A_457 = arith.index_cast %scan3A_385 : i32 to index
        %get3A_458 = arith.constant 48 : index
        %get3A_459 = tpu.vector_load %arg16[%get3A_457, %get3A_458] {strides = array<i32>} : memref<128x128xf32, #tpu.memory_space<vmem>>, vector<1x16xf32>,
        %get3A_460 = vector.shape_cast %get3A_459 : vector<1x16xf32> to vector<16xf32>
        %add3A_461 = arith.addf %get3A_456, %get3A_460 : vector<16xf32>
        %swap3A_462 = arith.index_cast %scan3A_385 : i32 to index
        %swap3A_463 = arith.constant 48 : index
        %swap3A_464 = tpu.vector_load %arg14[%swap3A_462, %swap3A_463] {strides = array<i32>} : memref<128x128xf32, #tpu.memory_space<vmem>>, vector<1x16xf32>,
        %swap3A_465 = vector.shape_cast %swap3A_464 : vector<1x16xf32> to vector<16xf32>
        %swap3A_466 = vector.shape_cast %add3A_461 : vector<16xf32> to vector<1x16xf32>
        tpu.vector_store %arg14[%swap3A_462, %swap3A_463], %swap3A_466 {strides = array<i32>} : memref<128x128xf32, #tpu.memory_space<vmem>>, vector<1x16xf32>,
        %add3A_467 = arith.addf %scan3A_389, %add3A_461 : vector<16xf32>
        %mul3A_468 = arith.mulf %add3A_461, %add3A_461 : vector<16xf32>
        %add3A_469 = arith.addf %scan3A_397, %mul3A_468 : vector<16xf32>
        %get3A_470 = arith.index_cast %scan3A_385 : i32 to index
        %get3A_471 = arith.constant 64 : index
        %get3A_472 = tpu.vector_load %arg14[%get3A_470, %get3A_471] {strides = array<i32>} : memref<128x128xf32, #tpu.memory_space<vmem>>, vector<1x16xf32>,
        %get3A_473 = vector.shape_cast %get3A_472 : vector<1x16xf32> to vector<16xf32>
        %get3A_474 = arith.index_cast %scan3A_385 : i32 to index
        %get3A_475 = arith.constant 64 : index
        %get3A_476 = tpu.vector_load %arg16[%get3A_474, %get3A_475] {strides = array<i32>} : memref<128x128xf32, #tpu.memory_space<vmem>>, vector<1x16xf32>,
        %get3A_477 = vector.shape_cast %get3A_476 : vector<1x16xf32> to vector<16xf32>
        %add3A_478 = arith.addf %get3A_473, %get3A_477 : vector<16xf32>
        %swap3A_479 = arith.index_cast %scan3A_385 : i32 to index
        %swap3A_480 = arith.constant 64 : index
        %swap3A_481 = tpu.vector_load %arg14[%swap3A_479, %swap3A_480] {strides = array<i32>} : memref<128x128xf32, #tpu.memory_space<vmem>>, vector<1x16xf32>,
        %swap3A_482 = vector.shape_cast %swap3A_481 : vector<1x16xf32> to vector<16xf32>
        %swap3A_483 = vector.shape_cast %add3A_478 : vector<16xf32> to vector<1x16xf32>
        tpu.vector_store %arg14[%swap3A_479, %swap3A_480], %swap3A_483 {strides = array<i32>} : memref<128x128xf32, #tpu.memory_space<vmem>>, vector<1x16xf32>,
        %add3A_484 = arith.addf %scan3A_390, %add3A_478 : vector<16xf32>
        %mul3A_485 = arith.mulf %add3A_478, %add3A_478 : vector<16xf32>
        %add3A_486 = arith.addf %scan3A_398, %mul3A_485 : vector<16xf32>
        %get3A_487 = arith.index_cast %scan3A_385 : i32 to index
        %get3A_488 = arith.constant 80 : index
        %get3A_489 = tpu.vector_load %arg14[%get3A_487, %get3A_488] {strides = array<i32>} : memref<128x128xf32, #tpu.memory_space<vmem>>, vector<1x16xf32>,
        %get3A_490 = vector.shape_cast %get3A_489 : vector<1x16xf32> to vector<16xf32>
        %get3A_491 = arith.index_cast %scan3A_385 : i32 to index
        %get3A_492 = arith.constant 80 : index
        %get3A_493 = tpu.vector_load %arg16[%get3A_491, %get3A_492] {strides = array<i32>} : memref<128x128xf32, #tpu.memory_space<vmem>>, vector<1x16xf32>,
        %get3A_494 = vector.shape_cast %get3A_493 : vector<1x16xf32> to vector<16xf32>
        %add3A_495 = arith.addf %get3A_490, %get3A_494 : vector<16xf32>
        %swap3A_496 = arith.index_cast %scan3A_385 : i32 to index
        %swap3A_497 = arith.constant 80 : index
        %swap3A_498 = tpu.vector_load %arg14[%swap3A_496, %swap3A_497] {strides = array<i32>} : memref<128x128xf32, #tpu.memory_space<vmem>>, vector<1x16xf32>,
        %swap3A_499 = vector.shape_cast %swap3A_498 : vector<1x16xf32> to vector<16xf32>
        %swap3A_500 = vector.shape_cast %add3A_495 : vector<16xf32> to vector<1x16xf32>
        tpu.vector_store %arg14[%swap3A_496, %swap3A_497], %swap3A_500 {strides = array<i32>} : memref<128x128xf32, #tpu.memory_space<vmem>>, vector<1x16xf32>,
        %add3A_501 = arith.addf %scan3A_391, %add3A_495 : vector<16xf32>
        %mul3A_502 = arith.mulf %add3A_495, %add3A_495 : vector<16xf32>
        %add3A_503 = arith.addf %scan3A_399, %mul3A_502 : vector<16xf32>
        %get3A_504 = arith.index_cast %scan3A_385 : i32 to index
        %get3A_505 = arith.constant 96 : index
        %get3A_506 = tpu.vector_load %arg14[%get3A_504, %get3A_505] {strides = array<i32>} : memref<128x128xf32, #tpu.memory_space<vmem>>, vector<1x16xf32>,
        %get3A_507 = vector.shape_cast %get3A_506 : vector<1x16xf32> to vector<16xf32>
        %get3A_508 = arith.index_cast %scan3A_385 : i32 to index
        %get3A_509 = arith.constant 96 : index
        %get3A_510 = tpu.vector_load %arg16[%get3A_508, %get3A_509] {strides = array<i32>} : memref<128x128xf32, #tpu.memory_space<vmem>>, vector<1x16xf32>,
        %get3A_511 = vector.shape_cast %get3A_510 : vector<1x16xf32> to vector<16xf32>
        %add3A_512 = arith.addf %get3A_507, %get3A_511 : vector<16xf32>
        %swap3A_513 = arith.index_cast %scan3A_385 : i32 to index
        %swap3A_514 = arith.constant 96 : index
        %swap3A_515 = tpu.vector_load %arg14[%swap3A_513, %swap3A_514] {strides = array<i32>} : memref<128x128xf32, #tpu.memory_space<vmem>>, vector<1x16xf32>,
        %swap3A_516 = vector.shape_cast %swap3A_515 : vector<1x16xf32> to vector<16xf32>
        %swap3A_517 = vector.shape_cast %add3A_512 : vector<16xf32> to vector<1x16xf32>
        tpu.vector_store %arg14[%swap3A_513, %swap3A_514], %swap3A_517 {strides = array<i32>} : memref<128x128xf32, #tpu.memory_space<vmem>>, vector<1x16xf32>,
        %add3A_518 = arith.addf %scan3A_392, %add3A_512 : vector<16xf32>
        %mul3A_519 = arith.mulf %add3A_512, %add3A_512 : vector<16xf32>
        %add3A_520 = arith.addf %scan3A_400, %mul3A_519 : vector<16xf32>
        %get3A_521 = arith.index_cast %scan3A_385 : i32 to index
        %get3A_522 = arith.constant 112 : index
        %get3A_523 = tpu.vector_load %arg14[%get3A_521, %get3A_522] {strides = array<i32>} : memref<128x128xf32, #tpu.memory_space<vmem>>, vector<1x16xf32>,
        %get3A_524 = vector.shape_cast %get3A_523 : vector<1x16xf32> to vector<16xf32>
        %get3A_525 = arith.index_cast %scan3A_385 : i32 to index
        %get3A_526 = arith.constant 112 : index
        %get3A_527 = tpu.vector_load %arg16[%get3A_525, %get3A_526] {strides = array<i32>} : memref<128x128xf32, #tpu.memory_space<vmem>>, vector<1x16xf32>,
        %get3A_528 = vector.shape_cast %get3A_527 : vector<1x16xf32> to vector<16xf32>
        %add3A_529 = arith.addf %get3A_524, %get3A_528 : vector<16xf32>
        %swap3A_530 = arith.index_cast %scan3A_385 : i32 to index
        %swap3A_531 = arith.constant 112 : index
        %swap3A_532 = tpu.vector_load %arg14[%swap3A_530, %swap3A_531] {strides = array<i32>} : memref<128x128xf32, #tpu.memory_space<vmem>>, vector<1x16xf32>,
        %swap3A_533 = vector.shape_cast %swap3A_532 : vector<1x16xf32> to vector<16xf32>
        %swap3A_534 = vector.shape_cast %add3A_529 : vector<16xf32> to vector<1x16xf32>
        tpu.vector_store %arg14[%swap3A_530, %swap3A_531], %swap3A_534 {strides = array<i32>} : memref<128x128xf32, #tpu.memory_space<vmem>>, vector<1x16xf32>,
        %add3A_535 = arith.addf %scan3A_393, %add3A_529 : vector<16xf32>
        %mul3A_536 = arith.mulf %add3A_529, %add3A_529 : vector<16xf32>
        %add3A_537 = arith.addf %scan3A_401, %mul3A_536 : vector<16xf32>
        scf.yield %add3A_416, %add3A_433, %add3A_450, %add3A_467, %add3A_484, %add3A_501, %add3A_518, %add3A_535, %add3A_418, %add3A_435, %add3A_452, %add3A_469, %add3A_486, %add3A_503, %add3A_520, %add3A_537 : vector<16xf32>, vector<16xf32>, vector<16xf32>, vector<16xf32>, vector<16xf32>, vector<16xf32>, vector<16xf32>, vector<16xf32>, vector<16xf32>, vector<16xf32>, vector<16xf32>, vector<16xf32>, vector<16xf32>, vector<16xf32>, vector<16xf32>, vector<16xf32>
      }
      %scan3A_284 = arith.constant 128 : i32
      %swap3A_285 = arith.constant 0 : i32
      %swap3A_286 = arith.index_cast %swap3A_285 : i32 to index
      %swap3A_287 = arith.constant 0 : index
      %swap3A_288 = tpu.vector_load %arg18[%swap3A_286, %swap3A_287] {strides = array<i32>} : memref<2x128xf32, #tpu.memory_space<vmem>>, vector<1x16xf32>,
      %swap3A_289 = vector.shape_cast %swap3A_288 : vector<1x16xf32> to vector<16xf32>
      %swap3A_290 = vector.shape_cast %scan3A_283#0 : vector<16xf32> to vector<1x16xf32>
      tpu.vector_store %arg18[%swap3A_286, %swap3A_287], %swap3A_290 {add = true, strides = array<i32>} : memref<2x128xf32, #tpu.memory_space<vmem>>, vector<1x16xf32>,
      %swap3A_291 = arith.constant 1 : i32
      %swap3A_292 = arith.index_cast %swap3A_291 : i32 to index
      %swap3A_293 = arith.constant 0 : index
      %swap3A_294 = tpu.vector_load %arg18[%swap3A_292, %swap3A_293] {strides = array<i32>} : memref<2x128xf32, #tpu.memory_space<vmem>>, vector<1x16xf32>,
      %swap3A_295 = vector.shape_cast %swap3A_294 : vector<1x16xf32> to vector<16xf32>
      %swap3A_296 = vector.shape_cast %scan3A_283#8 : vector<16xf32> to vector<1x16xf32>
      tpu.vector_store %arg18[%swap3A_292, %swap3A_293], %swap3A_296 {add = true, strides = array<i32>} : memref<2x128xf32, #tpu.memory_space<vmem>>, vector<1x16xf32>,
      %swap3A_297 = arith.constant 0 : i32
      %swap3A_298 = arith.index_cast %swap3A_297 : i32 to index
      %swap3A_299 = arith.constant 16 : index
      %swap3A_300 = tpu.vector_load %arg18[%swap3A_298, %swap3A_299] {strides = array<i32>} : memref<2x128xf32, #tpu.memory_space<vmem>>, vector<1x16xf32>,
      %swap3A_301 = vector.shape_cast %swap3A_300 : vector<1x16xf32> to vector<16xf32>
      %swap3A_302 = vector.shape_cast %scan3A_283#1 : vector<16xf32> to vector<1x16xf32>
      tpu.vector_store %arg18[%swap3A_298, %swap3A_299], %swap3A_302 {add = true, strides = array<i32>} : memref<2x128xf32, #tpu.memory_space<vmem>>, vector<1x16xf32>,
      %swap3A_303 = arith.constant 1 : i32
      %swap3A_304 = arith.index_cast %swap3A_303 : i32 to index
      %swap3A_305 = arith.constant 16 : index
      %swap3A_306 = tpu.vector_load %arg18[%swap3A_304, %swap3A_305] {strides = array<i32>} : memref<2x128xf32, #tpu.memory_space<vmem>>, vector<1x16xf32>,
      %swap3A_307 = vector.shape_cast %swap3A_306 : vector<1x16xf32> to vector<16xf32>
      %swap3A_308 = vector.shape_cast %scan3A_283#9 : vector<16xf32> to vector<1x16xf32>
      tpu.vector_store %arg18[%swap3A_304, %swap3A_305], %swap3A_308 {add = true, strides = array<i32>} : memref<2x128xf32, #tpu.memory_space<vmem>>, vector<1x16xf32>,
      %swap3A_309 = arith.constant 0 : i32
      %swap3A_310 = arith.index_cast %swap3A_309 : i32 to index
      %swap3A_311 = arith.constant 32 : index
      %swap3A_312 = tpu.vector_load %arg18[%swap3A_310, %swap3A_311] {strides = array<i32>} : memref<2x128xf32, #tpu.memory_space<vmem>>, vector<1x16xf32>,
      %swap3A_313 = vector.shape_cast %swap3A_312 : vector<1x16xf32> to vector<16xf32>
      %swap3A_314 = vector.shape_cast %scan3A_283#2 : vector<16xf32> to vector<1x16xf32>
      tpu.vector_store %arg18[%swap3A_310, %swap3A_311], %swap3A_314 {add = true, strides = array<i32>} : memref<2x128xf32, #tpu.memory_space<vmem>>, vector<1x16xf32>,
      %swap3A_315 = arith.constant 1 : i32
      %swap3A_316 = arith.index_cast %swap3A_315 : i32 to index
      %swap3A_317 = arith.constant 32 : index
      %swap3A_318 = tpu.vector_load %arg18[%swap3A_316, %swap3A_317] {strides = array<i32>} : memref<2x128xf32, #tpu.memory_space<vmem>>, vector<1x16xf32>,
      %swap3A_319 = vector.shape_cast %swap3A_318 : vector<1x16xf32> to vector<16xf32>
      %swap3A_320 = vector.shape_cast %scan3A_283#10 : vector<16xf32> to vector<1x16xf32>
      tpu.vector_store %arg18[%swap3A_316, %swap3A_317], %swap3A_320 {add = true, strides = array<i32>} : memref<2x128xf32, #tpu.memory_space<vmem>>, vector<1x16xf32>,
      %swap3A_321 = arith.constant 0 : i32
      %swap3A_322 = arith.index_cast %swap3A_321 : i32 to index
      %swap3A_323 = arith.constant 48 : index
      %swap3A_324 = tpu.vector_load %arg18[%swap3A_322, %swap3A_323] {strides = array<i32>} : memref<2x128xf32, #tpu.memory_space<vmem>>, vector<1x16xf32>,
      %swap3A_325 = vector.shape_cast %swap3A_324 : vector<1x16xf32> to vector<16xf32>
      %swap3A_326 = vector.shape_cast %scan3A_283#3 : vector<16xf32> to vector<1x16xf32>
      tpu.vector_store %arg18[%swap3A_322, %swap3A_323], %swap3A_326 {add = true, strides = array<i32>} : memref<2x128xf32, #tpu.memory_space<vmem>>, vector<1x16xf32>,
      %swap3A_327 = arith.constant 1 : i32
      %swap3A_328 = arith.index_cast %swap3A_327 : i32 to index
      %swap3A_329 = arith.constant 48 : index
      %swap3A_330 = tpu.vector_load %arg18[%swap3A_328, %swap3A_329] {strides = array<i32>} : memref<2x128xf32, #tpu.memory_space<vmem>>, vector<1x16xf32>,
      %swap3A_331 = vector.shape_cast %swap3A_330 : vector<1x16xf32> to vector<16xf32>
      %swap3A_332 = vector.shape_cast %scan3A_283#11 : vector<16xf32> to vector<1x16xf32>
      tpu.vector_store %arg18[%swap3A_328, %swap3A_329], %swap3A_332 {add = true, strides = array<i32>} : memref<2x128xf32, #tpu.memory_space<vmem>>, vector<1x16xf32>,
      %swap3A_333 = arith.constant 0 : i32
      %swap3A_334 = arith.index_cast %swap3A_333 : i32 to index
      %swap3A_335 = arith.constant 64 : index
      %swap3A_336 = tpu.vector_load %arg18[%swap3A_334, %swap3A_335] {strides = array<i32>} : memref<2x128xf32, #tpu.memory_space<vmem>>, vector<1x16xf32>,
      %swap3A_337 = vector.shape_cast %swap3A_336 : vector<1x16xf32> to vector<16xf32>
      %swap3A_338 = vector.shape_cast %scan3A_283#4 : vector<16xf32> to vector<1x16xf32>
      tpu.vector_store %arg18[%swap3A_334, %swap3A_335], %swap3A_338 {add = true, strides = array<i32>} : memref<2x128xf32, #tpu.memory_space<vmem>>, vector<1x16xf32>,
      %swap3A_339 = arith.constant 1 : i32
      %swap3A_340 = arith.index_cast %swap3A_339 : i32 to index
      %swap3A_341 = arith.constant 64 : index
      %swap3A_342 = tpu.vector_load %arg18[%swap3A_340, %swap3A_341] {strides = array<i32>} : memref<2x128xf32, #tpu.memory_space<vmem>>, vector<1x16xf32>,
      %swap3A_343 = vector.shape_cast %swap3A_342 : vector<1x16xf32> to vector<16xf32>
      %swap3A_344 = vector.shape_cast %scan3A_283#12 : vector<16xf32> to vector<1x16xf32>
      tpu.vector_store %arg18[%swap3A_340, %swap3A_341], %swap3A_344 {add = true, strides = array<i32>} : memref<2x128xf32, #tpu.memory_space<vmem>>, vector<1x16xf32>,
      %swap3A_345 = arith.constant 0 : i32
      %swap3A_346 = arith.index_cast %swap3A_345 : i32 to index
      %swap3A_347 = arith.constant 80 : index
      %swap3A_348 = tpu.vector_load %arg18[%swap3A_346, %swap3A_347] {strides = array<i32>} : memref<2x128xf32, #tpu.memory_space<vmem>>, vector<1x16xf32>,
      %swap3A_349 = vector.shape_cast %swap3A_348 : vector<1x16xf32> to vector<16xf32>
      %swap3A_350 = vector.shape_cast %scan3A_283#5 : vector<16xf32> to vector<1x16xf32>
      tpu.vector_store %arg18[%swap3A_346, %swap3A_347], %swap3A_350 {add = true, strides = array<i32>} : memref<2x128xf32, #tpu.memory_space<vmem>>, vector<1x16xf32>,
      %swap3A_351 = arith.constant 1 : i32
      %swap3A_352 = arith.index_cast %swap3A_351 : i32 to index
      %swap3A_353 = arith.constant 80 : index
      %swap3A_354 = tpu.vector_load %arg18[%swap3A_352, %swap3A_353] {strides = array<i32>} : memref<2x128xf32, #tpu.memory_space<vmem>>, vector<1x16xf32>,
      %swap3A_355 = vector.shape_cast %swap3A_354 : vector<1x16xf32> to vector<16xf32>
      %swap3A_356 = vector.shape_cast %scan3A_283#13 : vector<16xf32> to vector<1x16xf32>
      tpu.vector_store %arg18[%swap3A_352, %swap3A_353], %swap3A_356 {add = true, strides = array<i32>} : memref<2x128xf32, #tpu.memory_space<vmem>>, vector<1x16xf32>,
      %swap3A_357 = arith.constant 0 : i32
      %swap3A_358 = arith.index_cast %swap3A_357 : i32 to index
      %swap3A_359 = arith.constant 96 : index
      %swap3A_360 = tpu.vector_load %arg18[%swap3A_358, %swap3A_359] {strides = array<i32>} : memref<2x128xf32, #tpu.memory_space<vmem>>, vector<1x16xf32>,
      %swap3A_361 = vector.shape_cast %swap3A_360 : vector<1x16xf32> to vector<16xf32>
      %swap3A_362 = vector.shape_cast %scan3A_283#6 : vector<16xf32> to vector<1x16xf32>
      tpu.vector_store %arg18[%swap3A_358, %swap3A_359], %swap3A_362 {add = true, strides = array<i32>} : memref<2x128xf32, #tpu.memory_space<vmem>>, vector<1x16xf32>,
      %swap3A_363 = arith.constant 1 : i32
      %swap3A_364 = arith.index_cast %swap3A_363 : i32 to index
      %swap3A_365 = arith.constant 96 : index
      %swap3A_366 = tpu.vector_load %arg18[%swap3A_364, %swap3A_365] {strides = array<i32>} : memref<2x128xf32, #tpu.memory_space<vmem>>, vector<1x16xf32>,
      %swap3A_367 = vector.shape_cast %swap3A_366 : vector<1x16xf32> to vector<16xf32>
      %swap3A_368 = vector.shape_cast %scan3A_283#14 : vector<16xf32> to vector<1x16xf32>
      tpu.vector_store %arg18[%swap3A_364, %swap3A_365], %swap3A_368 {add = true, strides = array<i32>} : memref<2x128xf32, #tpu.memory_space<vmem>>, vector<1x16xf32>,
      %swap3A_369 = arith.constant 0 : i32
      %swap3A_370 = arith.index_cast %swap3A_369 : i32 to index
      %swap3A_371 = arith.constant 112 : index
      %swap3A_372 = tpu.vector_load %arg18[%swap3A_370, %swap3A_371] {strides = array<i32>} : memref<2x128xf32, #tpu.memory_space<vmem>>, vector<1x16xf32>,
      %swap3A_373 = vector.shape_cast %swap3A_372 : vector<1x16xf32> to vector<16xf32>
      %swap3A_374 = vector.shape_cast %scan3A_283#7 : vector<16xf32> to vector<1x16xf32>
      tpu.vector_store %arg18[%swap3A_370, %swap3A_371], %swap3A_374 {add = true, strides = array<i32>} : memref<2x128xf32, #tpu.memory_space<vmem>>, vector<1x16xf32>,
      %swap3A_375 = arith.constant 1 : i32
      %swap3A_376 = arith.index_cast %swap3A_375 : i32 to index
      %swap3A_377 = arith.constant 112 : index
      %swap3A_378 = tpu.vector_load %arg18[%swap3A_376, %swap3A_377] {strides = array<i32>} : memref<2x128xf32, #tpu.memory_space<vmem>>, vector<1x16xf32>,
      %swap3A_379 = vector.shape_cast %swap3A_378 : vector<1x16xf32> to vector<16xf32>
      %swap3A_380 = vector.shape_cast %scan3A_283#15 : vector<16xf32> to vector<1x16xf32>
      tpu.vector_store %arg18[%swap3A_376, %swap3A_377], %swap3A_380 {add = true, strides = array<i32>} : memref<2x128xf32, #tpu.memory_space<vmem>>, vector<1x16xf32>,
      %mul3A_381 = arith.constant 128 : i32
      %mul3A_382 = arith.muli %scan3A_108, %mul3A_381 : i32
      %add3A_383 = arith.addi %multiple_of3A_5, %mul3A_382 : i32
      "tpu.region"() ({
        %run_scoped3A = tpu.sem_alloc : memref<!tpu.dma_semaphore, #tpu.memory_space<semaphore_mem>>
        %dma_start3A_385 = arith.constant 0 : i32
        %dma_start3A_386 = tpu.memref_slice %arg6[%add3A_383, %dma_start3A_385] : memref<323584x128xf32, #tpu.memory_space<hbm>> -> memref<128x128xf32, #tpu.memory_space<hbm>>
        %dma_start3A_387 = arith.constant 0 : i32
        %dma_start3A_388 = tpu.memref_slice %arg6[%add3A_383, %dma_start3A_387] : memref<323584x128xf32, #tpu.memory_space<hbm>> -> memref<128x128xf32, #tpu.memory_space<hbm>>
        tpu.enqueue_dma source(%arg14 : memref<128x128xf32, #tpu.memory_space<vmem>>) target(%dma_start3A_388 : memref<128x128xf32, #tpu.memory_space<hbm>>) target_semaphore(%run_scoped3A : memref<!tpu.dma_semaphore, #tpu.memory_space<semaphore_mem>>)
        %dma_wait3A_389 = arith.constant 0 : i32
        %dma_wait3A_390 = tpu.memref_slice %arg6[%add3A_383, %dma_wait3A_389] : memref<323584x128xf32, #tpu.memory_space<hbm>> -> memref<128x128xf32, #tpu.memory_space<hbm>>
        %dma_wait3A_391 = arith.constant 0 : i32
        %dma_wait3A_392 = tpu.memref_slice %arg6[%add3A_383, %dma_wait3A_391] : memref<323584x128xf32, #tpu.memory_space<hbm>> -> memref<128x128xf32, #tpu.memory_space<hbm>>
        tpu.wait_dma2 semaphore(%run_scoped3A : memref<!tpu.dma_semaphore, #tpu.memory_space<semaphore_mem>>) src(%arg14 : memref<128x128xf32, #tpu.memory_space<vmem>>) dst(%dma_wait3A_392 : memref<128x128xf32, #tpu.memory_space<hbm>>)
        tpu.yield
      }) : () -> ()
      %scan3A_384 = arith.constant 0 : i32
      scf.yield %scan3A_384 : i32
    }
    %scan3A_107 = arith.constant 79 : i32
    "tpu.region"() ({
      %run_scoped3A = tpu.sem_alloc : memref<!tpu.dma_semaphore, #tpu.memory_space<semaphore_mem>>
      %dma_start3A = arith.constant 0 : i32
      %dma_start3A_108 = arith.constant 0 : i32
      %dma_start3A_109 = tpu.memref_slice %arg7[%add3A, %dma_start3A, %dma_start3A_108] : memref<32x2x128xf32, #tpu.memory_space<hbm>> -> memref<1x2x128xf32, #tpu.memory_space<hbm>>
      %dma_start3A_110 = tpu.memref_squeeze %dma_start3A_109 : memref<1x2x128xf32, #tpu.memory_space<hbm>> -> memref<2x128xf32, #tpu.memory_space<hbm>>
      %dma_start3A_111 = arith.constant 0 : i32
      %dma_start3A_112 = arith.constant 0 : i32
      %dma_start3A_113 = tpu.memref_slice %arg7[%add3A, %dma_start3A_111, %dma_start3A_112] : memref<32x2x128xf32, #tpu.memory_space<hbm>> -> memref<1x2x128xf32, #tpu.memory_space<hbm>>
      %dma_start3A_114 = tpu.memref_squeeze %dma_start3A_113 : memref<1x2x128xf32, #tpu.memory_space<hbm>> -> memref<2x128xf32, #tpu.memory_space<hbm>>
      tpu.enqueue_dma source(%arg18 : memref<2x128xf32, #tpu.memory_space<vmem>>) target(%dma_start3A_114 : memref<2x128xf32, #tpu.memory_space<hbm>>) target_semaphore(%run_scoped3A : memref<!tpu.dma_semaphore, #tpu.memory_space<semaphore_mem>>)
      %dma_wait3A = arith.constant 0 : i32
      %dma_wait3A_115 = arith.constant 0 : i32
      %dma_wait3A_116 = tpu.memref_slice %arg7[%add3A, %dma_wait3A, %dma_wait3A_115] : memref<32x2x128xf32, #tpu.memory_space<hbm>> -> memref<1x2x128xf32, #tpu.memory_space<hbm>>
      %dma_wait3A_117 = tpu.memref_squeeze %dma_wait3A_116 : memref<1x2x128xf32, #tpu.memory_space<hbm>> -> memref<2x128xf32, #tpu.memory_space<hbm>>
      %dma_wait3A_118 = arith.constant 0 : i32
      %dma_wait3A_119 = arith.constant 0 : i32
      %dma_wait3A_120 = tpu.memref_slice %arg7[%add3A, %dma_wait3A_118, %dma_wait3A_119] : memref<32x2x128xf32, #tpu.memory_space<hbm>> -> memref<1x2x128xf32, #tpu.memory_space<hbm>>
      %dma_wait3A_121 = tpu.memref_squeeze %dma_wait3A_120 : memref<1x2x128xf32, #tpu.memory_space<hbm>> -> memref<2x128xf32, #tpu.memory_space<hbm>>
      tpu.wait_dma2 semaphore(%run_scoped3A : memref<!tpu.dma_semaphore, #tpu.memory_space<semaphore_mem>>) src(%arg18 : memref<2x128xf32, #tpu.memory_space<vmem>>) dst(%dma_wait3A_121 : memref<2x128xf32, #tpu.memory_space<hbm>>)
      tpu.yield
    }) : () -> ()
    return
  }
}

#map = affine_map<(d0, d1) -> (0, 0)>
#map1 = affine_map<(d0, d1) -> (0, 0, 0)>
#map2 = affine_map<(d0, d1) -> (0)>
module attributes {stable_mosaic.version = 14 : i64} {
  func.func @_pass2_body(%arg0: i32, %arg1: i32, %arg2: memref<323584x128xf32, #tpu.memory_space<hbm>>, %arg3: memref<2528x1x128xi32, #tpu.memory_space<hbm>>, %arg4: memref<32x2x128xf32, #tpu.memory_space<hbm>>, %arg5: memref<128xf32, #tpu.memory_space<hbm>>, %arg6: memref<128xf32, #tpu.memory_space<hbm>>, %arg7: memref<2x10112x128xf32, #tpu.memory_space<hbm>>, %arg8: memref<8x2x128xf32, #tpu.memory_space<vmem>>, %arg9: memref<2x128xf32, #tpu.memory_space<vmem>>, %arg10: memref<128xf32, #tpu.memory_space<vmem>>, %arg11: memref<128xf32, #tpu.memory_space<vmem>>, %arg12: memref<79x1x128xi32, #tpu.memory_space<vmem>>, %arg13: memref<128xi32, #tpu.memory_space<vmem>>, %arg14: memref<128xi32, #tpu.memory_space<vmem>>, %arg15: memref<128x128xf32, #tpu.memory_space<vmem>>, %arg16: memref<128x128xf32, #tpu.memory_space<vmem>>, %arg17: memref<10112x128xf32, #tpu.memory_space<vmem_shared>>, %arg18: memref<!tpu.dma_semaphore, #tpu.memory_space<semaphore_mem>>, %arg19: memref<!tpu.dma_semaphore, #tpu.memory_space<semaphore_mem>>, %arg20: memref<!tpu.dma_semaphore, #tpu.memory_space<semaphore_mem>>, %arg21: memref<!tpu.dma_semaphore, #tpu.memory_space<semaphore_mem>>) attributes {dimension_semantics = [#tpu.dimension_semantics<core_parallel>, #tpu.dimension_semantics<subcore_parallel>], iteration_bounds = array<i64: 2, 16>, scalar_prefetch = 0 : i64, scratch_operands = 14 : i64, tpu.core_type = #tpu.core_type<sc_vector_subcore>, window_params = [{transform_indices = #map}, {transform_indices = #map1}, {transform_indices = #map1}, {transform_indices = #map2}, {transform_indices = #map2}, {transform_indices = #map1}]} {
    %mul3A = arith.constant 2 : i32
    %mul3A_0 = arith.muli %arg1, %mul3A : i32
    %add3A = arith.addi %mul3A_0, %arg0 : i32
    %mul3A_1 = arith.constant 79 : i32
    %mul3A_2 = arith.muli %add3A, %mul3A_1 : i32
    %multiple_of3A = tpu.assume_multiple %mul3A_2, 8 : i32
    %mul3A_3 = arith.constant 128 : i32
    %mul3A_4 = arith.muli %multiple_of3A, %mul3A_3 : i32
    %multiple_of3A_5 = tpu.assume_multiple %mul3A_4, 128 : i32
    "tpu.region"() ({
      %run_scoped3A = tpu.sem_alloc : memref<!tpu.dma_semaphore, #tpu.memory_space<semaphore_mem>>
      %dma_start3A = arith.constant 0 : i32
      %dma_start3A_672 = arith.constant 0 : i32
      %dma_start3A_673 = tpu.memref_slice %arg3[%multiple_of3A, %dma_start3A, %dma_start3A_672] : memref<2528x1x128xi32, #tpu.memory_space<hbm>> -> memref<79x1x128xi32, #tpu.memory_space<hbm>>
      %dma_start3A_674 = arith.constant 0 : i32
      %dma_start3A_675 = arith.constant 0 : i32
      %dma_start3A_676 = tpu.memref_slice %arg3[%multiple_of3A, %dma_start3A_674, %dma_start3A_675] : memref<2528x1x128xi32, #tpu.memory_space<hbm>> -> memref<79x1x128xi32, #tpu.memory_space<hbm>>
      tpu.enqueue_dma source(%dma_start3A_676 : memref<79x1x128xi32, #tpu.memory_space<hbm>>) target(%arg12 : memref<79x1x128xi32, #tpu.memory_space<vmem>>) target_semaphore(%run_scoped3A : memref<!tpu.dma_semaphore, #tpu.memory_space<semaphore_mem>>)
      %dma_wait3A = arith.constant 0 : i32
      %dma_wait3A_677 = arith.constant 0 : i32
      %dma_wait3A_678 = tpu.memref_slice %arg3[%multiple_of3A, %dma_wait3A, %dma_wait3A_677] : memref<2528x1x128xi32, #tpu.memory_space<hbm>> -> memref<79x1x128xi32, #tpu.memory_space<hbm>>
      %dma_wait3A_679 = arith.constant 0 : i32
      %dma_wait3A_680 = arith.constant 0 : i32
      %dma_wait3A_681 = tpu.memref_slice %arg3[%multiple_of3A, %dma_wait3A_679, %dma_wait3A_680] : memref<2528x1x128xi32, #tpu.memory_space<hbm>> -> memref<79x1x128xi32, #tpu.memory_space<hbm>>
      tpu.wait_dma2 semaphore(%run_scoped3A : memref<!tpu.dma_semaphore, #tpu.memory_space<semaphore_mem>>) src(%dma_wait3A_681 : memref<79x1x128xi32, #tpu.memory_space<hbm>>) dst(%arg12 : memref<79x1x128xi32, #tpu.memory_space<vmem>>)
      tpu.yield
    }) : () -> ()
    "tpu.region"() ({
      %run_scoped3A = tpu.sem_alloc : memref<!tpu.dma_semaphore, #tpu.memory_space<semaphore_mem>>
      tpu.enqueue_dma source(%arg5 : memref<128xf32, #tpu.memory_space<hbm>>) target(%arg10 : memref<128xf32, #tpu.memory_space<vmem>>) target_semaphore(%run_scoped3A : memref<!tpu.dma_semaphore, #tpu.memory_space<semaphore_mem>>)
      tpu.wait_dma2 semaphore(%run_scoped3A : memref<!tpu.dma_semaphore, #tpu.memory_space<semaphore_mem>>) src(%arg5 : memref<128xf32, #tpu.memory_space<hbm>>) dst(%arg10 : memref<128xf32, #tpu.memory_space<vmem>>)
      tpu.yield
    }) : () -> ()
    "tpu.region"() ({
      %run_scoped3A = tpu.sem_alloc : memref<!tpu.dma_semaphore, #tpu.memory_space<semaphore_mem>>
      tpu.enqueue_dma source(%arg6 : memref<128xf32, #tpu.memory_space<hbm>>) target(%arg11 : memref<128xf32, #tpu.memory_space<vmem>>) target_semaphore(%run_scoped3A : memref<!tpu.dma_semaphore, #tpu.memory_space<semaphore_mem>>)
      tpu.wait_dma2 semaphore(%run_scoped3A : memref<!tpu.dma_semaphore, #tpu.memory_space<semaphore_mem>>) src(%arg6 : memref<128xf32, #tpu.memory_space<hbm>>) dst(%arg11 : memref<128xf32, #tpu.memory_space<vmem>>)
      tpu.yield
    }) : () -> ()
    %broadcast_in_dim3A = arith.constant 0.000000e+00 : f32
    %broadcast_in_dim3A_6 = vector.broadcast %broadcast_in_dim3A : f32 to vector<16xf32>
    %swap3A = arith.constant 0 : i32
    %swap3A_7 = arith.index_cast %swap3A : i32 to index
    %swap3A_8 = arith.constant 0 : index
    %swap3A_9 = tpu.vector_load %arg9[%swap3A_7, %swap3A_8] {strides = array<i32>} : memref<2x128xf32, #tpu.memory_space<vmem>>, vector<1x16xf32>,
    %swap3A_10 = vector.shape_cast %swap3A_9 : vector<1x16xf32> to vector<16xf32>
    %swap3A_11 = vector.shape_cast %broadcast_in_dim3A_6 : vector<16xf32> to vector<1x16xf32>
    tpu.vector_store %arg9[%swap3A_7, %swap3A_8], %swap3A_11 {strides = array<i32>} : memref<2x128xf32, #tpu.memory_space<vmem>>, vector<1x16xf32>,
    %swap3A_12 = arith.constant 1 : i32
    %swap3A_13 = arith.index_cast %swap3A_12 : i32 to index
    %swap3A_14 = arith.constant 0 : index
    %swap3A_15 = tpu.vector_load %arg9[%swap3A_13, %swap3A_14] {strides = array<i32>} : memref<2x128xf32, #tpu.memory_space<vmem>>, vector<1x16xf32>,
    %swap3A_16 = vector.shape_cast %swap3A_15 : vector<1x16xf32> to vector<16xf32>
    %swap3A_17 = vector.shape_cast %broadcast_in_dim3A_6 : vector<16xf32> to vector<1x16xf32>
    tpu.vector_store %arg9[%swap3A_13, %swap3A_14], %swap3A_17 {strides = array<i32>} : memref<2x128xf32, #tpu.memory_space<vmem>>, vector<1x16xf32>,
    %swap3A_18 = arith.constant 0 : i32
    %swap3A_19 = arith.index_cast %swap3A_18 : i32 to index
    %swap3A_20 = arith.constant 16 : index
    %swap3A_21 = tpu.vector_load %arg9[%swap3A_19, %swap3A_20] {strides = array<i32>} : memref<2x128xf32, #tpu.memory_space<vmem>>, vector<1x16xf32>,
    %swap3A_22 = vector.shape_cast %swap3A_21 : vector<1x16xf32> to vector<16xf32>
    %swap3A_23 = vector.shape_cast %broadcast_in_dim3A_6 : vector<16xf32> to vector<1x16xf32>
    tpu.vector_store %arg9[%swap3A_19, %swap3A_20], %swap3A_23 {strides = array<i32>} : memref<2x128xf32, #tpu.memory_space<vmem>>, vector<1x16xf32>,
    %swap3A_24 = arith.constant 1 : i32
    %swap3A_25 = arith.index_cast %swap3A_24 : i32 to index
    %swap3A_26 = arith.constant 16 : index
    %swap3A_27 = tpu.vector_load %arg9[%swap3A_25, %swap3A_26] {strides = array<i32>} : memref<2x128xf32, #tpu.memory_space<vmem>>, vector<1x16xf32>,
    %swap3A_28 = vector.shape_cast %swap3A_27 : vector<1x16xf32> to vector<16xf32>
    %swap3A_29 = vector.shape_cast %broadcast_in_dim3A_6 : vector<16xf32> to vector<1x16xf32>
    tpu.vector_store %arg9[%swap3A_25, %swap3A_26], %swap3A_29 {strides = array<i32>} : memref<2x128xf32, #tpu.memory_space<vmem>>, vector<1x16xf32>,
    %swap3A_30 = arith.constant 0 : i32
    %swap3A_31 = arith.index_cast %swap3A_30 : i32 to index
    %swap3A_32 = arith.constant 32 : index
    %swap3A_33 = tpu.vector_load %arg9[%swap3A_31, %swap3A_32] {strides = array<i32>} : memref<2x128xf32, #tpu.memory_space<vmem>>, vector<1x16xf32>,
    %swap3A_34 = vector.shape_cast %swap3A_33 : vector<1x16xf32> to vector<16xf32>
    %swap3A_35 = vector.shape_cast %broadcast_in_dim3A_6 : vector<16xf32> to vector<1x16xf32>
    tpu.vector_store %arg9[%swap3A_31, %swap3A_32], %swap3A_35 {strides = array<i32>} : memref<2x128xf32, #tpu.memory_space<vmem>>, vector<1x16xf32>,
    %swap3A_36 = arith.constant 1 : i32
    %swap3A_37 = arith.index_cast %swap3A_36 : i32 to index
    %swap3A_38 = arith.constant 32 : index
    %swap3A_39 = tpu.vector_load %arg9[%swap3A_37, %swap3A_38] {strides = array<i32>} : memref<2x128xf32, #tpu.memory_space<vmem>>, vector<1x16xf32>,
    %swap3A_40 = vector.shape_cast %swap3A_39 : vector<1x16xf32> to vector<16xf32>
    %swap3A_41 = vector.shape_cast %broadcast_in_dim3A_6 : vector<16xf32> to vector<1x16xf32>
    tpu.vector_store %arg9[%swap3A_37, %swap3A_38], %swap3A_41 {strides = array<i32>} : memref<2x128xf32, #tpu.memory_space<vmem>>, vector<1x16xf32>,
    %swap3A_42 = arith.constant 0 : i32
    %swap3A_43 = arith.index_cast %swap3A_42 : i32 to index
    %swap3A_44 = arith.constant 48 : index
    %swap3A_45 = tpu.vector_load %arg9[%swap3A_43, %swap3A_44] {strides = array<i32>} : memref<2x128xf32, #tpu.memory_space<vmem>>, vector<1x16xf32>,
    %swap3A_46 = vector.shape_cast %swap3A_45 : vector<1x16xf32> to vector<16xf32>
    %swap3A_47 = vector.shape_cast %broadcast_in_dim3A_6 : vector<16xf32> to vector<1x16xf32>
    tpu.vector_store %arg9[%swap3A_43, %swap3A_44], %swap3A_47 {strides = array<i32>} : memref<2x128xf32, #tpu.memory_space<vmem>>, vector<1x16xf32>,
    %swap3A_48 = arith.constant 1 : i32
    %swap3A_49 = arith.index_cast %swap3A_48 : i32 to index
    %swap3A_50 = arith.constant 48 : index
    %swap3A_51 = tpu.vector_load %arg9[%swap3A_49, %swap3A_50] {strides = array<i32>} : memref<2x128xf32, #tpu.memory_space<vmem>>, vector<1x16xf32>,
    %swap3A_52 = vector.shape_cast %swap3A_51 : vector<1x16xf32> to vector<16xf32>
    %swap3A_53 = vector.shape_cast %broadcast_in_dim3A_6 : vector<16xf32> to vector<1x16xf32>
    tpu.vector_store %arg9[%swap3A_49, %swap3A_50], %swap3A_53 {strides = array<i32>} : memref<2x128xf32, #tpu.memory_space<vmem>>, vector<1x16xf32>,
    %swap3A_54 = arith.constant 0 : i32
    %swap3A_55 = arith.index_cast %swap3A_54 : i32 to index
    %swap3A_56 = arith.constant 64 : index
    %swap3A_57 = tpu.vector_load %arg9[%swap3A_55, %swap3A_56] {strides = array<i32>} : memref<2x128xf32, #tpu.memory_space<vmem>>, vector<1x16xf32>,
    %swap3A_58 = vector.shape_cast %swap3A_57 : vector<1x16xf32> to vector<16xf32>
    %swap3A_59 = vector.shape_cast %broadcast_in_dim3A_6 : vector<16xf32> to vector<1x16xf32>
    tpu.vector_store %arg9[%swap3A_55, %swap3A_56], %swap3A_59 {strides = array<i32>} : memref<2x128xf32, #tpu.memory_space<vmem>>, vector<1x16xf32>,
    %swap3A_60 = arith.constant 1 : i32
    %swap3A_61 = arith.index_cast %swap3A_60 : i32 to index
    %swap3A_62 = arith.constant 64 : index
    %swap3A_63 = tpu.vector_load %arg9[%swap3A_61, %swap3A_62] {strides = array<i32>} : memref<2x128xf32, #tpu.memory_space<vmem>>, vector<1x16xf32>,
    %swap3A_64 = vector.shape_cast %swap3A_63 : vector<1x16xf32> to vector<16xf32>
    %swap3A_65 = vector.shape_cast %broadcast_in_dim3A_6 : vector<16xf32> to vector<1x16xf32>
    tpu.vector_store %arg9[%swap3A_61, %swap3A_62], %swap3A_65 {strides = array<i32>} : memref<2x128xf32, #tpu.memory_space<vmem>>, vector<1x16xf32>,
    %swap3A_66 = arith.constant 0 : i32
    %swap3A_67 = arith.index_cast %swap3A_66 : i32 to index
    %swap3A_68 = arith.constant 80 : index
    %swap3A_69 = tpu.vector_load %arg9[%swap3A_67, %swap3A_68] {strides = array<i32>} : memref<2x128xf32, #tpu.memory_space<vmem>>, vector<1x16xf32>,
    %swap3A_70 = vector.shape_cast %swap3A_69 : vector<1x16xf32> to vector<16xf32>
    %swap3A_71 = vector.shape_cast %broadcast_in_dim3A_6 : vector<16xf32> to vector<1x16xf32>
    tpu.vector_store %arg9[%swap3A_67, %swap3A_68], %swap3A_71 {strides = array<i32>} : memref<2x128xf32, #tpu.memory_space<vmem>>, vector<1x16xf32>,
    %swap3A_72 = arith.constant 1 : i32
    %swap3A_73 = arith.index_cast %swap3A_72 : i32 to index
    %swap3A_74 = arith.constant 80 : index
    %swap3A_75 = tpu.vector_load %arg9[%swap3A_73, %swap3A_74] {strides = array<i32>} : memref<2x128xf32, #tpu.memory_space<vmem>>, vector<1x16xf32>,
    %swap3A_76 = vector.shape_cast %swap3A_75 : vector<1x16xf32> to vector<16xf32>
    %swap3A_77 = vector.shape_cast %broadcast_in_dim3A_6 : vector<16xf32> to vector<1x16xf32>
    tpu.vector_store %arg9[%swap3A_73, %swap3A_74], %swap3A_77 {strides = array<i32>} : memref<2x128xf32, #tpu.memory_space<vmem>>, vector<1x16xf32>,
    %swap3A_78 = arith.constant 0 : i32
    %swap3A_79 = arith.index_cast %swap3A_78 : i32 to index
    %swap3A_80 = arith.constant 96 : index
    %swap3A_81 = tpu.vector_load %arg9[%swap3A_79, %swap3A_80] {strides = array<i32>} : memref<2x128xf32, #tpu.memory_space<vmem>>, vector<1x16xf32>,
    %swap3A_82 = vector.shape_cast %swap3A_81 : vector<1x16xf32> to vector<16xf32>
    %swap3A_83 = vector.shape_cast %broadcast_in_dim3A_6 : vector<16xf32> to vector<1x16xf32>
    tpu.vector_store %arg9[%swap3A_79, %swap3A_80], %swap3A_83 {strides = array<i32>} : memref<2x128xf32, #tpu.memory_space<vmem>>, vector<1x16xf32>,
    %swap3A_84 = arith.constant 1 : i32
    %swap3A_85 = arith.index_cast %swap3A_84 : i32 to index
    %swap3A_86 = arith.constant 96 : index
    %swap3A_87 = tpu.vector_load %arg9[%swap3A_85, %swap3A_86] {strides = array<i32>} : memref<2x128xf32, #tpu.memory_space<vmem>>, vector<1x16xf32>,
    %swap3A_88 = vector.shape_cast %swap3A_87 : vector<1x16xf32> to vector<16xf32>
    %swap3A_89 = vector.shape_cast %broadcast_in_dim3A_6 : vector<16xf32> to vector<1x16xf32>
    tpu.vector_store %arg9[%swap3A_85, %swap3A_86], %swap3A_89 {strides = array<i32>} : memref<2x128xf32, #tpu.memory_space<vmem>>, vector<1x16xf32>,
    %swap3A_90 = arith.constant 0 : i32
    %swap3A_91 = arith.index_cast %swap3A_90 : i32 to index
    %swap3A_92 = arith.constant 112 : index
    %swap3A_93 = tpu.vector_load %arg9[%swap3A_91, %swap3A_92] {strides = array<i32>} : memref<2x128xf32, #tpu.memory_space<vmem>>, vector<1x16xf32>,
    %swap3A_94 = vector.shape_cast %swap3A_93 : vector<1x16xf32> to vector<16xf32>
    %swap3A_95 = vector.shape_cast %broadcast_in_dim3A_6 : vector<16xf32> to vector<1x16xf32>
    tpu.vector_store %arg9[%swap3A_91, %swap3A_92], %swap3A_95 {strides = array<i32>} : memref<2x128xf32, #tpu.memory_space<vmem>>, vector<1x16xf32>,
    %swap3A_96 = arith.constant 1 : i32
    %swap3A_97 = arith.index_cast %swap3A_96 : i32 to index
    %swap3A_98 = arith.constant 112 : index
    %swap3A_99 = tpu.vector_load %arg9[%swap3A_97, %swap3A_98] {strides = array<i32>} : memref<2x128xf32, #tpu.memory_space<vmem>>, vector<1x16xf32>,
    %swap3A_100 = vector.shape_cast %swap3A_99 : vector<1x16xf32> to vector<16xf32>
    %swap3A_101 = vector.shape_cast %broadcast_in_dim3A_6 : vector<16xf32> to vector<1x16xf32>
    tpu.vector_store %arg9[%swap3A_97, %swap3A_98], %swap3A_101 {strides = array<i32>} : memref<2x128xf32, #tpu.memory_space<vmem>>, vector<1x16xf32>,
    "tpu.region"() ({
      %run_scoped3A = tpu.sem_alloc : memref<!tpu.dma_semaphore, #tpu.memory_space<semaphore_mem>>
      %dma_start3A = arith.constant 0 : i32
      %dma_start3A_672 = arith.constant 0 : i32
      %dma_start3A_673 = arith.constant 0 : i32
      %dma_start3A_674 = tpu.memref_slice %arg4[%dma_start3A, %dma_start3A_672, %dma_start3A_673] : memref<32x2x128xf32, #tpu.memory_space<hbm>> -> memref<8x2x128xf32, #tpu.memory_space<hbm>>
      %dma_start3A_675 = arith.constant 0 : i32
      %dma_start3A_676 = arith.constant 0 : i32
      %dma_start3A_677 = arith.constant 0 : i32
      %dma_start3A_678 = tpu.memref_slice %arg4[%dma_start3A_675, %dma_start3A_676, %dma_start3A_677] : memref<32x2x128xf32, #tpu.memory_space<hbm>> -> memref<8x2x128xf32, #tpu.memory_space<hbm>>
      tpu.enqueue_dma source(%dma_start3A_678 : memref<8x2x128xf32, #tpu.memory_space<hbm>>) target(%arg8 : memref<8x2x128xf32, #tpu.memory_space<vmem>>) target_semaphore(%run_scoped3A : memref<!tpu.dma_semaphore, #tpu.memory_space<semaphore_mem>>)
      %dma_wait3A = arith.constant 0 : i32
      %dma_wait3A_679 = arith.constant 0 : i32
      %dma_wait3A_680 = arith.constant 0 : i32
      %dma_wait3A_681 = tpu.memref_slice %arg4[%dma_wait3A, %dma_wait3A_679, %dma_wait3A_680] : memref<32x2x128xf32, #tpu.memory_space<hbm>> -> memref<8x2x128xf32, #tpu.memory_space<hbm>>
      %dma_wait3A_682 = arith.constant 0 : i32
      %dma_wait3A_683 = arith.constant 0 : i32
      %dma_wait3A_684 = arith.constant 0 : i32
      %dma_wait3A_685 = tpu.memref_slice %arg4[%dma_wait3A_682, %dma_wait3A_683, %dma_wait3A_684] : memref<32x2x128xf32, #tpu.memory_space<hbm>> -> memref<8x2x128xf32, #tpu.memory_space<hbm>>
      tpu.wait_dma2 semaphore(%run_scoped3A : memref<!tpu.dma_semaphore, #tpu.memory_space<semaphore_mem>>) src(%dma_wait3A_685 : memref<8x2x128xf32, #tpu.memory_space<hbm>>) dst(%arg8 : memref<8x2x128xf32, #tpu.memory_space<vmem>>)
      tpu.yield
    }) : () -> ()
    %scan3A = arith.constant 0 : i32
    %scan3A_102 = arith.constant 0 : i32
    %scan3A_103 = arith.constant 8 : i32
    %scan3A_104 = arith.addi %scan3A_102, %scan3A_103 : i32
    %scan3A_105 = arith.constant 1 : i32
    %scan3A_106 = scf.for %scan3A_672 = %scan3A_102 to %scan3A_104 step %scan3A_105 iter_args(%scan3A_673 = %scan3A) -> (i32)  : i32 {
      %get3A_674 = arith.constant 0 : i32
      %get3A_675 = arith.index_cast %scan3A_672 : i32 to index
      %get3A_676 = arith.index_cast %get3A_674 : i32 to index
      %get3A_677 = arith.constant 0 : index
      %get3A_678 = tpu.vector_load %arg8[%get3A_675, %get3A_676, %get3A_677] {strides = array<i32>} : memref<8x2x128xf32, #tpu.memory_space<vmem>>, vector<1x1x16xf32>,
      %get3A_679 = vector.shape_cast %get3A_678 : vector<1x1x16xf32> to vector<16xf32>
      %swap3A_680 = arith.constant 0 : i32
      %swap3A_681 = arith.index_cast %swap3A_680 : i32 to index
      %swap3A_682 = arith.constant 0 : index
      %swap3A_683 = tpu.vector_load %arg9[%swap3A_681, %swap3A_682] {strides = array<i32>} : memref<2x128xf32, #tpu.memory_space<vmem>>, vector<1x16xf32>,
      %swap3A_684 = vector.shape_cast %swap3A_683 : vector<1x16xf32> to vector<16xf32>
      %swap3A_685 = vector.shape_cast %get3A_679 : vector<16xf32> to vector<1x16xf32>
      tpu.vector_store %arg9[%swap3A_681, %swap3A_682], %swap3A_685 {add = true, strides = array<i32>} : memref<2x128xf32, #tpu.memory_space<vmem>>, vector<1x16xf32>,
      %get3A_686 = arith.constant 1 : i32
      %get3A_687 = arith.index_cast %scan3A_672 : i32 to index
      %get3A_688 = arith.index_cast %get3A_686 : i32 to index
      %get3A_689 = arith.constant 0 : index
      %get3A_690 = tpu.vector_load %arg8[%get3A_687, %get3A_688, %get3A_689] {strides = array<i32>} : memref<8x2x128xf32, #tpu.memory_space<vmem>>, vector<1x1x16xf32>,
      %get3A_691 = vector.shape_cast %get3A_690 : vector<1x1x16xf32> to vector<16xf32>
      %swap3A_692 = arith.constant 1 : i32
      %swap3A_693 = arith.index_cast %swap3A_692 : i32 to index
      %swap3A_694 = arith.constant 0 : index
      %swap3A_695 = tpu.vector_load %arg9[%swap3A_693, %swap3A_694] {strides = array<i32>} : memref<2x128xf32, #tpu.memory_space<vmem>>, vector<1x16xf32>,
      %swap3A_696 = vector.shape_cast %swap3A_695 : vector<1x16xf32> to vector<16xf32>
      %swap3A_697 = vector.shape_cast %get3A_691 : vector<16xf32> to vector<1x16xf32>
      tpu.vector_store %arg9[%swap3A_693, %swap3A_694], %swap3A_697 {add = true, strides = array<i32>} : memref<2x128xf32, #tpu.memory_space<vmem>>, vector<1x16xf32>,
      %get3A_698 = arith.constant 0 : i32
      %get3A_699 = arith.index_cast %scan3A_672 : i32 to index
      %get3A_700 = arith.index_cast %get3A_698 : i32 to index
      %get3A_701 = arith.constant 16 : index
      %get3A_702 = tpu.vector_load %arg8[%get3A_699, %get3A_700, %get3A_701] {strides = array<i32>} : memref<8x2x128xf32, #tpu.memory_space<vmem>>, vector<1x1x16xf32>,
      %get3A_703 = vector.shape_cast %get3A_702 : vector<1x1x16xf32> to vector<16xf32>
      %swap3A_704 = arith.constant 0 : i32
      %swap3A_705 = arith.index_cast %swap3A_704 : i32 to index
      %swap3A_706 = arith.constant 16 : index
      %swap3A_707 = tpu.vector_load %arg9[%swap3A_705, %swap3A_706] {strides = array<i32>} : memref<2x128xf32, #tpu.memory_space<vmem>>, vector<1x16xf32>,
      %swap3A_708 = vector.shape_cast %swap3A_707 : vector<1x16xf32> to vector<16xf32>
      %swap3A_709 = vector.shape_cast %get3A_703 : vector<16xf32> to vector<1x16xf32>
      tpu.vector_store %arg9[%swap3A_705, %swap3A_706], %swap3A_709 {add = true, strides = array<i32>} : memref<2x128xf32, #tpu.memory_space<vmem>>, vector<1x16xf32>,
      %get3A_710 = arith.constant 1 : i32
      %get3A_711 = arith.index_cast %scan3A_672 : i32 to index
      %get3A_712 = arith.index_cast %get3A_710 : i32 to index
      %get3A_713 = arith.constant 16 : index
      %get3A_714 = tpu.vector_load %arg8[%get3A_711, %get3A_712, %get3A_713] {strides = array<i32>} : memref<8x2x128xf32, #tpu.memory_space<vmem>>, vector<1x1x16xf32>,
      %get3A_715 = vector.shape_cast %get3A_714 : vector<1x1x16xf32> to vector<16xf32>
      %swap3A_716 = arith.constant 1 : i32
      %swap3A_717 = arith.index_cast %swap3A_716 : i32 to index
      %swap3A_718 = arith.constant 16 : index
      %swap3A_719 = tpu.vector_load %arg9[%swap3A_717, %swap3A_718] {strides = array<i32>} : memref<2x128xf32, #tpu.memory_space<vmem>>, vector<1x16xf32>,
      %swap3A_720 = vector.shape_cast %swap3A_719 : vector<1x16xf32> to vector<16xf32>
      %swap3A_721 = vector.shape_cast %get3A_715 : vector<16xf32> to vector<1x16xf32>
      tpu.vector_store %arg9[%swap3A_717, %swap3A_718], %swap3A_721 {add = true, strides = array<i32>} : memref<2x128xf32, #tpu.memory_space<vmem>>, vector<1x16xf32>,
      %get3A_722 = arith.constant 0 : i32
      %get3A_723 = arith.index_cast %scan3A_672 : i32 to index
      %get3A_724 = arith.index_cast %get3A_722 : i32 to index
      %get3A_725 = arith.constant 32 : index
      %get3A_726 = tpu.vector_load %arg8[%get3A_723, %get3A_724, %get3A_725] {strides = array<i32>} : memref<8x2x128xf32, #tpu.memory_space<vmem>>, vector<1x1x16xf32>,
      %get3A_727 = vector.shape_cast %get3A_726 : vector<1x1x16xf32> to vector<16xf32>
      %swap3A_728 = arith.constant 0 : i32
      %swap3A_729 = arith.index_cast %swap3A_728 : i32 to index
      %swap3A_730 = arith.constant 32 : index
      %swap3A_731 = tpu.vector_load %arg9[%swap3A_729, %swap3A_730] {strides = array<i32>} : memref<2x128xf32, #tpu.memory_space<vmem>>, vector<1x16xf32>,
      %swap3A_732 = vector.shape_cast %swap3A_731 : vector<1x16xf32> to vector<16xf32>
      %swap3A_733 = vector.shape_cast %get3A_727 : vector<16xf32> to vector<1x16xf32>
      tpu.vector_store %arg9[%swap3A_729, %swap3A_730], %swap3A_733 {add = true, strides = array<i32>} : memref<2x128xf32, #tpu.memory_space<vmem>>, vector<1x16xf32>,
      %get3A_734 = arith.constant 1 : i32
      %get3A_735 = arith.index_cast %scan3A_672 : i32 to index
      %get3A_736 = arith.index_cast %get3A_734 : i32 to index
      %get3A_737 = arith.constant 32 : index
      %get3A_738 = tpu.vector_load %arg8[%get3A_735, %get3A_736, %get3A_737] {strides = array<i32>} : memref<8x2x128xf32, #tpu.memory_space<vmem>>, vector<1x1x16xf32>,
      %get3A_739 = vector.shape_cast %get3A_738 : vector<1x1x16xf32> to vector<16xf32>
      %swap3A_740 = arith.constant 1 : i32
      %swap3A_741 = arith.index_cast %swap3A_740 : i32 to index
      %swap3A_742 = arith.constant 32 : index
      %swap3A_743 = tpu.vector_load %arg9[%swap3A_741, %swap3A_742] {strides = array<i32>} : memref<2x128xf32, #tpu.memory_space<vmem>>, vector<1x16xf32>,
      %swap3A_744 = vector.shape_cast %swap3A_743 : vector<1x16xf32> to vector<16xf32>
      %swap3A_745 = vector.shape_cast %get3A_739 : vector<16xf32> to vector<1x16xf32>
      tpu.vector_store %arg9[%swap3A_741, %swap3A_742], %swap3A_745 {add = true, strides = array<i32>} : memref<2x128xf32, #tpu.memory_space<vmem>>, vector<1x16xf32>,
      %get3A_746 = arith.constant 0 : i32
      %get3A_747 = arith.index_cast %scan3A_672 : i32 to index
      %get3A_748 = arith.index_cast %get3A_746 : i32 to index
      %get3A_749 = arith.constant 48 : index
      %get3A_750 = tpu.vector_load %arg8[%get3A_747, %get3A_748, %get3A_749] {strides = array<i32>} : memref<8x2x128xf32, #tpu.memory_space<vmem>>, vector<1x1x16xf32>,
      %get3A_751 = vector.shape_cast %get3A_750 : vector<1x1x16xf32> to vector<16xf32>
      %swap3A_752 = arith.constant 0 : i32
      %swap3A_753 = arith.index_cast %swap3A_752 : i32 to index
      %swap3A_754 = arith.constant 48 : index
      %swap3A_755 = tpu.vector_load %arg9[%swap3A_753, %swap3A_754] {strides = array<i32>} : memref<2x128xf32, #tpu.memory_space<vmem>>, vector<1x16xf32>,
      %swap3A_756 = vector.shape_cast %swap3A_755 : vector<1x16xf32> to vector<16xf32>
      %swap3A_757 = vector.shape_cast %get3A_751 : vector<16xf32> to vector<1x16xf32>
      tpu.vector_store %arg9[%swap3A_753, %swap3A_754], %swap3A_757 {add = true, strides = array<i32>} : memref<2x128xf32, #tpu.memory_space<vmem>>, vector<1x16xf32>,
      %get3A_758 = arith.constant 1 : i32
      %get3A_759 = arith.index_cast %scan3A_672 : i32 to index
      %get3A_760 = arith.index_cast %get3A_758 : i32 to index
      %get3A_761 = arith.constant 48 : index
      %get3A_762 = tpu.vector_load %arg8[%get3A_759, %get3A_760, %get3A_761] {strides = array<i32>} : memref<8x2x128xf32, #tpu.memory_space<vmem>>, vector<1x1x16xf32>,
      %get3A_763 = vector.shape_cast %get3A_762 : vector<1x1x16xf32> to vector<16xf32>
      %swap3A_764 = arith.constant 1 : i32
      %swap3A_765 = arith.index_cast %swap3A_764 : i32 to index
      %swap3A_766 = arith.constant 48 : index
      %swap3A_767 = tpu.vector_load %arg9[%swap3A_765, %swap3A_766] {strides = array<i32>} : memref<2x128xf32, #tpu.memory_space<vmem>>, vector<1x16xf32>,
      %swap3A_768 = vector.shape_cast %swap3A_767 : vector<1x16xf32> to vector<16xf32>
      %swap3A_769 = vector.shape_cast %get3A_763 : vector<16xf32> to vector<1x16xf32>
      tpu.vector_store %arg9[%swap3A_765, %swap3A_766], %swap3A_769 {add = true, strides = array<i32>} : memref<2x128xf32, #tpu.memory_space<vmem>>, vector<1x16xf32>,
      %get3A_770 = arith.constant 0 : i32
      %get3A_771 = arith.index_cast %scan3A_672 : i32 to index
      %get3A_772 = arith.index_cast %get3A_770 : i32 to index
      %get3A_773 = arith.constant 64 : index
      %get3A_774 = tpu.vector_load %arg8[%get3A_771, %get3A_772, %get3A_773] {strides = array<i32>} : memref<8x2x128xf32, #tpu.memory_space<vmem>>, vector<1x1x16xf32>,
      %get3A_775 = vector.shape_cast %get3A_774 : vector<1x1x16xf32> to vector<16xf32>
      %swap3A_776 = arith.constant 0 : i32
      %swap3A_777 = arith.index_cast %swap3A_776 : i32 to index
      %swap3A_778 = arith.constant 64 : index
      %swap3A_779 = tpu.vector_load %arg9[%swap3A_777, %swap3A_778] {strides = array<i32>} : memref<2x128xf32, #tpu.memory_space<vmem>>, vector<1x16xf32>,
      %swap3A_780 = vector.shape_cast %swap3A_779 : vector<1x16xf32> to vector<16xf32>
      %swap3A_781 = vector.shape_cast %get3A_775 : vector<16xf32> to vector<1x16xf32>
      tpu.vector_store %arg9[%swap3A_777, %swap3A_778], %swap3A_781 {add = true, strides = array<i32>} : memref<2x128xf32, #tpu.memory_space<vmem>>, vector<1x16xf32>,
      %get3A_782 = arith.constant 1 : i32
      %get3A_783 = arith.index_cast %scan3A_672 : i32 to index
      %get3A_784 = arith.index_cast %get3A_782 : i32 to index
      %get3A_785 = arith.constant 64 : index
      %get3A_786 = tpu.vector_load %arg8[%get3A_783, %get3A_784, %get3A_785] {strides = array<i32>} : memref<8x2x128xf32, #tpu.memory_space<vmem>>, vector<1x1x16xf32>,
      %get3A_787 = vector.shape_cast %get3A_786 : vector<1x1x16xf32> to vector<16xf32>
      %swap3A_788 = arith.constant 1 : i32
      %swap3A_789 = arith.index_cast %swap3A_788 : i32 to index
      %swap3A_790 = arith.constant 64 : index
      %swap3A_791 = tpu.vector_load %arg9[%swap3A_789, %swap3A_790] {strides = array<i32>} : memref<2x128xf32, #tpu.memory_space<vmem>>, vector<1x16xf32>,
      %swap3A_792 = vector.shape_cast %swap3A_791 : vector<1x16xf32> to vector<16xf32>
      %swap3A_793 = vector.shape_cast %get3A_787 : vector<16xf32> to vector<1x16xf32>
      tpu.vector_store %arg9[%swap3A_789, %swap3A_790], %swap3A_793 {add = true, strides = array<i32>} : memref<2x128xf32, #tpu.memory_space<vmem>>, vector<1x16xf32>,
      %get3A_794 = arith.constant 0 : i32
      %get3A_795 = arith.index_cast %scan3A_672 : i32 to index
      %get3A_796 = arith.index_cast %get3A_794 : i32 to index
      %get3A_797 = arith.constant 80 : index
      %get3A_798 = tpu.vector_load %arg8[%get3A_795, %get3A_796, %get3A_797] {strides = array<i32>} : memref<8x2x128xf32, #tpu.memory_space<vmem>>, vector<1x1x16xf32>,
      %get3A_799 = vector.shape_cast %get3A_798 : vector<1x1x16xf32> to vector<16xf32>
      %swap3A_800 = arith.constant 0 : i32
      %swap3A_801 = arith.index_cast %swap3A_800 : i32 to index
      %swap3A_802 = arith.constant 80 : index
      %swap3A_803 = tpu.vector_load %arg9[%swap3A_801, %swap3A_802] {strides = array<i32>} : memref<2x128xf32, #tpu.memory_space<vmem>>, vector<1x16xf32>,
      %swap3A_804 = vector.shape_cast %swap3A_803 : vector<1x16xf32> to vector<16xf32>
      %swap3A_805 = vector.shape_cast %get3A_799 : vector<16xf32> to vector<1x16xf32>
      tpu.vector_store %arg9[%swap3A_801, %swap3A_802], %swap3A_805 {add = true, strides = array<i32>} : memref<2x128xf32, #tpu.memory_space<vmem>>, vector<1x16xf32>,
      %get3A_806 = arith.constant 1 : i32
      %get3A_807 = arith.index_cast %scan3A_672 : i32 to index
      %get3A_808 = arith.index_cast %get3A_806 : i32 to index
      %get3A_809 = arith.constant 80 : index
      %get3A_810 = tpu.vector_load %arg8[%get3A_807, %get3A_808, %get3A_809] {strides = array<i32>} : memref<8x2x128xf32, #tpu.memory_space<vmem>>, vector<1x1x16xf32>,
      %get3A_811 = vector.shape_cast %get3A_810 : vector<1x1x16xf32> to vector<16xf32>
      %swap3A_812 = arith.constant 1 : i32
      %swap3A_813 = arith.index_cast %swap3A_812 : i32 to index
      %swap3A_814 = arith.constant 80 : index
      %swap3A_815 = tpu.vector_load %arg9[%swap3A_813, %swap3A_814] {strides = array<i32>} : memref<2x128xf32, #tpu.memory_space<vmem>>, vector<1x16xf32>,
      %swap3A_816 = vector.shape_cast %swap3A_815 : vector<1x16xf32> to vector<16xf32>
      %swap3A_817 = vector.shape_cast %get3A_811 : vector<16xf32> to vector<1x16xf32>
      tpu.vector_store %arg9[%swap3A_813, %swap3A_814], %swap3A_817 {add = true, strides = array<i32>} : memref<2x128xf32, #tpu.memory_space<vmem>>, vector<1x16xf32>,
      %get3A_818 = arith.constant 0 : i32
      %get3A_819 = arith.index_cast %scan3A_672 : i32 to index
      %get3A_820 = arith.index_cast %get3A_818 : i32 to index
      %get3A_821 = arith.constant 96 : index
      %get3A_822 = tpu.vector_load %arg8[%get3A_819, %get3A_820, %get3A_821] {strides = array<i32>} : memref<8x2x128xf32, #tpu.memory_space<vmem>>, vector<1x1x16xf32>,
      %get3A_823 = vector.shape_cast %get3A_822 : vector<1x1x16xf32> to vector<16xf32>
      %swap3A_824 = arith.constant 0 : i32
      %swap3A_825 = arith.index_cast %swap3A_824 : i32 to index
      %swap3A_826 = arith.constant 96 : index
      %swap3A_827 = tpu.vector_load %arg9[%swap3A_825, %swap3A_826] {strides = array<i32>} : memref<2x128xf32, #tpu.memory_space<vmem>>, vector<1x16xf32>,
      %swap3A_828 = vector.shape_cast %swap3A_827 : vector<1x16xf32> to vector<16xf32>
      %swap3A_829 = vector.shape_cast %get3A_823 : vector<16xf32> to vector<1x16xf32>
      tpu.vector_store %arg9[%swap3A_825, %swap3A_826], %swap3A_829 {add = true, strides = array<i32>} : memref<2x128xf32, #tpu.memory_space<vmem>>, vector<1x16xf32>,
      %get3A_830 = arith.constant 1 : i32
      %get3A_831 = arith.index_cast %scan3A_672 : i32 to index
      %get3A_832 = arith.index_cast %get3A_830 : i32 to index
      %get3A_833 = arith.constant 96 : index
      %get3A_834 = tpu.vector_load %arg8[%get3A_831, %get3A_832, %get3A_833] {strides = array<i32>} : memref<8x2x128xf32, #tpu.memory_space<vmem>>, vector<1x1x16xf32>,
      %get3A_835 = vector.shape_cast %get3A_834 : vector<1x1x16xf32> to vector<16xf32>
      %swap3A_836 = arith.constant 1 : i32
      %swap3A_837 = arith.index_cast %swap3A_836 : i32 to index
      %swap3A_838 = arith.constant 96 : index
      %swap3A_839 = tpu.vector_load %arg9[%swap3A_837, %swap3A_838] {strides = array<i32>} : memref<2x128xf32, #tpu.memory_space<vmem>>, vector<1x16xf32>,
      %swap3A_840 = vector.shape_cast %swap3A_839 : vector<1x16xf32> to vector<16xf32>
      %swap3A_841 = vector.shape_cast %get3A_835 : vector<16xf32> to vector<1x16xf32>
      tpu.vector_store %arg9[%swap3A_837, %swap3A_838], %swap3A_841 {add = true, strides = array<i32>} : memref<2x128xf32, #tpu.memory_space<vmem>>, vector<1x16xf32>,
      %get3A_842 = arith.constant 0 : i32
      %get3A_843 = arith.index_cast %scan3A_672 : i32 to index
      %get3A_844 = arith.index_cast %get3A_842 : i32 to index
      %get3A_845 = arith.constant 112 : index
      %get3A_846 = tpu.vector_load %arg8[%get3A_843, %get3A_844, %get3A_845] {strides = array<i32>} : memref<8x2x128xf32, #tpu.memory_space<vmem>>, vector<1x1x16xf32>,
      %get3A_847 = vector.shape_cast %get3A_846 : vector<1x1x16xf32> to vector<16xf32>
      %swap3A_848 = arith.constant 0 : i32
      %swap3A_849 = arith.index_cast %swap3A_848 : i32 to index
      %swap3A_850 = arith.constant 112 : index
      %swap3A_851 = tpu.vector_load %arg9[%swap3A_849, %swap3A_850] {strides = array<i32>} : memref<2x128xf32, #tpu.memory_space<vmem>>, vector<1x16xf32>,
      %swap3A_852 = vector.shape_cast %swap3A_851 : vector<1x16xf32> to vector<16xf32>
      %swap3A_853 = vector.shape_cast %get3A_847 : vector<16xf32> to vector<1x16xf32>
      tpu.vector_store %arg9[%swap3A_849, %swap3A_850], %swap3A_853 {add = true, strides = array<i32>} : memref<2x128xf32, #tpu.memory_space<vmem>>, vector<1x16xf32>,
      %get3A_854 = arith.constant 1 : i32
      %get3A_855 = arith.index_cast %scan3A_672 : i32 to index
      %get3A_856 = arith.index_cast %get3A_854 : i32 to index
      %get3A_857 = arith.constant 112 : index
      %get3A_858 = tpu.vector_load %arg8[%get3A_855, %get3A_856, %get3A_857] {strides = array<i32>} : memref<8x2x128xf32, #tpu.memory_space<vmem>>, vector<1x1x16xf32>,
      %get3A_859 = vector.shape_cast %get3A_858 : vector<1x1x16xf32> to vector<16xf32>
      %swap3A_860 = arith.constant 1 : i32
      %swap3A_861 = arith.index_cast %swap3A_860 : i32 to index
      %swap3A_862 = arith.constant 112 : index
      %swap3A_863 = tpu.vector_load %arg9[%swap3A_861, %swap3A_862] {strides = array<i32>} : memref<2x128xf32, #tpu.memory_space<vmem>>, vector<1x16xf32>,
      %swap3A_864 = vector.shape_cast %swap3A_863 : vector<1x16xf32> to vector<16xf32>
      %swap3A_865 = vector.shape_cast %get3A_859 : vector<16xf32> to vector<1x16xf32>
      tpu.vector_store %arg9[%swap3A_861, %swap3A_862], %swap3A_865 {add = true, strides = array<i32>} : memref<2x128xf32, #tpu.memory_space<vmem>>, vector<1x16xf32>,
      %scan3A_866 = arith.constant 0 : i32
      scf.yield %scan3A_866 : i32
    }
    %scan3A_107 = arith.constant 8 : i32
    "tpu.region"() ({
      %run_scoped3A = tpu.sem_alloc : memref<!tpu.dma_semaphore, #tpu.memory_space<semaphore_mem>>
      %dma_start3A = arith.constant 8 : i32
      %dma_start3A_672 = arith.constant 0 : i32
      %dma_start3A_673 = arith.constant 0 : i32
      %dma_start3A_674 = tpu.memref_slice %arg4[%dma_start3A, %dma_start3A_672, %dma_start3A_673] : memref<32x2x128xf32, #tpu.memory_space<hbm>> -> memref<8x2x128xf32, #tpu.memory_space<hbm>>
      %dma_start3A_675 = arith.constant 8 : i32
      %dma_start3A_676 = arith.constant 0 : i32
      %dma_start3A_677 = arith.constant 0 : i32
      %dma_start3A_678 = tpu.memref_slice %arg4[%dma_start3A_675, %dma_start3A_676, %dma_start3A_677] : memref<32x2x128xf32, #tpu.memory_space<hbm>> -> memref<8x2x128xf32, #tpu.memory_space<hbm>>
      tpu.enqueue_dma source(%dma_start3A_678 : memref<8x2x128xf32, #tpu.memory_space<hbm>>) target(%arg8 : memref<8x2x128xf32, #tpu.memory_space<vmem>>) target_semaphore(%run_scoped3A : memref<!tpu.dma_semaphore, #tpu.memory_space<semaphore_mem>>)
      %dma_wait3A = arith.constant 8 : i32
      %dma_wait3A_679 = arith.constant 0 : i32
      %dma_wait3A_680 = arith.constant 0 : i32
      %dma_wait3A_681 = tpu.memref_slice %arg4[%dma_wait3A, %dma_wait3A_679, %dma_wait3A_680] : memref<32x2x128xf32, #tpu.memory_space<hbm>> -> memref<8x2x128xf32, #tpu.memory_space<hbm>>
      %dma_wait3A_682 = arith.constant 8 : i32
      %dma_wait3A_683 = arith.constant 0 : i32
      %dma_wait3A_684 = arith.constant 0 : i32
      %dma_wait3A_685 = tpu.memref_slice %arg4[%dma_wait3A_682, %dma_wait3A_683, %dma_wait3A_684] : memref<32x2x128xf32, #tpu.memory_space<hbm>> -> memref<8x2x128xf32, #tpu.memory_space<hbm>>
      tpu.wait_dma2 semaphore(%run_scoped3A : memref<!tpu.dma_semaphore, #tpu.memory_space<semaphore_mem>>) src(%dma_wait3A_685 : memref<8x2x128xf32, #tpu.memory_space<hbm>>) dst(%arg8 : memref<8x2x128xf32, #tpu.memory_space<vmem>>)
      tpu.yield
    }) : () -> ()
    %scan3A_108 = arith.constant 0 : i32
    %scan3A_109 = arith.constant 0 : i32
    %scan3A_110 = arith.constant 8 : i32
    %scan3A_111 = arith.addi %scan3A_109, %scan3A_110 : i32
    %scan3A_112 = arith.constant 1 : i32
    %scan3A_113 = scf.for %scan3A_672 = %scan3A_109 to %scan3A_111 step %scan3A_112 iter_args(%scan3A_673 = %scan3A_108) -> (i32)  : i32 {
      %get3A_674 = arith.constant 0 : i32
      %get3A_675 = arith.index_cast %scan3A_672 : i32 to index
      %get3A_676 = arith.index_cast %get3A_674 : i32 to index
      %get3A_677 = arith.constant 0 : index
      %get3A_678 = tpu.vector_load %arg8[%get3A_675, %get3A_676, %get3A_677] {strides = array<i32>} : memref<8x2x128xf32, #tpu.memory_space<vmem>>, vector<1x1x16xf32>,
      %get3A_679 = vector.shape_cast %get3A_678 : vector<1x1x16xf32> to vector<16xf32>
      %swap3A_680 = arith.constant 0 : i32
      %swap3A_681 = arith.index_cast %swap3A_680 : i32 to index
      %swap3A_682 = arith.constant 0 : index
      %swap3A_683 = tpu.vector_load %arg9[%swap3A_681, %swap3A_682] {strides = array<i32>} : memref<2x128xf32, #tpu.memory_space<vmem>>, vector<1x16xf32>,
      %swap3A_684 = vector.shape_cast %swap3A_683 : vector<1x16xf32> to vector<16xf32>
      %swap3A_685 = vector.shape_cast %get3A_679 : vector<16xf32> to vector<1x16xf32>
      tpu.vector_store %arg9[%swap3A_681, %swap3A_682], %swap3A_685 {add = true, strides = array<i32>} : memref<2x128xf32, #tpu.memory_space<vmem>>, vector<1x16xf32>,
      %get3A_686 = arith.constant 1 : i32
      %get3A_687 = arith.index_cast %scan3A_672 : i32 to index
      %get3A_688 = arith.index_cast %get3A_686 : i32 to index
      %get3A_689 = arith.constant 0 : index
      %get3A_690 = tpu.vector_load %arg8[%get3A_687, %get3A_688, %get3A_689] {strides = array<i32>} : memref<8x2x128xf32, #tpu.memory_space<vmem>>, vector<1x1x16xf32>,
      %get3A_691 = vector.shape_cast %get3A_690 : vector<1x1x16xf32> to vector<16xf32>
      %swap3A_692 = arith.constant 1 : i32
      %swap3A_693 = arith.index_cast %swap3A_692 : i32 to index
      %swap3A_694 = arith.constant 0 : index
      %swap3A_695 = tpu.vector_load %arg9[%swap3A_693, %swap3A_694] {strides = array<i32>} : memref<2x128xf32, #tpu.memory_space<vmem>>, vector<1x16xf32>,
      %swap3A_696 = vector.shape_cast %swap3A_695 : vector<1x16xf32> to vector<16xf32>
      %swap3A_697 = vector.shape_cast %get3A_691 : vector<16xf32> to vector<1x16xf32>
      tpu.vector_store %arg9[%swap3A_693, %swap3A_694], %swap3A_697 {add = true, strides = array<i32>} : memref<2x128xf32, #tpu.memory_space<vmem>>, vector<1x16xf32>,
      %get3A_698 = arith.constant 0 : i32
      %get3A_699 = arith.index_cast %scan3A_672 : i32 to index
      %get3A_700 = arith.index_cast %get3A_698 : i32 to index
      %get3A_701 = arith.constant 16 : index
      %get3A_702 = tpu.vector_load %arg8[%get3A_699, %get3A_700, %get3A_701] {strides = array<i32>} : memref<8x2x128xf32, #tpu.memory_space<vmem>>, vector<1x1x16xf32>,
      %get3A_703 = vector.shape_cast %get3A_702 : vector<1x1x16xf32> to vector<16xf32>
      %swap3A_704 = arith.constant 0 : i32
      %swap3A_705 = arith.index_cast %swap3A_704 : i32 to index
      %swap3A_706 = arith.constant 16 : index
      %swap3A_707 = tpu.vector_load %arg9[%swap3A_705, %swap3A_706] {strides = array<i32>} : memref<2x128xf32, #tpu.memory_space<vmem>>, vector<1x16xf32>,
      %swap3A_708 = vector.shape_cast %swap3A_707 : vector<1x16xf32> to vector<16xf32>
      %swap3A_709 = vector.shape_cast %get3A_703 : vector<16xf32> to vector<1x16xf32>
      tpu.vector_store %arg9[%swap3A_705, %swap3A_706], %swap3A_709 {add = true, strides = array<i32>} : memref<2x128xf32, #tpu.memory_space<vmem>>, vector<1x16xf32>,
      %get3A_710 = arith.constant 1 : i32
      %get3A_711 = arith.index_cast %scan3A_672 : i32 to index
      %get3A_712 = arith.index_cast %get3A_710 : i32 to index
      %get3A_713 = arith.constant 16 : index
      %get3A_714 = tpu.vector_load %arg8[%get3A_711, %get3A_712, %get3A_713] {strides = array<i32>} : memref<8x2x128xf32, #tpu.memory_space<vmem>>, vector<1x1x16xf32>,
      %get3A_715 = vector.shape_cast %get3A_714 : vector<1x1x16xf32> to vector<16xf32>
      %swap3A_716 = arith.constant 1 : i32
      %swap3A_717 = arith.index_cast %swap3A_716 : i32 to index
      %swap3A_718 = arith.constant 16 : index
      %swap3A_719 = tpu.vector_load %arg9[%swap3A_717, %swap3A_718] {strides = array<i32>} : memref<2x128xf32, #tpu.memory_space<vmem>>, vector<1x16xf32>,
      %swap3A_720 = vector.shape_cast %swap3A_719 : vector<1x16xf32> to vector<16xf32>
      %swap3A_721 = vector.shape_cast %get3A_715 : vector<16xf32> to vector<1x16xf32>
      tpu.vector_store %arg9[%swap3A_717, %swap3A_718], %swap3A_721 {add = true, strides = array<i32>} : memref<2x128xf32, #tpu.memory_space<vmem>>, vector<1x16xf32>,
      %get3A_722 = arith.constant 0 : i32
      %get3A_723 = arith.index_cast %scan3A_672 : i32 to index
      %get3A_724 = arith.index_cast %get3A_722 : i32 to index
      %get3A_725 = arith.constant 32 : index
      %get3A_726 = tpu.vector_load %arg8[%get3A_723, %get3A_724, %get3A_725] {strides = array<i32>} : memref<8x2x128xf32, #tpu.memory_space<vmem>>, vector<1x1x16xf32>,
      %get3A_727 = vector.shape_cast %get3A_726 : vector<1x1x16xf32> to vector<16xf32>
      %swap3A_728 = arith.constant 0 : i32
      %swap3A_729 = arith.index_cast %swap3A_728 : i32 to index
      %swap3A_730 = arith.constant 32 : index
      %swap3A_731 = tpu.vector_load %arg9[%swap3A_729, %swap3A_730] {strides = array<i32>} : memref<2x128xf32, #tpu.memory_space<vmem>>, vector<1x16xf32>,
      %swap3A_732 = vector.shape_cast %swap3A_731 : vector<1x16xf32> to vector<16xf32>
      %swap3A_733 = vector.shape_cast %get3A_727 : vector<16xf32> to vector<1x16xf32>
      tpu.vector_store %arg9[%swap3A_729, %swap3A_730], %swap3A_733 {add = true, strides = array<i32>} : memref<2x128xf32, #tpu.memory_space<vmem>>, vector<1x16xf32>,
      %get3A_734 = arith.constant 1 : i32
      %get3A_735 = arith.index_cast %scan3A_672 : i32 to index
      %get3A_736 = arith.index_cast %get3A_734 : i32 to index
      %get3A_737 = arith.constant 32 : index
      %get3A_738 = tpu.vector_load %arg8[%get3A_735, %get3A_736, %get3A_737] {strides = array<i32>} : memref<8x2x128xf32, #tpu.memory_space<vmem>>, vector<1x1x16xf32>,
      %get3A_739 = vector.shape_cast %get3A_738 : vector<1x1x16xf32> to vector<16xf32>
      %swap3A_740 = arith.constant 1 : i32
      %swap3A_741 = arith.index_cast %swap3A_740 : i32 to index
      %swap3A_742 = arith.constant 32 : index
      %swap3A_743 = tpu.vector_load %arg9[%swap3A_741, %swap3A_742] {strides = array<i32>} : memref<2x128xf32, #tpu.memory_space<vmem>>, vector<1x16xf32>,
      %swap3A_744 = vector.shape_cast %swap3A_743 : vector<1x16xf32> to vector<16xf32>
      %swap3A_745 = vector.shape_cast %get3A_739 : vector<16xf32> to vector<1x16xf32>
      tpu.vector_store %arg9[%swap3A_741, %swap3A_742], %swap3A_745 {add = true, strides = array<i32>} : memref<2x128xf32, #tpu.memory_space<vmem>>, vector<1x16xf32>,
      %get3A_746 = arith.constant 0 : i32
      %get3A_747 = arith.index_cast %scan3A_672 : i32 to index
      %get3A_748 = arith.index_cast %get3A_746 : i32 to index
      %get3A_749 = arith.constant 48 : index
      %get3A_750 = tpu.vector_load %arg8[%get3A_747, %get3A_748, %get3A_749] {strides = array<i32>} : memref<8x2x128xf32, #tpu.memory_space<vmem>>, vector<1x1x16xf32>,
      %get3A_751 = vector.shape_cast %get3A_750 : vector<1x1x16xf32> to vector<16xf32>
      %swap3A_752 = arith.constant 0 : i32
      %swap3A_753 = arith.index_cast %swap3A_752 : i32 to index
      %swap3A_754 = arith.constant 48 : index
      %swap3A_755 = tpu.vector_load %arg9[%swap3A_753, %swap3A_754] {strides = array<i32>} : memref<2x128xf32, #tpu.memory_space<vmem>>, vector<1x16xf32>,
      %swap3A_756 = vector.shape_cast %swap3A_755 : vector<1x16xf32> to vector<16xf32>
      %swap3A_757 = vector.shape_cast %get3A_751 : vector<16xf32> to vector<1x16xf32>
      tpu.vector_store %arg9[%swap3A_753, %swap3A_754], %swap3A_757 {add = true, strides = array<i32>} : memref<2x128xf32, #tpu.memory_space<vmem>>, vector<1x16xf32>,
      %get3A_758 = arith.constant 1 : i32
      %get3A_759 = arith.index_cast %scan3A_672 : i32 to index
      %get3A_760 = arith.index_cast %get3A_758 : i32 to index
      %get3A_761 = arith.constant 48 : index
      %get3A_762 = tpu.vector_load %arg8[%get3A_759, %get3A_760, %get3A_761] {strides = array<i32>} : memref<8x2x128xf32, #tpu.memory_space<vmem>>, vector<1x1x16xf32>,
      %get3A_763 = vector.shape_cast %get3A_762 : vector<1x1x16xf32> to vector<16xf32>
      %swap3A_764 = arith.constant 1 : i32
      %swap3A_765 = arith.index_cast %swap3A_764 : i32 to index
      %swap3A_766 = arith.constant 48 : index
      %swap3A_767 = tpu.vector_load %arg9[%swap3A_765, %swap3A_766] {strides = array<i32>} : memref<2x128xf32, #tpu.memory_space<vmem>>, vector<1x16xf32>,
      %swap3A_768 = vector.shape_cast %swap3A_767 : vector<1x16xf32> to vector<16xf32>
      %swap3A_769 = vector.shape_cast %get3A_763 : vector<16xf32> to vector<1x16xf32>
      tpu.vector_store %arg9[%swap3A_765, %swap3A_766], %swap3A_769 {add = true, strides = array<i32>} : memref<2x128xf32, #tpu.memory_space<vmem>>, vector<1x16xf32>,
      %get3A_770 = arith.constant 0 : i32
      %get3A_771 = arith.index_cast %scan3A_672 : i32 to index
      %get3A_772 = arith.index_cast %get3A_770 : i32 to index
      %get3A_773 = arith.constant 64 : index
      %get3A_774 = tpu.vector_load %arg8[%get3A_771, %get3A_772, %get3A_773] {strides = array<i32>} : memref<8x2x128xf32, #tpu.memory_space<vmem>>, vector<1x1x16xf32>,
      %get3A_775 = vector.shape_cast %get3A_774 : vector<1x1x16xf32> to vector<16xf32>
      %swap3A_776 = arith.constant 0 : i32
      %swap3A_777 = arith.index_cast %swap3A_776 : i32 to index
      %swap3A_778 = arith.constant 64 : index
      %swap3A_779 = tpu.vector_load %arg9[%swap3A_777, %swap3A_778] {strides = array<i32>} : memref<2x128xf32, #tpu.memory_space<vmem>>, vector<1x16xf32>,
      %swap3A_780 = vector.shape_cast %swap3A_779 : vector<1x16xf32> to vector<16xf32>
      %swap3A_781 = vector.shape_cast %get3A_775 : vector<16xf32> to vector<1x16xf32>
      tpu.vector_store %arg9[%swap3A_777, %swap3A_778], %swap3A_781 {add = true, strides = array<i32>} : memref<2x128xf32, #tpu.memory_space<vmem>>, vector<1x16xf32>,
      %get3A_782 = arith.constant 1 : i32
      %get3A_783 = arith.index_cast %scan3A_672 : i32 to index
      %get3A_784 = arith.index_cast %get3A_782 : i32 to index
      %get3A_785 = arith.constant 64 : index
      %get3A_786 = tpu.vector_load %arg8[%get3A_783, %get3A_784, %get3A_785] {strides = array<i32>} : memref<8x2x128xf32, #tpu.memory_space<vmem>>, vector<1x1x16xf32>,
      %get3A_787 = vector.shape_cast %get3A_786 : vector<1x1x16xf32> to vector<16xf32>
      %swap3A_788 = arith.constant 1 : i32
      %swap3A_789 = arith.index_cast %swap3A_788 : i32 to index
      %swap3A_790 = arith.constant 64 : index
      %swap3A_791 = tpu.vector_load %arg9[%swap3A_789, %swap3A_790] {strides = array<i32>} : memref<2x128xf32, #tpu.memory_space<vmem>>, vector<1x16xf32>,
      %swap3A_792 = vector.shape_cast %swap3A_791 : vector<1x16xf32> to vector<16xf32>
      %swap3A_793 = vector.shape_cast %get3A_787 : vector<16xf32> to vector<1x16xf32>
      tpu.vector_store %arg9[%swap3A_789, %swap3A_790], %swap3A_793 {add = true, strides = array<i32>} : memref<2x128xf32, #tpu.memory_space<vmem>>, vector<1x16xf32>,
      %get3A_794 = arith.constant 0 : i32
      %get3A_795 = arith.index_cast %scan3A_672 : i32 to index
      %get3A_796 = arith.index_cast %get3A_794 : i32 to index
      %get3A_797 = arith.constant 80 : index
      %get3A_798 = tpu.vector_load %arg8[%get3A_795, %get3A_796, %get3A_797] {strides = array<i32>} : memref<8x2x128xf32, #tpu.memory_space<vmem>>, vector<1x1x16xf32>,
      %get3A_799 = vector.shape_cast %get3A_798 : vector<1x1x16xf32> to vector<16xf32>
      %swap3A_800 = arith.constant 0 : i32
      %swap3A_801 = arith.index_cast %swap3A_800 : i32 to index
      %swap3A_802 = arith.constant 80 : index
      %swap3A_803 = tpu.vector_load %arg9[%swap3A_801, %swap3A_802] {strides = array<i32>} : memref<2x128xf32, #tpu.memory_space<vmem>>, vector<1x16xf32>,
      %swap3A_804 = vector.shape_cast %swap3A_803 : vector<1x16xf32> to vector<16xf32>
      %swap3A_805 = vector.shape_cast %get3A_799 : vector<16xf32> to vector<1x16xf32>
      tpu.vector_store %arg9[%swap3A_801, %swap3A_802], %swap3A_805 {add = true, strides = array<i32>} : memref<2x128xf32, #tpu.memory_space<vmem>>, vector<1x16xf32>,
      %get3A_806 = arith.constant 1 : i32
      %get3A_807 = arith.index_cast %scan3A_672 : i32 to index
      %get3A_808 = arith.index_cast %get3A_806 : i32 to index
      %get3A_809 = arith.constant 80 : index
      %get3A_810 = tpu.vector_load %arg8[%get3A_807, %get3A_808, %get3A_809] {strides = array<i32>} : memref<8x2x128xf32, #tpu.memory_space<vmem>>, vector<1x1x16xf32>,
      %get3A_811 = vector.shape_cast %get3A_810 : vector<1x1x16xf32> to vector<16xf32>
      %swap3A_812 = arith.constant 1 : i32
      %swap3A_813 = arith.index_cast %swap3A_812 : i32 to index
      %swap3A_814 = arith.constant 80 : index
      %swap3A_815 = tpu.vector_load %arg9[%swap3A_813, %swap3A_814] {strides = array<i32>} : memref<2x128xf32, #tpu.memory_space<vmem>>, vector<1x16xf32>,
      %swap3A_816 = vector.shape_cast %swap3A_815 : vector<1x16xf32> to vector<16xf32>
      %swap3A_817 = vector.shape_cast %get3A_811 : vector<16xf32> to vector<1x16xf32>
      tpu.vector_store %arg9[%swap3A_813, %swap3A_814], %swap3A_817 {add = true, strides = array<i32>} : memref<2x128xf32, #tpu.memory_space<vmem>>, vector<1x16xf32>,
      %get3A_818 = arith.constant 0 : i32
      %get3A_819 = arith.index_cast %scan3A_672 : i32 to index
      %get3A_820 = arith.index_cast %get3A_818 : i32 to index
      %get3A_821 = arith.constant 96 : index
      %get3A_822 = tpu.vector_load %arg8[%get3A_819, %get3A_820, %get3A_821] {strides = array<i32>} : memref<8x2x128xf32, #tpu.memory_space<vmem>>, vector<1x1x16xf32>,
      %get3A_823 = vector.shape_cast %get3A_822 : vector<1x1x16xf32> to vector<16xf32>
      %swap3A_824 = arith.constant 0 : i32
      %swap3A_825 = arith.index_cast %swap3A_824 : i32 to index
      %swap3A_826 = arith.constant 96 : index
      %swap3A_827 = tpu.vector_load %arg9[%swap3A_825, %swap3A_826] {strides = array<i32>} : memref<2x128xf32, #tpu.memory_space<vmem>>, vector<1x16xf32>,
      %swap3A_828 = vector.shape_cast %swap3A_827 : vector<1x16xf32> to vector<16xf32>
      %swap3A_829 = vector.shape_cast %get3A_823 : vector<16xf32> to vector<1x16xf32>
      tpu.vector_store %arg9[%swap3A_825, %swap3A_826], %swap3A_829 {add = true, strides = array<i32>} : memref<2x128xf32, #tpu.memory_space<vmem>>, vector<1x16xf32>,
      %get3A_830 = arith.constant 1 : i32
      %get3A_831 = arith.index_cast %scan3A_672 : i32 to index
      %get3A_832 = arith.index_cast %get3A_830 : i32 to index
      %get3A_833 = arith.constant 96 : index
      %get3A_834 = tpu.vector_load %arg8[%get3A_831, %get3A_832, %get3A_833] {strides = array<i32>} : memref<8x2x128xf32, #tpu.memory_space<vmem>>, vector<1x1x16xf32>,
      %get3A_835 = vector.shape_cast %get3A_834 : vector<1x1x16xf32> to vector<16xf32>
      %swap3A_836 = arith.constant 1 : i32
      %swap3A_837 = arith.index_cast %swap3A_836 : i32 to index
      %swap3A_838 = arith.constant 96 : index
      %swap3A_839 = tpu.vector_load %arg9[%swap3A_837, %swap3A_838] {strides = array<i32>} : memref<2x128xf32, #tpu.memory_space<vmem>>, vector<1x16xf32>,
      %swap3A_840 = vector.shape_cast %swap3A_839 : vector<1x16xf32> to vector<16xf32>
      %swap3A_841 = vector.shape_cast %get3A_835 : vector<16xf32> to vector<1x16xf32>
      tpu.vector_store %arg9[%swap3A_837, %swap3A_838], %swap3A_841 {add = true, strides = array<i32>} : memref<2x128xf32, #tpu.memory_space<vmem>>, vector<1x16xf32>,
      %get3A_842 = arith.constant 0 : i32
      %get3A_843 = arith.index_cast %scan3A_672 : i32 to index
      %get3A_844 = arith.index_cast %get3A_842 : i32 to index
      %get3A_845 = arith.constant 112 : index
      %get3A_846 = tpu.vector_load %arg8[%get3A_843, %get3A_844, %get3A_845] {strides = array<i32>} : memref<8x2x128xf32, #tpu.memory_space<vmem>>, vector<1x1x16xf32>,
      %get3A_847 = vector.shape_cast %get3A_846 : vector<1x1x16xf32> to vector<16xf32>
      %swap3A_848 = arith.constant 0 : i32
      %swap3A_849 = arith.index_cast %swap3A_848 : i32 to index
      %swap3A_850 = arith.constant 112 : index
      %swap3A_851 = tpu.vector_load %arg9[%swap3A_849, %swap3A_850] {strides = array<i32>} : memref<2x128xf32, #tpu.memory_space<vmem>>, vector<1x16xf32>,
      %swap3A_852 = vector.shape_cast %swap3A_851 : vector<1x16xf32> to vector<16xf32>
      %swap3A_853 = vector.shape_cast %get3A_847 : vector<16xf32> to vector<1x16xf32>
      tpu.vector_store %arg9[%swap3A_849, %swap3A_850], %swap3A_853 {add = true, strides = array<i32>} : memref<2x128xf32, #tpu.memory_space<vmem>>, vector<1x16xf32>,
      %get3A_854 = arith.constant 1 : i32
      %get3A_855 = arith.index_cast %scan3A_672 : i32 to index
      %get3A_856 = arith.index_cast %get3A_854 : i32 to index
      %get3A_857 = arith.constant 112 : index
      %get3A_858 = tpu.vector_load %arg8[%get3A_855, %get3A_856, %get3A_857] {strides = array<i32>} : memref<8x2x128xf32, #tpu.memory_space<vmem>>, vector<1x1x16xf32>,
      %get3A_859 = vector.shape_cast %get3A_858 : vector<1x1x16xf32> to vector<16xf32>
      %swap3A_860 = arith.constant 1 : i32
      %swap3A_861 = arith.index_cast %swap3A_860 : i32 to index
      %swap3A_862 = arith.constant 112 : index
      %swap3A_863 = tpu.vector_load %arg9[%swap3A_861, %swap3A_862] {strides = array<i32>} : memref<2x128xf32, #tpu.memory_space<vmem>>, vector<1x16xf32>,
      %swap3A_864 = vector.shape_cast %swap3A_863 : vector<1x16xf32> to vector<16xf32>
      %swap3A_865 = vector.shape_cast %get3A_859 : vector<16xf32> to vector<1x16xf32>
      tpu.vector_store %arg9[%swap3A_861, %swap3A_862], %swap3A_865 {add = true, strides = array<i32>} : memref<2x128xf32, #tpu.memory_space<vmem>>, vector<1x16xf32>,
      %scan3A_866 = arith.constant 0 : i32
      scf.yield %scan3A_866 : i32
    }
    %scan3A_114 = arith.constant 8 : i32
    "tpu.region"() ({
      %run_scoped3A = tpu.sem_alloc : memref<!tpu.dma_semaphore, #tpu.memory_space<semaphore_mem>>
      %dma_start3A = arith.constant 16 : i32
      %dma_start3A_672 = arith.constant 0 : i32
      %dma_start3A_673 = arith.constant 0 : i32
      %dma_start3A_674 = tpu.memref_slice %arg4[%dma_start3A, %dma_start3A_672, %dma_start3A_673] : memref<32x2x128xf32, #tpu.memory_space<hbm>> -> memref<8x2x128xf32, #tpu.memory_space<hbm>>
      %dma_start3A_675 = arith.constant 16 : i32
      %dma_start3A_676 = arith.constant 0 : i32
      %dma_start3A_677 = arith.constant 0 : i32
      %dma_start3A_678 = tpu.memref_slice %arg4[%dma_start3A_675, %dma_start3A_676, %dma_start3A_677] : memref<32x2x128xf32, #tpu.memory_space<hbm>> -> memref<8x2x128xf32, #tpu.memory_space<hbm>>
      tpu.enqueue_dma source(%dma_start3A_678 : memref<8x2x128xf32, #tpu.memory_space<hbm>>) target(%arg8 : memref<8x2x128xf32, #tpu.memory_space<vmem>>) target_semaphore(%run_scoped3A : memref<!tpu.dma_semaphore, #tpu.memory_space<semaphore_mem>>)
      %dma_wait3A = arith.constant 16 : i32
      %dma_wait3A_679 = arith.constant 0 : i32
      %dma_wait3A_680 = arith.constant 0 : i32
      %dma_wait3A_681 = tpu.memref_slice %arg4[%dma_wait3A, %dma_wait3A_679, %dma_wait3A_680] : memref<32x2x128xf32, #tpu.memory_space<hbm>> -> memref<8x2x128xf32, #tpu.memory_space<hbm>>
      %dma_wait3A_682 = arith.constant 16 : i32
      %dma_wait3A_683 = arith.constant 0 : i32
      %dma_wait3A_684 = arith.constant 0 : i32
      %dma_wait3A_685 = tpu.memref_slice %arg4[%dma_wait3A_682, %dma_wait3A_683, %dma_wait3A_684] : memref<32x2x128xf32, #tpu.memory_space<hbm>> -> memref<8x2x128xf32, #tpu.memory_space<hbm>>
      tpu.wait_dma2 semaphore(%run_scoped3A : memref<!tpu.dma_semaphore, #tpu.memory_space<semaphore_mem>>) src(%dma_wait3A_685 : memref<8x2x128xf32, #tpu.memory_space<hbm>>) dst(%arg8 : memref<8x2x128xf32, #tpu.memory_space<vmem>>)
      tpu.yield
    }) : () -> ()
    %scan3A_115 = arith.constant 0 : i32
    %scan3A_116 = arith.constant 0 : i32
    %scan3A_117 = arith.constant 8 : i32
    %scan3A_118 = arith.addi %scan3A_116, %scan3A_117 : i32
    %scan3A_119 = arith.constant 1 : i32
    %scan3A_120 = scf.for %scan3A_672 = %scan3A_116 to %scan3A_118 step %scan3A_119 iter_args(%scan3A_673 = %scan3A_115) -> (i32)  : i32 {
      %get3A_674 = arith.constant 0 : i32
      %get3A_675 = arith.index_cast %scan3A_672 : i32 to index
      %get3A_676 = arith.index_cast %get3A_674 : i32 to index
      %get3A_677 = arith.constant 0 : index
      %get3A_678 = tpu.vector_load %arg8[%get3A_675, %get3A_676, %get3A_677] {strides = array<i32>} : memref<8x2x128xf32, #tpu.memory_space<vmem>>, vector<1x1x16xf32>,
      %get3A_679 = vector.shape_cast %get3A_678 : vector<1x1x16xf32> to vector<16xf32>
      %swap3A_680 = arith.constant 0 : i32
      %swap3A_681 = arith.index_cast %swap3A_680 : i32 to index
      %swap3A_682 = arith.constant 0 : index
      %swap3A_683 = tpu.vector_load %arg9[%swap3A_681, %swap3A_682] {strides = array<i32>} : memref<2x128xf32, #tpu.memory_space<vmem>>, vector<1x16xf32>,
      %swap3A_684 = vector.shape_cast %swap3A_683 : vector<1x16xf32> to vector<16xf32>
      %swap3A_685 = vector.shape_cast %get3A_679 : vector<16xf32> to vector<1x16xf32>
      tpu.vector_store %arg9[%swap3A_681, %swap3A_682], %swap3A_685 {add = true, strides = array<i32>} : memref<2x128xf32, #tpu.memory_space<vmem>>, vector<1x16xf32>,
      %get3A_686 = arith.constant 1 : i32
      %get3A_687 = arith.index_cast %scan3A_672 : i32 to index
      %get3A_688 = arith.index_cast %get3A_686 : i32 to index
      %get3A_689 = arith.constant 0 : index
      %get3A_690 = tpu.vector_load %arg8[%get3A_687, %get3A_688, %get3A_689] {strides = array<i32>} : memref<8x2x128xf32, #tpu.memory_space<vmem>>, vector<1x1x16xf32>,
      %get3A_691 = vector.shape_cast %get3A_690 : vector<1x1x16xf32> to vector<16xf32>
      %swap3A_692 = arith.constant 1 : i32
      %swap3A_693 = arith.index_cast %swap3A_692 : i32 to index
      %swap3A_694 = arith.constant 0 : index
      %swap3A_695 = tpu.vector_load %arg9[%swap3A_693, %swap3A_694] {strides = array<i32>} : memref<2x128xf32, #tpu.memory_space<vmem>>, vector<1x16xf32>,
      %swap3A_696 = vector.shape_cast %swap3A_695 : vector<1x16xf32> to vector<16xf32>
      %swap3A_697 = vector.shape_cast %get3A_691 : vector<16xf32> to vector<1x16xf32>
      tpu.vector_store %arg9[%swap3A_693, %swap3A_694], %swap3A_697 {add = true, strides = array<i32>} : memref<2x128xf32, #tpu.memory_space<vmem>>, vector<1x16xf32>,
      %get3A_698 = arith.constant 0 : i32
      %get3A_699 = arith.index_cast %scan3A_672 : i32 to index
      %get3A_700 = arith.index_cast %get3A_698 : i32 to index
      %get3A_701 = arith.constant 16 : index
      %get3A_702 = tpu.vector_load %arg8[%get3A_699, %get3A_700, %get3A_701] {strides = array<i32>} : memref<8x2x128xf32, #tpu.memory_space<vmem>>, vector<1x1x16xf32>,
      %get3A_703 = vector.shape_cast %get3A_702 : vector<1x1x16xf32> to vector<16xf32>
      %swap3A_704 = arith.constant 0 : i32
      %swap3A_705 = arith.index_cast %swap3A_704 : i32 to index
      %swap3A_706 = arith.constant 16 : index
      %swap3A_707 = tpu.vector_load %arg9[%swap3A_705, %swap3A_706] {strides = array<i32>} : memref<2x128xf32, #tpu.memory_space<vmem>>, vector<1x16xf32>,
      %swap3A_708 = vector.shape_cast %swap3A_707 : vector<1x16xf32> to vector<16xf32>
      %swap3A_709 = vector.shape_cast %get3A_703 : vector<16xf32> to vector<1x16xf32>
      tpu.vector_store %arg9[%swap3A_705, %swap3A_706], %swap3A_709 {add = true, strides = array<i32>} : memref<2x128xf32, #tpu.memory_space<vmem>>, vector<1x16xf32>,
      %get3A_710 = arith.constant 1 : i32
      %get3A_711 = arith.index_cast %scan3A_672 : i32 to index
      %get3A_712 = arith.index_cast %get3A_710 : i32 to index
      %get3A_713 = arith.constant 16 : index
      %get3A_714 = tpu.vector_load %arg8[%get3A_711, %get3A_712, %get3A_713] {strides = array<i32>} : memref<8x2x128xf32, #tpu.memory_space<vmem>>, vector<1x1x16xf32>,
      %get3A_715 = vector.shape_cast %get3A_714 : vector<1x1x16xf32> to vector<16xf32>
      %swap3A_716 = arith.constant 1 : i32
      %swap3A_717 = arith.index_cast %swap3A_716 : i32 to index
      %swap3A_718 = arith.constant 16 : index
      %swap3A_719 = tpu.vector_load %arg9[%swap3A_717, %swap3A_718] {strides = array<i32>} : memref<2x128xf32, #tpu.memory_space<vmem>>, vector<1x16xf32>,
      %swap3A_720 = vector.shape_cast %swap3A_719 : vector<1x16xf32> to vector<16xf32>
      %swap3A_721 = vector.shape_cast %get3A_715 : vector<16xf32> to vector<1x16xf32>
      tpu.vector_store %arg9[%swap3A_717, %swap3A_718], %swap3A_721 {add = true, strides = array<i32>} : memref<2x128xf32, #tpu.memory_space<vmem>>, vector<1x16xf32>,
      %get3A_722 = arith.constant 0 : i32
      %get3A_723 = arith.index_cast %scan3A_672 : i32 to index
      %get3A_724 = arith.index_cast %get3A_722 : i32 to index
      %get3A_725 = arith.constant 32 : index
      %get3A_726 = tpu.vector_load %arg8[%get3A_723, %get3A_724, %get3A_725] {strides = array<i32>} : memref<8x2x128xf32, #tpu.memory_space<vmem>>, vector<1x1x16xf32>,
      %get3A_727 = vector.shape_cast %get3A_726 : vector<1x1x16xf32> to vector<16xf32>
      %swap3A_728 = arith.constant 0 : i32
      %swap3A_729 = arith.index_cast %swap3A_728 : i32 to index
      %swap3A_730 = arith.constant 32 : index
      %swap3A_731 = tpu.vector_load %arg9[%swap3A_729, %swap3A_730] {strides = array<i32>} : memref<2x128xf32, #tpu.memory_space<vmem>>, vector<1x16xf32>,
      %swap3A_732 = vector.shape_cast %swap3A_731 : vector<1x16xf32> to vector<16xf32>
      %swap3A_733 = vector.shape_cast %get3A_727 : vector<16xf32> to vector<1x16xf32>
      tpu.vector_store %arg9[%swap3A_729, %swap3A_730], %swap3A_733 {add = true, strides = array<i32>} : memref<2x128xf32, #tpu.memory_space<vmem>>, vector<1x16xf32>,
      %get3A_734 = arith.constant 1 : i32
      %get3A_735 = arith.index_cast %scan3A_672 : i32 to index
      %get3A_736 = arith.index_cast %get3A_734 : i32 to index
      %get3A_737 = arith.constant 32 : index
      %get3A_738 = tpu.vector_load %arg8[%get3A_735, %get3A_736, %get3A_737] {strides = array<i32>} : memref<8x2x128xf32, #tpu.memory_space<vmem>>, vector<1x1x16xf32>,
      %get3A_739 = vector.shape_cast %get3A_738 : vector<1x1x16xf32> to vector<16xf32>
      %swap3A_740 = arith.constant 1 : i32
      %swap3A_741 = arith.index_cast %swap3A_740 : i32 to index
      %swap3A_742 = arith.constant 32 : index
      %swap3A_743 = tpu.vector_load %arg9[%swap3A_741, %swap3A_742] {strides = array<i32>} : memref<2x128xf32, #tpu.memory_space<vmem>>, vector<1x16xf32>,
      %swap3A_744 = vector.shape_cast %swap3A_743 : vector<1x16xf32> to vector<16xf32>
      %swap3A_745 = vector.shape_cast %get3A_739 : vector<16xf32> to vector<1x16xf32>
      tpu.vector_store %arg9[%swap3A_741, %swap3A_742], %swap3A_745 {add = true, strides = array<i32>} : memref<2x128xf32, #tpu.memory_space<vmem>>, vector<1x16xf32>,
      %get3A_746 = arith.constant 0 : i32
      %get3A_747 = arith.index_cast %scan3A_672 : i32 to index
      %get3A_748 = arith.index_cast %get3A_746 : i32 to index
      %get3A_749 = arith.constant 48 : index
      %get3A_750 = tpu.vector_load %arg8[%get3A_747, %get3A_748, %get3A_749] {strides = array<i32>} : memref<8x2x128xf32, #tpu.memory_space<vmem>>, vector<1x1x16xf32>,
      %get3A_751 = vector.shape_cast %get3A_750 : vector<1x1x16xf32> to vector<16xf32>
      %swap3A_752 = arith.constant 0 : i32
      %swap3A_753 = arith.index_cast %swap3A_752 : i32 to index
      %swap3A_754 = arith.constant 48 : index
      %swap3A_755 = tpu.vector_load %arg9[%swap3A_753, %swap3A_754] {strides = array<i32>} : memref<2x128xf32, #tpu.memory_space<vmem>>, vector<1x16xf32>,
      %swap3A_756 = vector.shape_cast %swap3A_755 : vector<1x16xf32> to vector<16xf32>
      %swap3A_757 = vector.shape_cast %get3A_751 : vector<16xf32> to vector<1x16xf32>
      tpu.vector_store %arg9[%swap3A_753, %swap3A_754], %swap3A_757 {add = true, strides = array<i32>} : memref<2x128xf32, #tpu.memory_space<vmem>>, vector<1x16xf32>,
      %get3A_758 = arith.constant 1 : i32
      %get3A_759 = arith.index_cast %scan3A_672 : i32 to index
      %get3A_760 = arith.index_cast %get3A_758 : i32 to index
      %get3A_761 = arith.constant 48 : index
      %get3A_762 = tpu.vector_load %arg8[%get3A_759, %get3A_760, %get3A_761] {strides = array<i32>} : memref<8x2x128xf32, #tpu.memory_space<vmem>>, vector<1x1x16xf32>,
      %get3A_763 = vector.shape_cast %get3A_762 : vector<1x1x16xf32> to vector<16xf32>
      %swap3A_764 = arith.constant 1 : i32
      %swap3A_765 = arith.index_cast %swap3A_764 : i32 to index
      %swap3A_766 = arith.constant 48 : index
      %swap3A_767 = tpu.vector_load %arg9[%swap3A_765, %swap3A_766] {strides = array<i32>} : memref<2x128xf32, #tpu.memory_space<vmem>>, vector<1x16xf32>,
      %swap3A_768 = vector.shape_cast %swap3A_767 : vector<1x16xf32> to vector<16xf32>
      %swap3A_769 = vector.shape_cast %get3A_763 : vector<16xf32> to vector<1x16xf32>
      tpu.vector_store %arg9[%swap3A_765, %swap3A_766], %swap3A_769 {add = true, strides = array<i32>} : memref<2x128xf32, #tpu.memory_space<vmem>>, vector<1x16xf32>,
      %get3A_770 = arith.constant 0 : i32
      %get3A_771 = arith.index_cast %scan3A_672 : i32 to index
      %get3A_772 = arith.index_cast %get3A_770 : i32 to index
      %get3A_773 = arith.constant 64 : index
      %get3A_774 = tpu.vector_load %arg8[%get3A_771, %get3A_772, %get3A_773] {strides = array<i32>} : memref<8x2x128xf32, #tpu.memory_space<vmem>>, vector<1x1x16xf32>,
      %get3A_775 = vector.shape_cast %get3A_774 : vector<1x1x16xf32> to vector<16xf32>
      %swap3A_776 = arith.constant 0 : i32
      %swap3A_777 = arith.index_cast %swap3A_776 : i32 to index
      %swap3A_778 = arith.constant 64 : index
      %swap3A_779 = tpu.vector_load %arg9[%swap3A_777, %swap3A_778] {strides = array<i32>} : memref<2x128xf32, #tpu.memory_space<vmem>>, vector<1x16xf32>,
      %swap3A_780 = vector.shape_cast %swap3A_779 : vector<1x16xf32> to vector<16xf32>
      %swap3A_781 = vector.shape_cast %get3A_775 : vector<16xf32> to vector<1x16xf32>
      tpu.vector_store %arg9[%swap3A_777, %swap3A_778], %swap3A_781 {add = true, strides = array<i32>} : memref<2x128xf32, #tpu.memory_space<vmem>>, vector<1x16xf32>,
      %get3A_782 = arith.constant 1 : i32
      %get3A_783 = arith.index_cast %scan3A_672 : i32 to index
      %get3A_784 = arith.index_cast %get3A_782 : i32 to index
      %get3A_785 = arith.constant 64 : index
      %get3A_786 = tpu.vector_load %arg8[%get3A_783, %get3A_784, %get3A_785] {strides = array<i32>} : memref<8x2x128xf32, #tpu.memory_space<vmem>>, vector<1x1x16xf32>,
      %get3A_787 = vector.shape_cast %get3A_786 : vector<1x1x16xf32> to vector<16xf32>
      %swap3A_788 = arith.constant 1 : i32
      %swap3A_789 = arith.index_cast %swap3A_788 : i32 to index
      %swap3A_790 = arith.constant 64 : index
      %swap3A_791 = tpu.vector_load %arg9[%swap3A_789, %swap3A_790] {strides = array<i32>} : memref<2x128xf32, #tpu.memory_space<vmem>>, vector<1x16xf32>,
      %swap3A_792 = vector.shape_cast %swap3A_791 : vector<1x16xf32> to vector<16xf32>
      %swap3A_793 = vector.shape_cast %get3A_787 : vector<16xf32> to vector<1x16xf32>
      tpu.vector_store %arg9[%swap3A_789, %swap3A_790], %swap3A_793 {add = true, strides = array<i32>} : memref<2x128xf32, #tpu.memory_space<vmem>>, vector<1x16xf32>,
      %get3A_794 = arith.constant 0 : i32
      %get3A_795 = arith.index_cast %scan3A_672 : i32 to index
      %get3A_796 = arith.index_cast %get3A_794 : i32 to index
      %get3A_797 = arith.constant 80 : index
      %get3A_798 = tpu.vector_load %arg8[%get3A_795, %get3A_796, %get3A_797] {strides = array<i32>} : memref<8x2x128xf32, #tpu.memory_space<vmem>>, vector<1x1x16xf32>,
      %get3A_799 = vector.shape_cast %get3A_798 : vector<1x1x16xf32> to vector<16xf32>
      %swap3A_800 = arith.constant 0 : i32
      %swap3A_801 = arith.index_cast %swap3A_800 : i32 to index
      %swap3A_802 = arith.constant 80 : index
      %swap3A_803 = tpu.vector_load %arg9[%swap3A_801, %swap3A_802] {strides = array<i32>} : memref<2x128xf32, #tpu.memory_space<vmem>>, vector<1x16xf32>,
      %swap3A_804 = vector.shape_cast %swap3A_803 : vector<1x16xf32> to vector<16xf32>
      %swap3A_805 = vector.shape_cast %get3A_799 : vector<16xf32> to vector<1x16xf32>
      tpu.vector_store %arg9[%swap3A_801, %swap3A_802], %swap3A_805 {add = true, strides = array<i32>} : memref<2x128xf32, #tpu.memory_space<vmem>>, vector<1x16xf32>,
      %get3A_806 = arith.constant 1 : i32
      %get3A_807 = arith.index_cast %scan3A_672 : i32 to index
      %get3A_808 = arith.index_cast %get3A_806 : i32 to index
      %get3A_809 = arith.constant 80 : index
      %get3A_810 = tpu.vector_load %arg8[%get3A_807, %get3A_808, %get3A_809] {strides = array<i32>} : memref<8x2x128xf32, #tpu.memory_space<vmem>>, vector<1x1x16xf32>,
      %get3A_811 = vector.shape_cast %get3A_810 : vector<1x1x16xf32> to vector<16xf32>
      %swap3A_812 = arith.constant 1 : i32
      %swap3A_813 = arith.index_cast %swap3A_812 : i32 to index
      %swap3A_814 = arith.constant 80 : index
      %swap3A_815 = tpu.vector_load %arg9[%swap3A_813, %swap3A_814] {strides = array<i32>} : memref<2x128xf32, #tpu.memory_space<vmem>>, vector<1x16xf32>,
      %swap3A_816 = vector.shape_cast %swap3A_815 : vector<1x16xf32> to vector<16xf32>
      %swap3A_817 = vector.shape_cast %get3A_811 : vector<16xf32> to vector<1x16xf32>
      tpu.vector_store %arg9[%swap3A_813, %swap3A_814], %swap3A_817 {add = true, strides = array<i32>} : memref<2x128xf32, #tpu.memory_space<vmem>>, vector<1x16xf32>,
      %get3A_818 = arith.constant 0 : i32
      %get3A_819 = arith.index_cast %scan3A_672 : i32 to index
      %get3A_820 = arith.index_cast %get3A_818 : i32 to index
      %get3A_821 = arith.constant 96 : index
      %get3A_822 = tpu.vector_load %arg8[%get3A_819, %get3A_820, %get3A_821] {strides = array<i32>} : memref<8x2x128xf32, #tpu.memory_space<vmem>>, vector<1x1x16xf32>,
      %get3A_823 = vector.shape_cast %get3A_822 : vector<1x1x16xf32> to vector<16xf32>
      %swap3A_824 = arith.constant 0 : i32
      %swap3A_825 = arith.index_cast %swap3A_824 : i32 to index
      %swap3A_826 = arith.constant 96 : index
      %swap3A_827 = tpu.vector_load %arg9[%swap3A_825, %swap3A_826] {strides = array<i32>} : memref<2x128xf32, #tpu.memory_space<vmem>>, vector<1x16xf32>,
      %swap3A_828 = vector.shape_cast %swap3A_827 : vector<1x16xf32> to vector<16xf32>
      %swap3A_829 = vector.shape_cast %get3A_823 : vector<16xf32> to vector<1x16xf32>
      tpu.vector_store %arg9[%swap3A_825, %swap3A_826], %swap3A_829 {add = true, strides = array<i32>} : memref<2x128xf32, #tpu.memory_space<vmem>>, vector<1x16xf32>,
      %get3A_830 = arith.constant 1 : i32
      %get3A_831 = arith.index_cast %scan3A_672 : i32 to index
      %get3A_832 = arith.index_cast %get3A_830 : i32 to index
      %get3A_833 = arith.constant 96 : index
      %get3A_834 = tpu.vector_load %arg8[%get3A_831, %get3A_832, %get3A_833] {strides = array<i32>} : memref<8x2x128xf32, #tpu.memory_space<vmem>>, vector<1x1x16xf32>,
      %get3A_835 = vector.shape_cast %get3A_834 : vector<1x1x16xf32> to vector<16xf32>
      %swap3A_836 = arith.constant 1 : i32
      %swap3A_837 = arith.index_cast %swap3A_836 : i32 to index
      %swap3A_838 = arith.constant 96 : index
      %swap3A_839 = tpu.vector_load %arg9[%swap3A_837, %swap3A_838] {strides = array<i32>} : memref<2x128xf32, #tpu.memory_space<vmem>>, vector<1x16xf32>,
      %swap3A_840 = vector.shape_cast %swap3A_839 : vector<1x16xf32> to vector<16xf32>
      %swap3A_841 = vector.shape_cast %get3A_835 : vector<16xf32> to vector<1x16xf32>
      tpu.vector_store %arg9[%swap3A_837, %swap3A_838], %swap3A_841 {add = true, strides = array<i32>} : memref<2x128xf32, #tpu.memory_space<vmem>>, vector<1x16xf32>,
      %get3A_842 = arith.constant 0 : i32
      %get3A_843 = arith.index_cast %scan3A_672 : i32 to index
      %get3A_844 = arith.index_cast %get3A_842 : i32 to index
      %get3A_845 = arith.constant 112 : index
      %get3A_846 = tpu.vector_load %arg8[%get3A_843, %get3A_844, %get3A_845] {strides = array<i32>} : memref<8x2x128xf32, #tpu.memory_space<vmem>>, vector<1x1x16xf32>,
      %get3A_847 = vector.shape_cast %get3A_846 : vector<1x1x16xf32> to vector<16xf32>
      %swap3A_848 = arith.constant 0 : i32
      %swap3A_849 = arith.index_cast %swap3A_848 : i32 to index
      %swap3A_850 = arith.constant 112 : index
      %swap3A_851 = tpu.vector_load %arg9[%swap3A_849, %swap3A_850] {strides = array<i32>} : memref<2x128xf32, #tpu.memory_space<vmem>>, vector<1x16xf32>,
      %swap3A_852 = vector.shape_cast %swap3A_851 : vector<1x16xf32> to vector<16xf32>
      %swap3A_853 = vector.shape_cast %get3A_847 : vector<16xf32> to vector<1x16xf32>
      tpu.vector_store %arg9[%swap3A_849, %swap3A_850], %swap3A_853 {add = true, strides = array<i32>} : memref<2x128xf32, #tpu.memory_space<vmem>>, vector<1x16xf32>,
      %get3A_854 = arith.constant 1 : i32
      %get3A_855 = arith.index_cast %scan3A_672 : i32 to index
      %get3A_856 = arith.index_cast %get3A_854 : i32 to index
      %get3A_857 = arith.constant 112 : index
      %get3A_858 = tpu.vector_load %arg8[%get3A_855, %get3A_856, %get3A_857] {strides = array<i32>} : memref<8x2x128xf32, #tpu.memory_space<vmem>>, vector<1x1x16xf32>,
      %get3A_859 = vector.shape_cast %get3A_858 : vector<1x1x16xf32> to vector<16xf32>
      %swap3A_860 = arith.constant 1 : i32
      %swap3A_861 = arith.index_cast %swap3A_860 : i32 to index
      %swap3A_862 = arith.constant 112 : index
      %swap3A_863 = tpu.vector_load %arg9[%swap3A_861, %swap3A_862] {strides = array<i32>} : memref<2x128xf32, #tpu.memory_space<vmem>>, vector<1x16xf32>,
      %swap3A_864 = vector.shape_cast %swap3A_863 : vector<1x16xf32> to vector<16xf32>
      %swap3A_865 = vector.shape_cast %get3A_859 : vector<16xf32> to vector<1x16xf32>
      tpu.vector_store %arg9[%swap3A_861, %swap3A_862], %swap3A_865 {add = true, strides = array<i32>} : memref<2x128xf32, #tpu.memory_space<vmem>>, vector<1x16xf32>,
      %scan3A_866 = arith.constant 0 : i32
      scf.yield %scan3A_866 : i32
    }
    %scan3A_121 = arith.constant 8 : i32
    "tpu.region"() ({
      %run_scoped3A = tpu.sem_alloc : memref<!tpu.dma_semaphore, #tpu.memory_space<semaphore_mem>>
      %dma_start3A = arith.constant 24 : i32
      %dma_start3A_672 = arith.constant 0 : i32
      %dma_start3A_673 = arith.constant 0 : i32
      %dma_start3A_674 = tpu.memref_slice %arg4[%dma_start3A, %dma_start3A_672, %dma_start3A_673] : memref<32x2x128xf32, #tpu.memory_space<hbm>> -> memref<8x2x128xf32, #tpu.memory_space<hbm>>
      %dma_start3A_675 = arith.constant 24 : i32
      %dma_start3A_676 = arith.constant 0 : i32
      %dma_start3A_677 = arith.constant 0 : i32
      %dma_start3A_678 = tpu.memref_slice %arg4[%dma_start3A_675, %dma_start3A_676, %dma_start3A_677] : memref<32x2x128xf32, #tpu.memory_space<hbm>> -> memref<8x2x128xf32, #tpu.memory_space<hbm>>
      tpu.enqueue_dma source(%dma_start3A_678 : memref<8x2x128xf32, #tpu.memory_space<hbm>>) target(%arg8 : memref<8x2x128xf32, #tpu.memory_space<vmem>>) target_semaphore(%run_scoped3A : memref<!tpu.dma_semaphore, #tpu.memory_space<semaphore_mem>>)
      %dma_wait3A = arith.constant 24 : i32
      %dma_wait3A_679 = arith.constant 0 : i32
      %dma_wait3A_680 = arith.constant 0 : i32
      %dma_wait3A_681 = tpu.memref_slice %arg4[%dma_wait3A, %dma_wait3A_679, %dma_wait3A_680] : memref<32x2x128xf32, #tpu.memory_space<hbm>> -> memref<8x2x128xf32, #tpu.memory_space<hbm>>
      %dma_wait3A_682 = arith.constant 24 : i32
      %dma_wait3A_683 = arith.constant 0 : i32
      %dma_wait3A_684 = arith.constant 0 : i32
      %dma_wait3A_685 = tpu.memref_slice %arg4[%dma_wait3A_682, %dma_wait3A_683, %dma_wait3A_684] : memref<32x2x128xf32, #tpu.memory_space<hbm>> -> memref<8x2x128xf32, #tpu.memory_space<hbm>>
      tpu.wait_dma2 semaphore(%run_scoped3A : memref<!tpu.dma_semaphore, #tpu.memory_space<semaphore_mem>>) src(%dma_wait3A_685 : memref<8x2x128xf32, #tpu.memory_space<hbm>>) dst(%arg8 : memref<8x2x128xf32, #tpu.memory_space<vmem>>)
      tpu.yield
    }) : () -> ()
    %scan3A_122 = arith.constant 0 : i32
    %scan3A_123 = arith.constant 0 : i32
    %scan3A_124 = arith.constant 8 : i32
    %scan3A_125 = arith.addi %scan3A_123, %scan3A_124 : i32
    %scan3A_126 = arith.constant 1 : i32
    %scan3A_127 = scf.for %scan3A_672 = %scan3A_123 to %scan3A_125 step %scan3A_126 iter_args(%scan3A_673 = %scan3A_122) -> (i32)  : i32 {
      %get3A_674 = arith.constant 0 : i32
      %get3A_675 = arith.index_cast %scan3A_672 : i32 to index
      %get3A_676 = arith.index_cast %get3A_674 : i32 to index
      %get3A_677 = arith.constant 0 : index
      %get3A_678 = tpu.vector_load %arg8[%get3A_675, %get3A_676, %get3A_677] {strides = array<i32>} : memref<8x2x128xf32, #tpu.memory_space<vmem>>, vector<1x1x16xf32>,
      %get3A_679 = vector.shape_cast %get3A_678 : vector<1x1x16xf32> to vector<16xf32>
      %swap3A_680 = arith.constant 0 : i32
      %swap3A_681 = arith.index_cast %swap3A_680 : i32 to index
      %swap3A_682 = arith.constant 0 : index
      %swap3A_683 = tpu.vector_load %arg9[%swap3A_681, %swap3A_682] {strides = array<i32>} : memref<2x128xf32, #tpu.memory_space<vmem>>, vector<1x16xf32>,
      %swap3A_684 = vector.shape_cast %swap3A_683 : vector<1x16xf32> to vector<16xf32>
      %swap3A_685 = vector.shape_cast %get3A_679 : vector<16xf32> to vector<1x16xf32>
      tpu.vector_store %arg9[%swap3A_681, %swap3A_682], %swap3A_685 {add = true, strides = array<i32>} : memref<2x128xf32, #tpu.memory_space<vmem>>, vector<1x16xf32>,
      %get3A_686 = arith.constant 1 : i32
      %get3A_687 = arith.index_cast %scan3A_672 : i32 to index
      %get3A_688 = arith.index_cast %get3A_686 : i32 to index
      %get3A_689 = arith.constant 0 : index
      %get3A_690 = tpu.vector_load %arg8[%get3A_687, %get3A_688, %get3A_689] {strides = array<i32>} : memref<8x2x128xf32, #tpu.memory_space<vmem>>, vector<1x1x16xf32>,
      %get3A_691 = vector.shape_cast %get3A_690 : vector<1x1x16xf32> to vector<16xf32>
      %swap3A_692 = arith.constant 1 : i32
      %swap3A_693 = arith.index_cast %swap3A_692 : i32 to index
      %swap3A_694 = arith.constant 0 : index
      %swap3A_695 = tpu.vector_load %arg9[%swap3A_693, %swap3A_694] {strides = array<i32>} : memref<2x128xf32, #tpu.memory_space<vmem>>, vector<1x16xf32>,
      %swap3A_696 = vector.shape_cast %swap3A_695 : vector<1x16xf32> to vector<16xf32>
      %swap3A_697 = vector.shape_cast %get3A_691 : vector<16xf32> to vector<1x16xf32>
      tpu.vector_store %arg9[%swap3A_693, %swap3A_694], %swap3A_697 {add = true, strides = array<i32>} : memref<2x128xf32, #tpu.memory_space<vmem>>, vector<1x16xf32>,
      %get3A_698 = arith.constant 0 : i32
      %get3A_699 = arith.index_cast %scan3A_672 : i32 to index
      %get3A_700 = arith.index_cast %get3A_698 : i32 to index
      %get3A_701 = arith.constant 16 : index
      %get3A_702 = tpu.vector_load %arg8[%get3A_699, %get3A_700, %get3A_701] {strides = array<i32>} : memref<8x2x128xf32, #tpu.memory_space<vmem>>, vector<1x1x16xf32>,
      %get3A_703 = vector.shape_cast %get3A_702 : vector<1x1x16xf32> to vector<16xf32>
      %swap3A_704 = arith.constant 0 : i32
      %swap3A_705 = arith.index_cast %swap3A_704 : i32 to index
      %swap3A_706 = arith.constant 16 : index
      %swap3A_707 = tpu.vector_load %arg9[%swap3A_705, %swap3A_706] {strides = array<i32>} : memref<2x128xf32, #tpu.memory_space<vmem>>, vector<1x16xf32>,
      %swap3A_708 = vector.shape_cast %swap3A_707 : vector<1x16xf32> to vector<16xf32>
      %swap3A_709 = vector.shape_cast %get3A_703 : vector<16xf32> to vector<1x16xf32>
      tpu.vector_store %arg9[%swap3A_705, %swap3A_706], %swap3A_709 {add = true, strides = array<i32>} : memref<2x128xf32, #tpu.memory_space<vmem>>, vector<1x16xf32>,
      %get3A_710 = arith.constant 1 : i32
      %get3A_711 = arith.index_cast %scan3A_672 : i32 to index
      %get3A_712 = arith.index_cast %get3A_710 : i32 to index
      %get3A_713 = arith.constant 16 : index
      %get3A_714 = tpu.vector_load %arg8[%get3A_711, %get3A_712, %get3A_713] {strides = array<i32>} : memref<8x2x128xf32, #tpu.memory_space<vmem>>, vector<1x1x16xf32>,
      %get3A_715 = vector.shape_cast %get3A_714 : vector<1x1x16xf32> to vector<16xf32>
      %swap3A_716 = arith.constant 1 : i32
      %swap3A_717 = arith.index_cast %swap3A_716 : i32 to index
      %swap3A_718 = arith.constant 16 : index
      %swap3A_719 = tpu.vector_load %arg9[%swap3A_717, %swap3A_718] {strides = array<i32>} : memref<2x128xf32, #tpu.memory_space<vmem>>, vector<1x16xf32>,
      %swap3A_720 = vector.shape_cast %swap3A_719 : vector<1x16xf32> to vector<16xf32>
      %swap3A_721 = vector.shape_cast %get3A_715 : vector<16xf32> to vector<1x16xf32>
      tpu.vector_store %arg9[%swap3A_717, %swap3A_718], %swap3A_721 {add = true, strides = array<i32>} : memref<2x128xf32, #tpu.memory_space<vmem>>, vector<1x16xf32>,
      %get3A_722 = arith.constant 0 : i32
      %get3A_723 = arith.index_cast %scan3A_672 : i32 to index
      %get3A_724 = arith.index_cast %get3A_722 : i32 to index
      %get3A_725 = arith.constant 32 : index
      %get3A_726 = tpu.vector_load %arg8[%get3A_723, %get3A_724, %get3A_725] {strides = array<i32>} : memref<8x2x128xf32, #tpu.memory_space<vmem>>, vector<1x1x16xf32>,
      %get3A_727 = vector.shape_cast %get3A_726 : vector<1x1x16xf32> to vector<16xf32>
      %swap3A_728 = arith.constant 0 : i32
      %swap3A_729 = arith.index_cast %swap3A_728 : i32 to index
      %swap3A_730 = arith.constant 32 : index
      %swap3A_731 = tpu.vector_load %arg9[%swap3A_729, %swap3A_730] {strides = array<i32>} : memref<2x128xf32, #tpu.memory_space<vmem>>, vector<1x16xf32>,
      %swap3A_732 = vector.shape_cast %swap3A_731 : vector<1x16xf32> to vector<16xf32>
      %swap3A_733 = vector.shape_cast %get3A_727 : vector<16xf32> to vector<1x16xf32>
      tpu.vector_store %arg9[%swap3A_729, %swap3A_730], %swap3A_733 {add = true, strides = array<i32>} : memref<2x128xf32, #tpu.memory_space<vmem>>, vector<1x16xf32>,
      %get3A_734 = arith.constant 1 : i32
      %get3A_735 = arith.index_cast %scan3A_672 : i32 to index
      %get3A_736 = arith.index_cast %get3A_734 : i32 to index
      %get3A_737 = arith.constant 32 : index
      %get3A_738 = tpu.vector_load %arg8[%get3A_735, %get3A_736, %get3A_737] {strides = array<i32>} : memref<8x2x128xf32, #tpu.memory_space<vmem>>, vector<1x1x16xf32>,
      %get3A_739 = vector.shape_cast %get3A_738 : vector<1x1x16xf32> to vector<16xf32>
      %swap3A_740 = arith.constant 1 : i32
      %swap3A_741 = arith.index_cast %swap3A_740 : i32 to index
      %swap3A_742 = arith.constant 32 : index
      %swap3A_743 = tpu.vector_load %arg9[%swap3A_741, %swap3A_742] {strides = array<i32>} : memref<2x128xf32, #tpu.memory_space<vmem>>, vector<1x16xf32>,
      %swap3A_744 = vector.shape_cast %swap3A_743 : vector<1x16xf32> to vector<16xf32>
      %swap3A_745 = vector.shape_cast %get3A_739 : vector<16xf32> to vector<1x16xf32>
      tpu.vector_store %arg9[%swap3A_741, %swap3A_742], %swap3A_745 {add = true, strides = array<i32>} : memref<2x128xf32, #tpu.memory_space<vmem>>, vector<1x16xf32>,
      %get3A_746 = arith.constant 0 : i32
      %get3A_747 = arith.index_cast %scan3A_672 : i32 to index
      %get3A_748 = arith.index_cast %get3A_746 : i32 to index
      %get3A_749 = arith.constant 48 : index
      %get3A_750 = tpu.vector_load %arg8[%get3A_747, %get3A_748, %get3A_749] {strides = array<i32>} : memref<8x2x128xf32, #tpu.memory_space<vmem>>, vector<1x1x16xf32>,
      %get3A_751 = vector.shape_cast %get3A_750 : vector<1x1x16xf32> to vector<16xf32>
      %swap3A_752 = arith.constant 0 : i32
      %swap3A_753 = arith.index_cast %swap3A_752 : i32 to index
      %swap3A_754 = arith.constant 48 : index
      %swap3A_755 = tpu.vector_load %arg9[%swap3A_753, %swap3A_754] {strides = array<i32>} : memref<2x128xf32, #tpu.memory_space<vmem>>, vector<1x16xf32>,
      %swap3A_756 = vector.shape_cast %swap3A_755 : vector<1x16xf32> to vector<16xf32>
      %swap3A_757 = vector.shape_cast %get3A_751 : vector<16xf32> to vector<1x16xf32>
      tpu.vector_store %arg9[%swap3A_753, %swap3A_754], %swap3A_757 {add = true, strides = array<i32>} : memref<2x128xf32, #tpu.memory_space<vmem>>, vector<1x16xf32>,
      %get3A_758 = arith.constant 1 : i32
      %get3A_759 = arith.index_cast %scan3A_672 : i32 to index
      %get3A_760 = arith.index_cast %get3A_758 : i32 to index
      %get3A_761 = arith.constant 48 : index
      %get3A_762 = tpu.vector_load %arg8[%get3A_759, %get3A_760, %get3A_761] {strides = array<i32>} : memref<8x2x128xf32, #tpu.memory_space<vmem>>, vector<1x1x16xf32>,
      %get3A_763 = vector.shape_cast %get3A_762 : vector<1x1x16xf32> to vector<16xf32>
      %swap3A_764 = arith.constant 1 : i32
      %swap3A_765 = arith.index_cast %swap3A_764 : i32 to index
      %swap3A_766 = arith.constant 48 : index
      %swap3A_767 = tpu.vector_load %arg9[%swap3A_765, %swap3A_766] {strides = array<i32>} : memref<2x128xf32, #tpu.memory_space<vmem>>, vector<1x16xf32>,
      %swap3A_768 = vector.shape_cast %swap3A_767 : vector<1x16xf32> to vector<16xf32>
      %swap3A_769 = vector.shape_cast %get3A_763 : vector<16xf32> to vector<1x16xf32>
      tpu.vector_store %arg9[%swap3A_765, %swap3A_766], %swap3A_769 {add = true, strides = array<i32>} : memref<2x128xf32, #tpu.memory_space<vmem>>, vector<1x16xf32>,
      %get3A_770 = arith.constant 0 : i32
      %get3A_771 = arith.index_cast %scan3A_672 : i32 to index
      %get3A_772 = arith.index_cast %get3A_770 : i32 to index
      %get3A_773 = arith.constant 64 : index
      %get3A_774 = tpu.vector_load %arg8[%get3A_771, %get3A_772, %get3A_773] {strides = array<i32>} : memref<8x2x128xf32, #tpu.memory_space<vmem>>, vector<1x1x16xf32>,
      %get3A_775 = vector.shape_cast %get3A_774 : vector<1x1x16xf32> to vector<16xf32>
      %swap3A_776 = arith.constant 0 : i32
      %swap3A_777 = arith.index_cast %swap3A_776 : i32 to index
      %swap3A_778 = arith.constant 64 : index
      %swap3A_779 = tpu.vector_load %arg9[%swap3A_777, %swap3A_778] {strides = array<i32>} : memref<2x128xf32, #tpu.memory_space<vmem>>, vector<1x16xf32>,
      %swap3A_780 = vector.shape_cast %swap3A_779 : vector<1x16xf32> to vector<16xf32>
      %swap3A_781 = vector.shape_cast %get3A_775 : vector<16xf32> to vector<1x16xf32>
      tpu.vector_store %arg9[%swap3A_777, %swap3A_778], %swap3A_781 {add = true, strides = array<i32>} : memref<2x128xf32, #tpu.memory_space<vmem>>, vector<1x16xf32>,
      %get3A_782 = arith.constant 1 : i32
      %get3A_783 = arith.index_cast %scan3A_672 : i32 to index
      %get3A_784 = arith.index_cast %get3A_782 : i32 to index
      %get3A_785 = arith.constant 64 : index
      %get3A_786 = tpu.vector_load %arg8[%get3A_783, %get3A_784, %get3A_785] {strides = array<i32>} : memref<8x2x128xf32, #tpu.memory_space<vmem>>, vector<1x1x16xf32>,
      %get3A_787 = vector.shape_cast %get3A_786 : vector<1x1x16xf32> to vector<16xf32>
      %swap3A_788 = arith.constant 1 : i32
      %swap3A_789 = arith.index_cast %swap3A_788 : i32 to index
      %swap3A_790 = arith.constant 64 : index
      %swap3A_791 = tpu.vector_load %arg9[%swap3A_789, %swap3A_790] {strides = array<i32>} : memref<2x128xf32, #tpu.memory_space<vmem>>, vector<1x16xf32>,
      %swap3A_792 = vector.shape_cast %swap3A_791 : vector<1x16xf32> to vector<16xf32>
      %swap3A_793 = vector.shape_cast %get3A_787 : vector<16xf32> to vector<1x16xf32>
      tpu.vector_store %arg9[%swap3A_789, %swap3A_790], %swap3A_793 {add = true, strides = array<i32>} : memref<2x128xf32, #tpu.memory_space<vmem>>, vector<1x16xf32>,
      %get3A_794 = arith.constant 0 : i32
      %get3A_795 = arith.index_cast %scan3A_672 : i32 to index
      %get3A_796 = arith.index_cast %get3A_794 : i32 to index
      %get3A_797 = arith.constant 80 : index
      %get3A_798 = tpu.vector_load %arg8[%get3A_795, %get3A_796, %get3A_797] {strides = array<i32>} : memref<8x2x128xf32, #tpu.memory_space<vmem>>, vector<1x1x16xf32>,
      %get3A_799 = vector.shape_cast %get3A_798 : vector<1x1x16xf32> to vector<16xf32>
      %swap3A_800 = arith.constant 0 : i32
      %swap3A_801 = arith.index_cast %swap3A_800 : i32 to index
      %swap3A_802 = arith.constant 80 : index
      %swap3A_803 = tpu.vector_load %arg9[%swap3A_801, %swap3A_802] {strides = array<i32>} : memref<2x128xf32, #tpu.memory_space<vmem>>, vector<1x16xf32>,
      %swap3A_804 = vector.shape_cast %swap3A_803 : vector<1x16xf32> to vector<16xf32>
      %swap3A_805 = vector.shape_cast %get3A_799 : vector<16xf32> to vector<1x16xf32>
      tpu.vector_store %arg9[%swap3A_801, %swap3A_802], %swap3A_805 {add = true, strides = array<i32>} : memref<2x128xf32, #tpu.memory_space<vmem>>, vector<1x16xf32>,
      %get3A_806 = arith.constant 1 : i32
      %get3A_807 = arith.index_cast %scan3A_672 : i32 to index
      %get3A_808 = arith.index_cast %get3A_806 : i32 to index
      %get3A_809 = arith.constant 80 : index
      %get3A_810 = tpu.vector_load %arg8[%get3A_807, %get3A_808, %get3A_809] {strides = array<i32>} : memref<8x2x128xf32, #tpu.memory_space<vmem>>, vector<1x1x16xf32>,
      %get3A_811 = vector.shape_cast %get3A_810 : vector<1x1x16xf32> to vector<16xf32>
      %swap3A_812 = arith.constant 1 : i32
      %swap3A_813 = arith.index_cast %swap3A_812 : i32 to index
      %swap3A_814 = arith.constant 80 : index
      %swap3A_815 = tpu.vector_load %arg9[%swap3A_813, %swap3A_814] {strides = array<i32>} : memref<2x128xf32, #tpu.memory_space<vmem>>, vector<1x16xf32>,
      %swap3A_816 = vector.shape_cast %swap3A_815 : vector<1x16xf32> to vector<16xf32>
      %swap3A_817 = vector.shape_cast %get3A_811 : vector<16xf32> to vector<1x16xf32>
      tpu.vector_store %arg9[%swap3A_813, %swap3A_814], %swap3A_817 {add = true, strides = array<i32>} : memref<2x128xf32, #tpu.memory_space<vmem>>, vector<1x16xf32>,
      %get3A_818 = arith.constant 0 : i32
      %get3A_819 = arith.index_cast %scan3A_672 : i32 to index
      %get3A_820 = arith.index_cast %get3A_818 : i32 to index
      %get3A_821 = arith.constant 96 : index
      %get3A_822 = tpu.vector_load %arg8[%get3A_819, %get3A_820, %get3A_821] {strides = array<i32>} : memref<8x2x128xf32, #tpu.memory_space<vmem>>, vector<1x1x16xf32>,
      %get3A_823 = vector.shape_cast %get3A_822 : vector<1x1x16xf32> to vector<16xf32>
      %swap3A_824 = arith.constant 0 : i32
      %swap3A_825 = arith.index_cast %swap3A_824 : i32 to index
      %swap3A_826 = arith.constant 96 : index
      %swap3A_827 = tpu.vector_load %arg9[%swap3A_825, %swap3A_826] {strides = array<i32>} : memref<2x128xf32, #tpu.memory_space<vmem>>, vector<1x16xf32>,
      %swap3A_828 = vector.shape_cast %swap3A_827 : vector<1x16xf32> to vector<16xf32>
      %swap3A_829 = vector.shape_cast %get3A_823 : vector<16xf32> to vector<1x16xf32>
      tpu.vector_store %arg9[%swap3A_825, %swap3A_826], %swap3A_829 {add = true, strides = array<i32>} : memref<2x128xf32, #tpu.memory_space<vmem>>, vector<1x16xf32>,
      %get3A_830 = arith.constant 1 : i32
      %get3A_831 = arith.index_cast %scan3A_672 : i32 to index
      %get3A_832 = arith.index_cast %get3A_830 : i32 to index
      %get3A_833 = arith.constant 96 : index
      %get3A_834 = tpu.vector_load %arg8[%get3A_831, %get3A_832, %get3A_833] {strides = array<i32>} : memref<8x2x128xf32, #tpu.memory_space<vmem>>, vector<1x1x16xf32>,
      %get3A_835 = vector.shape_cast %get3A_834 : vector<1x1x16xf32> to vector<16xf32>
      %swap3A_836 = arith.constant 1 : i32
      %swap3A_837 = arith.index_cast %swap3A_836 : i32 to index
      %swap3A_838 = arith.constant 96 : index
      %swap3A_839 = tpu.vector_load %arg9[%swap3A_837, %swap3A_838] {strides = array<i32>} : memref<2x128xf32, #tpu.memory_space<vmem>>, vector<1x16xf32>,
      %swap3A_840 = vector.shape_cast %swap3A_839 : vector<1x16xf32> to vector<16xf32>
      %swap3A_841 = vector.shape_cast %get3A_835 : vector<16xf32> to vector<1x16xf32>
      tpu.vector_store %arg9[%swap3A_837, %swap3A_838], %swap3A_841 {add = true, strides = array<i32>} : memref<2x128xf32, #tpu.memory_space<vmem>>, vector<1x16xf32>,
      %get3A_842 = arith.constant 0 : i32
      %get3A_843 = arith.index_cast %scan3A_672 : i32 to index
      %get3A_844 = arith.index_cast %get3A_842 : i32 to index
      %get3A_845 = arith.constant 112 : index
      %get3A_846 = tpu.vector_load %arg8[%get3A_843, %get3A_844, %get3A_845] {strides = array<i32>} : memref<8x2x128xf32, #tpu.memory_space<vmem>>, vector<1x1x16xf32>,
      %get3A_847 = vector.shape_cast %get3A_846 : vector<1x1x16xf32> to vector<16xf32>
      %swap3A_848 = arith.constant 0 : i32
      %swap3A_849 = arith.index_cast %swap3A_848 : i32 to index
      %swap3A_850 = arith.constant 112 : index
      %swap3A_851 = tpu.vector_load %arg9[%swap3A_849, %swap3A_850] {strides = array<i32>} : memref<2x128xf32, #tpu.memory_space<vmem>>, vector<1x16xf32>,
      %swap3A_852 = vector.shape_cast %swap3A_851 : vector<1x16xf32> to vector<16xf32>
      %swap3A_853 = vector.shape_cast %get3A_847 : vector<16xf32> to vector<1x16xf32>
      tpu.vector_store %arg9[%swap3A_849, %swap3A_850], %swap3A_853 {add = true, strides = array<i32>} : memref<2x128xf32, #tpu.memory_space<vmem>>, vector<1x16xf32>,
      %get3A_854 = arith.constant 1 : i32
      %get3A_855 = arith.index_cast %scan3A_672 : i32 to index
      %get3A_856 = arith.index_cast %get3A_854 : i32 to index
      %get3A_857 = arith.constant 112 : index
      %get3A_858 = tpu.vector_load %arg8[%get3A_855, %get3A_856, %get3A_857] {strides = array<i32>} : memref<8x2x128xf32, #tpu.memory_space<vmem>>, vector<1x1x16xf32>,
      %get3A_859 = vector.shape_cast %get3A_858 : vector<1x1x16xf32> to vector<16xf32>
      %swap3A_860 = arith.constant 1 : i32
      %swap3A_861 = arith.index_cast %swap3A_860 : i32 to index
      %swap3A_862 = arith.constant 112 : index
      %swap3A_863 = tpu.vector_load %arg9[%swap3A_861, %swap3A_862] {strides = array<i32>} : memref<2x128xf32, #tpu.memory_space<vmem>>, vector<1x16xf32>,
      %swap3A_864 = vector.shape_cast %swap3A_863 : vector<1x16xf32> to vector<16xf32>
      %swap3A_865 = vector.shape_cast %get3A_859 : vector<16xf32> to vector<1x16xf32>
      tpu.vector_store %arg9[%swap3A_861, %swap3A_862], %swap3A_865 {add = true, strides = array<i32>} : memref<2x128xf32, #tpu.memory_space<vmem>>, vector<1x16xf32>,
      %scan3A_866 = arith.constant 0 : i32
      scf.yield %scan3A_866 : i32
    }
    %scan3A_128 = arith.constant 8 : i32
    %get3A = arith.constant 0 : i32
    %get3A_129 = arith.index_cast %get3A : i32 to index
    %get3A_130 = arith.constant 0 : index
    %get3A_131 = tpu.vector_load %arg9[%get3A_129, %get3A_130] {strides = array<i32>} : memref<2x128xf32, #tpu.memory_space<vmem>>, vector<1x16xf32>,
    %get3A_132 = vector.shape_cast %get3A_131 : vector<1x16xf32> to vector<16xf32>
    %mul3A_133 = arith.constant 3.125000e-06 : f32
    %mul3A_134 = vector.broadcast %mul3A_133 : f32 to vector<16xf32>
    %mul3A_135 = arith.mulf %get3A_132, %mul3A_134 : vector<16xf32>
    %get3A_136 = arith.constant 1 : i32
    %get3A_137 = arith.index_cast %get3A_136 : i32 to index
    %get3A_138 = arith.constant 0 : index
    %get3A_139 = tpu.vector_load %arg9[%get3A_137, %get3A_138] {strides = array<i32>} : memref<2x128xf32, #tpu.memory_space<vmem>>, vector<1x16xf32>,
    %get3A_140 = vector.shape_cast %get3A_139 : vector<1x16xf32> to vector<16xf32>
    %mul3A_141 = arith.constant 3.125000e-06 : f32
    %mul3A_142 = vector.broadcast %mul3A_141 : f32 to vector<16xf32>
    %mul3A_143 = arith.mulf %get3A_140, %mul3A_142 : vector<16xf32>
    %mul3A_144 = arith.mulf %mul3A_135, %mul3A_135 : vector<16xf32>
    %sub3A = arith.subf %mul3A_143, %mul3A_144 : vector<16xf32>
    %add3A_145 = arith.constant 9.99999974E-6 : f32
    %add3A_146 = vector.broadcast %add3A_145 : f32 to vector<16xf32>
    %add3A_147 = arith.addf %sub3A, %add3A_146 : vector<16xf32>
    %bitcast_convert_type3A = tpu.bitcast %add3A_147 : vector<16xf32> -> vector<16xi32>
    %broadcast_in_dim3A_148 = arith.constant 1597463007 : i32
    %broadcast_in_dim3A_149 = vector.broadcast %broadcast_in_dim3A_148 : i32 to vector<16xi32>
    %broadcast_in_dim3A_150 = arith.constant 1 : i32
    %broadcast_in_dim3A_151 = vector.broadcast %broadcast_in_dim3A_150 : i32 to vector<16xi32>
    %shift_right_arithmetic3A = arith.shrsi %bitcast_convert_type3A, %broadcast_in_dim3A_151 : vector<16xi32>
    %sub3A_152 = arith.subi %broadcast_in_dim3A_149, %shift_right_arithmetic3A : vector<16xi32>
    %bitcast_convert_type3A_153 = tpu.bitcast %sub3A_152 : vector<16xi32> -> vector<16xf32>
    %mul3A_154 = arith.constant 5.000000e-01 : f32
    %mul3A_155 = vector.broadcast %mul3A_154 : f32 to vector<16xf32>
    %mul3A_156 = arith.mulf %mul3A_155, %add3A_147 : vector<16xf32>
    %mul3A_157 = arith.mulf %mul3A_156, %bitcast_convert_type3A_153 : vector<16xf32>
    %mul3A_158 = arith.mulf %mul3A_157, %bitcast_convert_type3A_153 : vector<16xf32>
    %sub3A_159 = arith.constant 1.500000e+00 : f32
    %sub3A_160 = vector.broadcast %sub3A_159 : f32 to vector<16xf32>
    %sub3A_161 = arith.subf %sub3A_160, %mul3A_158 : vector<16xf32>
    %mul3A_162 = arith.mulf %bitcast_convert_type3A_153, %sub3A_161 : vector<16xf32>
    %mul3A_163 = arith.constant 5.000000e-01 : f32
    %mul3A_164 = vector.broadcast %mul3A_163 : f32 to vector<16xf32>
    %mul3A_165 = arith.mulf %mul3A_164, %add3A_147 : vector<16xf32>
    %mul3A_166 = arith.mulf %mul3A_165, %mul3A_162 : vector<16xf32>
    %mul3A_167 = arith.mulf %mul3A_166, %mul3A_162 : vector<16xf32>
    %sub3A_168 = arith.constant 1.500000e+00 : f32
    %sub3A_169 = vector.broadcast %sub3A_168 : f32 to vector<16xf32>
    %sub3A_170 = arith.subf %sub3A_169, %mul3A_167 : vector<16xf32>
    %mul3A_171 = arith.mulf %mul3A_162, %sub3A_170 : vector<16xf32>
    %mul3A_172 = arith.constant 5.000000e-01 : f32
    %mul3A_173 = vector.broadcast %mul3A_172 : f32 to vector<16xf32>
    %mul3A_174 = arith.mulf %mul3A_173, %add3A_147 : vector<16xf32>
    %mul3A_175 = arith.mulf %mul3A_174, %mul3A_171 : vector<16xf32>
    %mul3A_176 = arith.mulf %mul3A_175, %mul3A_171 : vector<16xf32>
    %sub3A_177 = arith.constant 1.500000e+00 : f32
    %sub3A_178 = vector.broadcast %sub3A_177 : f32 to vector<16xf32>
    %sub3A_179 = arith.subf %sub3A_178, %mul3A_176 : vector<16xf32>
    %mul3A_180 = arith.mulf %mul3A_171, %sub3A_179 : vector<16xf32>
    %get3A_181 = arith.constant 0 : index
    %get3A_182 = tpu.vector_load %arg10[%get3A_181] {strides = array<i32>} : memref<128xf32, #tpu.memory_space<vmem>>, vector<16xf32>,
    %get3A_183 = vector.shape_cast %get3A_182 : vector<16xf32> to vector<16xf32>
    %mul3A_184 = arith.mulf %get3A_183, %mul3A_180 : vector<16xf32>
    %get3A_185 = arith.constant 0 : index
    %get3A_186 = tpu.vector_load %arg11[%get3A_185] {strides = array<i32>} : memref<128xf32, #tpu.memory_space<vmem>>, vector<16xf32>,
    %get3A_187 = vector.shape_cast %get3A_186 : vector<16xf32> to vector<16xf32>
    %mul3A_188 = arith.mulf %mul3A_135, %mul3A_184 : vector<16xf32>
    %sub3A_189 = arith.subf %get3A_187, %mul3A_188 : vector<16xf32>
    %get3A_190 = arith.constant 0 : i32
    %get3A_191 = arith.index_cast %get3A_190 : i32 to index
    %get3A_192 = arith.constant 16 : index
    %get3A_193 = tpu.vector_load %arg9[%get3A_191, %get3A_192] {strides = array<i32>} : memref<2x128xf32, #tpu.memory_space<vmem>>, vector<1x16xf32>,
    %get3A_194 = vector.shape_cast %get3A_193 : vector<1x16xf32> to vector<16xf32>
    %mul3A_195 = arith.constant 3.125000e-06 : f32
    %mul3A_196 = vector.broadcast %mul3A_195 : f32 to vector<16xf32>
    %mul3A_197 = arith.mulf %get3A_194, %mul3A_196 : vector<16xf32>
    %get3A_198 = arith.constant 1 : i32
    %get3A_199 = arith.index_cast %get3A_198 : i32 to index
    %get3A_200 = arith.constant 16 : index
    %get3A_201 = tpu.vector_load %arg9[%get3A_199, %get3A_200] {strides = array<i32>} : memref<2x128xf32, #tpu.memory_space<vmem>>, vector<1x16xf32>,
    %get3A_202 = vector.shape_cast %get3A_201 : vector<1x16xf32> to vector<16xf32>
    %mul3A_203 = arith.constant 3.125000e-06 : f32
    %mul3A_204 = vector.broadcast %mul3A_203 : f32 to vector<16xf32>
    %mul3A_205 = arith.mulf %get3A_202, %mul3A_204 : vector<16xf32>
    %mul3A_206 = arith.mulf %mul3A_197, %mul3A_197 : vector<16xf32>
    %sub3A_207 = arith.subf %mul3A_205, %mul3A_206 : vector<16xf32>
    %add3A_208 = arith.constant 9.99999974E-6 : f32
    %add3A_209 = vector.broadcast %add3A_208 : f32 to vector<16xf32>
    %add3A_210 = arith.addf %sub3A_207, %add3A_209 : vector<16xf32>
    %bitcast_convert_type3A_211 = tpu.bitcast %add3A_210 : vector<16xf32> -> vector<16xi32>
    %broadcast_in_dim3A_212 = arith.constant 1597463007 : i32
    %broadcast_in_dim3A_213 = vector.broadcast %broadcast_in_dim3A_212 : i32 to vector<16xi32>
    %broadcast_in_dim3A_214 = arith.constant 1 : i32
    %broadcast_in_dim3A_215 = vector.broadcast %broadcast_in_dim3A_214 : i32 to vector<16xi32>
    %shift_right_arithmetic3A_216 = arith.shrsi %bitcast_convert_type3A_211, %broadcast_in_dim3A_215 : vector<16xi32>
    %sub3A_217 = arith.subi %broadcast_in_dim3A_213, %shift_right_arithmetic3A_216 : vector<16xi32>
    %bitcast_convert_type3A_218 = tpu.bitcast %sub3A_217 : vector<16xi32> -> vector<16xf32>
    %mul3A_219 = arith.constant 5.000000e-01 : f32
    %mul3A_220 = vector.broadcast %mul3A_219 : f32 to vector<16xf32>
    %mul3A_221 = arith.mulf %mul3A_220, %add3A_210 : vector<16xf32>
    %mul3A_222 = arith.mulf %mul3A_221, %bitcast_convert_type3A_218 : vector<16xf32>
    %mul3A_223 = arith.mulf %mul3A_222, %bitcast_convert_type3A_218 : vector<16xf32>
    %sub3A_224 = arith.constant 1.500000e+00 : f32
    %sub3A_225 = vector.broadcast %sub3A_224 : f32 to vector<16xf32>
    %sub3A_226 = arith.subf %sub3A_225, %mul3A_223 : vector<16xf32>
    %mul3A_227 = arith.mulf %bitcast_convert_type3A_218, %sub3A_226 : vector<16xf32>
    %mul3A_228 = arith.constant 5.000000e-01 : f32
    %mul3A_229 = vector.broadcast %mul3A_228 : f32 to vector<16xf32>
    %mul3A_230 = arith.mulf %mul3A_229, %add3A_210 : vector<16xf32>
    %mul3A_231 = arith.mulf %mul3A_230, %mul3A_227 : vector<16xf32>
    %mul3A_232 = arith.mulf %mul3A_231, %mul3A_227 : vector<16xf32>
    %sub3A_233 = arith.constant 1.500000e+00 : f32
    %sub3A_234 = vector.broadcast %sub3A_233 : f32 to vector<16xf32>
    %sub3A_235 = arith.subf %sub3A_234, %mul3A_232 : vector<16xf32>
    %mul3A_236 = arith.mulf %mul3A_227, %sub3A_235 : vector<16xf32>
    %mul3A_237 = arith.constant 5.000000e-01 : f32
    %mul3A_238 = vector.broadcast %mul3A_237 : f32 to vector<16xf32>
    %mul3A_239 = arith.mulf %mul3A_238, %add3A_210 : vector<16xf32>
    %mul3A_240 = arith.mulf %mul3A_239, %mul3A_236 : vector<16xf32>
    %mul3A_241 = arith.mulf %mul3A_240, %mul3A_236 : vector<16xf32>
    %sub3A_242 = arith.constant 1.500000e+00 : f32
    %sub3A_243 = vector.broadcast %sub3A_242 : f32 to vector<16xf32>
    %sub3A_244 = arith.subf %sub3A_243, %mul3A_241 : vector<16xf32>
    %mul3A_245 = arith.mulf %mul3A_236, %sub3A_244 : vector<16xf32>
    %get3A_246 = arith.constant 16 : index
    %get3A_247 = tpu.vector_load %arg10[%get3A_246] {strides = array<i32>} : memref<128xf32, #tpu.memory_space<vmem>>, vector<16xf32>,
    %get3A_248 = vector.shape_cast %get3A_247 : vector<16xf32> to vector<16xf32>
    %mul3A_249 = arith.mulf %get3A_248, %mul3A_245 : vector<16xf32>
    %get3A_250 = arith.constant 16 : index
    %get3A_251 = tpu.vector_load %arg11[%get3A_250] {strides = array<i32>} : memref<128xf32, #tpu.memory_space<vmem>>, vector<16xf32>,
    %get3A_252 = vector.shape_cast %get3A_251 : vector<16xf32> to vector<16xf32>
    %mul3A_253 = arith.mulf %mul3A_197, %mul3A_249 : vector<16xf32>
    %sub3A_254 = arith.subf %get3A_252, %mul3A_253 : vector<16xf32>
    %get3A_255 = arith.constant 0 : i32
    %get3A_256 = arith.index_cast %get3A_255 : i32 to index
    %get3A_257 = arith.constant 32 : index
    %get3A_258 = tpu.vector_load %arg9[%get3A_256, %get3A_257] {strides = array<i32>} : memref<2x128xf32, #tpu.memory_space<vmem>>, vector<1x16xf32>,
    %get3A_259 = vector.shape_cast %get3A_258 : vector<1x16xf32> to vector<16xf32>
    %mul3A_260 = arith.constant 3.125000e-06 : f32
    %mul3A_261 = vector.broadcast %mul3A_260 : f32 to vector<16xf32>
    %mul3A_262 = arith.mulf %get3A_259, %mul3A_261 : vector<16xf32>
    %get3A_263 = arith.constant 1 : i32
    %get3A_264 = arith.index_cast %get3A_263 : i32 to index
    %get3A_265 = arith.constant 32 : index
    %get3A_266 = tpu.vector_load %arg9[%get3A_264, %get3A_265] {strides = array<i32>} : memref<2x128xf32, #tpu.memory_space<vmem>>, vector<1x16xf32>,
    %get3A_267 = vector.shape_cast %get3A_266 : vector<1x16xf32> to vector<16xf32>
    %mul3A_268 = arith.constant 3.125000e-06 : f32
    %mul3A_269 = vector.broadcast %mul3A_268 : f32 to vector<16xf32>
    %mul3A_270 = arith.mulf %get3A_267, %mul3A_269 : vector<16xf32>
    %mul3A_271 = arith.mulf %mul3A_262, %mul3A_262 : vector<16xf32>
    %sub3A_272 = arith.subf %mul3A_270, %mul3A_271 : vector<16xf32>
    %add3A_273 = arith.constant 9.99999974E-6 : f32
    %add3A_274 = vector.broadcast %add3A_273 : f32 to vector<16xf32>
    %add3A_275 = arith.addf %sub3A_272, %add3A_274 : vector<16xf32>
    %bitcast_convert_type3A_276 = tpu.bitcast %add3A_275 : vector<16xf32> -> vector<16xi32>
    %broadcast_in_dim3A_277 = arith.constant 1597463007 : i32
    %broadcast_in_dim3A_278 = vector.broadcast %broadcast_in_dim3A_277 : i32 to vector<16xi32>
    %broadcast_in_dim3A_279 = arith.constant 1 : i32
    %broadcast_in_dim3A_280 = vector.broadcast %broadcast_in_dim3A_279 : i32 to vector<16xi32>
    %shift_right_arithmetic3A_281 = arith.shrsi %bitcast_convert_type3A_276, %broadcast_in_dim3A_280 : vector<16xi32>
    %sub3A_282 = arith.subi %broadcast_in_dim3A_278, %shift_right_arithmetic3A_281 : vector<16xi32>
    %bitcast_convert_type3A_283 = tpu.bitcast %sub3A_282 : vector<16xi32> -> vector<16xf32>
    %mul3A_284 = arith.constant 5.000000e-01 : f32
    %mul3A_285 = vector.broadcast %mul3A_284 : f32 to vector<16xf32>
    %mul3A_286 = arith.mulf %mul3A_285, %add3A_275 : vector<16xf32>
    %mul3A_287 = arith.mulf %mul3A_286, %bitcast_convert_type3A_283 : vector<16xf32>
    %mul3A_288 = arith.mulf %mul3A_287, %bitcast_convert_type3A_283 : vector<16xf32>
    %sub3A_289 = arith.constant 1.500000e+00 : f32
    %sub3A_290 = vector.broadcast %sub3A_289 : f32 to vector<16xf32>
    %sub3A_291 = arith.subf %sub3A_290, %mul3A_288 : vector<16xf32>
    %mul3A_292 = arith.mulf %bitcast_convert_type3A_283, %sub3A_291 : vector<16xf32>
    %mul3A_293 = arith.constant 5.000000e-01 : f32
    %mul3A_294 = vector.broadcast %mul3A_293 : f32 to vector<16xf32>
    %mul3A_295 = arith.mulf %mul3A_294, %add3A_275 : vector<16xf32>
    %mul3A_296 = arith.mulf %mul3A_295, %mul3A_292 : vector<16xf32>
    %mul3A_297 = arith.mulf %mul3A_296, %mul3A_292 : vector<16xf32>
    %sub3A_298 = arith.constant 1.500000e+00 : f32
    %sub3A_299 = vector.broadcast %sub3A_298 : f32 to vector<16xf32>
    %sub3A_300 = arith.subf %sub3A_299, %mul3A_297 : vector<16xf32>
    %mul3A_301 = arith.mulf %mul3A_292, %sub3A_300 : vector<16xf32>
    %mul3A_302 = arith.constant 5.000000e-01 : f32
    %mul3A_303 = vector.broadcast %mul3A_302 : f32 to vector<16xf32>
    %mul3A_304 = arith.mulf %mul3A_303, %add3A_275 : vector<16xf32>
    %mul3A_305 = arith.mulf %mul3A_304, %mul3A_301 : vector<16xf32>
    %mul3A_306 = arith.mulf %mul3A_305, %mul3A_301 : vector<16xf32>
    %sub3A_307 = arith.constant 1.500000e+00 : f32
    %sub3A_308 = vector.broadcast %sub3A_307 : f32 to vector<16xf32>
    %sub3A_309 = arith.subf %sub3A_308, %mul3A_306 : vector<16xf32>
    %mul3A_310 = arith.mulf %mul3A_301, %sub3A_309 : vector<16xf32>
    %get3A_311 = arith.constant 32 : index
    %get3A_312 = tpu.vector_load %arg10[%get3A_311] {strides = array<i32>} : memref<128xf32, #tpu.memory_space<vmem>>, vector<16xf32>,
    %get3A_313 = vector.shape_cast %get3A_312 : vector<16xf32> to vector<16xf32>
    %mul3A_314 = arith.mulf %get3A_313, %mul3A_310 : vector<16xf32>
    %get3A_315 = arith.constant 32 : index
    %get3A_316 = tpu.vector_load %arg11[%get3A_315] {strides = array<i32>} : memref<128xf32, #tpu.memory_space<vmem>>, vector<16xf32>,
    %get3A_317 = vector.shape_cast %get3A_316 : vector<16xf32> to vector<16xf32>
    %mul3A_318 = arith.mulf %mul3A_262, %mul3A_314 : vector<16xf32>
    %sub3A_319 = arith.subf %get3A_317, %mul3A_318 : vector<16xf32>
    %get3A_320 = arith.constant 0 : i32
    %get3A_321 = arith.index_cast %get3A_320 : i32 to index
    %get3A_322 = arith.constant 48 : index
    %get3A_323 = tpu.vector_load %arg9[%get3A_321, %get3A_322] {strides = array<i32>} : memref<2x128xf32, #tpu.memory_space<vmem>>, vector<1x16xf32>,
    %get3A_324 = vector.shape_cast %get3A_323 : vector<1x16xf32> to vector<16xf32>
    %mul3A_325 = arith.constant 3.125000e-06 : f32
    %mul3A_326 = vector.broadcast %mul3A_325 : f32 to vector<16xf32>
    %mul3A_327 = arith.mulf %get3A_324, %mul3A_326 : vector<16xf32>
    %get3A_328 = arith.constant 1 : i32
    %get3A_329 = arith.index_cast %get3A_328 : i32 to index
    %get3A_330 = arith.constant 48 : index
    %get3A_331 = tpu.vector_load %arg9[%get3A_329, %get3A_330] {strides = array<i32>} : memref<2x128xf32, #tpu.memory_space<vmem>>, vector<1x16xf32>,
    %get3A_332 = vector.shape_cast %get3A_331 : vector<1x16xf32> to vector<16xf32>
    %mul3A_333 = arith.constant 3.125000e-06 : f32
    %mul3A_334 = vector.broadcast %mul3A_333 : f32 to vector<16xf32>
    %mul3A_335 = arith.mulf %get3A_332, %mul3A_334 : vector<16xf32>
    %mul3A_336 = arith.mulf %mul3A_327, %mul3A_327 : vector<16xf32>
    %sub3A_337 = arith.subf %mul3A_335, %mul3A_336 : vector<16xf32>
    %add3A_338 = arith.constant 9.99999974E-6 : f32
    %add3A_339 = vector.broadcast %add3A_338 : f32 to vector<16xf32>
    %add3A_340 = arith.addf %sub3A_337, %add3A_339 : vector<16xf32>
    %bitcast_convert_type3A_341 = tpu.bitcast %add3A_340 : vector<16xf32> -> vector<16xi32>
    %broadcast_in_dim3A_342 = arith.constant 1597463007 : i32
    %broadcast_in_dim3A_343 = vector.broadcast %broadcast_in_dim3A_342 : i32 to vector<16xi32>
    %broadcast_in_dim3A_344 = arith.constant 1 : i32
    %broadcast_in_dim3A_345 = vector.broadcast %broadcast_in_dim3A_344 : i32 to vector<16xi32>
    %shift_right_arithmetic3A_346 = arith.shrsi %bitcast_convert_type3A_341, %broadcast_in_dim3A_345 : vector<16xi32>
    %sub3A_347 = arith.subi %broadcast_in_dim3A_343, %shift_right_arithmetic3A_346 : vector<16xi32>
    %bitcast_convert_type3A_348 = tpu.bitcast %sub3A_347 : vector<16xi32> -> vector<16xf32>
    %mul3A_349 = arith.constant 5.000000e-01 : f32
    %mul3A_350 = vector.broadcast %mul3A_349 : f32 to vector<16xf32>
    %mul3A_351 = arith.mulf %mul3A_350, %add3A_340 : vector<16xf32>
    %mul3A_352 = arith.mulf %mul3A_351, %bitcast_convert_type3A_348 : vector<16xf32>
    %mul3A_353 = arith.mulf %mul3A_352, %bitcast_convert_type3A_348 : vector<16xf32>
    %sub3A_354 = arith.constant 1.500000e+00 : f32
    %sub3A_355 = vector.broadcast %sub3A_354 : f32 to vector<16xf32>
    %sub3A_356 = arith.subf %sub3A_355, %mul3A_353 : vector<16xf32>
    %mul3A_357 = arith.mulf %bitcast_convert_type3A_348, %sub3A_356 : vector<16xf32>
    %mul3A_358 = arith.constant 5.000000e-01 : f32
    %mul3A_359 = vector.broadcast %mul3A_358 : f32 to vector<16xf32>
    %mul3A_360 = arith.mulf %mul3A_359, %add3A_340 : vector<16xf32>
    %mul3A_361 = arith.mulf %mul3A_360, %mul3A_357 : vector<16xf32>
    %mul3A_362 = arith.mulf %mul3A_361, %mul3A_357 : vector<16xf32>
    %sub3A_363 = arith.constant 1.500000e+00 : f32
    %sub3A_364 = vector.broadcast %sub3A_363 : f32 to vector<16xf32>
    %sub3A_365 = arith.subf %sub3A_364, %mul3A_362 : vector<16xf32>
    %mul3A_366 = arith.mulf %mul3A_357, %sub3A_365 : vector<16xf32>
    %mul3A_367 = arith.constant 5.000000e-01 : f32
    %mul3A_368 = vector.broadcast %mul3A_367 : f32 to vector<16xf32>
    %mul3A_369 = arith.mulf %mul3A_368, %add3A_340 : vector<16xf32>
    %mul3A_370 = arith.mulf %mul3A_369, %mul3A_366 : vector<16xf32>
    %mul3A_371 = arith.mulf %mul3A_370, %mul3A_366 : vector<16xf32>
    %sub3A_372 = arith.constant 1.500000e+00 : f32
    %sub3A_373 = vector.broadcast %sub3A_372 : f32 to vector<16xf32>
    %sub3A_374 = arith.subf %sub3A_373, %mul3A_371 : vector<16xf32>
    %mul3A_375 = arith.mulf %mul3A_366, %sub3A_374 : vector<16xf32>
    %get3A_376 = arith.constant 48 : index
    %get3A_377 = tpu.vector_load %arg10[%get3A_376] {strides = array<i32>} : memref<128xf32, #tpu.memory_space<vmem>>, vector<16xf32>,
    %get3A_378 = vector.shape_cast %get3A_377 : vector<16xf32> to vector<16xf32>
    %mul3A_379 = arith.mulf %get3A_378, %mul3A_375 : vector<16xf32>
    %get3A_380 = arith.constant 48 : index
    %get3A_381 = tpu.vector_load %arg11[%get3A_380] {strides = array<i32>} : memref<128xf32, #tpu.memory_space<vmem>>, vector<16xf32>,
    %get3A_382 = vector.shape_cast %get3A_381 : vector<16xf32> to vector<16xf32>
    %mul3A_383 = arith.mulf %mul3A_327, %mul3A_379 : vector<16xf32>
    %sub3A_384 = arith.subf %get3A_382, %mul3A_383 : vector<16xf32>
    %get3A_385 = arith.constant 0 : i32
    %get3A_386 = arith.index_cast %get3A_385 : i32 to index
    %get3A_387 = arith.constant 64 : index
    %get3A_388 = tpu.vector_load %arg9[%get3A_386, %get3A_387] {strides = array<i32>} : memref<2x128xf32, #tpu.memory_space<vmem>>, vector<1x16xf32>,
    %get3A_389 = vector.shape_cast %get3A_388 : vector<1x16xf32> to vector<16xf32>
    %mul3A_390 = arith.constant 3.125000e-06 : f32
    %mul3A_391 = vector.broadcast %mul3A_390 : f32 to vector<16xf32>
    %mul3A_392 = arith.mulf %get3A_389, %mul3A_391 : vector<16xf32>
    %get3A_393 = arith.constant 1 : i32
    %get3A_394 = arith.index_cast %get3A_393 : i32 to index
    %get3A_395 = arith.constant 64 : index
    %get3A_396 = tpu.vector_load %arg9[%get3A_394, %get3A_395] {strides = array<i32>} : memref<2x128xf32, #tpu.memory_space<vmem>>, vector<1x16xf32>,
    %get3A_397 = vector.shape_cast %get3A_396 : vector<1x16xf32> to vector<16xf32>
    %mul3A_398 = arith.constant 3.125000e-06 : f32
    %mul3A_399 = vector.broadcast %mul3A_398 : f32 to vector<16xf32>
    %mul3A_400 = arith.mulf %get3A_397, %mul3A_399 : vector<16xf32>
    %mul3A_401 = arith.mulf %mul3A_392, %mul3A_392 : vector<16xf32>
    %sub3A_402 = arith.subf %mul3A_400, %mul3A_401 : vector<16xf32>
    %add3A_403 = arith.constant 9.99999974E-6 : f32
    %add3A_404 = vector.broadcast %add3A_403 : f32 to vector<16xf32>
    %add3A_405 = arith.addf %sub3A_402, %add3A_404 : vector<16xf32>
    %bitcast_convert_type3A_406 = tpu.bitcast %add3A_405 : vector<16xf32> -> vector<16xi32>
    %broadcast_in_dim3A_407 = arith.constant 1597463007 : i32
    %broadcast_in_dim3A_408 = vector.broadcast %broadcast_in_dim3A_407 : i32 to vector<16xi32>
    %broadcast_in_dim3A_409 = arith.constant 1 : i32
    %broadcast_in_dim3A_410 = vector.broadcast %broadcast_in_dim3A_409 : i32 to vector<16xi32>
    %shift_right_arithmetic3A_411 = arith.shrsi %bitcast_convert_type3A_406, %broadcast_in_dim3A_410 : vector<16xi32>
    %sub3A_412 = arith.subi %broadcast_in_dim3A_408, %shift_right_arithmetic3A_411 : vector<16xi32>
    %bitcast_convert_type3A_413 = tpu.bitcast %sub3A_412 : vector<16xi32> -> vector<16xf32>
    %mul3A_414 = arith.constant 5.000000e-01 : f32
    %mul3A_415 = vector.broadcast %mul3A_414 : f32 to vector<16xf32>
    %mul3A_416 = arith.mulf %mul3A_415, %add3A_405 : vector<16xf32>
    %mul3A_417 = arith.mulf %mul3A_416, %bitcast_convert_type3A_413 : vector<16xf32>
    %mul3A_418 = arith.mulf %mul3A_417, %bitcast_convert_type3A_413 : vector<16xf32>
    %sub3A_419 = arith.constant 1.500000e+00 : f32
    %sub3A_420 = vector.broadcast %sub3A_419 : f32 to vector<16xf32>
    %sub3A_421 = arith.subf %sub3A_420, %mul3A_418 : vector<16xf32>
    %mul3A_422 = arith.mulf %bitcast_convert_type3A_413, %sub3A_421 : vector<16xf32>
    %mul3A_423 = arith.constant 5.000000e-01 : f32
    %mul3A_424 = vector.broadcast %mul3A_423 : f32 to vector<16xf32>
    %mul3A_425 = arith.mulf %mul3A_424, %add3A_405 : vector<16xf32>
    %mul3A_426 = arith.mulf %mul3A_425, %mul3A_422 : vector<16xf32>
    %mul3A_427 = arith.mulf %mul3A_426, %mul3A_422 : vector<16xf32>
    %sub3A_428 = arith.constant 1.500000e+00 : f32
    %sub3A_429 = vector.broadcast %sub3A_428 : f32 to vector<16xf32>
    %sub3A_430 = arith.subf %sub3A_429, %mul3A_427 : vector<16xf32>
    %mul3A_431 = arith.mulf %mul3A_422, %sub3A_430 : vector<16xf32>
    %mul3A_432 = arith.constant 5.000000e-01 : f32
    %mul3A_433 = vector.broadcast %mul3A_432 : f32 to vector<16xf32>
    %mul3A_434 = arith.mulf %mul3A_433, %add3A_405 : vector<16xf32>
    %mul3A_435 = arith.mulf %mul3A_434, %mul3A_431 : vector<16xf32>
    %mul3A_436 = arith.mulf %mul3A_435, %mul3A_431 : vector<16xf32>
    %sub3A_437 = arith.constant 1.500000e+00 : f32
    %sub3A_438 = vector.broadcast %sub3A_437 : f32 to vector<16xf32>
    %sub3A_439 = arith.subf %sub3A_438, %mul3A_436 : vector<16xf32>
    %mul3A_440 = arith.mulf %mul3A_431, %sub3A_439 : vector<16xf32>
    %get3A_441 = arith.constant 64 : index
    %get3A_442 = tpu.vector_load %arg10[%get3A_441] {strides = array<i32>} : memref<128xf32, #tpu.memory_space<vmem>>, vector<16xf32>,
    %get3A_443 = vector.shape_cast %get3A_442 : vector<16xf32> to vector<16xf32>
    %mul3A_444 = arith.mulf %get3A_443, %mul3A_440 : vector<16xf32>
    %get3A_445 = arith.constant 64 : index
    %get3A_446 = tpu.vector_load %arg11[%get3A_445] {strides = array<i32>} : memref<128xf32, #tpu.memory_space<vmem>>, vector<16xf32>,
    %get3A_447 = vector.shape_cast %get3A_446 : vector<16xf32> to vector<16xf32>
    %mul3A_448 = arith.mulf %mul3A_392, %mul3A_444 : vector<16xf32>
    %sub3A_449 = arith.subf %get3A_447, %mul3A_448 : vector<16xf32>
    %get3A_450 = arith.constant 0 : i32
    %get3A_451 = arith.index_cast %get3A_450 : i32 to index
    %get3A_452 = arith.constant 80 : index
    %get3A_453 = tpu.vector_load %arg9[%get3A_451, %get3A_452] {strides = array<i32>} : memref<2x128xf32, #tpu.memory_space<vmem>>, vector<1x16xf32>,
    %get3A_454 = vector.shape_cast %get3A_453 : vector<1x16xf32> to vector<16xf32>
    %mul3A_455 = arith.constant 3.125000e-06 : f32
    %mul3A_456 = vector.broadcast %mul3A_455 : f32 to vector<16xf32>
    %mul3A_457 = arith.mulf %get3A_454, %mul3A_456 : vector<16xf32>
    %get3A_458 = arith.constant 1 : i32
    %get3A_459 = arith.index_cast %get3A_458 : i32 to index
    %get3A_460 = arith.constant 80 : index
    %get3A_461 = tpu.vector_load %arg9[%get3A_459, %get3A_460] {strides = array<i32>} : memref<2x128xf32, #tpu.memory_space<vmem>>, vector<1x16xf32>,
    %get3A_462 = vector.shape_cast %get3A_461 : vector<1x16xf32> to vector<16xf32>
    %mul3A_463 = arith.constant 3.125000e-06 : f32
    %mul3A_464 = vector.broadcast %mul3A_463 : f32 to vector<16xf32>
    %mul3A_465 = arith.mulf %get3A_462, %mul3A_464 : vector<16xf32>
    %mul3A_466 = arith.mulf %mul3A_457, %mul3A_457 : vector<16xf32>
    %sub3A_467 = arith.subf %mul3A_465, %mul3A_466 : vector<16xf32>
    %add3A_468 = arith.constant 9.99999974E-6 : f32
    %add3A_469 = vector.broadcast %add3A_468 : f32 to vector<16xf32>
    %add3A_470 = arith.addf %sub3A_467, %add3A_469 : vector<16xf32>
    %bitcast_convert_type3A_471 = tpu.bitcast %add3A_470 : vector<16xf32> -> vector<16xi32>
    %broadcast_in_dim3A_472 = arith.constant 1597463007 : i32
    %broadcast_in_dim3A_473 = vector.broadcast %broadcast_in_dim3A_472 : i32 to vector<16xi32>
    %broadcast_in_dim3A_474 = arith.constant 1 : i32
    %broadcast_in_dim3A_475 = vector.broadcast %broadcast_in_dim3A_474 : i32 to vector<16xi32>
    %shift_right_arithmetic3A_476 = arith.shrsi %bitcast_convert_type3A_471, %broadcast_in_dim3A_475 : vector<16xi32>
    %sub3A_477 = arith.subi %broadcast_in_dim3A_473, %shift_right_arithmetic3A_476 : vector<16xi32>
    %bitcast_convert_type3A_478 = tpu.bitcast %sub3A_477 : vector<16xi32> -> vector<16xf32>
    %mul3A_479 = arith.constant 5.000000e-01 : f32
    %mul3A_480 = vector.broadcast %mul3A_479 : f32 to vector<16xf32>
    %mul3A_481 = arith.mulf %mul3A_480, %add3A_470 : vector<16xf32>
    %mul3A_482 = arith.mulf %mul3A_481, %bitcast_convert_type3A_478 : vector<16xf32>
    %mul3A_483 = arith.mulf %mul3A_482, %bitcast_convert_type3A_478 : vector<16xf32>
    %sub3A_484 = arith.constant 1.500000e+00 : f32
    %sub3A_485 = vector.broadcast %sub3A_484 : f32 to vector<16xf32>
    %sub3A_486 = arith.subf %sub3A_485, %mul3A_483 : vector<16xf32>
    %mul3A_487 = arith.mulf %bitcast_convert_type3A_478, %sub3A_486 : vector<16xf32>
    %mul3A_488 = arith.constant 5.000000e-01 : f32
    %mul3A_489 = vector.broadcast %mul3A_488 : f32 to vector<16xf32>
    %mul3A_490 = arith.mulf %mul3A_489, %add3A_470 : vector<16xf32>
    %mul3A_491 = arith.mulf %mul3A_490, %mul3A_487 : vector<16xf32>
    %mul3A_492 = arith.mulf %mul3A_491, %mul3A_487 : vector<16xf32>
    %sub3A_493 = arith.constant 1.500000e+00 : f32
    %sub3A_494 = vector.broadcast %sub3A_493 : f32 to vector<16xf32>
    %sub3A_495 = arith.subf %sub3A_494, %mul3A_492 : vector<16xf32>
    %mul3A_496 = arith.mulf %mul3A_487, %sub3A_495 : vector<16xf32>
    %mul3A_497 = arith.constant 5.000000e-01 : f32
    %mul3A_498 = vector.broadcast %mul3A_497 : f32 to vector<16xf32>
    %mul3A_499 = arith.mulf %mul3A_498, %add3A_470 : vector<16xf32>
    %mul3A_500 = arith.mulf %mul3A_499, %mul3A_496 : vector<16xf32>
    %mul3A_501 = arith.mulf %mul3A_500, %mul3A_496 : vector<16xf32>
    %sub3A_502 = arith.constant 1.500000e+00 : f32
    %sub3A_503 = vector.broadcast %sub3A_502 : f32 to vector<16xf32>
    %sub3A_504 = arith.subf %sub3A_503, %mul3A_501 : vector<16xf32>
    %mul3A_505 = arith.mulf %mul3A_496, %sub3A_504 : vector<16xf32>
    %get3A_506 = arith.constant 80 : index
    %get3A_507 = tpu.vector_load %arg10[%get3A_506] {strides = array<i32>} : memref<128xf32, #tpu.memory_space<vmem>>, vector<16xf32>,
    %get3A_508 = vector.shape_cast %get3A_507 : vector<16xf32> to vector<16xf32>
    %mul3A_509 = arith.mulf %get3A_508, %mul3A_505 : vector<16xf32>
    %get3A_510 = arith.constant 80 : index
    %get3A_511 = tpu.vector_load %arg11[%get3A_510] {strides = array<i32>} : memref<128xf32, #tpu.memory_space<vmem>>, vector<16xf32>,
    %get3A_512 = vector.shape_cast %get3A_511 : vector<16xf32> to vector<16xf32>
    %mul3A_513 = arith.mulf %mul3A_457, %mul3A_509 : vector<16xf32>
    %sub3A_514 = arith.subf %get3A_512, %mul3A_513 : vector<16xf32>
    %get3A_515 = arith.constant 0 : i32
    %get3A_516 = arith.index_cast %get3A_515 : i32 to index
    %get3A_517 = arith.constant 96 : index
    %get3A_518 = tpu.vector_load %arg9[%get3A_516, %get3A_517] {strides = array<i32>} : memref<2x128xf32, #tpu.memory_space<vmem>>, vector<1x16xf32>,
    %get3A_519 = vector.shape_cast %get3A_518 : vector<1x16xf32> to vector<16xf32>
    %mul3A_520 = arith.constant 3.125000e-06 : f32
    %mul3A_521 = vector.broadcast %mul3A_520 : f32 to vector<16xf32>
    %mul3A_522 = arith.mulf %get3A_519, %mul3A_521 : vector<16xf32>
    %get3A_523 = arith.constant 1 : i32
    %get3A_524 = arith.index_cast %get3A_523 : i32 to index
    %get3A_525 = arith.constant 96 : index
    %get3A_526 = tpu.vector_load %arg9[%get3A_524, %get3A_525] {strides = array<i32>} : memref<2x128xf32, #tpu.memory_space<vmem>>, vector<1x16xf32>,
    %get3A_527 = vector.shape_cast %get3A_526 : vector<1x16xf32> to vector<16xf32>
    %mul3A_528 = arith.constant 3.125000e-06 : f32
    %mul3A_529 = vector.broadcast %mul3A_528 : f32 to vector<16xf32>
    %mul3A_530 = arith.mulf %get3A_527, %mul3A_529 : vector<16xf32>
    %mul3A_531 = arith.mulf %mul3A_522, %mul3A_522 : vector<16xf32>
    %sub3A_532 = arith.subf %mul3A_530, %mul3A_531 : vector<16xf32>
    %add3A_533 = arith.constant 9.99999974E-6 : f32
    %add3A_534 = vector.broadcast %add3A_533 : f32 to vector<16xf32>
    %add3A_535 = arith.addf %sub3A_532, %add3A_534 : vector<16xf32>
    %bitcast_convert_type3A_536 = tpu.bitcast %add3A_535 : vector<16xf32> -> vector<16xi32>
    %broadcast_in_dim3A_537 = arith.constant 1597463007 : i32
    %broadcast_in_dim3A_538 = vector.broadcast %broadcast_in_dim3A_537 : i32 to vector<16xi32>
    %broadcast_in_dim3A_539 = arith.constant 1 : i32
    %broadcast_in_dim3A_540 = vector.broadcast %broadcast_in_dim3A_539 : i32 to vector<16xi32>
    %shift_right_arithmetic3A_541 = arith.shrsi %bitcast_convert_type3A_536, %broadcast_in_dim3A_540 : vector<16xi32>
    %sub3A_542 = arith.subi %broadcast_in_dim3A_538, %shift_right_arithmetic3A_541 : vector<16xi32>
    %bitcast_convert_type3A_543 = tpu.bitcast %sub3A_542 : vector<16xi32> -> vector<16xf32>
    %mul3A_544 = arith.constant 5.000000e-01 : f32
    %mul3A_545 = vector.broadcast %mul3A_544 : f32 to vector<16xf32>
    %mul3A_546 = arith.mulf %mul3A_545, %add3A_535 : vector<16xf32>
    %mul3A_547 = arith.mulf %mul3A_546, %bitcast_convert_type3A_543 : vector<16xf32>
    %mul3A_548 = arith.mulf %mul3A_547, %bitcast_convert_type3A_543 : vector<16xf32>
    %sub3A_549 = arith.constant 1.500000e+00 : f32
    %sub3A_550 = vector.broadcast %sub3A_549 : f32 to vector<16xf32>
    %sub3A_551 = arith.subf %sub3A_550, %mul3A_548 : vector<16xf32>
    %mul3A_552 = arith.mulf %bitcast_convert_type3A_543, %sub3A_551 : vector<16xf32>
    %mul3A_553 = arith.constant 5.000000e-01 : f32
    %mul3A_554 = vector.broadcast %mul3A_553 : f32 to vector<16xf32>
    %mul3A_555 = arith.mulf %mul3A_554, %add3A_535 : vector<16xf32>
    %mul3A_556 = arith.mulf %mul3A_555, %mul3A_552 : vector<16xf32>
    %mul3A_557 = arith.mulf %mul3A_556, %mul3A_552 : vector<16xf32>
    %sub3A_558 = arith.constant 1.500000e+00 : f32
    %sub3A_559 = vector.broadcast %sub3A_558 : f32 to vector<16xf32>
    %sub3A_560 = arith.subf %sub3A_559, %mul3A_557 : vector<16xf32>
    %mul3A_561 = arith.mulf %mul3A_552, %sub3A_560 : vector<16xf32>
    %mul3A_562 = arith.constant 5.000000e-01 : f32
    %mul3A_563 = vector.broadcast %mul3A_562 : f32 to vector<16xf32>
    %mul3A_564 = arith.mulf %mul3A_563, %add3A_535 : vector<16xf32>
    %mul3A_565 = arith.mulf %mul3A_564, %mul3A_561 : vector<16xf32>
    %mul3A_566 = arith.mulf %mul3A_565, %mul3A_561 : vector<16xf32>
    %sub3A_567 = arith.constant 1.500000e+00 : f32
    %sub3A_568 = vector.broadcast %sub3A_567 : f32 to vector<16xf32>
    %sub3A_569 = arith.subf %sub3A_568, %mul3A_566 : vector<16xf32>
    %mul3A_570 = arith.mulf %mul3A_561, %sub3A_569 : vector<16xf32>
    %get3A_571 = arith.constant 96 : index
    %get3A_572 = tpu.vector_load %arg10[%get3A_571] {strides = array<i32>} : memref<128xf32, #tpu.memory_space<vmem>>, vector<16xf32>,
    %get3A_573 = vector.shape_cast %get3A_572 : vector<16xf32> to vector<16xf32>
    %mul3A_574 = arith.mulf %get3A_573, %mul3A_570 : vector<16xf32>
    %get3A_575 = arith.constant 96 : index
    %get3A_576 = tpu.vector_load %arg11[%get3A_575] {strides = array<i32>} : memref<128xf32, #tpu.memory_space<vmem>>, vector<16xf32>,
    %get3A_577 = vector.shape_cast %get3A_576 : vector<16xf32> to vector<16xf32>
    %mul3A_578 = arith.mulf %mul3A_522, %mul3A_574 : vector<16xf32>
    %sub3A_579 = arith.subf %get3A_577, %mul3A_578 : vector<16xf32>
    %get3A_580 = arith.constant 0 : i32
    %get3A_581 = arith.index_cast %get3A_580 : i32 to index
    %get3A_582 = arith.constant 112 : index
    %get3A_583 = tpu.vector_load %arg9[%get3A_581, %get3A_582] {strides = array<i32>} : memref<2x128xf32, #tpu.memory_space<vmem>>, vector<1x16xf32>,
    %get3A_584 = vector.shape_cast %get3A_583 : vector<1x16xf32> to vector<16xf32>
    %mul3A_585 = arith.constant 3.125000e-06 : f32
    %mul3A_586 = vector.broadcast %mul3A_585 : f32 to vector<16xf32>
    %mul3A_587 = arith.mulf %get3A_584, %mul3A_586 : vector<16xf32>
    %get3A_588 = arith.constant 1 : i32
    %get3A_589 = arith.index_cast %get3A_588 : i32 to index
    %get3A_590 = arith.constant 112 : index
    %get3A_591 = tpu.vector_load %arg9[%get3A_589, %get3A_590] {strides = array<i32>} : memref<2x128xf32, #tpu.memory_space<vmem>>, vector<1x16xf32>,
    %get3A_592 = vector.shape_cast %get3A_591 : vector<1x16xf32> to vector<16xf32>
    %mul3A_593 = arith.constant 3.125000e-06 : f32
    %mul3A_594 = vector.broadcast %mul3A_593 : f32 to vector<16xf32>
    %mul3A_595 = arith.mulf %get3A_592, %mul3A_594 : vector<16xf32>
    %mul3A_596 = arith.mulf %mul3A_587, %mul3A_587 : vector<16xf32>
    %sub3A_597 = arith.subf %mul3A_595, %mul3A_596 : vector<16xf32>
    %add3A_598 = arith.constant 9.99999974E-6 : f32
    %add3A_599 = vector.broadcast %add3A_598 : f32 to vector<16xf32>
    %add3A_600 = arith.addf %sub3A_597, %add3A_599 : vector<16xf32>
    %bitcast_convert_type3A_601 = tpu.bitcast %add3A_600 : vector<16xf32> -> vector<16xi32>
    %broadcast_in_dim3A_602 = arith.constant 1597463007 : i32
    %broadcast_in_dim3A_603 = vector.broadcast %broadcast_in_dim3A_602 : i32 to vector<16xi32>
    %broadcast_in_dim3A_604 = arith.constant 1 : i32
    %broadcast_in_dim3A_605 = vector.broadcast %broadcast_in_dim3A_604 : i32 to vector<16xi32>
    %shift_right_arithmetic3A_606 = arith.shrsi %bitcast_convert_type3A_601, %broadcast_in_dim3A_605 : vector<16xi32>
    %sub3A_607 = arith.subi %broadcast_in_dim3A_603, %shift_right_arithmetic3A_606 : vector<16xi32>
    %bitcast_convert_type3A_608 = tpu.bitcast %sub3A_607 : vector<16xi32> -> vector<16xf32>
    %mul3A_609 = arith.constant 5.000000e-01 : f32
    %mul3A_610 = vector.broadcast %mul3A_609 : f32 to vector<16xf32>
    %mul3A_611 = arith.mulf %mul3A_610, %add3A_600 : vector<16xf32>
    %mul3A_612 = arith.mulf %mul3A_611, %bitcast_convert_type3A_608 : vector<16xf32>
    %mul3A_613 = arith.mulf %mul3A_612, %bitcast_convert_type3A_608 : vector<16xf32>
    %sub3A_614 = arith.constant 1.500000e+00 : f32
    %sub3A_615 = vector.broadcast %sub3A_614 : f32 to vector<16xf32>
    %sub3A_616 = arith.subf %sub3A_615, %mul3A_613 : vector<16xf32>
    %mul3A_617 = arith.mulf %bitcast_convert_type3A_608, %sub3A_616 : vector<16xf32>
    %mul3A_618 = arith.constant 5.000000e-01 : f32
    %mul3A_619 = vector.broadcast %mul3A_618 : f32 to vector<16xf32>
    %mul3A_620 = arith.mulf %mul3A_619, %add3A_600 : vector<16xf32>
    %mul3A_621 = arith.mulf %mul3A_620, %mul3A_617 : vector<16xf32>
    %mul3A_622 = arith.mulf %mul3A_621, %mul3A_617 : vector<16xf32>
    %sub3A_623 = arith.constant 1.500000e+00 : f32
    %sub3A_624 = vector.broadcast %sub3A_623 : f32 to vector<16xf32>
    %sub3A_625 = arith.subf %sub3A_624, %mul3A_622 : vector<16xf32>
    %mul3A_626 = arith.mulf %mul3A_617, %sub3A_625 : vector<16xf32>
    %mul3A_627 = arith.constant 5.000000e-01 : f32
    %mul3A_628 = vector.broadcast %mul3A_627 : f32 to vector<16xf32>
    %mul3A_629 = arith.mulf %mul3A_628, %add3A_600 : vector<16xf32>
    %mul3A_630 = arith.mulf %mul3A_629, %mul3A_626 : vector<16xf32>
    %mul3A_631 = arith.mulf %mul3A_630, %mul3A_626 : vector<16xf32>
    %sub3A_632 = arith.constant 1.500000e+00 : f32
    %sub3A_633 = vector.broadcast %sub3A_632 : f32 to vector<16xf32>
    %sub3A_634 = arith.subf %sub3A_633, %mul3A_631 : vector<16xf32>
    %mul3A_635 = arith.mulf %mul3A_626, %sub3A_634 : vector<16xf32>
    %get3A_636 = arith.constant 112 : index
    %get3A_637 = tpu.vector_load %arg10[%get3A_636] {strides = array<i32>} : memref<128xf32, #tpu.memory_space<vmem>>, vector<16xf32>,
    %get3A_638 = vector.shape_cast %get3A_637 : vector<16xf32> to vector<16xf32>
    %mul3A_639 = arith.mulf %get3A_638, %mul3A_635 : vector<16xf32>
    %get3A_640 = arith.constant 112 : index
    %get3A_641 = tpu.vector_load %arg11[%get3A_640] {strides = array<i32>} : memref<128xf32, #tpu.memory_space<vmem>>, vector<16xf32>,
    %get3A_642 = vector.shape_cast %get3A_641 : vector<16xf32> to vector<16xf32>
    %mul3A_643 = arith.mulf %mul3A_587, %mul3A_639 : vector<16xf32>
    %sub3A_644 = arith.subf %get3A_642, %mul3A_643 : vector<16xf32>
    %scan3A_645 = arith.constant 0 : i32
    %scan3A_646 = arith.constant 0 : i32
    %scan3A_647 = arith.constant 128 : i32
    %scan3A_648 = arith.addi %scan3A_646, %scan3A_647 : i32
    %scan3A_649 = arith.constant 1 : i32
    %scan3A_650 = scf.for %scan3A_672 = %scan3A_646 to %scan3A_648 step %scan3A_649 iter_args(%scan3A_673 = %scan3A_645) -> (i32)  : i32 {
      %swap3A_674 = arith.index_cast %scan3A_672 : i32 to index
      %swap3A_675 = arith.constant 0 : index
      %swap3A_676 = tpu.vector_load %arg15[%swap3A_674, %swap3A_675] {strides = array<i32>} : memref<128x128xf32, #tpu.memory_space<vmem>>, vector<1x16xf32>,
      %swap3A_677 = vector.shape_cast %swap3A_676 : vector<1x16xf32> to vector<16xf32>
      %swap3A_678 = vector.shape_cast %broadcast_in_dim3A_6 : vector<16xf32> to vector<1x16xf32>
      tpu.vector_store %arg15[%swap3A_674, %swap3A_675], %swap3A_678 {strides = array<i32>} : memref<128x128xf32, #tpu.memory_space<vmem>>, vector<1x16xf32>,
      %swap3A_679 = arith.index_cast %scan3A_672 : i32 to index
      %swap3A_680 = arith.constant 16 : index
      %swap3A_681 = tpu.vector_load %arg15[%swap3A_679, %swap3A_680] {strides = array<i32>} : memref<128x128xf32, #tpu.memory_space<vmem>>, vector<1x16xf32>,
      %swap3A_682 = vector.shape_cast %swap3A_681 : vector<1x16xf32> to vector<16xf32>
      %swap3A_683 = vector.shape_cast %broadcast_in_dim3A_6 : vector<16xf32> to vector<1x16xf32>
      tpu.vector_store %arg15[%swap3A_679, %swap3A_680], %swap3A_683 {strides = array<i32>} : memref<128x128xf32, #tpu.memory_space<vmem>>, vector<1x16xf32>,
      %swap3A_684 = arith.index_cast %scan3A_672 : i32 to index
      %swap3A_685 = arith.constant 32 : index
      %swap3A_686 = tpu.vector_load %arg15[%swap3A_684, %swap3A_685] {strides = array<i32>} : memref<128x128xf32, #tpu.memory_space<vmem>>, vector<1x16xf32>,
      %swap3A_687 = vector.shape_cast %swap3A_686 : vector<1x16xf32> to vector<16xf32>
      %swap3A_688 = vector.shape_cast %broadcast_in_dim3A_6 : vector<16xf32> to vector<1x16xf32>
      tpu.vector_store %arg15[%swap3A_684, %swap3A_685], %swap3A_688 {strides = array<i32>} : memref<128x128xf32, #tpu.memory_space<vmem>>, vector<1x16xf32>,
      %swap3A_689 = arith.index_cast %scan3A_672 : i32 to index
      %swap3A_690 = arith.constant 48 : index
      %swap3A_691 = tpu.vector_load %arg15[%swap3A_689, %swap3A_690] {strides = array<i32>} : memref<128x128xf32, #tpu.memory_space<vmem>>, vector<1x16xf32>,
      %swap3A_692 = vector.shape_cast %swap3A_691 : vector<1x16xf32> to vector<16xf32>
      %swap3A_693 = vector.shape_cast %broadcast_in_dim3A_6 : vector<16xf32> to vector<1x16xf32>
      tpu.vector_store %arg15[%swap3A_689, %swap3A_690], %swap3A_693 {strides = array<i32>} : memref<128x128xf32, #tpu.memory_space<vmem>>, vector<1x16xf32>,
      %swap3A_694 = arith.index_cast %scan3A_672 : i32 to index
      %swap3A_695 = arith.constant 64 : index
      %swap3A_696 = tpu.vector_load %arg15[%swap3A_694, %swap3A_695] {strides = array<i32>} : memref<128x128xf32, #tpu.memory_space<vmem>>, vector<1x16xf32>,
      %swap3A_697 = vector.shape_cast %swap3A_696 : vector<1x16xf32> to vector<16xf32>
      %swap3A_698 = vector.shape_cast %broadcast_in_dim3A_6 : vector<16xf32> to vector<1x16xf32>
      tpu.vector_store %arg15[%swap3A_694, %swap3A_695], %swap3A_698 {strides = array<i32>} : memref<128x128xf32, #tpu.memory_space<vmem>>, vector<1x16xf32>,
      %swap3A_699 = arith.index_cast %scan3A_672 : i32 to index
      %swap3A_700 = arith.constant 80 : index
      %swap3A_701 = tpu.vector_load %arg15[%swap3A_699, %swap3A_700] {strides = array<i32>} : memref<128x128xf32, #tpu.memory_space<vmem>>, vector<1x16xf32>,
      %swap3A_702 = vector.shape_cast %swap3A_701 : vector<1x16xf32> to vector<16xf32>
      %swap3A_703 = vector.shape_cast %broadcast_in_dim3A_6 : vector<16xf32> to vector<1x16xf32>
      tpu.vector_store %arg15[%swap3A_699, %swap3A_700], %swap3A_703 {strides = array<i32>} : memref<128x128xf32, #tpu.memory_space<vmem>>, vector<1x16xf32>,
      %swap3A_704 = arith.index_cast %scan3A_672 : i32 to index
      %swap3A_705 = arith.constant 96 : index
      %swap3A_706 = tpu.vector_load %arg15[%swap3A_704, %swap3A_705] {strides = array<i32>} : memref<128x128xf32, #tpu.memory_space<vmem>>, vector<1x16xf32>,
      %swap3A_707 = vector.shape_cast %swap3A_706 : vector<1x16xf32> to vector<16xf32>
      %swap3A_708 = vector.shape_cast %broadcast_in_dim3A_6 : vector<16xf32> to vector<1x16xf32>
      tpu.vector_store %arg15[%swap3A_704, %swap3A_705], %swap3A_708 {strides = array<i32>} : memref<128x128xf32, #tpu.memory_space<vmem>>, vector<1x16xf32>,
      %swap3A_709 = arith.index_cast %scan3A_672 : i32 to index
      %swap3A_710 = arith.constant 112 : index
      %swap3A_711 = tpu.vector_load %arg15[%swap3A_709, %swap3A_710] {strides = array<i32>} : memref<128x128xf32, #tpu.memory_space<vmem>>, vector<1x16xf32>,
      %swap3A_712 = vector.shape_cast %swap3A_711 : vector<1x16xf32> to vector<16xf32>
      %swap3A_713 = vector.shape_cast %broadcast_in_dim3A_6 : vector<16xf32> to vector<1x16xf32>
      tpu.vector_store %arg15[%swap3A_709, %swap3A_710], %swap3A_713 {strides = array<i32>} : memref<128x128xf32, #tpu.memory_space<vmem>>, vector<1x16xf32>,
      %scan3A_714 = arith.constant 0 : i32
      scf.yield %scan3A_714 : i32
    }
    %scan3A_651 = arith.constant 128 : i32
    %mul3A_652 = arith.constant 632 : i32
    %mul3A_653 = arith.muli %arg1, %mul3A_652 : i32
    %add3A_654 = arith.constant 0 : i32
    %add3A_655 = arith.addi %mul3A_653, %add3A_654 : i32
    "tpu.region"() ({
      %run_scoped3A = tpu.sem_alloc : memref<!tpu.dma_semaphore, #tpu.memory_space<semaphore_mem>>
      %dma_start3A = arith.constant 0 : i32
      %dma_start3A_672 = tpu.memref_slice %arg17[%add3A_655, %dma_start3A] : memref<10112x128xf32, #tpu.memory_space<vmem_shared>> -> memref<128x128xf32, #tpu.memory_space<vmem_shared>>
      %dma_start3A_673 = arith.constant 0 : i32
      %dma_start3A_674 = tpu.memref_slice %arg17[%add3A_655, %dma_start3A_673] : memref<10112x128xf32, #tpu.memory_space<vmem_shared>> -> memref<128x128xf32, #tpu.memory_space<vmem_shared>>
      tpu.enqueue_dma source(%arg15 : memref<128x128xf32, #tpu.memory_space<vmem>>) target(%dma_start3A_674 : memref<128x128xf32, #tpu.memory_space<vmem_shared>>) target_semaphore(%run_scoped3A : memref<!tpu.dma_semaphore, #tpu.memory_space<semaphore_mem>>)
      %dma_wait3A = arith.constant 0 : i32
      %dma_wait3A_675 = tpu.memref_slice %arg17[%add3A_655, %dma_wait3A] : memref<10112x128xf32, #tpu.memory_space<vmem_shared>> -> memref<128x128xf32, #tpu.memory_space<vmem_shared>>
      %dma_wait3A_676 = arith.constant 0 : i32
      %dma_wait3A_677 = tpu.memref_slice %arg17[%add3A_655, %dma_wait3A_676] : memref<10112x128xf32, #tpu.memory_space<vmem_shared>> -> memref<128x128xf32, #tpu.memory_space<vmem_shared>>
      tpu.wait_dma2 semaphore(%run_scoped3A : memref<!tpu.dma_semaphore, #tpu.memory_space<semaphore_mem>>) src(%arg15 : memref<128x128xf32, #tpu.memory_space<vmem>>) dst(%dma_wait3A_677 : memref<128x128xf32, #tpu.memory_space<vmem_shared>>)
      tpu.yield
    }) : () -> ()
    %add3A_656 = arith.constant 128 : i32
    %add3A_657 = arith.addi %mul3A_653, %add3A_656 : i32
    "tpu.region"() ({
      %run_scoped3A = tpu.sem_alloc : memref<!tpu.dma_semaphore, #tpu.memory_space<semaphore_mem>>
      %dma_start3A = arith.constant 0 : i32
      %dma_start3A_672 = tpu.memref_slice %arg17[%add3A_657, %dma_start3A] : memref<10112x128xf32, #tpu.memory_space<vmem_shared>> -> memref<128x128xf32, #tpu.memory_space<vmem_shared>>
      %dma_start3A_673 = arith.constant 0 : i32
      %dma_start3A_674 = tpu.memref_slice %arg17[%add3A_657, %dma_start3A_673] : memref<10112x128xf32, #tpu.memory_space<vmem_shared>> -> memref<128x128xf32, #tpu.memory_space<vmem_shared>>
      tpu.enqueue_dma source(%arg15 : memref<128x128xf32, #tpu.memory_space<vmem>>) target(%dma_start3A_674 : memref<128x128xf32, #tpu.memory_space<vmem_shared>>) target_semaphore(%run_scoped3A : memref<!tpu.dma_semaphore, #tpu.memory_space<semaphore_mem>>)
      %dma_wait3A = arith.constant 0 : i32
      %dma_wait3A_675 = tpu.memref_slice %arg17[%add3A_657, %dma_wait3A] : memref<10112x128xf32, #tpu.memory_space<vmem_shared>> -> memref<128x128xf32, #tpu.memory_space<vmem_shared>>
      %dma_wait3A_676 = arith.constant 0 : i32
      %dma_wait3A_677 = tpu.memref_slice %arg17[%add3A_657, %dma_wait3A_676] : memref<10112x128xf32, #tpu.memory_space<vmem_shared>> -> memref<128x128xf32, #tpu.memory_space<vmem_shared>>
      tpu.wait_dma2 semaphore(%run_scoped3A : memref<!tpu.dma_semaphore, #tpu.memory_space<semaphore_mem>>) src(%arg15 : memref<128x128xf32, #tpu.memory_space<vmem>>) dst(%dma_wait3A_677 : memref<128x128xf32, #tpu.memory_space<vmem_shared>>)
      tpu.yield
    }) : () -> ()
    %add3A_658 = arith.constant 256 : i32
    %add3A_659 = arith.addi %mul3A_653, %add3A_658 : i32
    "tpu.region"() ({
      %run_scoped3A = tpu.sem_alloc : memref<!tpu.dma_semaphore, #tpu.memory_space<semaphore_mem>>
      %dma_start3A = arith.constant 0 : i32
      %dma_start3A_672 = tpu.memref_slice %arg17[%add3A_659, %dma_start3A] : memref<10112x128xf32, #tpu.memory_space<vmem_shared>> -> memref<128x128xf32, #tpu.memory_space<vmem_shared>>
      %dma_start3A_673 = arith.constant 0 : i32
      %dma_start3A_674 = tpu.memref_slice %arg17[%add3A_659, %dma_start3A_673] : memref<10112x128xf32, #tpu.memory_space<vmem_shared>> -> memref<128x128xf32, #tpu.memory_space<vmem_shared>>
      tpu.enqueue_dma source(%arg15 : memref<128x128xf32, #tpu.memory_space<vmem>>) target(%dma_start3A_674 : memref<128x128xf32, #tpu.memory_space<vmem_shared>>) target_semaphore(%run_scoped3A : memref<!tpu.dma_semaphore, #tpu.memory_space<semaphore_mem>>)
      %dma_wait3A = arith.constant 0 : i32
      %dma_wait3A_675 = tpu.memref_slice %arg17[%add3A_659, %dma_wait3A] : memref<10112x128xf32, #tpu.memory_space<vmem_shared>> -> memref<128x128xf32, #tpu.memory_space<vmem_shared>>
      %dma_wait3A_676 = arith.constant 0 : i32
      %dma_wait3A_677 = tpu.memref_slice %arg17[%add3A_659, %dma_wait3A_676] : memref<10112x128xf32, #tpu.memory_space<vmem_shared>> -> memref<128x128xf32, #tpu.memory_space<vmem_shared>>
      tpu.wait_dma2 semaphore(%run_scoped3A : memref<!tpu.dma_semaphore, #tpu.memory_space<semaphore_mem>>) src(%arg15 : memref<128x128xf32, #tpu.memory_space<vmem>>) dst(%dma_wait3A_677 : memref<128x128xf32, #tpu.memory_space<vmem_shared>>)
      tpu.yield
    }) : () -> ()
    %add3A_660 = arith.constant 384 : i32
    %add3A_661 = arith.addi %mul3A_653, %add3A_660 : i32
    "tpu.region"() ({
      %run_scoped3A = tpu.sem_alloc : memref<!tpu.dma_semaphore, #tpu.memory_space<semaphore_mem>>
      %dma_start3A = arith.constant 0 : i32
      %dma_start3A_672 = tpu.memref_slice %arg17[%add3A_661, %dma_start3A] : memref<10112x128xf32, #tpu.memory_space<vmem_shared>> -> memref<128x128xf32, #tpu.memory_space<vmem_shared>>
      %dma_start3A_673 = arith.constant 0 : i32
      %dma_start3A_674 = tpu.memref_slice %arg17[%add3A_661, %dma_start3A_673] : memref<10112x128xf32, #tpu.memory_space<vmem_shared>> -> memref<128x128xf32, #tpu.memory_space<vmem_shared>>
      tpu.enqueue_dma source(%arg15 : memref<128x128xf32, #tpu.memory_space<vmem>>) target(%dma_start3A_674 : memref<128x128xf32, #tpu.memory_space<vmem_shared>>) target_semaphore(%run_scoped3A : memref<!tpu.dma_semaphore, #tpu.memory_space<semaphore_mem>>)
      %dma_wait3A = arith.constant 0 : i32
      %dma_wait3A_675 = tpu.memref_slice %arg17[%add3A_661, %dma_wait3A] : memref<10112x128xf32, #tpu.memory_space<vmem_shared>> -> memref<128x128xf32, #tpu.memory_space<vmem_shared>>
      %dma_wait3A_676 = arith.constant 0 : i32
      %dma_wait3A_677 = tpu.memref_slice %arg17[%add3A_661, %dma_wait3A_676] : memref<10112x128xf32, #tpu.memory_space<vmem_shared>> -> memref<128x128xf32, #tpu.memory_space<vmem_shared>>
      tpu.wait_dma2 semaphore(%run_scoped3A : memref<!tpu.dma_semaphore, #tpu.memory_space<semaphore_mem>>) src(%arg15 : memref<128x128xf32, #tpu.memory_space<vmem>>) dst(%dma_wait3A_677 : memref<128x128xf32, #tpu.memory_space<vmem_shared>>)
      tpu.yield
    }) : () -> ()
    %add3A_662 = arith.constant 512 : i32
    %add3A_663 = arith.addi %mul3A_653, %add3A_662 : i32
    "tpu.region"() ({
      %run_scoped3A = tpu.sem_alloc : memref<!tpu.dma_semaphore, #tpu.memory_space<semaphore_mem>>
      %dma_start3A = arith.constant 0 : i32
      %dma_start3A_672 = arith.constant 0 : i32
      %dma_start3A_673 = tpu.memref_slice %arg15[%dma_start3A, %dma_start3A_672] : memref<128x128xf32, #tpu.memory_space<vmem>> -> memref<120x128xf32, #tpu.memory_space<vmem>>
      %dma_start3A_674 = arith.constant 0 : i32
      %dma_start3A_675 = tpu.memref_slice %arg17[%add3A_663, %dma_start3A_674] : memref<10112x128xf32, #tpu.memory_space<vmem_shared>> -> memref<120x128xf32, #tpu.memory_space<vmem_shared>>
      %dma_start3A_676 = arith.constant 0 : i32
      %dma_start3A_677 = tpu.memref_slice %arg17[%add3A_663, %dma_start3A_676] : memref<10112x128xf32, #tpu.memory_space<vmem_shared>> -> memref<120x128xf32, #tpu.memory_space<vmem_shared>>
      %dma_start3A_678 = arith.constant 0 : i32
      %dma_start3A_679 = arith.constant 0 : i32
      %dma_start3A_680 = tpu.memref_slice %arg15[%dma_start3A_678, %dma_start3A_679] : memref<128x128xf32, #tpu.memory_space<vmem>> -> memref<120x128xf32, #tpu.memory_space<vmem>>
      tpu.enqueue_dma source(%dma_start3A_680 : memref<120x128xf32, #tpu.memory_space<vmem>>) target(%dma_start3A_677 : memref<120x128xf32, #tpu.memory_space<vmem_shared>>) target_semaphore(%run_scoped3A : memref<!tpu.dma_semaphore, #tpu.memory_space<semaphore_mem>>)
      %dma_wait3A = arith.constant 0 : i32
      %dma_wait3A_681 = arith.constant 0 : i32
      %dma_wait3A_682 = tpu.memref_slice %arg15[%dma_wait3A, %dma_wait3A_681] : memref<128x128xf32, #tpu.memory_space<vmem>> -> memref<120x128xf32, #tpu.memory_space<vmem>>
      %dma_wait3A_683 = arith.constant 0 : i32
      %dma_wait3A_684 = tpu.memref_slice %arg17[%add3A_663, %dma_wait3A_683] : memref<10112x128xf32, #tpu.memory_space<vmem_shared>> -> memref<120x128xf32, #tpu.memory_space<vmem_shared>>
      %dma_wait3A_685 = arith.constant 0 : i32
      %dma_wait3A_686 = tpu.memref_slice %arg17[%add3A_663, %dma_wait3A_685] : memref<10112x128xf32, #tpu.memory_space<vmem_shared>> -> memref<120x128xf32, #tpu.memory_space<vmem_shared>>
      %dma_wait3A_687 = arith.constant 0 : i32
      %dma_wait3A_688 = arith.constant 0 : i32
      %dma_wait3A_689 = tpu.memref_slice %arg15[%dma_wait3A_687, %dma_wait3A_688] : memref<128x128xf32, #tpu.memory_space<vmem>> -> memref<120x128xf32, #tpu.memory_space<vmem>>
      tpu.wait_dma2 semaphore(%run_scoped3A : memref<!tpu.dma_semaphore, #tpu.memory_space<semaphore_mem>>) src(%dma_wait3A_689 : memref<120x128xf32, #tpu.memory_space<vmem>>) dst(%dma_wait3A_686 : memref<120x128xf32, #tpu.memory_space<vmem_shared>>)
      tpu.yield
    }) : () -> ()
    %barrier3A = arith.constant 0 : index
    tpu.barrier barrier_id(%barrier3A)
    %scan3A_664 = arith.constant 0 : i32
    %scan3A_665 = arith.constant 0 : i32
    %scan3A_666 = arith.constant 79 : i32
    %scan3A_667 = arith.addi %scan3A_665, %scan3A_666 : i32
    %scan3A_668 = arith.constant 1 : i32
    %scan3A_669 = scf.for %scan3A_672 = %scan3A_665 to %scan3A_667 step %scan3A_668 iter_args(%scan3A_673 = %scan3A_664) -> (i32)  : i32 {
      %get3A_674 = arith.constant 0 : i32
      %get3A_675 = arith.index_cast %scan3A_672 : i32 to index
      %get3A_676 = arith.index_cast %get3A_674 : i32 to index
      %get3A_677 = arith.constant 0 : index
      %get3A_678 = tpu.vector_load %arg12[%get3A_675, %get3A_676, %get3A_677] {strides = array<i32>} : memref<79x1x128xi32, #tpu.memory_space<vmem>>, vector<1x1x16xi32>,
      %get3A_679 = vector.shape_cast %get3A_678 : vector<1x1x16xi32> to vector<16xi32>
      %swap3A_680 = arith.constant 0 : index
      %swap3A_681 = tpu.vector_load %arg13[%swap3A_680] {strides = array<i32>} : memref<128xi32, #tpu.memory_space<vmem>>, vector<16xi32>,
      %swap3A_682 = vector.shape_cast %swap3A_681 : vector<16xi32> to vector<16xi32>
      %swap3A_683 = vector.shape_cast %get3A_679 : vector<16xi32> to vector<16xi32>
      tpu.vector_store %arg13[%swap3A_680], %swap3A_683 {strides = array<i32>} : memref<128xi32, #tpu.memory_space<vmem>>, vector<16xi32>,
      %get3A_684 = arith.constant 0 : i32
      %get3A_685 = arith.index_cast %scan3A_672 : i32 to index
      %get3A_686 = arith.index_cast %get3A_684 : i32 to index
      %get3A_687 = arith.constant 16 : index
      %get3A_688 = tpu.vector_load %arg12[%get3A_685, %get3A_686, %get3A_687] {strides = array<i32>} : memref<79x1x128xi32, #tpu.memory_space<vmem>>, vector<1x1x16xi32>,
      %get3A_689 = vector.shape_cast %get3A_688 : vector<1x1x16xi32> to vector<16xi32>
      %swap3A_690 = arith.constant 16 : index
      %swap3A_691 = tpu.vector_load %arg13[%swap3A_690] {strides = array<i32>} : memref<128xi32, #tpu.memory_space<vmem>>, vector<16xi32>,
      %swap3A_692 = vector.shape_cast %swap3A_691 : vector<16xi32> to vector<16xi32>
      %swap3A_693 = vector.shape_cast %get3A_689 : vector<16xi32> to vector<16xi32>
      tpu.vector_store %arg13[%swap3A_690], %swap3A_693 {strides = array<i32>} : memref<128xi32, #tpu.memory_space<vmem>>, vector<16xi32>,
      %get3A_694 = arith.constant 0 : i32
      %get3A_695 = arith.index_cast %scan3A_672 : i32 to index
      %get3A_696 = arith.index_cast %get3A_694 : i32 to index
      %get3A_697 = arith.constant 32 : index
      %get3A_698 = tpu.vector_load %arg12[%get3A_695, %get3A_696, %get3A_697] {strides = array<i32>} : memref<79x1x128xi32, #tpu.memory_space<vmem>>, vector<1x1x16xi32>,
      %get3A_699 = vector.shape_cast %get3A_698 : vector<1x1x16xi32> to vector<16xi32>
      %swap3A_700 = arith.constant 32 : index
      %swap3A_701 = tpu.vector_load %arg13[%swap3A_700] {strides = array<i32>} : memref<128xi32, #tpu.memory_space<vmem>>, vector<16xi32>,
      %swap3A_702 = vector.shape_cast %swap3A_701 : vector<16xi32> to vector<16xi32>
      %swap3A_703 = vector.shape_cast %get3A_699 : vector<16xi32> to vector<16xi32>
      tpu.vector_store %arg13[%swap3A_700], %swap3A_703 {strides = array<i32>} : memref<128xi32, #tpu.memory_space<vmem>>, vector<16xi32>,
      %get3A_704 = arith.constant 0 : i32
      %get3A_705 = arith.index_cast %scan3A_672 : i32 to index
      %get3A_706 = arith.index_cast %get3A_704 : i32 to index
      %get3A_707 = arith.constant 48 : index
      %get3A_708 = tpu.vector_load %arg12[%get3A_705, %get3A_706, %get3A_707] {strides = array<i32>} : memref<79x1x128xi32, #tpu.memory_space<vmem>>, vector<1x1x16xi32>,
      %get3A_709 = vector.shape_cast %get3A_708 : vector<1x1x16xi32> to vector<16xi32>
      %swap3A_710 = arith.constant 48 : index
      %swap3A_711 = tpu.vector_load %arg13[%swap3A_710] {strides = array<i32>} : memref<128xi32, #tpu.memory_space<vmem>>, vector<16xi32>,
      %swap3A_712 = vector.shape_cast %swap3A_711 : vector<16xi32> to vector<16xi32>
      %swap3A_713 = vector.shape_cast %get3A_709 : vector<16xi32> to vector<16xi32>
      tpu.vector_store %arg13[%swap3A_710], %swap3A_713 {strides = array<i32>} : memref<128xi32, #tpu.memory_space<vmem>>, vector<16xi32>,
      %get3A_714 = arith.constant 0 : i32
      %get3A_715 = arith.index_cast %scan3A_672 : i32 to index
      %get3A_716 = arith.index_cast %get3A_714 : i32 to index
      %get3A_717 = arith.constant 64 : index
      %get3A_718 = tpu.vector_load %arg12[%get3A_715, %get3A_716, %get3A_717] {strides = array<i32>} : memref<79x1x128xi32, #tpu.memory_space<vmem>>, vector<1x1x16xi32>,
      %get3A_719 = vector.shape_cast %get3A_718 : vector<1x1x16xi32> to vector<16xi32>
      %swap3A_720 = arith.constant 64 : index
      %swap3A_721 = tpu.vector_load %arg13[%swap3A_720] {strides = array<i32>} : memref<128xi32, #tpu.memory_space<vmem>>, vector<16xi32>,
      %swap3A_722 = vector.shape_cast %swap3A_721 : vector<16xi32> to vector<16xi32>
      %swap3A_723 = vector.shape_cast %get3A_719 : vector<16xi32> to vector<16xi32>
      tpu.vector_store %arg13[%swap3A_720], %swap3A_723 {strides = array<i32>} : memref<128xi32, #tpu.memory_space<vmem>>, vector<16xi32>,
      %get3A_724 = arith.constant 0 : i32
      %get3A_725 = arith.index_cast %scan3A_672 : i32 to index
      %get3A_726 = arith.index_cast %get3A_724 : i32 to index
      %get3A_727 = arith.constant 80 : index
      %get3A_728 = tpu.vector_load %arg12[%get3A_725, %get3A_726, %get3A_727] {strides = array<i32>} : memref<79x1x128xi32, #tpu.memory_space<vmem>>, vector<1x1x16xi32>,
      %get3A_729 = vector.shape_cast %get3A_728 : vector<1x1x16xi32> to vector<16xi32>
      %swap3A_730 = arith.constant 80 : index
      %swap3A_731 = tpu.vector_load %arg13[%swap3A_730] {strides = array<i32>} : memref<128xi32, #tpu.memory_space<vmem>>, vector<16xi32>,
      %swap3A_732 = vector.shape_cast %swap3A_731 : vector<16xi32> to vector<16xi32>
      %swap3A_733 = vector.shape_cast %get3A_729 : vector<16xi32> to vector<16xi32>
      tpu.vector_store %arg13[%swap3A_730], %swap3A_733 {strides = array<i32>} : memref<128xi32, #tpu.memory_space<vmem>>, vector<16xi32>,
      %get3A_734 = arith.constant 0 : i32
      %get3A_735 = arith.index_cast %scan3A_672 : i32 to index
      %get3A_736 = arith.index_cast %get3A_734 : i32 to index
      %get3A_737 = arith.constant 96 : index
      %get3A_738 = tpu.vector_load %arg12[%get3A_735, %get3A_736, %get3A_737] {strides = array<i32>} : memref<79x1x128xi32, #tpu.memory_space<vmem>>, vector<1x1x16xi32>,
      %get3A_739 = vector.shape_cast %get3A_738 : vector<1x1x16xi32> to vector<16xi32>
      %swap3A_740 = arith.constant 96 : index
      %swap3A_741 = tpu.vector_load %arg13[%swap3A_740] {strides = array<i32>} : memref<128xi32, #tpu.memory_space<vmem>>, vector<16xi32>,
      %swap3A_742 = vector.shape_cast %swap3A_741 : vector<16xi32> to vector<16xi32>
      %swap3A_743 = vector.shape_cast %get3A_739 : vector<16xi32> to vector<16xi32>
      tpu.vector_store %arg13[%swap3A_740], %swap3A_743 {strides = array<i32>} : memref<128xi32, #tpu.memory_space<vmem>>, vector<16xi32>,
      %get3A_744 = arith.constant 0 : i32
      %get3A_745 = arith.index_cast %scan3A_672 : i32 to index
      %get3A_746 = arith.index_cast %get3A_744 : i32 to index
      %get3A_747 = arith.constant 112 : index
      %get3A_748 = tpu.vector_load %arg12[%get3A_745, %get3A_746, %get3A_747] {strides = array<i32>} : memref<79x1x128xi32, #tpu.memory_space<vmem>>, vector<1x1x16xi32>,
      %get3A_749 = vector.shape_cast %get3A_748 : vector<1x1x16xi32> to vector<16xi32>
      %swap3A_750 = arith.constant 112 : index
      %swap3A_751 = tpu.vector_load %arg13[%swap3A_750] {strides = array<i32>} : memref<128xi32, #tpu.memory_space<vmem>>, vector<16xi32>,
      %swap3A_752 = vector.shape_cast %swap3A_751 : vector<16xi32> to vector<16xi32>
      %swap3A_753 = vector.shape_cast %get3A_749 : vector<16xi32> to vector<16xi32>
      tpu.vector_store %arg13[%swap3A_750], %swap3A_753 {strides = array<i32>} : memref<128xi32, #tpu.memory_space<vmem>>, vector<16xi32>,
      %mul3A_754 = arith.constant 128 : i32
      %mul3A_755 = arith.muli %scan3A_672, %mul3A_754 : i32
      %add3A_756 = arith.addi %multiple_of3A_5, %mul3A_755 : i32
      "tpu.region"() ({
        %run_scoped3A = tpu.sem_alloc : memref<!tpu.dma_semaphore, #tpu.memory_space<semaphore_mem>>
        %dma_start3A = arith.constant 0 : i32
        %dma_start3A_765 = tpu.memref_slice %arg2[%add3A_756, %dma_start3A] : memref<323584x128xf32, #tpu.memory_space<hbm>> -> memref<128x128xf32, #tpu.memory_space<hbm>>
        %dma_start3A_766 = arith.constant 0 : i32
        %dma_start3A_767 = tpu.memref_slice %arg2[%add3A_756, %dma_start3A_766] : memref<323584x128xf32, #tpu.memory_space<hbm>> -> memref<128x128xf32, #tpu.memory_space<hbm>>
        tpu.enqueue_dma source(%dma_start3A_767 : memref<128x128xf32, #tpu.memory_space<hbm>>) target(%arg15 : memref<128x128xf32, #tpu.memory_space<vmem>>) target_semaphore(%run_scoped3A : memref<!tpu.dma_semaphore, #tpu.memory_space<semaphore_mem>>)
        %dma_wait3A = arith.constant 0 : i32
        %dma_wait3A_768 = tpu.memref_slice %arg2[%add3A_756, %dma_wait3A] : memref<323584x128xf32, #tpu.memory_space<hbm>> -> memref<128x128xf32, #tpu.memory_space<hbm>>
        %dma_wait3A_769 = arith.constant 0 : i32
        %dma_wait3A_770 = tpu.memref_slice %arg2[%add3A_756, %dma_wait3A_769] : memref<323584x128xf32, #tpu.memory_space<hbm>> -> memref<128x128xf32, #tpu.memory_space<hbm>>
        tpu.wait_dma2 semaphore(%run_scoped3A : memref<!tpu.dma_semaphore, #tpu.memory_space<semaphore_mem>>) src(%dma_wait3A_770 : memref<128x128xf32, #tpu.memory_space<hbm>>) dst(%arg15 : memref<128x128xf32, #tpu.memory_space<vmem>>)
        tpu.yield
      }) : () -> ()
      %scan3A_757 = arith.constant 0 : i32
      %scan3A_758 = arith.constant 0 : i32
      %scan3A_759 = arith.constant 128 : i32
      %scan3A_760 = arith.addi %scan3A_758, %scan3A_759 : i32
      %scan3A_761 = arith.constant 1 : i32
      %scan3A_762 = scf.for %scan3A_765 = %scan3A_758 to %scan3A_760 step %scan3A_761 iter_args(%scan3A_766 = %scan3A_757) -> (i32)  : i32 {
        %get3A_767 = arith.index_cast %scan3A_765 : i32 to index
        %get3A_768 = arith.constant 0 : index
        %get3A_769 = tpu.vector_load %arg15[%get3A_767, %get3A_768] {strides = array<i32>} : memref<128x128xf32, #tpu.memory_space<vmem>>, vector<1x16xf32>,
        %get3A_770 = vector.shape_cast %get3A_769 : vector<1x16xf32> to vector<16xf32>
        %mul3A_771 = arith.mulf %mul3A_184, %get3A_770 : vector<16xf32>
        %add3A_772 = arith.addf %mul3A_771, %sub3A_189 : vector<16xf32>
        %neg3A = arith.constant 0.000000e+00 : f32
        %neg3A_773 = vector.broadcast %neg3A : f32 to vector<16xf32>
        %neg3A_774 = arith.subf %neg3A_773, %add3A_772 : vector<16xf32>
        %exp3A = math.exp %neg3A_774 : vector<16xf32>
        %add3A_775 = arith.constant 1.000000e+00 : f32
        %add3A_776 = vector.broadcast %add3A_775 : f32 to vector<16xf32>
        %add3A_777 = arith.addf %add3A_776, %exp3A : vector<16xf32>
        %div3A = arith.constant 1.000000e+00 : f32
        %div3A_778 = vector.broadcast %div3A : f32 to vector<16xf32>
        %div3A_779 = arith.divf %div3A_778, %add3A_777 : vector<16xf32>
        %mul3A_780 = arith.mulf %add3A_772, %div3A_779 : vector<16xf32>
        %swap3A_781 = arith.index_cast %scan3A_765 : i32 to index
        %swap3A_782 = arith.constant 0 : index
        %swap3A_783 = tpu.vector_load %arg15[%swap3A_781, %swap3A_782] {strides = array<i32>} : memref<128x128xf32, #tpu.memory_space<vmem>>, vector<1x16xf32>,
        %swap3A_784 = vector.shape_cast %swap3A_783 : vector<1x16xf32> to vector<16xf32>
        %swap3A_785 = vector.shape_cast %mul3A_780 : vector<16xf32> to vector<1x16xf32>
        tpu.vector_store %arg15[%swap3A_781, %swap3A_782], %swap3A_785 {strides = array<i32>} : memref<128x128xf32, #tpu.memory_space<vmem>>, vector<1x16xf32>,
        %get3A_786 = arith.index_cast %scan3A_765 : i32 to index
        %get3A_787 = arith.constant 16 : index
        %get3A_788 = tpu.vector_load %arg15[%get3A_786, %get3A_787] {strides = array<i32>} : memref<128x128xf32, #tpu.memory_space<vmem>>, vector<1x16xf32>,
        %get3A_789 = vector.shape_cast %get3A_788 : vector<1x16xf32> to vector<16xf32>
        %mul3A_790 = arith.mulf %mul3A_249, %get3A_789 : vector<16xf32>
        %add3A_791 = arith.addf %mul3A_790, %sub3A_254 : vector<16xf32>
        %neg3A_792 = arith.constant 0.000000e+00 : f32
        %neg3A_793 = vector.broadcast %neg3A_792 : f32 to vector<16xf32>
        %neg3A_794 = arith.subf %neg3A_793, %add3A_791 : vector<16xf32>
        %exp3A_795 = math.exp %neg3A_794 : vector<16xf32>
        %add3A_796 = arith.constant 1.000000e+00 : f32
        %add3A_797 = vector.broadcast %add3A_796 : f32 to vector<16xf32>
        %add3A_798 = arith.addf %add3A_797, %exp3A_795 : vector<16xf32>
        %div3A_799 = arith.constant 1.000000e+00 : f32
        %div3A_800 = vector.broadcast %div3A_799 : f32 to vector<16xf32>
        %div3A_801 = arith.divf %div3A_800, %add3A_798 : vector<16xf32>
        %mul3A_802 = arith.mulf %add3A_791, %div3A_801 : vector<16xf32>
        %swap3A_803 = arith.index_cast %scan3A_765 : i32 to index
        %swap3A_804 = arith.constant 16 : index
        %swap3A_805 = tpu.vector_load %arg15[%swap3A_803, %swap3A_804] {strides = array<i32>} : memref<128x128xf32, #tpu.memory_space<vmem>>, vector<1x16xf32>,
        %swap3A_806 = vector.shape_cast %swap3A_805 : vector<1x16xf32> to vector<16xf32>
        %swap3A_807 = vector.shape_cast %mul3A_802 : vector<16xf32> to vector<1x16xf32>
        tpu.vector_store %arg15[%swap3A_803, %swap3A_804], %swap3A_807 {strides = array<i32>} : memref<128x128xf32, #tpu.memory_space<vmem>>, vector<1x16xf32>,
        %get3A_808 = arith.index_cast %scan3A_765 : i32 to index
        %get3A_809 = arith.constant 32 : index
        %get3A_810 = tpu.vector_load %arg15[%get3A_808, %get3A_809] {strides = array<i32>} : memref<128x128xf32, #tpu.memory_space<vmem>>, vector<1x16xf32>,
        %get3A_811 = vector.shape_cast %get3A_810 : vector<1x16xf32> to vector<16xf32>
        %mul3A_812 = arith.mulf %mul3A_314, %get3A_811 : vector<16xf32>
        %add3A_813 = arith.addf %mul3A_812, %sub3A_319 : vector<16xf32>
        %neg3A_814 = arith.constant 0.000000e+00 : f32
        %neg3A_815 = vector.broadcast %neg3A_814 : f32 to vector<16xf32>
        %neg3A_816 = arith.subf %neg3A_815, %add3A_813 : vector<16xf32>
        %exp3A_817 = math.exp %neg3A_816 : vector<16xf32>
        %add3A_818 = arith.constant 1.000000e+00 : f32
        %add3A_819 = vector.broadcast %add3A_818 : f32 to vector<16xf32>
        %add3A_820 = arith.addf %add3A_819, %exp3A_817 : vector<16xf32>
        %div3A_821 = arith.constant 1.000000e+00 : f32
        %div3A_822 = vector.broadcast %div3A_821 : f32 to vector<16xf32>
        %div3A_823 = arith.divf %div3A_822, %add3A_820 : vector<16xf32>
        %mul3A_824 = arith.mulf %add3A_813, %div3A_823 : vector<16xf32>
        %swap3A_825 = arith.index_cast %scan3A_765 : i32 to index
        %swap3A_826 = arith.constant 32 : index
        %swap3A_827 = tpu.vector_load %arg15[%swap3A_825, %swap3A_826] {strides = array<i32>} : memref<128x128xf32, #tpu.memory_space<vmem>>, vector<1x16xf32>,
        %swap3A_828 = vector.shape_cast %swap3A_827 : vector<1x16xf32> to vector<16xf32>
        %swap3A_829 = vector.shape_cast %mul3A_824 : vector<16xf32> to vector<1x16xf32>
        tpu.vector_store %arg15[%swap3A_825, %swap3A_826], %swap3A_829 {strides = array<i32>} : memref<128x128xf32, #tpu.memory_space<vmem>>, vector<1x16xf32>,
        %get3A_830 = arith.index_cast %scan3A_765 : i32 to index
        %get3A_831 = arith.constant 48 : index
        %get3A_832 = tpu.vector_load %arg15[%get3A_830, %get3A_831] {strides = array<i32>} : memref<128x128xf32, #tpu.memory_space<vmem>>, vector<1x16xf32>,
        %get3A_833 = vector.shape_cast %get3A_832 : vector<1x16xf32> to vector<16xf32>
        %mul3A_834 = arith.mulf %mul3A_379, %get3A_833 : vector<16xf32>
        %add3A_835 = arith.addf %mul3A_834, %sub3A_384 : vector<16xf32>
        %neg3A_836 = arith.constant 0.000000e+00 : f32
        %neg3A_837 = vector.broadcast %neg3A_836 : f32 to vector<16xf32>
        %neg3A_838 = arith.subf %neg3A_837, %add3A_835 : vector<16xf32>
        %exp3A_839 = math.exp %neg3A_838 : vector<16xf32>
        %add3A_840 = arith.constant 1.000000e+00 : f32
        %add3A_841 = vector.broadcast %add3A_840 : f32 to vector<16xf32>
        %add3A_842 = arith.addf %add3A_841, %exp3A_839 : vector<16xf32>
        %div3A_843 = arith.constant 1.000000e+00 : f32
        %div3A_844 = vector.broadcast %div3A_843 : f32 to vector<16xf32>
        %div3A_845 = arith.divf %div3A_844, %add3A_842 : vector<16xf32>
        %mul3A_846 = arith.mulf %add3A_835, %div3A_845 : vector<16xf32>
        %swap3A_847 = arith.index_cast %scan3A_765 : i32 to index
        %swap3A_848 = arith.constant 48 : index
        %swap3A_849 = tpu.vector_load %arg15[%swap3A_847, %swap3A_848] {strides = array<i32>} : memref<128x128xf32, #tpu.memory_space<vmem>>, vector<1x16xf32>,
        %swap3A_850 = vector.shape_cast %swap3A_849 : vector<1x16xf32> to vector<16xf32>
        %swap3A_851 = vector.shape_cast %mul3A_846 : vector<16xf32> to vector<1x16xf32>
        tpu.vector_store %arg15[%swap3A_847, %swap3A_848], %swap3A_851 {strides = array<i32>} : memref<128x128xf32, #tpu.memory_space<vmem>>, vector<1x16xf32>,
        %get3A_852 = arith.index_cast %scan3A_765 : i32 to index
        %get3A_853 = arith.constant 64 : index
        %get3A_854 = tpu.vector_load %arg15[%get3A_852, %get3A_853] {strides = array<i32>} : memref<128x128xf32, #tpu.memory_space<vmem>>, vector<1x16xf32>,
        %get3A_855 = vector.shape_cast %get3A_854 : vector<1x16xf32> to vector<16xf32>
        %mul3A_856 = arith.mulf %mul3A_444, %get3A_855 : vector<16xf32>
        %add3A_857 = arith.addf %mul3A_856, %sub3A_449 : vector<16xf32>
        %neg3A_858 = arith.constant 0.000000e+00 : f32
        %neg3A_859 = vector.broadcast %neg3A_858 : f32 to vector<16xf32>
        %neg3A_860 = arith.subf %neg3A_859, %add3A_857 : vector<16xf32>
        %exp3A_861 = math.exp %neg3A_860 : vector<16xf32>
        %add3A_862 = arith.constant 1.000000e+00 : f32
        %add3A_863 = vector.broadcast %add3A_862 : f32 to vector<16xf32>
        %add3A_864 = arith.addf %add3A_863, %exp3A_861 : vector<16xf32>
        %div3A_865 = arith.constant 1.000000e+00 : f32
        %div3A_866 = vector.broadcast %div3A_865 : f32 to vector<16xf32>
        %div3A_867 = arith.divf %div3A_866, %add3A_864 : vector<16xf32>
        %mul3A_868 = arith.mulf %add3A_857, %div3A_867 : vector<16xf32>
        %swap3A_869 = arith.index_cast %scan3A_765 : i32 to index
        %swap3A_870 = arith.constant 64 : index
        %swap3A_871 = tpu.vector_load %arg15[%swap3A_869, %swap3A_870] {strides = array<i32>} : memref<128x128xf32, #tpu.memory_space<vmem>>, vector<1x16xf32>,
        %swap3A_872 = vector.shape_cast %swap3A_871 : vector<1x16xf32> to vector<16xf32>
        %swap3A_873 = vector.shape_cast %mul3A_868 : vector<16xf32> to vector<1x16xf32>
        tpu.vector_store %arg15[%swap3A_869, %swap3A_870], %swap3A_873 {strides = array<i32>} : memref<128x128xf32, #tpu.memory_space<vmem>>, vector<1x16xf32>,
        %get3A_874 = arith.index_cast %scan3A_765 : i32 to index
        %get3A_875 = arith.constant 80 : index
        %get3A_876 = tpu.vector_load %arg15[%get3A_874, %get3A_875] {strides = array<i32>} : memref<128x128xf32, #tpu.memory_space<vmem>>, vector<1x16xf32>,
        %get3A_877 = vector.shape_cast %get3A_876 : vector<1x16xf32> to vector<16xf32>
        %mul3A_878 = arith.mulf %mul3A_509, %get3A_877 : vector<16xf32>
        %add3A_879 = arith.addf %mul3A_878, %sub3A_514 : vector<16xf32>
        %neg3A_880 = arith.constant 0.000000e+00 : f32
        %neg3A_881 = vector.broadcast %neg3A_880 : f32 to vector<16xf32>
        %neg3A_882 = arith.subf %neg3A_881, %add3A_879 : vector<16xf32>
        %exp3A_883 = math.exp %neg3A_882 : vector<16xf32>
        %add3A_884 = arith.constant 1.000000e+00 : f32
        %add3A_885 = vector.broadcast %add3A_884 : f32 to vector<16xf32>
        %add3A_886 = arith.addf %add3A_885, %exp3A_883 : vector<16xf32>
        %div3A_887 = arith.constant 1.000000e+00 : f32
        %div3A_888 = vector.broadcast %div3A_887 : f32 to vector<16xf32>
        %div3A_889 = arith.divf %div3A_888, %add3A_886 : vector<16xf32>
        %mul3A_890 = arith.mulf %add3A_879, %div3A_889 : vector<16xf32>
        %swap3A_891 = arith.index_cast %scan3A_765 : i32 to index
        %swap3A_892 = arith.constant 80 : index
        %swap3A_893 = tpu.vector_load %arg15[%swap3A_891, %swap3A_892] {strides = array<i32>} : memref<128x128xf32, #tpu.memory_space<vmem>>, vector<1x16xf32>,
        %swap3A_894 = vector.shape_cast %swap3A_893 : vector<1x16xf32> to vector<16xf32>
        %swap3A_895 = vector.shape_cast %mul3A_890 : vector<16xf32> to vector<1x16xf32>
        tpu.vector_store %arg15[%swap3A_891, %swap3A_892], %swap3A_895 {strides = array<i32>} : memref<128x128xf32, #tpu.memory_space<vmem>>, vector<1x16xf32>,
        %get3A_896 = arith.index_cast %scan3A_765 : i32 to index
        %get3A_897 = arith.constant 96 : index
        %get3A_898 = tpu.vector_load %arg15[%get3A_896, %get3A_897] {strides = array<i32>} : memref<128x128xf32, #tpu.memory_space<vmem>>, vector<1x16xf32>,
        %get3A_899 = vector.shape_cast %get3A_898 : vector<1x16xf32> to vector<16xf32>
        %mul3A_900 = arith.mulf %mul3A_574, %get3A_899 : vector<16xf32>
        %add3A_901 = arith.addf %mul3A_900, %sub3A_579 : vector<16xf32>
        %neg3A_902 = arith.constant 0.000000e+00 : f32
        %neg3A_903 = vector.broadcast %neg3A_902 : f32 to vector<16xf32>
        %neg3A_904 = arith.subf %neg3A_903, %add3A_901 : vector<16xf32>
        %exp3A_905 = math.exp %neg3A_904 : vector<16xf32>
        %add3A_906 = arith.constant 1.000000e+00 : f32
        %add3A_907 = vector.broadcast %add3A_906 : f32 to vector<16xf32>
        %add3A_908 = arith.addf %add3A_907, %exp3A_905 : vector<16xf32>
        %div3A_909 = arith.constant 1.000000e+00 : f32
        %div3A_910 = vector.broadcast %div3A_909 : f32 to vector<16xf32>
        %div3A_911 = arith.divf %div3A_910, %add3A_908 : vector<16xf32>
        %mul3A_912 = arith.mulf %add3A_901, %div3A_911 : vector<16xf32>
        %swap3A_913 = arith.index_cast %scan3A_765 : i32 to index
        %swap3A_914 = arith.constant 96 : index
        %swap3A_915 = tpu.vector_load %arg15[%swap3A_913, %swap3A_914] {strides = array<i32>} : memref<128x128xf32, #tpu.memory_space<vmem>>, vector<1x16xf32>,
        %swap3A_916 = vector.shape_cast %swap3A_915 : vector<1x16xf32> to vector<16xf32>
        %swap3A_917 = vector.shape_cast %mul3A_912 : vector<16xf32> to vector<1x16xf32>
        tpu.vector_store %arg15[%swap3A_913, %swap3A_914], %swap3A_917 {strides = array<i32>} : memref<128x128xf32, #tpu.memory_space<vmem>>, vector<1x16xf32>,
        %get3A_918 = arith.index_cast %scan3A_765 : i32 to index
        %get3A_919 = arith.constant 112 : index
        %get3A_920 = tpu.vector_load %arg15[%get3A_918, %get3A_919] {strides = array<i32>} : memref<128x128xf32, #tpu.memory_space<vmem>>, vector<1x16xf32>,
        %get3A_921 = vector.shape_cast %get3A_920 : vector<1x16xf32> to vector<16xf32>
        %mul3A_922 = arith.mulf %mul3A_639, %get3A_921 : vector<16xf32>
        %add3A_923 = arith.addf %mul3A_922, %sub3A_644 : vector<16xf32>
        %neg3A_924 = arith.constant 0.000000e+00 : f32
        %neg3A_925 = vector.broadcast %neg3A_924 : f32 to vector<16xf32>
        %neg3A_926 = arith.subf %neg3A_925, %add3A_923 : vector<16xf32>
        %exp3A_927 = math.exp %neg3A_926 : vector<16xf32>
        %add3A_928 = arith.constant 1.000000e+00 : f32
        %add3A_929 = vector.broadcast %add3A_928 : f32 to vector<16xf32>
        %add3A_930 = arith.addf %add3A_929, %exp3A_927 : vector<16xf32>
        %div3A_931 = arith.constant 1.000000e+00 : f32
        %div3A_932 = vector.broadcast %div3A_931 : f32 to vector<16xf32>
        %div3A_933 = arith.divf %div3A_932, %add3A_930 : vector<16xf32>
        %mul3A_934 = arith.mulf %add3A_923, %div3A_933 : vector<16xf32>
        %swap3A_935 = arith.index_cast %scan3A_765 : i32 to index
        %swap3A_936 = arith.constant 112 : index
        %swap3A_937 = tpu.vector_load %arg15[%swap3A_935, %swap3A_936] {strides = array<i32>} : memref<128x128xf32, #tpu.memory_space<vmem>>, vector<1x16xf32>,
        %swap3A_938 = vector.shape_cast %swap3A_937 : vector<1x16xf32> to vector<16xf32>
        %swap3A_939 = vector.shape_cast %mul3A_934 : vector<16xf32> to vector<1x16xf32>
        tpu.vector_store %arg15[%swap3A_935, %swap3A_936], %swap3A_939 {strides = array<i32>} : memref<128x128xf32, #tpu.memory_space<vmem>>, vector<1x16xf32>,
        %scan3A_940 = arith.constant 0 : i32
        scf.yield %scan3A_940 : i32
      }
      %scan3A_763 = arith.constant 128 : i32
      "tpu.region"() ({
        %run_scoped3A = tpu.sem_alloc : memref<!tpu.dma_semaphore, #tpu.memory_space<semaphore_mem>>
        %dma_start3A = arith.constant 0 : i32
        %dma_start3A_765 = arith.constant 0 : i32
        %dma_start3A_766 = tpu.memref_slice %arg17[%dma_start3A, %dma_start3A_765] : memref<10112x128xf32, #tpu.memory_space<vmem_shared>> -> memref<10112x128xf32, #tpu.memory_space<vmem_shared>>
        tpu.enqueue_indirect_dma source(%arg15 : memref<128x128xf32, #tpu.memory_space<vmem>>) target(%dma_start3A_766 : memref<10112x128xf32, #tpu.memory_space<vmem_shared>>) offsets(%arg13 : memref<128xi32, #tpu.memory_space<vmem>>) semaphore(%run_scoped3A : memref<!tpu.dma_semaphore, #tpu.memory_space<semaphore_mem>>) {add = true}
        %dma_wait3A = arith.constant 0 : i32
        %dma_wait3A_767 = arith.constant 0 : i32
        %dma_wait3A_768 = tpu.memref_slice %arg17[%dma_wait3A, %dma_wait3A_767] : memref<10112x128xf32, #tpu.memory_space<vmem_shared>> -> memref<10112x128xf32, #tpu.memory_space<vmem_shared>>
        tpu.wait_indirect_dma semaphore(%run_scoped3A : memref<!tpu.dma_semaphore, #tpu.memory_space<semaphore_mem>>) src(%arg15 : memref<128x128xf32, #tpu.memory_space<vmem>>) dst(%dma_wait3A_768 : memref<10112x128xf32, #tpu.memory_space<vmem_shared>>)
        tpu.yield
      }) : () -> ()
      %scan3A_764 = arith.constant 0 : i32
      scf.yield %scan3A_764 : i32
    }
    %scan3A_670 = arith.constant 79 : i32
    %barrier3A_671 = arith.constant 0 : index
    tpu.barrier barrier_id(%barrier3A_671)
    "tpu.region"() ({
      %run_scoped3A = tpu.sem_alloc : memref<!tpu.dma_semaphore, #tpu.memory_space<semaphore_mem>>
      %dma_start3A = arith.constant 0 : i32
      %dma_start3A_672 = tpu.memref_slice %arg7[%arg0, %mul3A_653, %dma_start3A] : memref<2x10112x128xf32, #tpu.memory_space<hbm>> -> memref<1x632x128xf32, #tpu.memory_space<hbm>>
      %dma_start3A_673 = tpu.memref_squeeze %dma_start3A_672 : memref<1x632x128xf32, #tpu.memory_space<hbm>> -> memref<632x128xf32, #tpu.memory_space<hbm>>
      %dma_start3A_674 = arith.constant 0 : i32
      %dma_start3A_675 = tpu.memref_slice %arg17[%mul3A_653, %dma_start3A_674] : memref<10112x128xf32, #tpu.memory_space<vmem_shared>> -> memref<632x128xf32, #tpu.memory_space<vmem_shared>>
      tpu.enqueue_dma source(%dma_start3A_675 : memref<632x128xf32, #tpu.memory_space<vmem_shared>>) target(%dma_start3A_673 : memref<632x128xf32, #tpu.memory_space<hbm>>) target_semaphore(%run_scoped3A : memref<!tpu.dma_semaphore, #tpu.memory_space<semaphore_mem>>)
      %dma_wait3A = arith.constant 0 : i32
      %dma_wait3A_676 = tpu.memref_slice %arg7[%arg0, %mul3A_653, %dma_wait3A] : memref<2x10112x128xf32, #tpu.memory_space<hbm>> -> memref<1x632x128xf32, #tpu.memory_space<hbm>>
      %dma_wait3A_677 = tpu.memref_squeeze %dma_wait3A_676 : memref<1x632x128xf32, #tpu.memory_space<hbm>> -> memref<632x128xf32, #tpu.memory_space<hbm>>
      %dma_wait3A_678 = arith.constant 0 : i32
      %dma_wait3A_679 = tpu.memref_slice %arg17[%mul3A_653, %dma_wait3A_678] : memref<10112x128xf32, #tpu.memory_space<vmem_shared>> -> memref<632x128xf32, #tpu.memory_space<vmem_shared>>
      tpu.wait_dma2 semaphore(%run_scoped3A : memref<!tpu.dma_semaphore, #tpu.memory_space<semaphore_mem>>) src(%dma_wait3A_679 : memref<632x128xf32, #tpu.memory_space<vmem_shared>>) dst(%dma_wait3A_677 : memref<632x128xf32, #tpu.memory_space<hbm>>)
      tpu.yield
    }) : () -> ()
    return
  }
}

module attributes {stable_mosaic.version = 14 : i64} {
  func.func @_mm_body(%arg0: i32, %arg1: memref<1256x128xf32, #tpu.memory_space<vmem>>, %arg2: memref<128x256xf32, #tpu.memory_space<vmem>>, %arg3: memref<1256x128xf32, #tpu.memory_space<vmem>>, %arg4: memref<1256x128xf32, #tpu.memory_space<vmem>>) attributes {dimension_semantics = [#tpu.dimension_semantics<arbitrary>], iteration_bounds = array<i64: 8>, scalar_prefetch = 0 : i64, scratch_operands = 0 : i64, tpu.core_type = #tpu.core_type<tc>, window_params = [{transform_indices = @transform_0, window_bounds = array<i64: 1256, 128>}, {pipeline_mode = #tpu.pipeline_mode<synchronous>, transform_indices = @transform_1, window_bounds = array<i64: 128, 256>}, {transform_indices = @transform_2, window_bounds = array<i64: 1256, 128>}, {transform_indices = @transform_3, window_bounds = array<i64: 1256, 128>}]} {
    %get3A = arith.constant 0 : index
    %get3A_0 = arith.constant 0 : index
    %get3A_1 = vector.load %arg1[%get3A, %get3A_0] : memref<1256x128xf32, #tpu.memory_space<vmem>>, vector<1256x128xf32>
    %get3A_2 = arith.constant 0 : index
    %get3A_3 = arith.constant 0 : index
    %get3A_4 = vector.load %arg2[%get3A_2, %get3A_3] : memref<128x256xf32, #tpu.memory_space<vmem>>, vector<128x256xf32>
    %slice3A = vector.extract_strided_slice %get3A_4 {offsets = [0, 128], sizes = [128, 128], strides = [1, 1]} : vector<128x256xf32> to vector<128x128xf32>
    %slice3A_5 = vector.extract_strided_slice %get3A_4 {offsets = [0, 0], sizes = [128, 128], strides = [1, 1]} : vector<128x256xf32> to vector<128x128xf32>
    %sub3A = arith.subf %slice3A_5, %slice3A : vector<128x128xf32>
    %dot_general3A = arith.constant dense<0.000000e+00> : vector<1256x128xf32>
    %dot_general3A_6 = tpu.matmul %get3A_1, %sub3A, %dot_general3A {dimension_numbers = #tpu.dot_dimension_numbers<[1], [1], [0], [0], [0, 0, 1, 0], [], []>, transpose_lhs_hint = false} : vector<1256x128xf32>, vector<128x128xf32>, vector<1256x128xf32> -> vector<1256x128xf32>
    %swap3A = arith.constant 0 : index
    %swap3A_7 = arith.constant 0 : index
    %swap3A_8 = vector.load %arg3[%swap3A, %swap3A_7] : memref<1256x128xf32, #tpu.memory_space<vmem>>, vector<1256x128xf32>
    tpu.vector_store %arg3[%swap3A, %swap3A_7], %dot_general3A_6 {strides = array<i32>} : memref<1256x128xf32, #tpu.memory_space<vmem>>, vector<1256x128xf32>,
    %dot_general3A_9 = arith.constant dense<0.000000e+00> : vector<1256x128xf32>
    %dot_general3A_10 = tpu.matmul %get3A_1, %slice3A, %dot_general3A_9 {dimension_numbers = #tpu.dot_dimension_numbers<[1], [1], [0], [0], [0, 0, 1, 0], [], []>, transpose_lhs_hint = false} : vector<1256x128xf32>, vector<128x128xf32>, vector<1256x128xf32> -> vector<1256x128xf32>
    %swap3A_11 = arith.constant 0 : index
    %swap3A_12 = arith.constant 0 : index
    %swap3A_13 = vector.load %arg4[%swap3A_11, %swap3A_12] : memref<1256x128xf32, #tpu.memory_space<vmem>>, vector<1256x128xf32>
    tpu.vector_store %arg4[%swap3A_11, %swap3A_12], %dot_general3A_10 {strides = array<i32>} : memref<1256x128xf32, #tpu.memory_space<vmem>>, vector<1256x128xf32>,
    return
  }
  func.func @transform_0(%arg0: i32) -> (i32, i32) {
    %c0_i32 = arith.constant 0 : i32
    %c0_i32_0 = arith.constant 0 : i32
    return %arg0, %c0_i32 : i32, i32
  }
  func.func @transform_1(%arg0: i32) -> (i32, i32) {
    %c0_i32 = arith.constant 0 : i32
    %c0_i32_0 = arith.constant 0 : i32
    %c0_i32_1 = arith.constant 0 : i32
    return %c0_i32, %c0_i32_0 : i32, i32
  }
  func.func @transform_2(%arg0: i32) -> (i32, i32) {
    %c0_i32 = arith.constant 0 : i32
    %c0_i32_0 = arith.constant 0 : i32
    return %arg0, %c0_i32 : i32, i32
  }
  func.func @transform_3(%arg0: i32) -> (i32, i32) {
    %c0_i32 = arith.constant 0 : i32
    %c0_i32_0 = arith.constant 0 : i32
    return %arg0, %c0_i32 : i32, i32
  }
}

module attributes {stable_mosaic.version = 14 : i64} {
  func.func @_add_body(%arg0: i32, %arg1: memref<2x1000x128xf32, #tpu.memory_space<vmem>>, %arg2: memref<1000x128xf32, #tpu.memory_space<vmem>>) attributes {dimension_semantics = [#tpu.dimension_semantics<arbitrary>], iteration_bounds = array<i64: 10>, scalar_prefetch = 0 : i64, scratch_operands = 0 : i64, tpu.core_type = #tpu.core_type<tc>, window_params = [{transform_indices = @transform_0, window_bounds = array<i64: 2, 1000, 128>}, {transform_indices = @transform_1, window_bounds = array<i64: 1000, 128>}]} {
    %get3A = arith.constant 0 : index
    %get3A_0 = arith.constant 0 : index
    %get3A_1 = arith.constant 0 : index
    %get3A_2 = vector.load %arg1[%get3A, %get3A_0, %get3A_1] : memref<2x1000x128xf32, #tpu.memory_space<vmem>>, vector<1x1000x128xf32>
    %get3A_3 = vector.shape_cast %get3A_2 : vector<1x1000x128xf32> to vector<1000x128xf32>
    %get3A_4 = arith.constant 1 : index
    %get3A_5 = arith.constant 0 : index
    %get3A_6 = arith.constant 0 : index
    %get3A_7 = vector.load %arg1[%get3A_4, %get3A_5, %get3A_6] : memref<2x1000x128xf32, #tpu.memory_space<vmem>>, vector<1x1000x128xf32>
    %get3A_8 = vector.shape_cast %get3A_7 : vector<1x1000x128xf32> to vector<1000x128xf32>
    %add3A = arith.addf %get3A_3, %get3A_8 : vector<1000x128xf32>
    %swap3A = arith.constant 0 : index
    %swap3A_9 = arith.constant 0 : index
    %swap3A_10 = vector.load %arg2[%swap3A, %swap3A_9] : memref<1000x128xf32, #tpu.memory_space<vmem>>, vector<1000x128xf32>
    tpu.vector_store %arg2[%swap3A, %swap3A_9], %add3A {strides = array<i32>} : memref<1000x128xf32, #tpu.memory_space<vmem>>, vector<1000x128xf32>,
    return
  }
  func.func @transform_0(%arg0: i32) -> (i32, i32, i32) {
    %c0_i32 = arith.constant 0 : i32
    %c0_i32_0 = arith.constant 0 : i32
    %c0_i32_1 = arith.constant 0 : i32
    return %c0_i32, %arg0, %c0_i32_0 : i32, i32, i32
  }
  func.func @transform_1(%arg0: i32) -> (i32, i32) {
    %c0_i32 = arith.constant 0 : i32
    %c0_i32_0 = arith.constant 0 : i32
    return %arg0, %c0_i32 : i32, i32
  }
}

</mosaic_0001>

<sc_bundles>
// kernel: kernel.6.cloned.1.call-start
scs
__scs_entry_jumppad:
0x0: {  	(pc) =	sbr.rel $0x88, $3  }
0x1: {  	(tag) =	ssettag $0x0;
	lr =	simm.s32 $0x1  }
0x2: {  	[smem:$0x3F9C] =	sst lr;
	_ =	strace $0xD0000000  }
0x3: {  	_ = 	snop  }
0x4: {  	_ = 	snop  }
0x5: {  	_ = 	snop  }
0x6: {  	_ = 	snop  }
0x7: {  	_ = 	snop  }
__scs_overlays_trampoline_lowered:
0x8: {  	[smem:$0x3FAB] =	sst s0  }
0x9: {  	[smem:$0x3FAC] =	sst s1  }
0xa: {  	[smem:$0x3FAD] =	sst s2  }
0xb: {  	[smem:$0x3FAE] =	sst s3  }
0xc: {  	[smem:$0x3FAF] =	sst s4  }
0xd: {  	[smem:$0x3FB0] =	sst s5  }
0xe: {  	[smem:$0x3FB1] =	sst s6  }
0xf: {  	[smem:$0x3FB2] =	sst s7  }
0x10: {  	[smem:$0x3FB3] =	sst s8  }
0x11: {  	[smem:$0x3FB4] =	sst s9;
	s0 =	simm.s32 @!p0 $0x0  }
0x12: {  	s1 =	sld [smem:$0x3F9A];
	s0 =	simm.s32 @p0 $0x1  }
0x13: {  	[smem:$0x3FB5] =	sst s0;
	s0 =	simm.s32 @!p1 $0x0  }
0x14: {  	s2 =	sld [smem:$0x3F99];
	s0 =	simm.s32 @p1 $0x1  }
0x15: {  	[smem:$0x3FB6] =	sst s0;
	s0 =	simm.s32 @!p2 $0x0  }
0x16: {  	s3 =	sld [smem:$0x3FDB];
	s0 =	simm.s32 @p2 $0x1  }
0x17: {  	s4 =	simm.s32 $0x1BF5;
	[smem:$0x3FB8] =	sst s0  }
0x18: {  	s0 =	sld [smem:$0x3F9B];
	_ =	swait.ge [sflag:s4], $0x0  }
0x19: {  	s7 =	sld [smem:$0x3F9C]  }
0x1a: {  	s8 =	sadd.s32 $0xFFFFE003, lr  }
0x1b: {  	s9 =	sadd.s32 $0xFFFFFEF7, lr;
	s5 =	simm.s32 $0xFFFFFFFF;
	p2 =	slt.u32 s8, $0xFFFFF086  }
0x1c: {  	p1 =	slt.u32 s9, $0xF7A;
	s5 =	simm.s32 @!p2 $0x0  }
0x1d: {  	s5 =	simm.s32 @p1 $0x1;
	p0 =	seq.s32 s7, s2  }
0x1e: {  	s7 =	smul.u32 @!p0 $0xF7A, s2;
	p2 =	seq.s32 @!p0 s5, $0x0  }
0x1f: {  	s9 =	smul.u32 $0xF7A, s1;
	s8 =	simm.s32 @!p0 $0x1BF5;
	p2 =	por !p2, p0  }
0x20: {  	[sflag:s8] =	ssyncset.s32 @!p0 $0xFFFFF086;
	s6 =	sadd.s32 @!p0 s3, s7;
	s7 =	simm.s32 @!p0 $0x108  }
0x21: {  	s3 =	sadd.s32 s3, s9;
	s6 =	sadd.s32 @!p0 $0x88, s6;
	s7 =	simm.s32 @p2 $0x1082  }
0x22: {  	[simem:s7], [sflag:s8] =	dma.local @!p0 [hbm:s6], $0xF7A  }
0x23: {  	s9 =	sor.u32 $0xD0000000, s2;
	s6 =	simm.s32 $0x108;
	_ =	swait.ge @!p0 [sflag:s8], $0x0  }
0x24: {  	s3 =	sadd.s32 $0x88, s3;
	s6 =	simm.s32 @!p1 $0x1082;
	[sflag:s4] =	ssyncset.s32 $0xFFFFF086  }
0x25: {  	[simem:s6], [sflag:s4] =	dma.local [hbm:s3], $0xF7A  }
0x26: {  	[smem:$0x3F9C] =	sst s1;
	(tag) =	ssettag s2;
	_ =	strace s9  }
0x27: {  	s1 =	sld [smem:$0x3FAC]  }
0x28: {  	s2 =	sld [smem:$0x3FAD]  }
0x29: {  	s4 =	sld [smem:$0x3FAF]  }
0x2a: {  	p0 =	seq.s32 s5, $0x0;
	s5 =	sld [smem:$0x3FB0]  }
0x2b: {  	s6 =	sld [smem:$0x3FB1]  }
0x2c: {  	s7 =	sld [smem:$0x3FB2]  }
0x2d: {  	s3 =	simm.s32 $0x108;
	s8 =	sld [smem:$0x3FB3]  }
0x2e: {  	s3 =	simm.s32 @!p0 $0x1082;
	s9 =	sld [smem:$0x3FB4]  }
0x2f: {  	lr =	sadd.s32 s0, s3;
	s0 =	sld [smem:$0x3FAB]  }
0x30: {  	s3 =	sld [smem:$0x3FAE]  }
0x31: {  	[smem:$0x3FB7] =	sst s10  }
0x32: {  	s10 =	sld [smem:$0x3FB5];
	_ =	sdelay $0x3  }
0x33: {  	p0 =	seq.s32 s10, $0x1;
	s10 =	sld [smem:$0x3FB7];
	_ =	sdelay $0x3  }
0x34: {  	[smem:$0x3FB7] =	sst s10  }
0x35: {  	s10 =	sld [smem:$0x3FB6];
	_ =	sdelay $0x3  }
0x36: {  	p1 =	seq.s32 s10, $0x1;
	s10 =	sld [smem:$0x3FB7];
	_ =	sdelay $0x3  }
0x37: {  	[smem:$0x3FB7] =	sst s10  }
0x38: {  	s10 =	sld [smem:$0x3FB8]  }
0x39: {  	_ = 	snop;
	(pc) =	sbr.ind lr, $3  }
0x3a: {  	_ = 	snop  }
0x3b: {  	_ = 	snop  }
0x3c: {  	p2 =	seq.s32 s10, $0x1;
	s10 =	sld [smem:$0x3FB7]  }
0x3d: {  	_ =	shalt  }
0x3e: {  	_ =	shalt  }
0x3f: {  	_ =	shalt  }
0x40: {  	_ =	shalt  }
0x41: {  	_ =	shalt  }
0x42: {  	_ =	shalt  }
0x43: {  	_ =	shalt  }
0x44: {  	_ =	shalt  }
0x45: {  	_ =	shalt  }
0x46: {  	_ =	shalt  }
0x47: {  	_ =	shalt  }
0x48: {  	_ =	shalt  }
0x49: {  	_ =	shalt  }
0x4a: {  	_ =	shalt  }
0x4b: {  	_ =	shalt  }
0x4c: {  	_ =	shalt  }
0x4d: {  	_ =	shalt  }
0x4e: {  	_ =	shalt  }
0x4f: {  	_ =	shalt  }
0x50: {  	_ =	shalt  }
0x51: {  	_ =	shalt  }
0x52: {  	_ =	shalt  }
0x53: {  	_ =	shalt  }
0x54: {  	_ =	shalt  }
0x55: {  	_ =	shalt  }
0x56: {  	_ =	shalt  }
0x57: {  	_ =	shalt  }
0x58: {  	_ =	shalt  }
0x59: {  	_ =	shalt  }
0x5a: {  	_ =	shalt  }
0x5b: {  	_ =	shalt  }
0x5c: {  	_ =	shalt  }
0x5d: {  	_ =	shalt  }
0x5e: {  	_ =	shalt  }
0x5f: {  	_ =	shalt  }
0x60: {  	_ =	shalt  }
0x61: {  	_ =	shalt  }
0x62: {  	_ =	shalt  }
0x63: {  	_ =	shalt  }
0x64: {  	_ =	shalt  }
0x65: {  	_ =	shalt  }
0x66: {  	_ =	shalt  }
0x67: {  	_ =	shalt  }
0x68: {  	_ =	shalt  }
0x69: {  	_ =	shalt  }
0x6a: {  	_ =	shalt  }
0x6b: {  	_ =	shalt  }
0x6c: {  	_ =	shalt  }
0x6d: {  	_ =	shalt  }
0x6e: {  	_ =	shalt  }
0x6f: {  	_ =	shalt  }
0x70: {  	_ =	shalt  }
0x71: {  	_ =	shalt  }
0x72: {  	_ =	shalt  }
0x73: {  	_ =	shalt  }
0x74: {  	_ =	shalt  }
0x75: {  	_ =	shalt  }
0x76: {  	_ =	shalt  }
0x77: {  	_ =	shalt  }
0x78: {  	_ =	shalt  }
0x79: {  	_ =	shalt  }
0x7a: {  	_ =	shalt  }
0x7b: {  	_ =	shalt  }
0x7c: {  	_ =	shalt  }
0x7d: {  	_ =	shalt  }
0x7e: {  	_ =	shalt  }
0x7f: {  	_ =	shalt  }
0x80: {  	_ =	shalt  }
0x81: {  	_ =	shalt  }
0x82: {  	_ =	shalt  }
0x83: {  	_ =	shalt  }
0x84: {  	_ =	shalt  }
0x85: {  	_ =	shalt  }
0x86: {  	_ =	shalt  }
0x87: {  	_ =	shalt  }
.Lfunc_end0:
.L_simem_size_0:
called_computation_lowered:
.L_overlay_start_0:
0x88: {  	s2 =	sld [smem:$0x3FD9]  }
0x89: {  	s3 =	sld [smem:$0x3FFE];
	_ =	sdelay $0x1  }
0x8a: {  	s1 =	srdreg.scid  }
0x8b: {  	s0 =	sand.u32 $0x1, s1  }
0x8c: {  	s17 =	sshll.u32 s0, $0xA;
	s2 =	sadd.s32 s3, s2  }
0x8d: {  	s2 =	sadd.s32 s2, s17  }
0x8e: {  	[smem:$0x3FC3] =	sst s2  }
0x8f: {  	_ = 	snop  }
0x90: {  	s2 =	sld [smem:$0x3FD0];
	(tm) =	ssettm $0x1  }
0x91: {  	s18 =	sld [smem:$0x3FFB];
	_ =	sdelay $0x3  }
0x92: {  	_ =	strace s18  }
0x93: {  	s3 =	sld [smem:$0x3FFC];
	_ =	sdelay $0x3  }
0x94: {  	_ =	strace s3  }
0x95: {  	s3 =	sld [smem:$0x3FFD];
	_ =	sdelay $0x3  }
0x96: {  	_ =	strace s3  }
0x97: {  	_ =	strace $0x8FFFFFFF  }
0x98: {  	s19 =	sld [smem:$0x3FDB];
	_ =	sdelay $0x1  }
0x99: {  	s4 =	simm.s32 $_scs_section_size  }
0x9a: {  	s5 =	simm.s32 $_size__tile_overlayer_lowered;
	s6 =	simm.s32 $_tile_overlayer_lowered  }
0x9b: {  	s22 =	simm.s32 $0x1BFF;
	s21 =	sshll.u32 s6, $0x1;
	s3 =	sadd.s32 s4, s19  }
0x9c: {  	s7 =	simm.s32 $0x0;
	s20 =	sshll.u32 s5, $0x1;
	s5 =	sadd.s32 s21, s3  }
0x9d: {  	[timem:s7], [sflag:s22] =	dma.local [hbm:s5], s20  }
0x9e: {  	_ =	swait.ge [sflag:s22], s20  }
0x9f: {  	s4 =	ssub.s32 $0x0, s20;
	[sflag:s22] =	ssyncset.done $0x0  }
0xa0: {  	[sflag:s22] =	ssyncadd.s32 s4;
	_ =	sdelay $0x1  }
0xa1: {  	s23 =	simm.s32 $0x1B8B  }
0xa2: {  	_ =	swait.ge [sflag:s23], $0x1  }
0xa3: {  	[sflag:s23] =	ssyncset.done $0x0  }
0xa4: {  	s25 =	simm.s32 $0x1B8E;
	s24 =	sld [smem:$0x3FFE];
	[sflag:s23] =	ssyncadd.s32 $0xFFFFFFFF  }
0xa5: {  	s26 =	simm.s32 $execute0_lowered;
	[smem:$0x3FD2] =	sst s25  }
0xa6: {  	s5 =	sshll.u32 s26, $0x1;
	_ =	strace $0x80000046;
	[dreg:$0x1] =	wrdreg $0xFFFFFFFF  }
0xa7: {  	s28 =	simm.s32 $_size_execute0_lowered;
	s3 =	sadd.s32 s3, s5;
	[dreg:$0x0] =	wrdreg $0x0  }
0xa8: {  	s5 =	sshll.u32 s28, $0x1;
	[dreg:$0x2] =	wrdreg s3  }
0xa9: {  	[dreg:$0x3] =	wrdreg s5  }
0xaa: {  	[dreg:$0x4] =	wrdreg $0xC0  }
0xab: {  	_ =	task [dreg:s7], $0x5FFFF  }
0xac: {  	[dreg:$0x1] =	wrdreg $0xFFFFFFFF  }
0xad: {  	[dreg:$0x0] =	wrdreg $0x60  }
0xae: {  	[dreg:$0x2] =	wrdreg s24  }
0xaf: {  	[dreg:$0x3] =	wrdreg s2  }
0xb0: {  	[dreg:$0x4] =	wrdreg $0x9  }
0xb1: {  	_ =	task.clear_ibuf [dreg:s7], $0x5FFFF;
	_ =	strace $0x90000046  }
0xb2: {  	s29 =	simm.s32 $0x9;
	_ =	strace $0x80000048  }
0xb3: {  	_ =	swait.ge [sflag:s29], $0x1  }
0xb4: {  	[sflag:s29] =	ssyncadd.s32 $0xFFFFFFFF  }
0xb5: {  	_ =	strace $0x90000048  }
0xb6: {  	_ =	sfence  }
0xb7: {  	s30 =	sld [smem:$0x0];
	_ =	sdelay $0x2  }
0xb8: {  	s31 =	sshll.u32 s1, $0xD;
	s1 =	sshrl.u32 s1, $0x2  }
0xb9: {  	s3 =	sand.u32 $0x4000, s31;
	s1 =	sadd.s32 s1, s30  }
0xba: {  	s0 =	sor.u32 s3, s0;
	s1 =	sshll.u32 s1, $0x11  }
0xbb: {  	s0 =	sor.u32 s1, s0  }
0xbc: {  	s0 =	sadd.s32 $0x8F2B, s0  }
0xbd: {  	[sflag:s0] =	ssyncadd.remote.s32 $0x1  }
0xbe: {  	_ =	sfence.sel $0xFFFF  }
0xbf: {  	[dreg:$0x0] =	wrdreg $0xFFFFFFFF;
	(pc) =	sbr.abs _section_cstart, $3  }
0xc0: {  	[dreg:$0x1] =	wrdreg $0xFFFFFFFF  }
0xc1: {  	_ =	task.clear_ibuf [dreg:s7], $0x2FFFF;
	_ =	strace $0x9FFFFFFF  }
0xc2: {  	(tm) =	ssettm $0x7FFFFFFF  }
0xc3: {  	_ =	shalt  }
tec
execute0_lowered:
.L_overlay_start_1:
0x0: {  	(tag) =	ssettag $0x1  }
0x1: {  	s0 =	rddreg [dreg:$0x0]  }
0x2: {  	s1 =	srdreg.scid;
	s2 =	stileid.u32  }
0x3: {  	s7 =	rddreg [dreg:$0x1];
	s13 =	simm.s32 $0x80;
	s15 =	simm.s32 $0x5000  }
0x4: {  	s18 =	simm.s32 $0x1;
	s19 =	simm.s32 $0x2;
	s20 =	simm.s32 $0xD000  }
0x5: {  	s21 =	simm.s32 $0xD080;
	s22 =	simm.s32 $0xD010;
	s23 =	simm.s32 $0xD090  }
0x6: {  	s24 =	simm.s32 $0xD020;
	s25 =	simm.s32 $0xD0A0;
	s28 =	simm.s32 $0xD0B0  }
0x7: {  	s29 =	simm.s32 $0xD040;
	s30 =	simm.s32 $0xD0C0;
	s31 =	simm.s32 $0xD050  }
0x8: {  	s12 =	simm.s32 $0xD0E0;
	s1 =	sand.u32 $0x1, s1;
	s3 =	sshll.u32 s2, $0x1  }
0x9: {  	s2 =	simm.s32 $0x0;
	s4 =	sadd.s32 $0x28600, s0;
	s5 =	sadd.s32 $0x1200, s0  }
0xa: {  	s6 =	sor.u32 s1, s3;
	[smem:$0x7FF] =	sst s2;
	s1 =	ssub.s32 $0x2, s1  }
0xb: {  	s3 =	smul.u32 $0x2780, s6;
	_ =	strace $0x80000047;
	s11 =	sshrl.u32 s1, $0x1  }
0xc: {  	s10 =	sshll.u32 s6, $0x5;
	s6 =	sadd.s32 $0x59800, s0;
	s1 =	ssub.s32 s1, s11  }
0xd: {  	s11 =	simm.s32 $0x3;
	s8 =	sshrl.u32 s3, $0x3;
	s26 =	smax.u32 s1, $0x1  }
0xe: {  	s1 =	simm.s32 $0xD0D0;
	s9 =	sadd.s32 s8, s0;
	s0 =	sadd.s32 s10, s0  }
0xf: {  	s7 =	sadd.s32 s7, s8;
	[dreg:$0x6] =	wrdreg s26;
	s26 =	simm.s32 $0xD030  }
0x10: {  	s8 =	simm.s32 $0xD0F0;
	s9 =	sadd.s32 $0x4FA00, s9;
	[dreg:$0x4] =	wrdreg s7  }
0x11: {  	s10 =	simm.s32 $0x0;
	s0 =	sadd.s32 $0x549800, s0;
	[dreg:$0x3] =	wrdreg s9  }
0x12: {  	v0 =	vimm.f32 $0.0e+00;
	s7 =	simm.s32 $0xD070;
	[dreg:$0x5] =	wrdreg s0;
	s0 =	simm.s32 $0xD060  }
.LBB2_1:
0x13: {  	[dreg:$0x7] =	wrdreg s10  }
0x14: {  	s9 =	rddreg [dreg:$0x3]  }
0x15: {  	[tilespmem:s2], [sflag:$0x3] =	stream.linear.gather [hbm4b:s9+s2], $0x2780, $0x38;
	[tilespmem:$0xD100] =	vst v63  }
0x16: {  	_ =	swait.ge [sflag:s11], $0x2780  }
0x17: {  	[sflag:s11] =	ssyncset.done $0x0  }
0x18: {  	s17 =	simm.s32 $0x2780;
	s16 =	rddreg [dreg:$0x4];
	[sflag:s11] =	ssyncadd.s32 $0xFFFFD880  }
0x19: {  	[tilespmem:s17], [sflag:$0x3] =	stream.linear.gather [hbm4b:s16+s2], $0x2780, $0x38;
	[tilespmem:$0xD100] =	vst v63  }
0x1a: {  	_ =	swait.ge [sflag:s11], $0x2780  }
0x1b: {  	[sflag:s11] =	ssyncset.done $0x0  }
0x1c: {  	[sflag:s11] =	ssyncadd.s32 $0xFFFFD880  }
0x1d: {  	[tilespmem:$0xD000] =	vst v0  }
0x1e: {  	[tilespmem:$0xD080] =	vst v0  }
0x1f: {  	[tilespmem:$0xD010] =	vst v0  }
0x20: {  	[tilespmem:$0xD090] =	vst v0  }
0x21: {  	[tilespmem:$0xD020] =	vst v0  }
0x22: {  	[tilespmem:$0xD0A0] =	vst v0  }
0x23: {  	[tilespmem:$0xD030] =	vst v0  }
0x24: {  	[tilespmem:$0xD0B0] =	vst v0  }
0x25: {  	[tilespmem:$0xD040] =	vst v0  }
0x26: {  	[tilespmem:$0xD0C0] =	vst v0  }
0x27: {  	[tilespmem:$0xD050] =	vst v0  }
0x28: {  	[tilespmem:$0xD0D0] =	vst v0  }
0x29: {  	[tilespmem:$0xD060] =	vst v0  }
0x2a: {  	[tilespmem:$0xD0E0] =	vst v0  }
0x2b: {  	[tilespmem:$0xD070] =	vst v0  }
0x2c: {  	s10 =	simm.s32 $0x0;
	[tilespmem:$0xD0F0] =	vst v0  }
.LBB2_2:
0x2d: {  	s9 =	sshll.u32 s10, $0x7  }
0x2e: {  	v1 =	vld [tilespmem:s9+$0x0];
	_ =	sdelay $0x4  }
0x2f: {  	[tilespmem:$0x4F00] =	vst v1  }
0x30: {  	v1 =	vld [tilespmem:s9+$0x2780];
	_ =	sdelay $0x4  }
0x31: {  	[tilespmem:$0x4F80] =	vst v1  }
0x32: {  	v1 =	vld [tilespmem:s9+$0x10];
	_ =	sdelay $0x4  }
0x33: {  	[tilespmem:$0x4F10] =	vst v1  }
0x34: {  	v1 =	vld [tilespmem:s9+$0x2790];
	_ =	sdelay $0x4  }
0x35: {  	[tilespmem:$0x4F90] =	vst v1  }
0x36: {  	v1 =	vld [tilespmem:s9+$0x20];
	_ =	sdelay $0x4  }
0x37: {  	[tilespmem:$0x4F20] =	vst v1  }
0x38: {  	v1 =	vld [tilespmem:s9+$0x27A0];
	_ =	sdelay $0x4  }
0x39: {  	[tilespmem:$0x4FA0] =	vst v1  }
0x3a: {  	v1 =	vld [tilespmem:s9+$0x30];
	_ =	sdelay $0x4  }
0x3b: {  	[tilespmem:$0x4F30] =	vst v1  }
0x3c: {  	v1 =	vld [tilespmem:s9+$0x27B0];
	_ =	sdelay $0x4  }
0x3d: {  	[tilespmem:$0x4FB0] =	vst v1  }
0x3e: {  	v1 =	vld [tilespmem:s9+$0x40];
	_ =	sdelay $0x4  }
0x3f: {  	[tilespmem:$0x4F40] =	vst v1  }
0x40: {  	v1 =	vld [tilespmem:s9+$0x27C0];
	_ =	sdelay $0x4  }
0x41: {  	[tilespmem:$0x4FC0] =	vst v1  }
0x42: {  	v1 =	vld [tilespmem:s9+$0x50];
	_ =	sdelay $0x4  }
0x43: {  	[tilespmem:$0x4F50] =	vst v1  }
0x44: {  	v1 =	vld [tilespmem:s9+$0x27D0];
	_ =	sdelay $0x4  }
0x45: {  	[tilespmem:$0x4FD0] =	vst v1  }
0x46: {  	v1 =	vld [tilespmem:s9+$0x60];
	_ =	sdelay $0x4  }
0x47: {  	[tilespmem:$0x4F60] =	vst v1  }
0x48: {  	v1 =	vld [tilespmem:s9+$0x27E0];
	_ =	sdelay $0x4  }
0x49: {  	[tilespmem:$0x4FE0] =	vst v1  }
0x4a: {  	v1 =	vld [tilespmem:s9+$0x70];
	_ =	sdelay $0x4  }
0x4b: {  	[tilespmem:$0x4F70] =	vst v1  }
0x4c: {  	v1 =	vld [tilespmem:s9+$0x27F0];
	_ =	sdelay $0x4  }
0x4d: {  	s14 =	simm.s32 $0x4F00;
	[tilespmem:$0x4FF0] =	vst v1  }
0x4e: {  	[tilespmem:s15], [sflag:$0x1] =	stream.indirect.gather [hbm4b:s4+s13], $0x80, s14, s13, $0xb8;
	[tilespmem:$0xD100] =	vst v63  }
0x4f: {  	s17 =	simm.s32 $0x4F80;
	s16 =	simm.s32 $0x9000  }
0x50: {  	[tilespmem:s16], [sflag:$0x2] =	stream.indirect.gather [hbm4b:s5+s13], $0x80, s17, s13, $0xb8;
	[tilespmem:$0xD100] =	vst v63  }
0x51: {  	_ =	swait.ge [sflag:s18], $0x4000  }
0x52: {  	[sflag:s18] =	ssyncset.done $0x0  }
0x53: {  	[sflag:s18] =	ssyncadd.s32 $0xFFFFC000  }
0x54: {  	_ =	swait.ge [sflag:s19], $0x4000  }
0x55: {  	[sflag:s19] =	ssyncset.done $0x0  }
0x56: {  	s14 =	simm.s32 $0x0;
	[sflag:s19] =	ssyncadd.s32 $0xFFFFC000  }
0x57: {  	v23 =	vld [tilespmem:s14+$0x9000]  }
0x58: {  	v24 =	vld [tilespmem:s14+$0x9010]  }
0x59: {  	v22 =	vld [tilespmem:s14+$0x9020]  }
0x5a: {  	v21 =	vld [tilespmem:s14+$0x9030]  }
0x5b: {  	v20 =	vld [tilespmem:s14+$0x9040]  }
0x5c: {  	v19 =	vld [tilespmem:s14+$0x9050]  }
0x5d: {  	v17 =	vld [tilespmem:s14+$0x9060]  }
0x5e: {  	v15 =	vimm.f32 $0.0e+00;
	v18 =	vld [tilespmem:s14+$0x9070]  }
0x5f: {  	v13 =	vimm.f32 $0.0e+00;
	v16 =	vimm.f32 $0.0e+00;
	v11 =	vimm.f32 $0.0e+00;
	v27 =	vld [tilespmem:s14+$0x5000]  }
0x60: {  	v9 =	vimm.f32 $0.0e+00;
	v6 =	vimm.f32 $0.0e+00;
	v14 =	vimm.f32 $0.0e+00;
	v29 =	vld [tilespmem:s14+$0x5010]  }
0x61: {  	v5 =	vimm.f32 $0.0e+00;
	v12 =	vimm.f32 $0.0e+00;
	v3 =	vimm.f32 $0.0e+00;
	v28 =	vld [tilespmem:s14+$0x5020]  }
0x62: {  	v10 =	vimm.f32 $0.0e+00;
	v8 =	vimm.f32 $0.0e+00;
	v2 =	vimm.f32 $0.0e+00;
	v26 =	vld [tilespmem:s14+$0x5030]  }
0x63: {  	v7 =	vimm.f32 $0.0e+00;
	v4 =	vimm.f32 $0.0e+00;
	v1 =	vimm.f32 $0.0e+00;
	s16 =	simm.s32 $0x200;
	v25 =	vld [tilespmem:s14+$0x5040]  }
.LBB2_3:
0x64: {  	p0 =	sne.s32 s16, $0xFE00;
	v23 =	vadd.f32 v23, v27;
	v27 =	vld [tilespmem:s14+$0x5050]  }
0x65: {  	v24 =	vadd.f32 v24, v29;
	v29 =	vld [tilespmem:s14+$0x5060]  }
0x66: {  	s17 =	sshra.s32 s16, $0x2;
	[tilespmem:s14+$0x5000] =	vst v23;
	v15 =	vadd.f32 v23, v15;
	v30 =	vmul.f32 v23, v23;
	v28 =	vadd.f32 v22, v28;
	v31 =	vld [tilespmem:s14+$0x5070]  }
0x67: {  	v23 =	vld [tilespmem:s17+$0x9000];
	[tilespmem:s14+$0x5010] =	vst v24;
	v13 =	vadd.f32 v24, v13;
	v32 =	vmul.f32 v24, v24;
	v26 =	vadd.f32 v21, v26  }
0x68: {  	v24 =	vld [tilespmem:s17+$0x9010];
	v16 =	vadd.f32 v30, v16;
	[tilespmem:s14+$0x5020] =	vst v28;
	v30 =	vmul.f32 v28, v28;
	v25 =	vadd.f32 v20, v25  }
0x69: {  	v22 =	vld [tilespmem:s17+$0x9020];
	v11 =	vadd.f32 v32, v11;
	[tilespmem:s14+$0x5030] =	vst v26;
	v32 =	vmul.f32 v26, v26;
	v33 =	vadd.f32 v19, v27  }
0x6a: {  	v21 =	vld [tilespmem:s17+$0x9030];
	v9 =	vadd.f32 v30, v9;
	[tilespmem:s14+$0x5040] =	vst v25;
	v27 =	vmul.f32 v25, v25;
	v30 =	vadd.f32 v17, v29  }
0x6b: {  	v20 =	vld [tilespmem:s17+$0x9040];
	v6 =	vadd.f32 v32, v6;
	[tilespmem:s14+$0x5050] =	vst v33;
	v29 =	vmul.f32 v33, v33;
	v31 =	vadd.f32 v18, v31  }
0x6c: {  	v14 =	vadd.f32 v28, v14;
	v19 =	vld [tilespmem:s17+$0x9050];
	v5 =	vadd.f32 v27, v5;
	[tilespmem:s14+$0x5060] =	vst v30;
	v27 =	vmul.f32 v30, v30  }
0x6d: {  	v12 =	vadd.f32 v26, v12;
	v17 =	vld [tilespmem:s17+$0x9060];
	v3 =	vadd.f32 v29, v3;
	[tilespmem:s14+$0x5070] =	vst v31;
	v26 =	vmul.f32 v31, v31;
	s14 =	smov.u32 s17  }
0x6e: {  	v10 =	vadd.f32 v25, v10;
	v18 =	vld [tilespmem:s14+$0x9070];
	v1 =	vadd.f32 v27, v1  }
.Ltmp0:
0x6f: {  	v8 =	vadd.f32 v33, v8;
	v27 =	vld [tilespmem:s14+$0x5000];
	v2 =	vadd.f32 v26, v2;
	(pc) =	sbr.rel @p0 .LBB2_3-.Ltmp0, $4  }
0x70: {  	v7 =	vadd.f32 v30, v7;
	v4 =	vadd.f32 v31, v4;
	v29 =	vld [tilespmem:s14+$0x5010]  }
0x71: {  	v28 =	vld [tilespmem:s14+$0x5020]  }
0x72: {  	v26 =	vld [tilespmem:s14+$0x5030]  }
0x73: {  	s16 =	sadd.s32 $0x200, s16;
	v25 =	vld [tilespmem:s14+$0x5040]  }
0x74: {  	v23 =	vadd.f32 v23, v27;
	v50 =	vld [tilespmem:s14+$0x5050]  }
0x75: {  	v30 =	vld [tilespmem:s14+$0x5060];
	v24 =	vadd.f32 v24, v29  }
0x76: {  	v51 =	vld [tilespmem:s14+$0x5070];
	[tilespmem:s14+$0x5000] =	vst v23;
	v22 =	vadd.f32 v22, v28  }
0x77: {  	[tilespmem:s14+$0x5010] =	vst v24;
	v21 =	vadd.f32 v21, v26  }
0x78: {  	[tilespmem:s14+$0x5020] =	vst v22;
	v20 =	vadd.f32 v20, v25  }
0x79: {  	[tilespmem:s14+$0x5030] =	vst v21;
	v19 =	vadd.f32 v19, v50  }
0x7a: {  	v17 =	vadd.f32 v17, v30;
	[tilespmem:s14+$0x5040] =	vst v20  }
0x7b: {  	v52 =	vmul.f32 v23, v23;
	v18 =	vadd.f32 v18, v51;
	[tilespmem:s14+$0x5050] =	vst v19  }
0x7c: {  	v15 =	vadd.f32 v23, v15;
	[tilespmem:s14+$0x5060] =	vst v17  }
0x7d: {  	v53 =	vmul.f32 v24, v24;
	v16 =	vadd.f32 v52, v16;
	[tilespmem:s14+$0x5070] =	vst v18  }
0x7e: {  	v13 =	vadd.f32 v24, v13;
	[tilespmem:s20+$0x0] =	vst.add.f32.msk $0xffff, v15  }
0x7f: {  	v54 =	vmul.f32 v22, v22;
	v11 =	vadd.f32 v53, v11;
	[tilespmem:s21+$0x0] =	vst.add.f32.msk $0xffff, v16  }
0x80: {  	v14 =	vadd.f32 v22, v14;
	[tilespmem:s22+$0x0] =	vst.add.f32.msk $0xffff, v13  }
0x81: {  	v55 =	vmul.f32 v21, v21;
	v9 =	vadd.f32 v54, v9;
	[tilespmem:s23+$0x0] =	vst.add.f32.msk $0xffff, v11  }
0x82: {  	v56 =	vadd.f32 v21, v12;
	[tilespmem:s24+$0x0] =	vst.add.f32.msk $0xffff, v14  }
0x83: {  	v57 =	vmul.f32 v20, v20;
	v6 =	vadd.f32 v55, v6;
	[tilespmem:s25+$0x0] =	vst.add.f32.msk $0xffff, v9  }
0x84: {  	v58 =	vadd.f32 v20, v10;
	[tilespmem:s26+$0x0] =	vst.add.f32.msk $0xffff, v56  }
0x85: {  	v59 =	vmul.f32 v19, v19;
	v5 =	vadd.f32 v57, v5;
	[tilespmem:s28+$0x0] =	vst.add.f32.msk $0xffff, v6  }
0x86: {  	v60 =	vadd.f32 v19, v8;
	[tilespmem:s29+$0x0] =	vst.add.f32.msk $0xffff, v58  }
0x87: {  	v61 =	vmul.f32 v17, v17;
	v3 =	vadd.f32 v59, v3;
	[tilespmem:s30+$0x0] =	vst.add.f32.msk $0xffff, v5  }
0x88: {  	v62 =	vadd.f32 v17, v7;
	[tilespmem:s31+$0x0] =	vst.add.f32.msk $0xffff, v60  }
0x89: {  	v63 =	vmul.f32 v18, v18;
	v1 =	vadd.f32 v61, v1;
	[tilespmem:s1+$0x0] =	vst.add.f32.msk $0xffff, v3  }
0x8a: {  	v3 =	vadd.f32 v18, v4;
	[tilespmem:s0+$0x0] =	vst.add.f32.msk $0xffff, v62  }
0x8b: {  	s9 =	sadd.s32 s3, s9;
	s10 =	sadd.s32 $0x1, s10;
	v2 =	vadd.f32 v63, v2;
	[tilespmem:s12+$0x0] =	vst.add.f32.msk $0xffff, v1  }
0x8c: {  	s9 =	sshll.u32 s9, $0x4;
	p0 =	sne.s32 s10, $0x4F;
	[tilespmem:s7+$0x0] =	vst.add.f32.msk $0xffff, v3  }
.Ltmp1:
0x8d: {  	s9 =	sadd.s32 s6, s9;
	[tilespmem:s8+$0x0] =	vst.add.f32.msk $0xffff, v2;
	(pc) =	sbr.rel @p0 .LBB2_2-.Ltmp1, $4  }
0x8e: {  	[hbm4b:s9+s2] =	stream.linear.scatter [tilespmem:s15], [sflag:$0x3], $0x4000, $0x38;
	[tilespmem:$0xD100] =	vst v63  }
0x8f: {  	_ =	swait.ge [sflag:s11], $0x4000  }
0x90: {  	[sflag:s11] =	ssyncset.done $0x0  }
0x91: {  	[sflag:s11] =	ssyncadd.s32 $0xFFFFC000  }
0x92: {  	s9 =	rddreg [dreg:$0x5]  }
0x93: {  	[hbm4b:s9+s2] =	stream.linear.scatter [tilespmem:s20], [sflag:$0x3], $0x100, $0x38;
	[tilespmem:$0xD100] =	vst v63  }
0x94: {  	_ =	swait.ge [sflag:s11], $0x100  }
0x95: {  	s10 =	rddreg [dreg:$0x7]  }
0x96: {  	s17 =	rddreg [dreg:$0x6];
	s10 =	sadd.s32 $0x1, s10  }
0x97: {  	p0 =	sne.s32 s10, s17  }
.Ltmp2:
0x98: {  	_ = 	snop;
	(pc) =	sbr.rel @p0 .LBB2_1-.Ltmp2, $3  }
0x99: {  	_ =	sdelay $0x1  }
0x9a: {  	[sflag:s11] =	ssyncset.done $0x0  }
0x9b: {  	[sflag:s11] =	ssyncadd.s32 $0xFFFFFF00  }
0x9c: {  	_ =	sfence.sel $0x180000  }
0x9d: {  	[bflag:$0x0] =	sbarrier.arrive $0xFFFF  }
0x9e: {  	_ =	strace $0x90000047  }
0x9f: {  	s0 =	stileid.u32;
	[bflag:$0x2] =	sbarrier.arrive $0xFFFF  }
0xa0: {  	p0 =	sne.s32 s0, $0x0;
	s0 =	rddreg [dreg:$0x2]  }
0xa1: {  	s0 =	sadd.s32 @!p0 $0x100000, s0  }
0xa2: {  	[sflag:s0] =	ssyncadd.tile.s32 @!p0 $0x1;
	_ =	shalt  }
.Lfunc_end2:
_tile_overlayer_lowered:
.L_overlay_start_2:
0xa3: {  	(tag) =	ssettag $0x2  }
0xa4: {  	s0 =	rddreg [dreg:$0x0];
	s2 =	stileid.u32  }
0xa5: {  	s1 =	rddreg [dreg:$0x1];
	p0 =	sne.s32 s2, $0x0  }
0xa6: {  	s3 =	rddreg [dreg:$0x2];
	[bflag:$0x3] =	sbarrier.arrive $0xFFFF;
	s2 =	simm.s32 @!p0 $0x1C03  }
0xa7: {  	[timem:s3], [sflag:s2] =	dma.local @!p0 [hbm:s0], s1  }
0xa8: {  	s0 =	simm.s32 @!p0 $0x3  }
0xa9: {  	_ =	swait.ge @!p0 [sflag:s0], s1  }
0xaa: {  	s1 =	ssub.s32 @!p0 $0x0, s1;
	[sflag:s0] =	ssyncset.done @!p0 $0x0  }
0xab: {  	[sflag:s0] =	ssyncadd.s32 @!p0 s1  }
0xac: {  	[bflag:$0x3] =	sbarrier.arrive $0xFFFF  }
0xad: {  	_ =	shalt  }

// kernel: kernel.9.cloned.1.call-start
scs
__scs_entry_jumppad:
0x0: {  	(pc) =	sbr.rel $0x88, $3  }
0x1: {  	(tag) =	ssettag $0x0;
	lr =	simm.s32 $0x1  }
0x2: {  	[smem:$0x3F9C] =	sst lr;
	_ =	strace $0xD0000000  }
0x3: {  	_ = 	snop  }
0x4: {  	_ = 	snop  }
0x5: {  	_ = 	snop  }
0x6: {  	_ = 	snop  }
0x7: {  	_ = 	snop  }
__scs_overlays_trampoline_lowered:
0x8: {  	[smem:$0x3FAB] =	sst s0  }
0x9: {  	[smem:$0x3FAC] =	sst s1  }
0xa: {  	[smem:$0x3FAD] =	sst s2  }
0xb: {  	[smem:$0x3FAE] =	sst s3  }
0xc: {  	[smem:$0x3FAF] =	sst s4  }
0xd: {  	[smem:$0x3FB0] =	sst s5  }
0xe: {  	[smem:$0x3FB1] =	sst s6  }
0xf: {  	[smem:$0x3FB2] =	sst s7  }
0x10: {  	[smem:$0x3FB3] =	sst s8  }
0x11: {  	[smem:$0x3FB4] =	sst s9;
	s0 =	simm.s32 @!p0 $0x0  }
0x12: {  	s1 =	sld [smem:$0x3F9A];
	s0 =	simm.s32 @p0 $0x1  }
0x13: {  	[smem:$0x3FB5] =	sst s0;
	s0 =	simm.s32 @!p1 $0x0  }
0x14: {  	s2 =	sld [smem:$0x3F99];
	s0 =	simm.s32 @p1 $0x1  }
0x15: {  	[smem:$0x3FB6] =	sst s0;
	s0 =	simm.s32 @!p2 $0x0  }
0x16: {  	s3 =	sld [smem:$0x3FDB];
	s0 =	simm.s32 @p2 $0x1  }
0x17: {  	s4 =	simm.s32 $0x1BF5;
	[smem:$0x3FB8] =	sst s0  }
0x18: {  	s0 =	sld [smem:$0x3F9B];
	_ =	swait.ge [sflag:s4], $0x0  }
0x19: {  	s7 =	sld [smem:$0x3F9C]  }
0x1a: {  	s8 =	sadd.s32 $0xFFFFE003, lr  }
0x1b: {  	s9 =	sadd.s32 $0xFFFFFEF7, lr;
	s5 =	simm.s32 $0xFFFFFFFF;
	p2 =	slt.u32 s8, $0xFFFFF086  }
0x1c: {  	p1 =	slt.u32 s9, $0xF7A;
	s5 =	simm.s32 @!p2 $0x0  }
0x1d: {  	s5 =	simm.s32 @p1 $0x1;
	p0 =	seq.s32 s7, s2  }
0x1e: {  	s7 =	smul.u32 @!p0 $0xF7A, s2;
	p2 =	seq.s32 @!p0 s5, $0x0  }
0x1f: {  	s9 =	smul.u32 $0xF7A, s1;
	s8 =	simm.s32 @!p0 $0x1BF5;
	p2 =	por !p2, p0  }
0x20: {  	[sflag:s8] =	ssyncset.s32 @!p0 $0xFFFFF086;
	s6 =	sadd.s32 @!p0 s3, s7;
	s7 =	simm.s32 @!p0 $0x108  }
0x21: {  	s3 =	sadd.s32 s3, s9;
	s6 =	sadd.s32 @!p0 $0x88, s6;
	s7 =	simm.s32 @p2 $0x1082  }
0x22: {  	[simem:s7], [sflag:s8] =	dma.local @!p0 [hbm:s6], $0xF7A  }
0x23: {  	s9 =	sor.u32 $0xD0000000, s2;
	s6 =	simm.s32 $0x108;
	_ =	swait.ge @!p0 [sflag:s8], $0x0  }
0x24: {  	s3 =	sadd.s32 $0x88, s3;
	s6 =	simm.s32 @!p1 $0x1082;
	[sflag:s4] =	ssyncset.s32 $0xFFFFF086  }
0x25: {  	[simem:s6], [sflag:s4] =	dma.local [hbm:s3], $0xF7A  }
0x26: {  	[smem:$0x3F9C] =	sst s1;
	(tag) =	ssettag s2;
	_ =	strace s9  }
0x27: {  	s1 =	sld [smem:$0x3FAC]  }
0x28: {  	s2 =	sld [smem:$0x3FAD]  }
0x29: {  	s4 =	sld [smem:$0x3FAF]  }
0x2a: {  	p0 =	seq.s32 s5, $0x0;
	s5 =	sld [smem:$0x3FB0]  }
0x2b: {  	s6 =	sld [smem:$0x3FB1]  }
0x2c: {  	s7 =	sld [smem:$0x3FB2]  }
0x2d: {  	s3 =	simm.s32 $0x108;
	s8 =	sld [smem:$0x3FB3]  }
0x2e: {  	s3 =	simm.s32 @!p0 $0x1082;
	s9 =	sld [smem:$0x3FB4]  }
0x2f: {  	lr =	sadd.s32 s0, s3;
	s0 =	sld [smem:$0x3FAB]  }
0x30: {  	s3 =	sld [smem:$0x3FAE]  }
0x31: {  	[smem:$0x3FB7] =	sst s10  }
0x32: {  	s10 =	sld [smem:$0x3FB5];
	_ =	sdelay $0x3  }
0x33: {  	p0 =	seq.s32 s10, $0x1;
	s10 =	sld [smem:$0x3FB7];
	_ =	sdelay $0x3  }
0x34: {  	[smem:$0x3FB7] =	sst s10  }
0x35: {  	s10 =	sld [smem:$0x3FB6];
	_ =	sdelay $0x3  }
0x36: {  	p1 =	seq.s32 s10, $0x1;
	s10 =	sld [smem:$0x3FB7];
	_ =	sdelay $0x3  }
0x37: {  	[smem:$0x3FB7] =	sst s10  }
0x38: {  	s10 =	sld [smem:$0x3FB8]  }
0x39: {  	_ = 	snop;
	(pc) =	sbr.ind lr, $3  }
0x3a: {  	_ = 	snop  }
0x3b: {  	_ = 	snop  }
0x3c: {  	p2 =	seq.s32 s10, $0x1;
	s10 =	sld [smem:$0x3FB7]  }
0x3d: {  	_ =	shalt  }
0x3e: {  	_ =	shalt  }
0x3f: {  	_ =	shalt  }
0x40: {  	_ =	shalt  }
0x41: {  	_ =	shalt  }
0x42: {  	_ =	shalt  }
0x43: {  	_ =	shalt  }
0x44: {  	_ =	shalt  }
0x45: {  	_ =	shalt  }
0x46: {  	_ =	shalt  }
0x47: {  	_ =	shalt  }
0x48: {  	_ =	shalt  }
0x49: {  	_ =	shalt  }
0x4a: {  	_ =	shalt  }
0x4b: {  	_ =	shalt  }
0x4c: {  	_ =	shalt  }
0x4d: {  	_ =	shalt  }
0x4e: {  	_ =	shalt  }
0x4f: {  	_ =	shalt  }
0x50: {  	_ =	shalt  }
0x51: {  	_ =	shalt  }
0x52: {  	_ =	shalt  }
0x53: {  	_ =	shalt  }
0x54: {  	_ =	shalt  }
0x55: {  	_ =	shalt  }
0x56: {  	_ =	shalt  }
0x57: {  	_ =	shalt  }
0x58: {  	_ =	shalt  }
0x59: {  	_ =	shalt  }
0x5a: {  	_ =	shalt  }
0x5b: {  	_ =	shalt  }
0x5c: {  	_ =	shalt  }
0x5d: {  	_ =	shalt  }
0x5e: {  	_ =	shalt  }
0x5f: {  	_ =	shalt  }
0x60: {  	_ =	shalt  }
0x61: {  	_ =	shalt  }
0x62: {  	_ =	shalt  }
0x63: {  	_ =	shalt  }
0x64: {  	_ =	shalt  }
0x65: {  	_ =	shalt  }
0x66: {  	_ =	shalt  }
0x67: {  	_ =	shalt  }
0x68: {  	_ =	shalt  }
0x69: {  	_ =	shalt  }
0x6a: {  	_ =	shalt  }
0x6b: {  	_ =	shalt  }
0x6c: {  	_ =	shalt  }
0x6d: {  	_ =	shalt  }
0x6e: {  	_ =	shalt  }
0x6f: {  	_ =	shalt  }
0x70: {  	_ =	shalt  }
0x71: {  	_ =	shalt  }
0x72: {  	_ =	shalt  }
0x73: {  	_ =	shalt  }
0x74: {  	_ =	shalt  }
0x75: {  	_ =	shalt  }
0x76: {  	_ =	shalt  }
0x77: {  	_ =	shalt  }
0x78: {  	_ =	shalt  }
0x79: {  	_ =	shalt  }
0x7a: {  	_ =	shalt  }
0x7b: {  	_ =	shalt  }
0x7c: {  	_ =	shalt  }
0x7d: {  	_ =	shalt  }
0x7e: {  	_ =	shalt  }
0x7f: {  	_ =	shalt  }
0x80: {  	_ =	shalt  }
0x81: {  	_ =	shalt  }
0x82: {  	_ =	shalt  }
0x83: {  	_ =	shalt  }
0x84: {  	_ =	shalt  }
0x85: {  	_ =	shalt  }
0x86: {  	_ =	shalt  }
0x87: {  	_ =	shalt  }
.Lfunc_end0:
.L_simem_size_0:
called_computation.1_lowered:
.L_overlay_start_0:
0x88: {  	s2 =	sld [smem:$0x3FD9]  }
0x89: {  	s3 =	sld [smem:$0x3FFE];
	_ =	sdelay $0x1  }
0x8a: {  	s1 =	srdreg.scid  }
0x8b: {  	s0 =	sand.u32 $0x1, s1  }
0x8c: {  	s17 =	sshll.u32 s0, $0xA;
	s2 =	sadd.s32 s3, s2  }
0x8d: {  	s2 =	sadd.s32 s2, s17  }
0x8e: {  	[smem:$0x3FC3] =	sst s2  }
0x8f: {  	_ = 	snop  }
0x90: {  	s2 =	sld [smem:$0x3FC6]  }
0x91: {  	s18 =	sld [smem:$0x3FC5];
	(tm) =	ssettm $0x1  }
0x92: {  	s4 =	sld [smem:$0x3FFB];
	_ =	sdelay $0x3  }
0x93: {  	_ =	strace s4  }
0x94: {  	s4 =	sld [smem:$0x3FFC];
	_ =	sdelay $0x3  }
0x95: {  	_ =	strace s4  }
0x96: {  	s4 =	sld [smem:$0x3FFD];
	_ =	sdelay $0x3  }
0x97: {  	_ =	strace s4  }
0x98: {  	_ =	strace $0x8FFFFFFF  }
0x99: {  	s19 =	sld [smem:$0x3FDB];
	_ =	sdelay $0x1  }
0x9a: {  	s5 =	simm.s32 $_scs_section_size  }
0x9b: {  	s6 =	simm.s32 $_size__tile_overlayer_lowered;
	s7 =	simm.s32 $_tile_overlayer_lowered  }
0x9c: {  	s22 =	simm.s32 $0x1BFF;
	s21 =	sshll.u32 s7, $0x1;
	s4 =	sadd.s32 s5, s19  }
0x9d: {  	s8 =	simm.s32 $0x0;
	s20 =	sshll.u32 s6, $0x1;
	s6 =	sadd.s32 s21, s4  }
0x9e: {  	[timem:s8], [sflag:s22] =	dma.local [hbm:s6], s20  }
0x9f: {  	_ =	swait.ge [sflag:s22], s20  }
0xa0: {  	s5 =	ssub.s32 $0x0, s20;
	[sflag:s22] =	ssyncset.done $0x0  }
0xa1: {  	[sflag:s22] =	ssyncadd.s32 s5;
	_ =	sdelay $0x1  }
0xa2: {  	s23 =	simm.s32 $0x1B8B  }
0xa3: {  	_ =	swait.ge [sflag:s23], $0x1  }
0xa4: {  	[sflag:s23] =	ssyncset.done $0x0  }
0xa5: {  	s25 =	simm.s32 $0x1B8E;
	s24 =	sld [smem:$0x3FFE];
	[sflag:s23] =	ssyncadd.s32 $0xFFFFFFFF  }
0xa6: {  	s26 =	simm.s32 $execute0_lowered;
	[smem:$0x3FD2] =	sst s25  }
0xa7: {  	s6 =	sshll.u32 s26, $0x1;
	_ =	strace $0x80000049;
	[dreg:$0x1] =	wrdreg $0xFFFFFFFF  }
0xa8: {  	s28 =	simm.s32 $_size_execute0_lowered;
	s4 =	sadd.s32 s4, s6;
	[dreg:$0x0] =	wrdreg $0x0  }
0xa9: {  	s6 =	sshll.u32 s28, $0x1;
	[dreg:$0x2] =	wrdreg s4  }
0xaa: {  	[dreg:$0x3] =	wrdreg s6  }
0xab: {  	[dreg:$0x4] =	wrdreg $0xC0  }
0xac: {  	_ =	task [dreg:s8], $0x5FFFF  }
0xad: {  	[dreg:$0x1] =	wrdreg $0xFFFFFFFF  }
0xae: {  	[dreg:$0x0] =	wrdreg $0x60  }
0xaf: {  	[dreg:$0x2] =	wrdreg s24  }
0xb0: {  	[dreg:$0x3] =	wrdreg s2  }
0xb1: {  	[dreg:$0x4] =	wrdreg s18  }
0xb2: {  	[dreg:$0x5] =	wrdreg $0x72000  }
0xb3: {  	[dreg:$0x6] =	wrdreg $0x9  }
0xb4: {  	_ =	task.clear_ibuf [dreg:s8], $0x7FFFF;
	_ =	strace $0x90000049  }
0xb5: {  	s29 =	simm.s32 $0x9;
	_ =	strace $0x8000004B  }
0xb6: {  	_ =	swait.ge [sflag:s29], $0x1  }
0xb7: {  	[sflag:s29] =	ssyncadd.s32 $0xFFFFFFFF  }
0xb8: {  	_ =	strace $0x9000004B  }
0xb9: {  	_ =	sfence  }
0xba: {  	s30 =	sld [smem:$0x0];
	_ =	sdelay $0x2  }
0xbb: {  	s31 =	sshll.u32 s1, $0xD;
	s1 =	sshrl.u32 s1, $0x2  }
0xbc: {  	s3 =	sand.u32 $0x4000, s31;
	s1 =	sadd.s32 s1, s30  }
0xbd: {  	s0 =	sor.u32 s3, s0;
	s1 =	sshll.u32 s1, $0x11  }
0xbe: {  	s0 =	sor.u32 s1, s0  }
0xbf: {  	s0 =	sadd.s32 $0x8F2B, s0  }
0xc0: {  	[sflag:s0] =	ssyncadd.remote.s32 $0x1  }
0xc1: {  	_ =	sfence.sel $0xFFFF  }
0xc2: {  	[dreg:$0x0] =	wrdreg $0xFFFFFFFF;
	(pc) =	sbr.abs _section_cstart, $3  }
0xc3: {  	[dreg:$0x1] =	wrdreg $0xFFFFFFFF  }
0xc4: {  	_ =	task.clear_ibuf [dreg:s8], $0x2FFFF;
	_ =	strace $0x9FFFFFFF  }
0xc5: {  	(tm) =	ssettm $0x7FFFFFFF  }
tec
execute0_lowered:
.L_overlay_start_1:
0x0: {  	(tag) =	ssettag $0x1  }
0x1: {  	s0 =	rddreg [dreg:$0x0];
	s1 =	srdreg.scid  }
0x2: {  	s6 =	stileid.u32;
	s4 =	rddreg [dreg:$0x3];
	s3 =	simm.s32 $0x0  }
0x3: {  	s28 =	simm.s32 $0x890;
	s29 =	simm.s32 $0x820;
	s30 =	simm.s32 $0x8A0  }
0x4: {  	s31 =	simm.s32 $0x830;
	s10 =	simm.s32 $0x3200;
	s11 =	simm.s32 $0x80  }
0x5: {  	s12 =	simm.s32 $0x3180;
	s1 =	sand.u32 $0x1, s1;
	s14 =	smul.u32 $0x13C00, s6  }
0x6: {  	[smem:$0x7FF] =	sst s3;
	s7 =	sadd.s32 $0x59800, s0;
	s9 =	smul.u32 $0x4F000, s6  }
0x7: {  	s2 =	sshll.u32 s6, $0x1;
	s16 =	sadd.s32 $0x549800, s0;
	s18 =	sadd.s32 $0x549900, s0  }
0x8: {  	s20 =	sadd.s32 $0x549A00, s0;
	_ =	strace $0x8000004A;
	[dreg:$0x5] =	wrdreg s16  }
0x9: {  	s3 =	simm.s32 $0x8C0;
	s2 =	sor.u32 s1, s2;
	[dreg:$0x7] =	wrdreg s18  }
0xa: {  	s13 =	smul.u32 $0x13C000, s1;
	s1 =	ssub.s32 $0x2, s1;
	[dreg:$0x8] =	wrdreg s20  }
0xb: {  	s20 =	simm.s32 $0x850;
	s5 =	smul.u32 $0x2780, s2;
	s15 =	sshrl.u32 s1, $0x1  }
0xc: {  	s19 =	sshrl.u32 s9, $0x2;
	s9 =	simm.s32 $0x8F0;
	s2 =	sadd.s32 s14, s13  }
0xd: {  	s1 =	ssub.s32 s1, s15;
	s13 =	sadd.s32 s19, s4;
	s14 =	simm.s32 $0x0  }
0xe: {  	s8 =	sshrl.u32 s5, $0x3;
	s2 =	sshrl.u32 s2, $0x3;
	s21 =	sadd.s32 $0x4000, s13  }
0xf: {  	s22 =	sadd.s32 $0x8000, s13;
	s23 =	sadd.s32 $0xC000, s13;
	[dreg:$0xa] =	wrdreg s21  }
0x10: {  	s24 =	sadd.s32 $0x10000, s13;
	s26 =	smax.u32 s1, $0x1;
	[dreg:$0xb] =	wrdreg s22  }
0x11: {  	s1 =	simm.s32 $0x840;
	s8 =	sadd.s32 s8, s0;
	[dreg:$0xc] =	wrdreg s23  }
0x12: {  	s2 =	sadd.s32 s2, s0;
	s0 =	sadd.s32 $0x549B00, s0;
	[dreg:$0xd] =	wrdreg s24  }
0x13: {  	[dreg:$0xf] =	wrdreg s26;
	s21 =	simm.s32 $0x1;
	s24 =	simm.s32 $0x800  }
0x14: {  	s26 =	simm.s32 $0x810;
	s22 =	simm.s32 $0x8D0;
	s23 =	simm.s32 $0x860  }
0x15: {  	s17 =	sadd.s32 $0x4FA00, s8;
	[dreg:$0x9] =	wrdreg s0;
	s25 =	sadd.s32 $0x549C00, s2  }
0x16: {  	s2 =	simm.s32 $0x8B0;
	s0 =	simm.s32 $0x8E0;
	[dreg:$0x6] =	wrdreg s17  }
0x17: {  	v0 =	vimm.f32 $0.0e+00;
	s8 =	simm.s32 $0x870;
	[dreg:$0xe] =	wrdreg s25;
	s25 =	simm.s32 $0x880  }
.LBB2_1:
0x18: {  	s15 =	simm.s32 $0x0;
	s6 =	rddreg [dreg:$0x6];
	s16 =	simm.s32 $0xA00  }
0x19: {  	[tilespmem:s16], [sflag:$0x1] =	stream.linear.gather [hbm4b:s6+s15], $0x2780, $0x38;
	[tilespmem:$0x1AE00] =	vst v63  }
0x1a: {  	_ =	swait.ge [sflag:s21], $0x2780  }
0x1b: {  	[sflag:s21] =	ssyncset.done $0x0  }
0x1c: {  	[sflag:s21] =	ssyncadd.s32 $0xFFFFD880  }
0x1d: {  	s19 =	simm.s32 $0x900;
	s18 =	rddreg [dreg:$0x1]  }
0x1e: {  	[tilespmem:s19], [sflag:$0x1] =	stream.linear.gather [hbm4b:s18+s15], $0x80, $0x38;
	[tilespmem:$0x1AE00] =	vst v63  }
0x1f: {  	_ =	swait.ge [sflag:s21], $0x80  }
0x20: {  	[sflag:s21] =	ssyncset.done $0x0  }
0x21: {  	[sflag:s21] =	ssyncadd.s32 $0xFFFFFF80  }
0x22: {  	s18 =	simm.s32 $0x980;
	s17 =	rddreg [dreg:$0x2]  }
0x23: {  	[tilespmem:s18], [sflag:$0x1] =	stream.linear.gather [hbm4b:s17+s15], $0x80, $0x38;
	[tilespmem:$0x1AE00] =	vst v63  }
0x24: {  	_ =	swait.ge [sflag:s21], $0x80  }
0x25: {  	[sflag:s21] =	ssyncset.done $0x0  }
0x26: {  	[sflag:s21] =	ssyncadd.s32 $0xFFFFFF80  }
0x27: {  	[tilespmem:$0x800] =	vst v0  }
0x28: {  	[tilespmem:$0x880] =	vst v0  }
0x29: {  	[tilespmem:$0x810] =	vst v0  }
0x2a: {  	[tilespmem:$0x890] =	vst v0  }
0x2b: {  	[tilespmem:$0x820] =	vst v0  }
0x2c: {  	[tilespmem:$0x8A0] =	vst v0  }
0x2d: {  	[tilespmem:$0x830] =	vst v0  }
0x2e: {  	[tilespmem:$0x8B0] =	vst v0  }
0x2f: {  	[tilespmem:$0x840] =	vst v0  }
0x30: {  	[tilespmem:$0x8C0] =	vst v0  }
0x31: {  	[tilespmem:$0x850] =	vst v0  }
0x32: {  	[tilespmem:$0x8D0] =	vst v0  }
0x33: {  	[tilespmem:$0x860] =	vst v0  }
0x34: {  	[tilespmem:$0x8E0] =	vst v0  }
0x35: {  	[tilespmem:$0x870] =	vst v0  }
0x36: {  	s19 =	rddreg [dreg:$0x5];
	[tilespmem:$0x8F0] =	vst v0  }
0x37: {  	[tilespmem:s15], [sflag:$0x1] =	stream.linear.gather [hbm4b:s19+s15], $0x800, $0x38;
	[tilespmem:$0x1AE00] =	vst v63  }
0x38: {  	_ =	swait.ge [sflag:s21], $0x800  }
0x39: {  	[sflag:s21] =	ssyncset.done $0x0  }
0x3a: {  	s16 =	simm.s32 $0x400;
	s15 =	simm.s32 $0x0;
	[sflag:s21] =	ssyncadd.s32 $0xFFFFF800  }
.LBB2_2:
0x3b: {  	p0 =	sne.s32 s16, $0x1C00;
	v1 =	vld [tilespmem:s15+$0x0];
	_ =	sdelay $0x4  }
0x3c: {  	[tilespmem:s24+$0x0] =	vst.add.f32.msk $0xffff, v1  }
0x3d: {  	v1 =	vld [tilespmem:s15+$0x80];
	_ =	sdelay $0x4  }
0x3e: {  	[tilespmem:s25+$0x0] =	vst.add.f32.msk $0xffff, v1  }
0x3f: {  	v1 =	vld [tilespmem:s15+$0x10];
	_ =	sdelay $0x4  }
0x40: {  	[tilespmem:s26+$0x0] =	vst.add.f32.msk $0xffff, v1  }
0x41: {  	v1 =	vld [tilespmem:s15+$0x90];
	_ =	sdelay $0x4  }
0x42: {  	[tilespmem:s28+$0x0] =	vst.add.f32.msk $0xffff, v1  }
0x43: {  	v1 =	vld [tilespmem:s15+$0x20];
	_ =	sdelay $0x4  }
0x44: {  	[tilespmem:s29+$0x0] =	vst.add.f32.msk $0xffff, v1  }
0x45: {  	v1 =	vld [tilespmem:s15+$0xA0];
	_ =	sdelay $0x4  }
0x46: {  	[tilespmem:s30+$0x0] =	vst.add.f32.msk $0xffff, v1  }
0x47: {  	v1 =	vld [tilespmem:s15+$0x30];
	_ =	sdelay $0x4  }
0x48: {  	[tilespmem:s31+$0x0] =	vst.add.f32.msk $0xffff, v1  }
0x49: {  	v1 =	vld [tilespmem:s15+$0xB0];
	_ =	sdelay $0x4  }
0x4a: {  	[tilespmem:s2+$0x0] =	vst.add.f32.msk $0xffff, v1  }
0x4b: {  	v1 =	vld [tilespmem:s15+$0x40];
	_ =	sdelay $0x4  }
0x4c: {  	[tilespmem:s1+$0x0] =	vst.add.f32.msk $0xffff, v1  }
0x4d: {  	v1 =	vld [tilespmem:s15+$0xC0];
	_ =	sdelay $0x4  }
0x4e: {  	[tilespmem:s3+$0x0] =	vst.add.f32.msk $0xffff, v1  }
0x4f: {  	v1 =	vld [tilespmem:s15+$0x50];
	_ =	sdelay $0x4  }
0x50: {  	[tilespmem:s20+$0x0] =	vst.add.f32.msk $0xffff, v1  }
0x51: {  	v1 =	vld [tilespmem:s15+$0xD0];
	_ =	sdelay $0x4  }
0x52: {  	[tilespmem:s22+$0x0] =	vst.add.f32.msk $0xffff, v1  }
0x53: {  	v1 =	vld [tilespmem:s15+$0x60];
	_ =	sdelay $0x4  }
0x54: {  	[tilespmem:s23+$0x0] =	vst.add.f32.msk $0xffff, v1  }
0x55: {  	v1 =	vld [tilespmem:s15+$0xE0];
	_ =	sdelay $0x4  }
0x56: {  	[tilespmem:s0+$0x0] =	vst.add.f32.msk $0xffff, v1  }
0x57: {  	v1 =	vld [tilespmem:s15+$0x70];
	_ =	sdelay $0x4  }
0x58: {  	[tilespmem:s8+$0x0] =	vst.add.f32.msk $0xffff, v1  }
0x59: {  	v1 =	vld [tilespmem:s15+$0xF0]  }
.Ltmp0:
0x5a: {  	(pc) =	sbr.rel @p0 .LBB2_2-.Ltmp0, $2  }
0x5b: {  	_ =	sdelay $0x2  }
0x5c: {  	s15 =	sshra.s32 s16, $0x2;
	s16 =	sadd.s32 $0x400, s16;
	[tilespmem:s9+$0x0] =	vst.add.f32.msk $0xffff, v1  }
0x5d: {  	v1 =	vld [tilespmem:s15+$0x0];
	_ =	sdelay $0x4  }
0x5e: {  	[tilespmem:s24+$0x0] =	vst.add.f32.msk $0xffff, v1  }
0x5f: {  	v1 =	vld [tilespmem:s15+$0x80];
	_ =	sdelay $0x4  }
0x60: {  	[tilespmem:s25+$0x0] =	vst.add.f32.msk $0xffff, v1  }
0x61: {  	v1 =	vld [tilespmem:s15+$0x10];
	_ =	sdelay $0x4  }
0x62: {  	[tilespmem:s26+$0x0] =	vst.add.f32.msk $0xffff, v1  }
0x63: {  	v1 =	vld [tilespmem:s15+$0x90];
	_ =	sdelay $0x4  }
0x64: {  	[tilespmem:s28+$0x0] =	vst.add.f32.msk $0xffff, v1  }
0x65: {  	v1 =	vld [tilespmem:s15+$0x20];
	_ =	sdelay $0x4  }
0x66: {  	[tilespmem:s29+$0x0] =	vst.add.f32.msk $0xffff, v1  }
0x67: {  	v1 =	vld [tilespmem:s15+$0xA0];
	_ =	sdelay $0x4  }
0x68: {  	[tilespmem:s30+$0x0] =	vst.add.f32.msk $0xffff, v1  }
0x69: {  	v1 =	vld [tilespmem:s15+$0x30];
	_ =	sdelay $0x4  }
0x6a: {  	[tilespmem:s31+$0x0] =	vst.add.f32.msk $0xffff, v1  }
0x6b: {  	v1 =	vld [tilespmem:s15+$0xB0];
	_ =	sdelay $0x4  }
0x6c: {  	[tilespmem:s2+$0x0] =	vst.add.f32.msk $0xffff, v1  }
0x6d: {  	v1 =	vld [tilespmem:s15+$0x40];
	_ =	sdelay $0x4  }
0x6e: {  	[tilespmem:s1+$0x0] =	vst.add.f32.msk $0xffff, v1  }
0x6f: {  	v1 =	vld [tilespmem:s15+$0xC0];
	_ =	sdelay $0x4  }
0x70: {  	[tilespmem:s3+$0x0] =	vst.add.f32.msk $0xffff, v1  }
0x71: {  	v1 =	vld [tilespmem:s15+$0x50];
	_ =	sdelay $0x4  }
0x72: {  	[tilespmem:s20+$0x0] =	vst.add.f32.msk $0xffff, v1  }
0x73: {  	v1 =	vld [tilespmem:s15+$0xD0];
	_ =	sdelay $0x4  }
0x74: {  	[tilespmem:s22+$0x0] =	vst.add.f32.msk $0xffff, v1  }
0x75: {  	v1 =	vld [tilespmem:s15+$0x60];
	_ =	sdelay $0x4  }
0x76: {  	[tilespmem:s23+$0x0] =	vst.add.f32.msk $0xffff, v1  }
0x77: {  	v1 =	vld [tilespmem:s15+$0xE0];
	_ =	sdelay $0x4  }
0x78: {  	[tilespmem:s0+$0x0] =	vst.add.f32.msk $0xffff, v1  }
0x79: {  	v1 =	vld [tilespmem:s15+$0x70];
	_ =	sdelay $0x4  }
0x7a: {  	[tilespmem:s8+$0x0] =	vst.add.f32.msk $0xffff, v1  }
0x7b: {  	v1 =	vld [tilespmem:s15+$0xF0];
	_ =	sdelay $0x4  }
0x7c: {  	s19 =	simm.s32 $0x0;
	s6 =	rddreg [dreg:$0x7];
	[tilespmem:s9+$0x0] =	vst.add.f32.msk $0xffff, v1  }
0x7d: {  	[tilespmem:s19], [sflag:$0x1] =	stream.linear.gather [hbm4b:s6+s19], $0x800, $0x38;
	[tilespmem:$0x1AE00] =	vst v63  }
0x7e: {  	_ =	swait.ge [sflag:s21], $0x800  }
0x7f: {  	[sflag:s21] =	ssyncset.done $0x0  }
0x80: {  	s16 =	simm.s32 $0x400;
	s15 =	simm.s32 $0x0;
	[sflag:s21] =	ssyncadd.s32 $0xFFFFF800  }
.LBB2_4:
0x81: {  	p0 =	sne.s32 s16, $0x1C00;
	v1 =	vld [tilespmem:s15+$0x0];
	_ =	sdelay $0x4  }
0x82: {  	[tilespmem:s24+$0x0] =	vst.add.f32.msk $0xffff, v1  }
0x83: {  	v1 =	vld [tilespmem:s15+$0x80];
	_ =	sdelay $0x4  }
0x84: {  	[tilespmem:s25+$0x0] =	vst.add.f32.msk $0xffff, v1  }
0x85: {  	v1 =	vld [tilespmem:s15+$0x10];
	_ =	sdelay $0x4  }
0x86: {  	[tilespmem:s26+$0x0] =	vst.add.f32.msk $0xffff, v1  }
0x87: {  	v1 =	vld [tilespmem:s15+$0x90];
	_ =	sdelay $0x4  }
0x88: {  	[tilespmem:s28+$0x0] =	vst.add.f32.msk $0xffff, v1  }
0x89: {  	v1 =	vld [tilespmem:s15+$0x20];
	_ =	sdelay $0x4  }
0x8a: {  	[tilespmem:s29+$0x0] =	vst.add.f32.msk $0xffff, v1  }
0x8b: {  	v1 =	vld [tilespmem:s15+$0xA0];
	_ =	sdelay $0x4  }
0x8c: {  	[tilespmem:s30+$0x0] =	vst.add.f32.msk $0xffff, v1  }
0x8d: {  	v1 =	vld [tilespmem:s15+$0x30];
	_ =	sdelay $0x4  }
0x8e: {  	[tilespmem:s31+$0x0] =	vst.add.f32.msk $0xffff, v1  }
0x8f: {  	v1 =	vld [tilespmem:s15+$0xB0];
	_ =	sdelay $0x4  }
0x90: {  	[tilespmem:s2+$0x0] =	vst.add.f32.msk $0xffff, v1  }
0x91: {  	v1 =	vld [tilespmem:s15+$0x40];
	_ =	sdelay $0x4  }
0x92: {  	[tilespmem:s1+$0x0] =	vst.add.f32.msk $0xffff, v1  }
0x93: {  	v1 =	vld [tilespmem:s15+$0xC0];
	_ =	sdelay $0x4  }
0x94: {  	[tilespmem:s3+$0x0] =	vst.add.f32.msk $0xffff, v1  }
0x95: {  	v1 =	vld [tilespmem:s15+$0x50];
	_ =	sdelay $0x4  }
0x96: {  	[tilespmem:s20+$0x0] =	vst.add.f32.msk $0xffff, v1  }
0x97: {  	v1 =	vld [tilespmem:s15+$0xD0];
	_ =	sdelay $0x4  }
0x98: {  	[tilespmem:s22+$0x0] =	vst.add.f32.msk $0xffff, v1  }
0x99: {  	v1 =	vld [tilespmem:s15+$0x60];
	_ =	sdelay $0x4  }
0x9a: {  	[tilespmem:s23+$0x0] =	vst.add.f32.msk $0xffff, v1  }
0x9b: {  	v1 =	vld [tilespmem:s15+$0xE0];
	_ =	sdelay $0x4  }
0x9c: {  	[tilespmem:s0+$0x0] =	vst.add.f32.msk $0xffff, v1  }
0x9d: {  	v1 =	vld [tilespmem:s15+$0x70];
	_ =	sdelay $0x4  }
0x9e: {  	[tilespmem:s8+$0x0] =	vst.add.f32.msk $0xffff, v1  }
0x9f: {  	v1 =	vld [tilespmem:s15+$0xF0]  }
.Ltmp1:
0xa0: {  	(pc) =	sbr.rel @p0 .LBB2_4-.Ltmp1, $2  }
0xa1: {  	_ =	sdelay $0x2  }
0xa2: {  	s15 =	sshra.s32 s16, $0x2;
	s16 =	sadd.s32 $0x400, s16;
	[tilespmem:s9+$0x0] =	vst.add.f32.msk $0xffff, v1  }
0xa3: {  	v1 =	vld [tilespmem:s15+$0x0];
	_ =	sdelay $0x4  }
0xa4: {  	[tilespmem:s24+$0x0] =	vst.add.f32.msk $0xffff, v1  }
0xa5: {  	v1 =	vld [tilespmem:s15+$0x80];
	_ =	sdelay $0x4  }
0xa6: {  	[tilespmem:s25+$0x0] =	vst.add.f32.msk $0xffff, v1  }
0xa7: {  	v1 =	vld [tilespmem:s15+$0x10];
	_ =	sdelay $0x4  }
0xa8: {  	[tilespmem:s26+$0x0] =	vst.add.f32.msk $0xffff, v1  }
0xa9: {  	v1 =	vld [tilespmem:s15+$0x90];
	_ =	sdelay $0x4  }
0xaa: {  	[tilespmem:s28+$0x0] =	vst.add.f32.msk $0xffff, v1  }
0xab: {  	v1 =	vld [tilespmem:s15+$0x20];
	_ =	sdelay $0x4  }
0xac: {  	[tilespmem:s29+$0x0] =	vst.add.f32.msk $0xffff, v1  }
0xad: {  	v1 =	vld [tilespmem:s15+$0xA0];
	_ =	sdelay $0x4  }
0xae: {  	[tilespmem:s30+$0x0] =	vst.add.f32.msk $0xffff, v1  }
0xaf: {  	v1 =	vld [tilespmem:s15+$0x30];
	_ =	sdelay $0x4  }
0xb0: {  	[tilespmem:s31+$0x0] =	vst.add.f32.msk $0xffff, v1  }
0xb1: {  	v1 =	vld [tilespmem:s15+$0xB0];
	_ =	sdelay $0x4  }
0xb2: {  	[tilespmem:s2+$0x0] =	vst.add.f32.msk $0xffff, v1  }
0xb3: {  	v1 =	vld [tilespmem:s15+$0x40];
	_ =	sdelay $0x4  }
0xb4: {  	[tilespmem:s1+$0x0] =	vst.add.f32.msk $0xffff, v1  }
0xb5: {  	v1 =	vld [tilespmem:s15+$0xC0];
	_ =	sdelay $0x4  }
0xb6: {  	[tilespmem:s3+$0x0] =	vst.add.f32.msk $0xffff, v1  }
0xb7: {  	v1 =	vld [tilespmem:s15+$0x50];
	_ =	sdelay $0x4  }
0xb8: {  	[tilespmem:s20+$0x0] =	vst.add.f32.msk $0xffff, v1  }
0xb9: {  	v1 =	vld [tilespmem:s15+$0xD0];
	_ =	sdelay $0x4  }
0xba: {  	[tilespmem:s22+$0x0] =	vst.add.f32.msk $0xffff, v1  }
0xbb: {  	v1 =	vld [tilespmem:s15+$0x60];
	_ =	sdelay $0x4  }
0xbc: {  	[tilespmem:s23+$0x0] =	vst.add.f32.msk $0xffff, v1  }
0xbd: {  	v1 =	vld [tilespmem:s15+$0xE0];
	_ =	sdelay $0x4  }
0xbe: {  	[tilespmem:s0+$0x0] =	vst.add.f32.msk $0xffff, v1  }
0xbf: {  	v1 =	vld [tilespmem:s15+$0x70];
	_ =	sdelay $0x4  }
0xc0: {  	[tilespmem:s8+$0x0] =	vst.add.f32.msk $0xffff, v1  }
0xc1: {  	v1 =	vld [tilespmem:s15+$0xF0];
	_ =	sdelay $0x4  }
0xc2: {  	s19 =	simm.s32 $0x0;
	s6 =	rddreg [dreg:$0x8];
	[tilespmem:s9+$0x0] =	vst.add.f32.msk $0xffff, v1  }
0xc3: {  	[tilespmem:s19], [sflag:$0x1] =	stream.linear.gather [hbm4b:s6+s19], $0x800, $0x38;
	[tilespmem:$0x1AE00] =	vst v63  }
0xc4: {  	_ =	swait.ge [sflag:s21], $0x800  }
0xc5: {  	[sflag:s21] =	ssyncset.done $0x0  }
0xc6: {  	s16 =	simm.s32 $0x400;
	s15 =	simm.s32 $0x0;
	[sflag:s21] =	ssyncadd.s32 $0xFFFFF800  }
.LBB2_6:
0xc7: {  	p0 =	sne.s32 s16, $0x1C00;
	v1 =	vld [tilespmem:s15+$0x0];
	_ =	sdelay $0x4  }
0xc8: {  	[tilespmem:s24+$0x0] =	vst.add.f32.msk $0xffff, v1  }
0xc9: {  	v1 =	vld [tilespmem:s15+$0x80];
	_ =	sdelay $0x4  }
0xca: {  	[tilespmem:s25+$0x0] =	vst.add.f32.msk $0xffff, v1  }
0xcb: {  	v1 =	vld [tilespmem:s15+$0x10];
	_ =	sdelay $0x4  }
0xcc: {  	[tilespmem:s26+$0x0] =	vst.add.f32.msk $0xffff, v1  }
0xcd: {  	v1 =	vld [tilespmem:s15+$0x90];
	_ =	sdelay $0x4  }
0xce: {  	[tilespmem:s28+$0x0] =	vst.add.f32.msk $0xffff, v1  }
0xcf: {  	v1 =	vld [tilespmem:s15+$0x20];
	_ =	sdelay $0x4  }
0xd0: {  	[tilespmem:s29+$0x0] =	vst.add.f32.msk $0xffff, v1  }
0xd1: {  	v1 =	vld [tilespmem:s15+$0xA0];
	_ =	sdelay $0x4  }
0xd2: {  	[tilespmem:s30+$0x0] =	vst.add.f32.msk $0xffff, v1  }
0xd3: {  	v1 =	vld [tilespmem:s15+$0x30];
	_ =	sdelay $0x4  }
0xd4: {  	[tilespmem:s31+$0x0] =	vst.add.f32.msk $0xffff, v1  }
0xd5: {  	v1 =	vld [tilespmem:s15+$0xB0];
	_ =	sdelay $0x4  }
0xd6: {  	[tilespmem:s2+$0x0] =	vst.add.f32.msk $0xffff, v1  }
0xd7: {  	v1 =	vld [tilespmem:s15+$0x40];
	_ =	sdelay $0x4  }
0xd8: {  	[tilespmem:s1+$0x0] =	vst.add.f32.msk $0xffff, v1  }
0xd9: {  	v1 =	vld [tilespmem:s15+$0xC0];
	_ =	sdelay $0x4  }
0xda: {  	[tilespmem:s3+$0x0] =	vst.add.f32.msk $0xffff, v1  }
0xdb: {  	v1 =	vld [tilespmem:s15+$0x50];
	_ =	sdelay $0x4  }
0xdc: {  	[tilespmem:s20+$0x0] =	vst.add.f32.msk $0xffff, v1  }
0xdd: {  	v1 =	vld [tilespmem:s15+$0xD0];
	_ =	sdelay $0x4  }
0xde: {  	[tilespmem:s22+$0x0] =	vst.add.f32.msk $0xffff, v1  }
0xdf: {  	v1 =	vld [tilespmem:s15+$0x60];
	_ =	sdelay $0x4  }
0xe0: {  	[tilespmem:s23+$0x0] =	vst.add.f32.msk $0xffff, v1  }
0xe1: {  	v1 =	vld [tilespmem:s15+$0xE0];
	_ =	sdelay $0x4  }
0xe2: {  	[tilespmem:s0+$0x0] =	vst.add.f32.msk $0xffff, v1  }
0xe3: {  	v1 =	vld [tilespmem:s15+$0x70];
	_ =	sdelay $0x4  }
0xe4: {  	[tilespmem:s8+$0x0] =	vst.add.f32.msk $0xffff, v1  }
0xe5: {  	v1 =	vld [tilespmem:s15+$0xF0]  }
.Ltmp2:
0xe6: {  	(pc) =	sbr.rel @p0 .LBB2_6-.Ltmp2, $2  }
0xe7: {  	_ =	sdelay $0x2  }
0xe8: {  	s15 =	sshra.s32 s16, $0x2;
	s16 =	sadd.s32 $0x400, s16;
	[tilespmem:s9+$0x0] =	vst.add.f32.msk $0xffff, v1  }
0xe9: {  	v1 =	vld [tilespmem:s15+$0x0];
	_ =	sdelay $0x4  }
0xea: {  	[tilespmem:s24+$0x0] =	vst.add.f32.msk $0xffff, v1  }
0xeb: {  	v1 =	vld [tilespmem:s15+$0x80];
	_ =	sdelay $0x4  }
0xec: {  	[tilespmem:s25+$0x0] =	vst.add.f32.msk $0xffff, v1  }
0xed: {  	v1 =	vld [tilespmem:s15+$0x10];
	_ =	sdelay $0x4  }
0xee: {  	[tilespmem:s26+$0x0] =	vst.add.f32.msk $0xffff, v1  }
0xef: {  	v1 =	vld [tilespmem:s15+$0x90];
	_ =	sdelay $0x4  }
0xf0: {  	[tilespmem:s28+$0x0] =	vst.add.f32.msk $0xffff, v1  }
0xf1: {  	v1 =	vld [tilespmem:s15+$0x20];
	_ =	sdelay $0x4  }
0xf2: {  	[tilespmem:s29+$0x0] =	vst.add.f32.msk $0xffff, v1  }
0xf3: {  	v1 =	vld [tilespmem:s15+$0xA0];
	_ =	sdelay $0x4  }
0xf4: {  	[tilespmem:s30+$0x0] =	vst.add.f32.msk $0xffff, v1  }
0xf5: {  	v1 =	vld [tilespmem:s15+$0x30];
	_ =	sdelay $0x4  }
0xf6: {  	[tilespmem:s31+$0x0] =	vst.add.f32.msk $0xffff, v1  }
0xf7: {  	v1 =	vld [tilespmem:s15+$0xB0];
	_ =	sdelay $0x4  }
0xf8: {  	[tilespmem:s2+$0x0] =	vst.add.f32.msk $0xffff, v1  }
0xf9: {  	v1 =	vld [tilespmem:s15+$0x40];
	_ =	sdelay $0x4  }
0xfa: {  	[tilespmem:s1+$0x0] =	vst.add.f32.msk $0xffff, v1  }
0xfb: {  	v1 =	vld [tilespmem:s15+$0xC0];
	_ =	sdelay $0x4  }
0xfc: {  	[tilespmem:s3+$0x0] =	vst.add.f32.msk $0xffff, v1  }
0xfd: {  	v1 =	vld [tilespmem:s15+$0x50];
	_ =	sdelay $0x4  }
0xfe: {  	[tilespmem:s20+$0x0] =	vst.add.f32.msk $0xffff, v1  }
0xff: {  	v1 =	vld [tilespmem:s15+$0xD0];
	_ =	sdelay $0x4  }
0x100: {  	[tilespmem:s22+$0x0] =	vst.add.f32.msk $0xffff, v1  }
0x101: {  	v1 =	vld [tilespmem:s15+$0x60];
	_ =	sdelay $0x4  }
0x102: {  	[tilespmem:s23+$0x0] =	vst.add.f32.msk $0xffff, v1  }
0x103: {  	v1 =	vld [tilespmem:s15+$0xE0];
	_ =	sdelay $0x4  }
0x104: {  	[tilespmem:s0+$0x0] =	vst.add.f32.msk $0xffff, v1  }
0x105: {  	v1 =	vld [tilespmem:s15+$0x70];
	_ =	sdelay $0x4  }
0x106: {  	[tilespmem:s8+$0x0] =	vst.add.f32.msk $0xffff, v1  }
0x107: {  	v1 =	vld [tilespmem:s15+$0xF0];
	_ =	sdelay $0x4  }
0x108: {  	s19 =	simm.s32 $0x0;
	s6 =	rddreg [dreg:$0x9];
	[tilespmem:s9+$0x0] =	vst.add.f32.msk $0xffff, v1  }
0x109: {  	[tilespmem:s19], [sflag:$0x1] =	stream.linear.gather [hbm4b:s6+s19], $0x800, $0x38;
	[tilespmem:$0x1AE00] =	vst v63  }
0x10a: {  	_ =	swait.ge [sflag:s21], $0x800  }
0x10b: {  	[sflag:s21] =	ssyncset.done $0x0  }
0x10c: {  	s16 =	simm.s32 $0x400;
	s15 =	simm.s32 $0x0;
	[sflag:s21] =	ssyncadd.s32 $0xFFFFF800  }
.LBB2_8:
0x10d: {  	p0 =	sne.s32 s16, $0x1C00;
	v1 =	vld [tilespmem:s15+$0x0];
	_ =	sdelay $0x4  }
0x10e: {  	[tilespmem:s24+$0x0] =	vst.add.f32.msk $0xffff, v1  }
0x10f: {  	v1 =	vld [tilespmem:s15+$0x80];
	_ =	sdelay $0x4  }
0x110: {  	[tilespmem:s25+$0x0] =	vst.add.f32.msk $0xffff, v1  }
0x111: {  	v1 =	vld [tilespmem:s15+$0x10];
	_ =	sdelay $0x4  }
0x112: {  	[tilespmem:s26+$0x0] =	vst.add.f32.msk $0xffff, v1  }
0x113: {  	v1 =	vld [tilespmem:s15+$0x90];
	_ =	sdelay $0x4  }
0x114: {  	[tilespmem:s28+$0x0] =	vst.add.f32.msk $0xffff, v1  }
0x115: {  	v1 =	vld [tilespmem:s15+$0x20];
	_ =	sdelay $0x4  }
0x116: {  	[tilespmem:s29+$0x0] =	vst.add.f32.msk $0xffff, v1  }
0x117: {  	v1 =	vld [tilespmem:s15+$0xA0];
	_ =	sdelay $0x4  }
0x118: {  	[tilespmem:s30+$0x0] =	vst.add.f32.msk $0xffff, v1  }
0x119: {  	v1 =	vld [tilespmem:s15+$0x30];
	_ =	sdelay $0x4  }
0x11a: {  	[tilespmem:s31+$0x0] =	vst.add.f32.msk $0xffff, v1  }
0x11b: {  	v1 =	vld [tilespmem:s15+$0xB0];
	_ =	sdelay $0x4  }
0x11c: {  	[tilespmem:s2+$0x0] =	vst.add.f32.msk $0xffff, v1  }
0x11d: {  	v1 =	vld [tilespmem:s15+$0x40];
	_ =	sdelay $0x4  }
0x11e: {  	[tilespmem:s1+$0x0] =	vst.add.f32.msk $0xffff, v1  }
0x11f: {  	v1 =	vld [tilespmem:s15+$0xC0];
	_ =	sdelay $0x4  }
0x120: {  	[tilespmem:s3+$0x0] =	vst.add.f32.msk $0xffff, v1  }
0x121: {  	v1 =	vld [tilespmem:s15+$0x50];
	_ =	sdelay $0x4  }
0x122: {  	[tilespmem:s20+$0x0] =	vst.add.f32.msk $0xffff, v1  }
0x123: {  	v1 =	vld [tilespmem:s15+$0xD0];
	_ =	sdelay $0x4  }
0x124: {  	[tilespmem:s22+$0x0] =	vst.add.f32.msk $0xffff, v1  }
0x125: {  	v1 =	vld [tilespmem:s15+$0x60];
	_ =	sdelay $0x4  }
0x126: {  	[tilespmem:s23+$0x0] =	vst.add.f32.msk $0xffff, v1  }
0x127: {  	v1 =	vld [tilespmem:s15+$0xE0];
	_ =	sdelay $0x4  }
0x128: {  	[tilespmem:s0+$0x0] =	vst.add.f32.msk $0xffff, v1  }
0x129: {  	v1 =	vld [tilespmem:s15+$0x70];
	_ =	sdelay $0x4  }
0x12a: {  	[tilespmem:s8+$0x0] =	vst.add.f32.msk $0xffff, v1  }
0x12b: {  	v1 =	vld [tilespmem:s15+$0xF0]  }
.Ltmp3:
0x12c: {  	(pc) =	sbr.rel @p0 .LBB2_8-.Ltmp3, $2  }
0x12d: {  	_ =	sdelay $0x2  }
0x12e: {  	s15 =	sshra.s32 s16, $0x2;
	s16 =	sadd.s32 $0x400, s16;
	[tilespmem:s9+$0x0] =	vst.add.f32.msk $0xffff, v1  }
0x12f: {  	v1 =	vld [tilespmem:s15+$0x0];
	_ =	sdelay $0x4  }
0x130: {  	[tilespmem:s24+$0x0] =	vst.add.f32.msk $0xffff, v1  }
0x131: {  	v1 =	vld [tilespmem:s15+$0x80];
	_ =	sdelay $0x4  }
0x132: {  	[tilespmem:s25+$0x0] =	vst.add.f32.msk $0xffff, v1  }
0x133: {  	v1 =	vld [tilespmem:s15+$0x10];
	_ =	sdelay $0x4  }
0x134: {  	[tilespmem:s26+$0x0] =	vst.add.f32.msk $0xffff, v1  }
0x135: {  	v1 =	vld [tilespmem:s15+$0x90];
	_ =	sdelay $0x4  }
0x136: {  	[tilespmem:s28+$0x0] =	vst.add.f32.msk $0xffff, v1  }
0x137: {  	v1 =	vld [tilespmem:s15+$0x20];
	_ =	sdelay $0x4  }
0x138: {  	[tilespmem:s29+$0x0] =	vst.add.f32.msk $0xffff, v1  }
0x139: {  	v1 =	vld [tilespmem:s15+$0xA0];
	_ =	sdelay $0x4  }
0x13a: {  	[tilespmem:s30+$0x0] =	vst.add.f32.msk $0xffff, v1  }
0x13b: {  	v1 =	vld [tilespmem:s15+$0x30];
	_ =	sdelay $0x4  }
0x13c: {  	[tilespmem:s31+$0x0] =	vst.add.f32.msk $0xffff, v1  }
0x13d: {  	v1 =	vld [tilespmem:s15+$0xB0];
	_ =	sdelay $0x4  }
0x13e: {  	[tilespmem:s2+$0x0] =	vst.add.f32.msk $0xffff, v1  }
0x13f: {  	v1 =	vld [tilespmem:s15+$0x40];
	_ =	sdelay $0x4  }
0x140: {  	[tilespmem:s1+$0x0] =	vst.add.f32.msk $0xffff, v1  }
0x141: {  	v1 =	vld [tilespmem:s15+$0xC0];
	_ =	sdelay $0x4  }
0x142: {  	[tilespmem:s3+$0x0] =	vst.add.f32.msk $0xffff, v1  }
0x143: {  	v1 =	vld [tilespmem:s15+$0x50];
	_ =	sdelay $0x4  }
0x144: {  	[tilespmem:s20+$0x0] =	vst.add.f32.msk $0xffff, v1  }
0x145: {  	v1 =	vld [tilespmem:s15+$0xD0];
	_ =	sdelay $0x4  }
0x146: {  	[tilespmem:s22+$0x0] =	vst.add.f32.msk $0xffff, v1  }
0x147: {  	v1 =	vld [tilespmem:s15+$0x60];
	_ =	sdelay $0x4  }
0x148: {  	[tilespmem:s23+$0x0] =	vst.add.f32.msk $0xffff, v1  }
0x149: {  	v1 =	vld [tilespmem:s15+$0xE0];
	_ =	sdelay $0x4  }
0x14a: {  	[tilespmem:s0+$0x0] =	vst.add.f32.msk $0xffff, v1  }
0x14b: {  	v1 =	vld [tilespmem:s15+$0x70];
	_ =	sdelay $0x4  }
0x14c: {  	[tilespmem:s8+$0x0] =	vst.add.f32.msk $0xffff, v1  }
0x14d: {  	v1 =	vld [tilespmem:s15+$0xF0];
	_ =	sdelay $0x4  }
0x14e: {  	[tilespmem:s9+$0x0] =	vst.add.f32.msk $0xffff, v1  }
0x14f: {  	v18 =	vld [tilespmem:$0x800]  }
0x150: {  	v19 =	vld [tilespmem:$0x880]  }
0x151: {  	v1 =	vld [tilespmem:$0x900]  }
0x152: {  	v5 =	vld [tilespmem:$0x980]  }
0x153: {  	v32 =	vld [tilespmem:$0x810]  }
0x154: {  	v31 =	vld [tilespmem:$0x890]  }
0x155: {  	v2 =	vld [tilespmem:$0x910]  }
0x156: {  	v8 =	vld [tilespmem:$0x990]  }
0x157: {  	v17 =	vld [tilespmem:$0x820]  }
0x158: {  	v30 =	vld [tilespmem:$0x8A0]  }
0x159: {  	v3 =	vld [tilespmem:$0x920]  }
0x15a: {  	v11 =	vld [tilespmem:$0x9A0]  }
0x15b: {  	v20 =	vld [tilespmem:$0x830]  }
0x15c: {  	v29 =	vld [tilespmem:$0x8B0]  }
0x15d: {  	v4 =	vld [tilespmem:$0x930]  }
0x15e: {  	v12 =	vld [tilespmem:$0x9B0]  }
0x15f: {  	v21 =	vld [tilespmem:$0x840]  }
0x160: {  	v28 =	vld [tilespmem:$0x8C0]  }
0x161: {  	v6 =	vld [tilespmem:$0x940]  }
0x162: {  	v13 =	vld [tilespmem:$0x9C0]  }
0x163: {  	v26 =	vld [tilespmem:$0x850]  }
0x164: {  	v24 =	vld [tilespmem:$0x8D0]  }
0x165: {  	v7 =	vld [tilespmem:$0x950]  }
0x166: {  	v14 =	vld [tilespmem:$0x9D0]  }
0x167: {  	v25 =	vld [tilespmem:$0x860]  }
0x168: {  	v22 =	vld [tilespmem:$0x8E0]  }
0x169: {  	v9 =	vld [tilespmem:$0x960]  }
0x16a: {  	v15 =	vld [tilespmem:$0x9E0]  }
0x16b: {  	v27 =	vld [tilespmem:$0x870]  }
0x16c: {  	v23 =	vld [tilespmem:$0x8F0]  }
0x16d: {  	v10 =	vld [tilespmem:$0x970]  }
0x16e: {  	s16 =	simm.s32 $0x200;
	s15 =	simm.s32 $0x0;
	v16 =	vld [tilespmem:$0x9F0]  }
.LBB2_10:
0x16f: {  	p0 =	sne.s32 s16, $0xFE00;
	[tilespmem:s15+$0x3270] =	vst v0  }
0x170: {  	[tilespmem:s15+$0x3200] =	vst v0  }
0x171: {  	[tilespmem:s15+$0x3210] =	vst v0  }
.Ltmp4:
0x172: {  	[tilespmem:s15+$0x3220] =	vst v0;
	(pc) =	sbr.rel @p0 .LBB2_10-.Ltmp4, $4  }
0x173: {  	[tilespmem:s15+$0x3230] =	vst v0  }
0x174: {  	[tilespmem:s15+$0x3240] =	vst v0  }
0x175: {  	[tilespmem:s15+$0x3250] =	vst v0  }
0x176: {  	[tilespmem:s15+$0x3260] =	vst v0;
	s15 =	sshra.s32 s16, $0x2;
	s16 =	sadd.s32 $0x200, s16  }
0x177: {  	v18 =	vmul.f32 $3.124999920e-06, v18;
	v33 =	vmul.f32 $3.124999920e-06, v19  }
0x178: {  	v19 =	vmul.f32 $3.124999920e-06, v32;
	v31 =	vmul.f32 $3.124999920e-06, v31  }
0x179: {  	v17 =	vmul.f32 $3.124999920e-06, v17;
	v30 =	vmul.f32 $3.124999920e-06, v30  }
0x17a: {  	v20 =	vmul.f32 $3.124999920e-06, v20;
	v34 =	vmul.f32 v18, v18  }
0x17b: {  	v29 =	vmul.f32 $3.124999920e-06, v29;
	v39 =	vmul.f32 v19, v19  }
0x17c: {  	v21 =	vmul.f32 $3.124999920e-06, v21;
	v28 =	vmul.f32 $3.124999920e-06, v28;
	v38 =	vsub.f32 v33, v34  }
0x17d: {  	v26 =	vmul.f32 $3.124999920e-06, v26;
	v24 =	vmul.f32 $3.124999920e-06, v24;
	v31 =	vsub.f32 v31, v39  }
0x17e: {  	v25 =	vmul.f32 $3.124999920e-06, v25;
	v41 =	vmul.f32 v17, v17;
	v32 =	vadd.f32 $9.999999740e-06, v38  }
0x17f: {  	v27 =	vmul.f32 $3.124999920e-06, v27;
	v22 =	vmul.f32 $3.124999920e-06, v22;
	v31 =	vadd.f32 $9.999999740e-06, v31  }
0x180: {  	v23 =	vmul.f32 $3.124999920e-06, v23;
	v30 =	vsub.f32 v30, v41;
	v40 =	vshra.s32 v32, $0x1  }
0x181: {  	v32 =	vmul.f32 $5.000000000e-01, v32;
	v36 =	vshra.s32 v31, $0x1;
	v31 =	vmul.f32 $5.000000000e-01, v31  }
0x182: {  	v30 =	vadd.f32 $9.999999740e-06, v30;
	v33 =	vsub.s32 $0x5F3759DF, v40;
	v36 =	vsub.s32 $0x5F3759DF, v36  }
0x183: {  	v35 =	vmul.f32 v33, v32;
	v43 =	vmul.f32 v36, v31  }
0x184: {  	v58 =	vmul.f32 v26, v26;
	v37 =	vshra.s32 v30, $0x1;
	v30 =	vmul.f32 $5.000000000e-01, v30  }
0x185: {  	v45 =	vsub.s32 $0x5F3759DF, v37;
	v42 =	vmul.f32 v33, v35;
	v35 =	vmul.f32 v36, v43  }
0x186: {  	v59 =	vmul.f32 v25, v25;
	v37 =	vmul.f32 v45, v30  }
0x187: {  	v60 =	vmul.f32 v27, v27;
	v34 =	vsub.f32 $1.500000000e+00, v42;
	v44 =	vsub.f32 $1.500000000e+00, v35  }
0x188: {  	v39 =	vmul.f32 v20, v20;
	v24 =	vsub.f32 v24, v58;
	v46 =	vmul.f32 v45, v37  }
0x189: {  	v22 =	vsub.f32 v22, v59;
	v33 =	vmul.f32 v33, v34;
	v34 =	vmul.f32 v36, v44  }
0x18a: {  	v56 =	vmul.f32 v21, v21;
	v23 =	vsub.f32 v23, v60;
	v36 =	vsub.f32 $1.500000000e+00, v46  }
0x18b: {  	v29 =	vsub.f32 v29, v39;
	v38 =	vmul.f32 v33, v32;
	v48 =	vmul.f32 v34, v31  }
0x18c: {  	v24 =	vadd.f32 $9.999999740e-06, v24;
	v22 =	vadd.f32 $9.999999740e-06, v22;
	v35 =	vmul.f32 v45, v36  }
0x18d: {  	v29 =	vadd.f32 $9.999999740e-06, v29;
	v47 =	vmul.f32 v38, v33;
	v38 =	vmul.f32 v48, v34  }
0x18e: {  	v62 =	vshra.s32 v24, $0x1;
	v24 =	vmul.f32 $5.000000000e-01, v24;
	v50 =	vmul.f32 v35, v30  }
0x18f: {  	v52 =	vshra.s32 v29, $0x1;
	v37 =	vsub.f32 $1.500000000e+00, v47;
	v49 =	vsub.f32 $1.500000000e+00, v38  }
0x190: {  	v29 =	vmul.f32 $5.000000000e-01, v29;
	v42 =	vshra.s32 v22, $0x1;
	v51 =	vmul.f32 v50, v35  }
0x191: {  	v33 =	vmul.f32 v37, v33;
	v34 =	vmul.f32 v49, v34;
	v37 =	vsub.s32 $0x5F3759DF, v52  }
0x192: {  	v22 =	vmul.f32 $5.000000000e-01, v22;
	v36 =	vsub.f32 $1.500000000e+00, v51;
	v53 =	vmul.f32 v37, v29  }
0x193: {  	v28 =	vsub.f32 v28, v56;
	v32 =	vmul.f32 v33, v32;
	v31 =	vmul.f32 v34, v31  }
0x194: {  	v23 =	vadd.f32 $9.999999740e-06, v23;
	v35 =	vmul.f32 v36, v35;
	v54 =	vmul.f32 v37, v53  }
0x195: {  	v36 =	vsub.s32 $0x5F3759DF, v42;
	v32 =	vmul.f32 v32, v33;
	v31 =	vmul.f32 v31, v34  }
0x196: {  	v43 =	vshra.s32 v23, $0x1;
	v44 =	vmul.f32 v36, v22;
	v30 =	vmul.f32 v35, v30  }
0x197: {  	v23 =	vmul.f32 $5.000000000e-01, v23;
	v32 =	vsub.f32 $1.500000000e+00, v32;
	v31 =	vsub.f32 $1.500000000e+00, v31  }
0x198: {  	v55 =	vsub.f32 $1.500000000e+00, v54;
	v38 =	vmul.f32 v36, v44;
	v30 =	vmul.f32 v30, v35  }
0x199: {  	v28 =	vadd.f32 $9.999999740e-06, v28;
	v32 =	vmul.f32 v32, v33;
	v31 =	vmul.f32 v31, v34  }
0x19a: {  	v33 =	vmul.f32 v37, v55;
	v30 =	vsub.f32 $1.500000000e+00, v30;
	v37 =	vsub.s32 $0x5F3759DF, v43  }
0x19b: {  	v34 =	vmul.f32 $5.000000000e-01, v28;
	v28 =	vshra.s32 v28, $0x1;
	v45 =	vmul.f32 v37, v23  }
0x19c: {  	v28 =	vsub.s32 $0x5F3759DF, v28;
	v1 =	vmul.f32 v32, v1;
	v2 =	vmul.f32 v31, v2  }
0x19d: {  	v63 =	vsub.s32 $0x5F3759DF, v62;
	v57 =	vmul.f32 v33, v29;
	v61 =	vmul.f32 v28, v34  }
0x19e: {  	v30 =	vmul.f32 v30, v35;
	v35 =	vmul.f32 v63, v24  }
0x19f: {  	v31 =	vmul.f32 v57, v33;
	v32 =	vmul.f32 v28, v61  }
0x1a0: {  	[tilespmem:s15+$0x3270] =	vst v0;
	v47 =	vsub.f32 $1.500000000e+00, v38;
	v35 =	vmul.f32 v63, v35  }
0x1a1: {  	[tilespmem:s15+$0x3200] =	vst v0;
	v39 =	vmul.f32 v37, v45;
	v31 =	vsub.f32 $1.500000000e+00, v31;
	v32 =	vsub.f32 $1.500000000e+00, v32  }
0x1a2: {  	[tilespmem:s15+$0x3210] =	vst v0;
	v3 =	vmul.f32 v30, v3;
	v18 =	vmul.f32 v1, v18;
	v35 =	vsub.f32 $1.500000000e+00, v35  }
0x1a3: {  	[tilespmem:s15+$0x3220] =	vst v0;
	v48 =	vsub.f32 $1.500000000e+00, v39;
	v31 =	vmul.f32 v31, v33;
	v28 =	vmul.f32 v28, v32  }
0x1a4: {  	[tilespmem:s15+$0x3230] =	vst v0;
	v46 =	vmul.f32 v63, v35;
	v33 =	vmul.f32 v36, v47  }
0x1a5: {  	[tilespmem:s15+$0x3240] =	vst v0;
	v35 =	vmul.f32 v37, v48;
	v29 =	vmul.f32 v31, v29  }
0x1a6: {  	[tilespmem:s15+$0x3250] =	vst v0;
	v49 =	vmul.f32 v28, v34;
	v50 =	vmul.f32 v46, v24  }
0x1a7: {  	[tilespmem:s15+$0x3260] =	vst v0;
	v53 =	vmul.f32 v33, v22;
	v54 =	vmul.f32 v35, v23  }
0x1a8: {  	[spmem:s13] =	stream.linear.scatter [tilespmem:s10], [sflag:$0x1], $0x4000, $0x38;
	v29 =	vmul.f32 v29, v31;
	v51 =	vmul.f32 v49, v28;
	[tilespmem:$0x1AE00] =	vst v63  }
0x1a9: {  	_ =	swait.ge [sflag:s21], $0x4000;
	v52 =	vmul.f32 v50, v46;
	v57 =	vmul.f32 v53, v33  }
0x1aa: {  	[sflag:s21] =	ssyncset.done $0x0;
	v58 =	vmul.f32 v54, v35;
	v29 =	vsub.f32 $1.500000000e+00, v29;
	v55 =	vsub.f32 $1.500000000e+00, v51  }
0x1ab: {  	s6 =	rddreg [dreg:$0xa];
	[sflag:s21] =	ssyncadd.s32 $0xFFFFC000;
	v19 =	vmul.f32 v2, v19;
	v56 =	vsub.f32 $1.500000000e+00, v52;
	v60 =	vsub.f32 $1.500000000e+00, v57  }
0x1ac: {  	[spmem:s6] =	stream.linear.scatter [tilespmem:s10], [sflag:$0x1], $0x4000, $0x38;
	v61 =	vsub.f32 $1.500000000e+00, v58;
	v29 =	vmul.f32 v29, v31;
	v28 =	vmul.f32 v55, v28;
	[tilespmem:$0x1AE00] =	vst v63  }
0x1ad: {  	_ =	swait.ge [sflag:s21], $0x4000;
	v59 =	vmul.f32 v56, v46;
	v30 =	vmul.f32 v60, v33  }
0x1ae: {  	[sflag:s21] =	ssyncset.done $0x0;
	v31 =	vmul.f32 v61, v35;
	v4 =	vmul.f32 v29, v4  }
0x1af: {  	s17 =	rddreg [dreg:$0xb];
	[sflag:s21] =	ssyncadd.s32 $0xFFFFC000;
	v62 =	vmul.f32 v28, v34;
	v24 =	vmul.f32 v59, v24  }
0x1b0: {  	[spmem:s17] =	stream.linear.scatter [tilespmem:s10], [sflag:$0x1], $0x4000, $0x38;
	v22 =	vmul.f32 v30, v22;
	v23 =	vmul.f32 v31, v23;
	[tilespmem:$0x1AE00] =	vst v63  }
0x1b1: {  	_ =	swait.ge [sflag:s21], $0x4000;
	v32 =	vmul.f32 v62, v28;
	v24 =	vmul.f32 v24, v59  }
0x1b2: {  	[sflag:s21] =	ssyncset.done $0x0;
	v22 =	vmul.f32 v22, v30;
	v23 =	vmul.f32 v23, v31  }
0x1b3: {  	s18 =	rddreg [dreg:$0xc];
	[sflag:s21] =	ssyncadd.s32 $0xFFFFC000;
	v17 =	vmul.f32 v3, v17;
	v32 =	vsub.f32 $1.500000000e+00, v32;
	v24 =	vsub.f32 $1.500000000e+00, v24  }
0x1b4: {  	[spmem:s18] =	stream.linear.scatter [tilespmem:s10], [sflag:$0x1], $0x4000, $0x38;
	v20 =	vmul.f32 v4, v20;
	v22 =	vsub.f32 $1.500000000e+00, v22;
	v23 =	vsub.f32 $1.500000000e+00, v23;
	[tilespmem:$0x1AE00] =	vst v63  }
0x1b5: {  	_ =	swait.ge [sflag:s21], $0x4000;
	v28 =	vmul.f32 v32, v28;
	v24 =	vmul.f32 v24, v59  }
0x1b6: {  	[sflag:s21] =	ssyncset.done $0x0;
	v22 =	vmul.f32 v22, v30;
	v23 =	vmul.f32 v23, v31  }
0x1b7: {  	s19 =	rddreg [dreg:$0xd];
	[sflag:s21] =	ssyncadd.s32 $0xFFFFC000;
	v5 =	vsub.f32 v5, v18;
	v6 =	vmul.f32 v28, v6;
	v7 =	vmul.f32 v24, v7  }
0x1b8: {  	[spmem:s19] =	stream.linear.scatter [tilespmem:s10], [sflag:$0x1], $0x3C00, $0x38;
	v8 =	vsub.f32 v8, v19;
	v9 =	vmul.f32 v22, v9;
	v10 =	vmul.f32 v23, v10;
	[tilespmem:$0x1AE00] =	vst v63  }
0x1b9: {  	_ =	swait.ge [sflag:s21], $0x3C00;
	v11 =	vsub.f32 v11, v17;
	v17 =	vmul.f32 v6, v21;
	v18 =	vmul.f32 v7, v26  }
0x1ba: {  	[sflag:s21] =	ssyncset.done $0x0;
	v12 =	vsub.f32 v12, v20;
	v19 =	vmul.f32 v9, v25;
	v63 =	vmul.f32 v10, v27  }
0x1bb: {  	[sflag:s21] =	ssyncadd.s32 $0xFFFFC400;
	v13 =	vsub.f32 v13, v17;
	v14 =	vsub.f32 v14, v18  }
0x1bc: {  	s15 =	simm.s32 $0x0;
	s16 =	simm.s32 $0x0;
	[bflag:$0x0] =	sbarrier.arrive $0xFFFF;
	v15 =	vsub.f32 v15, v19;
	v16 =	vsub.f32 v16, v63  }
.LBB2_12:
0x1bd: {  	s17 =	sshll.u32 s16, $0x7  }
0x1be: {  	v17 =	vld [tilespmem:s17+$0xA00];
	_ =	sdelay $0x4  }
0x1bf: {  	[tilespmem:$0x3180] =	vst v17  }
0x1c0: {  	v17 =	vld [tilespmem:s17+$0xA10];
	_ =	sdelay $0x4  }
0x1c1: {  	[tilespmem:$0x3190] =	vst v17  }
0x1c2: {  	v17 =	vld [tilespmem:s17+$0xA20];
	_ =	sdelay $0x4  }
0x1c3: {  	[tilespmem:$0x31A0] =	vst v17  }
0x1c4: {  	v17 =	vld [tilespmem:s17+$0xA30];
	_ =	sdelay $0x4  }
0x1c5: {  	[tilespmem:$0x31B0] =	vst v17  }
0x1c6: {  	v17 =	vld [tilespmem:s17+$0xA40];
	_ =	sdelay $0x4  }
0x1c7: {  	[tilespmem:$0x31C0] =	vst v17  }
0x1c8: {  	v17 =	vld [tilespmem:s17+$0xA50];
	_ =	sdelay $0x4  }
0x1c9: {  	[tilespmem:$0x31D0] =	vst v17  }
0x1ca: {  	v17 =	vld [tilespmem:s17+$0xA60];
	_ =	sdelay $0x4  }
0x1cb: {  	[tilespmem:$0x31E0] =	vst v17  }
0x1cc: {  	v17 =	vld [tilespmem:s17+$0xA70];
	_ =	sdelay $0x2  }
0x1cd: {  	s17 =	sadd.s32 s5, s17  }
0x1ce: {  	s17 =	sshll.u32 s17, $0x4  }
0x1cf: {  	s17 =	sadd.s32 s7, s17;
	[tilespmem:$0x31F0] =	vst v17  }
0x1d0: {  	[tilespmem:s10], [sflag:$0x1] =	stream.linear.gather [hbm4b:s17+s15], $0x4000, $0x38;
	[tilespmem:$0x1AE00] =	vst v63  }
0x1d1: {  	_ =	swait.ge [sflag:s21], $0x4000  }
0x1d2: {  	[sflag:s21] =	ssyncset.done $0x0  }
0x1d3: {  	s17 =	simm.s32 $0x0;
	[sflag:s21] =	ssyncadd.s32 $0xFFFFC000  }
0x1d4: {  	v17 =	vld [tilespmem:s17+$0x3270]  }
0x1d5: {  	v18 =	vld [tilespmem:s17+$0x3250];
	_ =	sdelay $0x1  }
0x1d6: {  	v19 =	vld [tilespmem:s17+$0x3240];
	_ =	sdelay $0x1  }
0x1d7: {  	v17 =	vmul.f32 v17, v10  }
0x1d8: {  	v20 =	vld [tilespmem:s17+$0x3230];
	v18 =	vmul.f32 v18, v7  }
0x1d9: {  	v23 =	vadd.f32 v17, v16;
	v17 =	vld [tilespmem:s17+$0x3210]  }
0x1da: {  	v19 =	vmul.f32 v19, v6;
	v24 =	vadd.f32 v18, v14;
	v18 =	vld [tilespmem:s17+$0x3200]  }
0x1db: {  	v21 =	vsub.f32 $0.0e+00, v23  }
0x1dc: {  	v25 =	vld [tilespmem:s17+$0x3260];
	v19 =	vadd.f32 v19, v13;
	v22 =	vsub.f32 $0.0e+00, v24  }
0x1dd: {  	v26 =	vld [tilespmem:s17+$0x3220];
	v20 =	vmul.f32 v20, v4;
	v21 =	vmul.f32 $1.442695020e+00, v21  }
0x1de: {  	v27 =	vsub.f32 $0.0e+00, v19;
	v22 =	vmul.f32 $1.442695020e+00, v22;
	v17 =	vmul.f32 v17, v2  }
0x1df: {  	v20 =	vadd.f32 v20, v12;
	v18 =	vmul.f32 v18, v1;
	(erf) = vpow2.f32 v21  }
0x1e0: {  	v27 =	vmul.f32 $1.442695020e+00, v27;
	(erf) = vpow2.f32 v22;
	v21 =	vadd.f32 v17, v8  }
0x1e1: {  	v17 =	vmul.f32 v25, v9;
	v25 =	vsub.f32 $0.0e+00, v20;
	v22 =	vadd.f32 v18, v5  }
0x1e2: {  	v26 =	vmul.f32 v26, v3;
	v28 =	vsub.f32 $0.0e+00, v21  }
0x1e3: {  	(erf) = vpow2.f32 v27;
	v25 =	vmul.f32 $1.442695020e+00, v25;
	v29 =	vsub.f32 $0.0e+00, v22  }
0x1e4: {  	v18 =	vadd.f32 v17, v15;
	v17 =	vadd.f32 v26, v11;
	v26 =	vmul.f32 $1.442695020e+00, v28  }
0x1e5: {  	(erf) = vpow2.f32 v25;
	v25 =	vmul.f32 $1.442695020e+00, v29;
	_ =	sdelay $0x1  }
0x1e6: {  	v27 =	vsub.f32 $0.0e+00, v18;
	(erf) = vpow2.f32 v26  }
0x1e7: {  	v62 =	vsub.f32 $0.0e+00, v17;
	(erf) = vpow2.f32 v25  }
0x1e8: {  	v27 =	vmul.f32 $1.442695020e+00, v27;
	v25 =	vpop (erf)  }
0x1e9: {  	v26 =	vmul.f32 $1.442695020e+00, v62;
	v25 =	vadd.f32 $1.000000000e+00, v25  }
0x1ea: {  	(erf) = vpow2.f32 v27;
	v63 =	vpop (erf)  }
0x1eb: {  	(erf) = vpow2.f32 v26;
	v27 =	vadd.f32 $1.000000000e+00, v63  }
0x1ec: {  	(erf) = vrcp.f32 v25  }
0x1ed: {  	(erf) = vrcp.f32 v27;
	v25 =	vpop (erf)  }
0x1ee: {  	v25 =	vadd.f32 $1.000000000e+00, v25;
	v26 =	vpop (erf)  }
0x1ef: {  	v26 =	vadd.f32 $1.000000000e+00, v26;
	v27 =	vpop (erf)  }
0x1f0: {  	(erf) = vrcp.f32 v25;
	v25 =	vadd.f32 $1.000000000e+00, v27;
	v27 =	vpop (erf)  }
0x1f1: {  	(erf) = vrcp.f32 v26;
	v26 =	vadd.f32 $1.000000000e+00, v27;
	_ =	sdelay $0x1  }
0x1f2: {  	v27 =	vpop (erf)  }
0x1f3: {  	v27 =	vadd.f32 $1.000000000e+00, v27;
	(erf) = vrcp.f32 v25;
	v25 =	vpop (erf)  }
0x1f4: {  	(erf) = vrcp.f32 v26;
	v25 =	vadd.f32 $1.000000000e+00, v25;
	v26 =	vpop (erf)  }
0x1f5: {  	(erf) = vrcp.f32 v27;
	v23 =	vmul.f32 v26, v23;
	v26 =	vpop (erf)  }
0x1f6: {  	s18 =	simm.s32 $0x200;
	s19 =	simm.s32 $0x400;
	v24 =	vmul.f32 v26, v24;
	(erf) = vrcp.f32 v25  }
.LBB2_13:
0x1f7: {  	p0 =	sne.s32 s19, $0xFE00  }
0x1f8: {  	s6 =	sshra.s32 s18, $0x2;
	[tilespmem:s17+$0x3270] =	vst v23;
	s18 =	smov.u32 s19;
	s19 =	sadd.s32 $0x200, s19  }
0x1f9: {  	v23 =	vld [tilespmem:s6+$0x3270];
	[tilespmem:s17+$0x3250] =	vst v24;
	v24 =	vpop (erf)  }
0x1fa: {  	v25 =	vld [tilespmem:s6+$0x3250];
	v19 =	vmul.f32 v24, v19;
	v24 =	vpop (erf)  }
0x1fb: {  	v24 =	vmul.f32 v24, v20  }
0x1fc: {  	[tilespmem:s17+$0x3240] =	vst v19  }
0x1fd: {  	v19 =	vld [tilespmem:s6+$0x3240];
	[tilespmem:s17+$0x3230] =	vst v24;
	v20 =	vpop (erf)  }
0x1fe: {  	v24 =	vld [tilespmem:s6+$0x3230];
	v23 =	vmul.f32 v23, v10;
	v26 =	vmul.f32 v20, v21;
	v21 =	vpop (erf)  }
0x1ff: {  	v25 =	vmul.f32 v25, v7;
	v21 =	vmul.f32 v21, v22;
	v22 =	vpop (erf)  }
0x200: {  	v23 =	vadd.f32 v23, v16;
	[tilespmem:s17+$0x3210] =	vst v26;
	v18 =	vmul.f32 v22, v18;
	v20 =	vpop (erf)  }
0x201: {  	v22 =	vld [tilespmem:s6+$0x3210];
	v25 =	vadd.f32 v25, v14;
	[tilespmem:s17+$0x3200] =	vst v21;
	v17 =	vmul.f32 v20, v17  }
0x202: {  	v21 =	vld [tilespmem:s6+$0x3200];
	v19 =	vmul.f32 v19, v6;
	v20 =	vsub.f32 $0.0e+00, v23;
	[tilespmem:s17+$0x3260] =	vst v18  }
0x203: {  	v18 =	vmul.f32 v24, v4;
	v24 =	vsub.f32 $0.0e+00, v25;
	v26 =	vld [tilespmem:s6+$0x3260];
	[tilespmem:s17+$0x3220] =	vst v17;
	s17 =	smov.u32 s6  }
0x204: {  	v17 =	vld [tilespmem:s17+$0x3220];
	v19 =	vadd.f32 v19, v13;
	v27 =	vmul.f32 $1.442695020e+00, v20  }
0x205: {  	v20 =	vadd.f32 v18, v12;
	v18 =	vmul.f32 $1.442695020e+00, v24  }
0x206: {  	v22 =	vmul.f32 v22, v2;
	v24 =	vsub.f32 $0.0e+00, v19;
	(erf) = vpow2.f32 v27  }
0x207: {  	v27 =	vmul.f32 v21, v1;
	v28 =	vsub.f32 $0.0e+00, v20;
	(erf) = vpow2.f32 v18  }
0x208: {  	v21 =	vadd.f32 v22, v8;
	v24 =	vmul.f32 $1.442695020e+00, v24;
	v18 =	vmul.f32 v26, v9  }
0x209: {  	v22 =	vadd.f32 v27, v5;
	v17 =	vmul.f32 v17, v3;
	v26 =	vmul.f32 $1.442695020e+00, v28  }
0x20a: {  	v27 =	vsub.f32 $0.0e+00, v21;
	v18 =	vadd.f32 v18, v15;
	(erf) = vpow2.f32 v24  }
0x20b: {  	v24 =	vsub.f32 $0.0e+00, v22;
	v17 =	vadd.f32 v17, v11;
	(erf) = vpow2.f32 v26  }
0x20c: {  	v26 =	vmul.f32 $1.442695020e+00, v27;
	v27 =	vsub.f32 $0.0e+00, v18  }
0x20d: {  	v29 =	vmul.f32 $1.442695020e+00, v24;
	v30 =	vsub.f32 $0.0e+00, v17  }
0x20e: {  	v27 =	vmul.f32 $1.442695020e+00, v27;
	(erf) = vpow2.f32 v26  }
0x20f: {  	v26 =	vmul.f32 $1.442695020e+00, v30;
	(erf) = vpow2.f32 v29;
	v24 =	vpop (erf)  }
0x210: {  	v29 =	vadd.f32 $1.000000000e+00, v24;
	v28 =	vpop (erf);
	(erf) = vpow2.f32 v27  }
0x211: {  	v27 =	vadd.f32 $1.000000000e+00, v28;
	(erf) = vpow2.f32 v26  }
0x212: {  	(erf) = vrcp.f32 v29  }
0x213: {  	v24 =	vpop (erf);
	(erf) = vrcp.f32 v27  }
0x214: {  	v27 =	vadd.f32 $1.000000000e+00, v24;
	v26 =	vpop (erf)  }
0x215: {  	v28 =	vadd.f32 $1.000000000e+00, v26  }
0x216: {  	(erf) = vrcp.f32 v27  }
0x217: {  	v24 =	vpop (erf);
	(erf) = vrcp.f32 v28  }
0x218: {  	v28 =	vadd.f32 $1.000000000e+00, v24;
	v26 =	vpop (erf)  }
.Ltmp5:
0x219: {  	v26 =	vadd.f32 $1.000000000e+00, v26;
	v27 =	vpop (erf);
	(pc) =	sbr.rel @p0 .LBB2_13-.Ltmp5, $4  }
0x21a: {  	v27 =	vadd.f32 $1.000000000e+00, v27;
	(erf) = vrcp.f32 v28;
	v24 =	vpop (erf)  }
0x21b: {  	v28 =	vadd.f32 $1.000000000e+00, v24;
	(erf) = vrcp.f32 v26;
	v24 =	vpop (erf)  }
0x21c: {  	v23 =	vmul.f32 v24, v23;
	v24 =	vpop (erf);
	(erf) = vrcp.f32 v27  }
0x21d: {  	v24 =	vmul.f32 v24, v25;
	(erf) = vrcp.f32 v28  }
0x21e: {  	_ = 	snop  }
0x21f: {  	s18 =	sshra.s32 s18, $0x2;
	[tilespmem:s17+$0x3270] =	vst v23;
	v25 =	vpop (erf)  }
0x220: {  	v23 =	vld [tilespmem:s18+$0x3270];
	[tilespmem:s17+$0x3250] =	vst v24;
	v19 =	vmul.f32 v25, v19;
	v60 =	vpop (erf)  }
0x221: {  	v24 =	vld [tilespmem:s18+$0x3250];
	v20 =	vmul.f32 v60, v20  }
0x222: {  	[tilespmem:s17+$0x3240] =	vst v19  }
0x223: {  	v19 =	vld [tilespmem:s18+$0x3240];
	v61 =	vpop (erf);
	[tilespmem:s17+$0x3230] =	vst v20  }
0x224: {  	v62 =	vmul.f32 v61, v21;
	v63 =	vld [tilespmem:s18+$0x3230];
	v28 =	vpop (erf)  }
0x225: {  	v23 =	vmul.f32 v23, v10;
	v22 =	vmul.f32 v28, v22;
	v29 =	vpop (erf)  }
0x226: {  	v31 =	vmul.f32 v24, v7;
	[tilespmem:s17+$0x3210] =	vst v62;
	v18 =	vmul.f32 v29, v18;
	v32 =	vpop (erf)  }
0x227: {  	v23 =	vadd.f32 v23, v16;
	v30 =	vld [tilespmem:s18+$0x3210];
	[tilespmem:s17+$0x3200] =	vst v22;
	v17 =	vmul.f32 v32, v17  }
0x228: {  	v33 =	vld [tilespmem:s18+$0x3200];
	[tilespmem:s17+$0x3260] =	vst v18;
	v18 =	vadd.f32 v31, v14;
	v19 =	vmul.f32 v19, v6  }
0x229: {  	v35 =	vsub.f32 $0.0e+00, v23;
	v34 =	vld [tilespmem:s18+$0x3260];
	[tilespmem:s17+$0x3220] =	vst v17;
	v17 =	vmul.f32 v63, v4  }
0x22a: {  	v36 =	vsub.f32 $0.0e+00, v18;
	v26 =	vld [tilespmem:s18+$0x3220];
	v19 =	vadd.f32 v19, v13  }
0x22b: {  	v22 =	vmul.f32 $1.442695020e+00, v35;
	v17 =	vadd.f32 v17, v12  }
0x22c: {  	v21 =	vmul.f32 $1.442695020e+00, v36;
	v25 =	vmul.f32 v30, v2;
	v27 =	vsub.f32 $0.0e+00, v19  }
0x22d: {  	(erf) = vpow2.f32 v22;
	v37 =	vmul.f32 v33, v1;
	v38 =	vsub.f32 $0.0e+00, v17  }
0x22e: {  	v25 =	vadd.f32 v25, v8;
	v20 =	vmul.f32 v34, v9;
	v41 =	vmul.f32 $1.442695020e+00, v27  }
0x22f: {  	(erf) = vpow2.f32 v21;
	v39 =	vadd.f32 v37, v5;
	v40 =	vmul.f32 v26, v3  }
0x230: {  	v42 =	vsub.f32 $0.0e+00, v25;
	v20 =	vadd.f32 v20, v15;
	(erf) = vpow2.f32 v41  }
0x231: {  	v24 =	vmul.f32 $1.442695020e+00, v38;
	v28 =	vsub.f32 $0.0e+00, v39;
	v22 =	vadd.f32 v40, v11  }
0x232: {  	v43 =	vmul.f32 $1.442695020e+00, v42;
	v44 =	vsub.f32 $0.0e+00, v20  }
0x233: {  	(erf) = vpow2.f32 v24;
	v45 =	vmul.f32 $1.442695020e+00, v28;
	v46 =	vsub.f32 $0.0e+00, v22  }
0x234: {  	v27 =	vmul.f32 $1.442695020e+00, v44;
	(erf) = vpow2.f32 v43  }
0x235: {  	v47 =	vmul.f32 $1.442695020e+00, v46;
	(erf) = vpow2.f32 v45  }
0x236: {  	(erf) = vpow2.f32 v27  }
0x237: {  	v48 =	vpop (erf);
	(erf) = vpow2.f32 v47  }
0x238: {  	v24 =	vadd.f32 $1.000000000e+00, v48;
	v49 =	vpop (erf)  }
0x239: {  	v26 =	vadd.f32 $1.000000000e+00, v49;
	v50 =	vpop (erf)  }
0x23a: {  	(erf) = vrcp.f32 v24;
	v51 =	vadd.f32 $1.000000000e+00, v50  }
0x23b: {  	(erf) = vrcp.f32 v26  }
0x23c: {  	v52 =	vpop (erf);
	(erf) = vrcp.f32 v51  }
0x23d: {  	v53 =	vadd.f32 $1.000000000e+00, v52;
	v54 =	vpop (erf)  }
0x23e: {  	v55 =	vadd.f32 $1.000000000e+00, v54;
	v56 =	vpop (erf)  }
0x23f: {  	(erf) = vrcp.f32 v53;
	v57 =	vadd.f32 $1.000000000e+00, v56;
	v58 =	vpop (erf)  }
0x240: {  	v27 =	vadd.f32 $1.000000000e+00, v58;
	(erf) = vrcp.f32 v55;
	v59 =	vpop (erf)  }
0x241: {  	v24 =	vadd.f32 $1.000000000e+00, v59;
	(erf) = vrcp.f32 v57  }
0x242: {  	(erf) = vrcp.f32 v27  }
0x243: {  	v60 =	vpop (erf);
	(erf) = vrcp.f32 v24  }
0x244: {  	v61 =	vpop (erf)  }
0x245: {  	v18 =	vmul.f32 v61, v18;
	v62 =	vpop (erf)  }
0x246: {  	v23 =	vmul.f32 v60, v23;
	v19 =	vmul.f32 v62, v19;
	_ =	sdelay $0x1  }
0x247: {  	[tilespmem:s18+$0x3270] =	vst v23;
	v63 =	vpop (erf)  }
0x248: {  	[tilespmem:s18+$0x3250] =	vst v18;
	v17 =	vmul.f32 v63, v17;
	v18 =	vpop (erf)  }
0x249: {  	[tilespmem:s18+$0x3240] =	vst v19;
	v18 =	vmul.f32 v18, v25;
	v19 =	vpop (erf)  }
0x24a: {  	[tilespmem:s18+$0x3230] =	vst v17;
	v17 =	vmul.f32 v19, v39;
	v19 =	vpop (erf)  }
0x24b: {  	[tilespmem:s18+$0x3210] =	vst v18;
	v18 =	vmul.f32 v19, v20;
	v19 =	vpop (erf)  }
0x24c: {  	s16 =	sadd.s32 $0x1, s16;
	[tilespmem:s18+$0x3200] =	vst v17;
	v17 =	vmul.f32 v19, v22  }
0x24d: {  	p0 =	sne.s32 s16, $0x4F;
	[tilespmem:s18+$0x3260] =	vst v18  }
.Ltmp6:
0x24e: {  	[tilespmem:s18+$0x3220] =	vst v17;
	(pc) =	sbr.rel @p0 .LBB2_12-.Ltmp6, $4  }
0x24f: {  	[spmem:s4] =	stream.indirect.scatter.add.f32 [tilespmem:s10], [sflag:$0x1], $0x80, s12, s11, $0xb8;
	[tilespmem:$0x1AE00] =	vst v63  }
0x250: {  	_ =	swait.ge [sflag:s21], $0x4000  }
0x251: {  	[sflag:s21] =	ssyncset.done $0x0  }
0x252: {  	[sflag:s21] =	ssyncadd.s32 $0xFFFFC000  }
0x253: {  	s6 =	stileid.u32  }
0x254: {  	[bflag:$0x0] =	sbarrier.arrive $0xFFFF;
	s6 =	sshll.u32 s6, $0x6  }
0x255: {  	s15 =	sshrl.u32 s13, $0x3;
	s16 =	rddreg [dreg:$0xe];
	s6 =	sor.u32 $0x1C01, s6  }
0x256: {  	[hbm:s16], [sflag:s6] =	dma.local [spmem:s15], $0x2780  }
0x257: {  	_ =	swait.ge [sflag:s21], $0x2780  }
0x258: {  	s14 =	sadd.s32 $0x1, s14;
	s19 =	rddreg [dreg:$0xf]  }
0x259: {  	p0 =	sne.s32 s14, s19  }
.Ltmp7:
0x25a: {  	_ = 	snop;
	(pc) =	sbr.rel @p0 .LBB2_1-.Ltmp7, $3  }
0x25b: {  	_ =	sdelay $0x1  }
0x25c: {  	[sflag:s21] =	ssyncset.done $0x0  }
0x25d: {  	[sflag:s21] =	ssyncadd.s32 $0xFFFFD880  }
0x25e: {  	_ =	sfence.sel $0x180000  }
0x25f: {  	[bflag:$0x0] =	sbarrier.arrive $0xFFFF  }
0x260: {  	_ =	strace $0x9000004A  }
0x261: {  	s0 =	stileid.u32;
	[bflag:$0x2] =	sbarrier.arrive $0xFFFF  }
0x262: {  	p0 =	sne.s32 s0, $0x0;
	s0 =	rddreg [dreg:$0x4]  }
0x263: {  	s0 =	sadd.s32 @!p0 $0x100000, s0  }
0x264: {  	[sflag:s0] =	ssyncadd.tile.s32 @!p0 $0x1;
	_ =	shalt  }
.Lfunc_end2:
_tile_overlayer_lowered:
.L_overlay_start_2:
0x265: {  	(tag) =	ssettag $0x2  }
0x266: {  	s0 =	rddreg [dreg:$0x0];
	s2 =	stileid.u32  }
0x267: {  	s1 =	rddreg [dreg:$0x1];
	p0 =	sne.s32 s2, $0x0  }
0x268: {  	s3 =	rddreg [dreg:$0x2];
	[bflag:$0x3] =	sbarrier.arrive $0xFFFF;
	s2 =	simm.s32 @!p0 $0x1C01  }
0x269: {  	[timem:s3], [sflag:s2] =	dma.local @!p0 [hbm:s0], s1  }
0x26a: {  	s0 =	simm.s32 @!p0 $0x1  }
0x26b: {  	_ =	swait.ge @!p0 [sflag:s0], s1  }
0x26c: {  	s1 =	ssub.s32 @!p0 $0x0, s1;
	[sflag:s0] =	ssyncset.done @!p0 $0x0  }
0x26d: {  	[sflag:s0] =	ssyncadd.s32 @!p0 s1  }
0x26e: {  	[bflag:$0x3] =	sbarrier.arrive $0xFFFF  }
0x26f: {  	_ =	shalt  }

</sc_bundles>
